<compile_context>
chip_gen: v7x
topology: tpu7x:2x2x1
jax: 0.10.2.dev20260603
libtpu: 0.0.44.dev20260713+nightly
codegen_flags: <defaults>
</compile_context>

<pallas_src>
import functools

import jax
import jax.numpy as jnp
from jax import lax
from jax.experimental import pallas as pl
from jax.experimental.pallas import tpu as pltpu
from jax.experimental.pallas import tpu_sc as plsc

N = 16384
D = 128
K = 8192

T = 1024
CH = 256
HH = CH // 2
NCH = K // CH
BPS = 4

NC = 2
NS = 16
NW = NC * NS
B_PER_W = N // NW
GCH = 4
GW = B_PER_W // GCH


def _dist_argmin_body(x_ref, en_ref, w2_ref, wn_ref, ids_ref):
    p_iota = lax.broadcasted_iota(jnp.int32, (HH, T), 0)
    for sb in range(BPS):
        x = x_ref[sb]
        en = en_ref[sb]
        run_val = None
        run_code = None
        for c in range(NCH):
            w2c = w2_ref[c * CH:(c + 1) * CH, :]
            wnc = wn_ref[c * CH:(c + 1) * CH, :]
            dot2 = lax.dot_general(w2c, x, (((1,), (0,)), ((), ())),
                                   preferred_element_type=jnp.float32)
            s = (en + wnc) + dot2
            lo = s[:HH, :]
            hi = s[HH:, :]
            m1 = hi < lo
            fv = jnp.minimum(lo, hi)
            pc = jnp.where(m1, jnp.int32(2 * c + 1), jnp.int32(2 * c))
            if c == 0:
                run_val = fv
                run_code = pc
            else:
                upd = fv < run_val
                run_val = jnp.minimum(run_val, fv)
                run_code = jnp.where(upd, pc, run_code)
        k_full = run_code * HH + p_iota
        m = jnp.min(run_val, axis=0, keepdims=True)
        ids = jnp.min(jnp.where(run_val == m, k_full, jnp.int32(1 << 30)),
                      axis=0, keepdims=True)
        ids_ref[sb, :, :] = ids


def _argmin_ids(enc3, en3, w2, wn2):
    nb = enc3.shape[0]
    return pl.pallas_call(
        _dist_argmin_body,
        grid=(nb // BPS,),
        in_specs=[
            pl.BlockSpec((BPS, D, T), lambda b: (b, 0, 0)),
            pl.BlockSpec((BPS, 1, T), lambda b: (b, 0, 0)),
            pl.BlockSpec((K, D), lambda b: (0, 0)),
            pl.BlockSpec((K, 1), lambda b: (0, 0)),
        ],
        out_specs=pl.BlockSpec((BPS, 1, T), lambda b: (b, 0, 0)),
        out_shape=jax.ShapeDtypeStruct((nb, 1, T), jnp.int32),
    )(enc3, en3, w2, wn2)


@functools.cache
def _make_sc_gather():
    @functools.partial(
        pl.kernel,
        mesh=plsc.VectorSubcoreMesh(core_axis_name="c", subcore_axis_name="s",
                                    num_cores=NC, num_subcores=NS),
        out_type=jax.ShapeDtypeStruct((NW, GCH, GW, D), jnp.float32),
        scratch_types=[
            pltpu.VMEM((GCH, GW), jnp.int32),
            pltpu.VMEM((GCH, GW, D), jnp.float32),
            pltpu.SemaphoreType.DMA,
        ],
    )
    def _sc_gather(table_hbm, idx_hbm, out_hbm, idx_v, rows_v, sem):
        wid = lax.axis_index("s") * NC + lax.axis_index("c")
        pltpu.sync_copy(idx_hbm.at[wid], idx_v)
        copies = [
            pltpu.async_copy(table_hbm.at[idx_v.at[j]], rows_v.at[j], sem)
            for j in range(GCH)
        ]
        for c in copies:
            c.wait()
        pltpu.sync_copy(rows_v, out_hbm.at[wid])

    return _sc_gather


def kernel(encodings, weight):
    b, c, h, w = encodings.shape
    enc3 = encodings.reshape(b, c, h * w)
    en3 = jnp.sum(jnp.square(enc3), axis=1, keepdims=True)
    wn2 = jnp.sum(jnp.square(weight), axis=1)[:, None]
    w2 = -2.0 * weight
    ids = _argmin_ids(enc3, en3, w2, wn2)
    gathered = _make_sc_gather()(weight, ids.reshape(NW, GCH, GW))
    ids_out = ids.reshape(b, h, w)
    q_out = jnp.transpose(gathered.reshape(b, h, w, c), (0, 3, 1, 2))
    return ids_out, q_out

# --- scband reference (transcript-rebuilt; emitter-appended) ---
"""Pipeline reference for scband-vqvaequantizer-5377299055135 (READ-ONLY COPY).

The authoritative reference and input builder live on the scoring server;
editing this copy changes nothing except your own understanding.
"""

import jax, jax.numpy as jnp
import numpy as np


def setup_inputs(seed: int = 0) -> dict:
    key = jax.random.key(seed)
    k1, k2 = jax.random.split(key)
    encodings = jax.random.normal(k1, (16, 128, 32, 32), dtype=jnp.float32)
    # Learned codebook: nn.Embedding(8192, 128), init normal(0, 0.02)
    weight = jax.random.normal(k2, (8192, 128), dtype=jnp.float32) * 0.02
    return {"encodings": encodings, "weight": weight}


def reference(encodings, weight):
    # Faithful translation of VQVAEQuantizer.forward (encodings branch, eval mode)
    batch_size, c, height, width = encodings.shape
    flat = jnp.transpose(encodings, (0, 2, 3, 1)).reshape(-1, c)  # [B*H*W, D]
    encodings_norm = jnp.sum(jnp.square(flat), axis=1)[:, None]   # [N, 1]
    embeddings_norm = jnp.sum(jnp.square(weight), axis=1)[None, :]  # [1, K]
    dot_product = jnp.matmul(flat, weight.T)                      # [N, K]
    distances = encodings_norm + embeddings_norm - 2.0 * dot_product
    quantized_ids = jnp.argmin(distances, axis=1)                 # [N]
    gathered = jnp.take(weight, quantized_ids, axis=0)            # embedding gather
    # straight-through: quantized = encodings + stop_grad(embed - encodings)
    quantized_encodings = flat + jax.lax.stop_gradient(gathered - flat)
    ids_out = quantized_ids.reshape(batch_size, height, width)
    q_out = jnp.transpose(
        quantized_encodings.reshape(batch_size, height, width, c), (0, 3, 1, 2)
    )
    return (ids_out, q_out)

if __name__ == "__main__":
    import jax
    _d = setup_inputs()
    print(jax.jit(kernel)(*tuple(_d.values())))

</pallas_src>

<mosaic_0001>
#map = affine_map<(d0, d1) -> (0, 0)>
#map1 = affine_map<(d0, d1) -> (0, 0, 0)>
#map2 = affine_map<(d0, d1) -> (0, 0, 0, 0)>
module attributes {stable_mosaic.version = 14 : i64} {
  func.func @_sc_gather(%arg0: i32, %arg1: i32, %arg2: memref<8192x128xf32, #tpu.memory_space<hbm>>, %arg3: memref<32x4x128xi32, #tpu.memory_space<hbm>>, %arg4: memref<32x4x128x128xf32, #tpu.memory_space<hbm>>, %arg5: memref<4x128xi32, #tpu.memory_space<vmem>>, %arg6: memref<4x128x128xf32, #tpu.memory_space<vmem>>, %arg7: memref<!tpu.dma_semaphore, #tpu.memory_space<semaphore_mem>>) attributes {dimension_semantics = [#tpu.dimension_semantics<core_parallel>, #tpu.dimension_semantics<subcore_parallel>], iteration_bounds = array<i64: 2, 16>, scalar_prefetch = 0 : i64, scratch_operands = 3 : i64, tpu.core_type = #tpu.core_type<sc_vector_subcore>, window_params = [{transform_indices = #map}, {transform_indices = #map1}, {transform_indices = #map2}]} {
    %mul3A = arith.constant 2 : i32
    %mul3A_0 = arith.muli %arg1, %mul3A : i32
    %add3A = arith.addi %mul3A_0, %arg0 : i32
    "tpu.region"() ({
      %run_scoped3A = tpu.sem_alloc : memref<!tpu.dma_semaphore, #tpu.memory_space<semaphore_mem>>
      %dma_start3A_95 = arith.constant 0 : i32
      %dma_start3A_96 = arith.constant 0 : i32
      %dma_start3A_97 = tpu.memref_slice %arg3[%add3A, %dma_start3A_95, %dma_start3A_96] : memref<32x4x128xi32, #tpu.memory_space<hbm>> -> memref<1x4x128xi32, #tpu.memory_space<hbm>>
      %dma_start3A_98 = tpu.memref_squeeze %dma_start3A_97 : memref<1x4x128xi32, #tpu.memory_space<hbm>> -> memref<4x128xi32, #tpu.memory_space<hbm>>
      %dma_start3A_99 = arith.constant 0 : i32
      %dma_start3A_100 = arith.constant 0 : i32
      %dma_start3A_101 = tpu.memref_slice %arg3[%add3A, %dma_start3A_99, %dma_start3A_100] : memref<32x4x128xi32, #tpu.memory_space<hbm>> -> memref<1x4x128xi32, #tpu.memory_space<hbm>>
      %dma_start3A_102 = tpu.memref_squeeze %dma_start3A_101 : memref<1x4x128xi32, #tpu.memory_space<hbm>> -> memref<4x128xi32, #tpu.memory_space<hbm>>
      tpu.enqueue_dma source(%dma_start3A_102 : memref<4x128xi32, #tpu.memory_space<hbm>>) target(%arg5 : memref<4x128xi32, #tpu.memory_space<vmem>>) target_semaphore(%run_scoped3A : memref<!tpu.dma_semaphore, #tpu.memory_space<semaphore_mem>>)
      %dma_wait3A_103 = arith.constant 0 : i32
      %dma_wait3A_104 = arith.constant 0 : i32
      %dma_wait3A_105 = tpu.memref_slice %arg3[%add3A, %dma_wait3A_103, %dma_wait3A_104] : memref<32x4x128xi32, #tpu.memory_space<hbm>> -> memref<1x4x128xi32, #tpu.memory_space<hbm>>
      %dma_wait3A_106 = tpu.memref_squeeze %dma_wait3A_105 : memref<1x4x128xi32, #tpu.memory_space<hbm>> -> memref<4x128xi32, #tpu.memory_space<hbm>>
      %dma_wait3A_107 = arith.constant 0 : i32
      %dma_wait3A_108 = arith.constant 0 : i32
      %dma_wait3A_109 = tpu.memref_slice %arg3[%add3A, %dma_wait3A_107, %dma_wait3A_108] : memref<32x4x128xi32, #tpu.memory_space<hbm>> -> memref<1x4x128xi32, #tpu.memory_space<hbm>>
      %dma_wait3A_110 = tpu.memref_squeeze %dma_wait3A_109 : memref<1x4x128xi32, #tpu.memory_space<hbm>> -> memref<4x128xi32, #tpu.memory_space<hbm>>
      tpu.wait_dma2 semaphore(%run_scoped3A : memref<!tpu.dma_semaphore, #tpu.memory_space<semaphore_mem>>) src(%dma_wait3A_110 : memref<4x128xi32, #tpu.memory_space<hbm>>) dst(%arg5 : memref<4x128xi32, #tpu.memory_space<vmem>>)
      tpu.yield
    }) : () -> ()
    %dma_start3A = arith.constant 0 : i32
    %dma_start3A_1 = arith.constant 0 : i32
    %dma_start3A_2 = arith.constant 0 : i32
    %dma_start3A_3 = arith.constant 0 : i32
    %dma_start3A_4 = tpu.memref_slice %arg6[%dma_start3A_1, %dma_start3A_2, %dma_start3A_3] : memref<4x128x128xf32, #tpu.memory_space<vmem>> -> memref<1x128x128xf32, #tpu.memory_space<vmem>>
    %dma_start3A_5 = tpu.memref_squeeze %dma_start3A_4 : memref<1x128x128xf32, #tpu.memory_space<vmem>> -> memref<128x128xf32, #tpu.memory_space<vmem>>
    %dma_start3A_6 = arith.constant 0 : i32
    %dma_start3A_7 = tpu.memref_slice %arg5[%dma_start3A, %dma_start3A_6] : memref<4x128xi32, #tpu.memory_space<vmem>> -> memref<1x128xi32, #tpu.memory_space<vmem>>
    %dma_start3A_8 = tpu.memref_squeeze %dma_start3A_7 : memref<1x128xi32, #tpu.memory_space<vmem>> -> memref<128xi32, #tpu.memory_space<vmem>>
    %dma_start3A_9 = arith.constant 0 : i32
    %dma_start3A_10 = arith.constant 0 : i32
    %dma_start3A_11 = tpu.memref_slice %arg2[%dma_start3A_9, %dma_start3A_10] : memref<8192x128xf32, #tpu.memory_space<hbm>> -> memref<8192x128xf32, #tpu.memory_space<hbm>>
    tpu.enqueue_indirect_dma source(%dma_start3A_11 : memref<8192x128xf32, #tpu.memory_space<hbm>>) target(%dma_start3A_5 : memref<128x128xf32, #tpu.memory_space<vmem>>) offsets(%dma_start3A_8 : memref<128xi32, #tpu.memory_space<vmem>>) semaphore(%arg7 : memref<!tpu.dma_semaphore, #tpu.memory_space<semaphore_mem>>)
    %dma_start3A_12 = arith.constant 1 : i32
    %dma_start3A_13 = arith.constant 1 : i32
    %dma_start3A_14 = arith.constant 0 : i32
    %dma_start3A_15 = arith.constant 0 : i32
    %dma_start3A_16 = tpu.memref_slice %arg6[%dma_start3A_13, %dma_start3A_14, %dma_start3A_15] : memref<4x128x128xf32, #tpu.memory_space<vmem>> -> memref<1x128x128xf32, #tpu.memory_space<vmem>>
    %dma_start3A_17 = tpu.memref_squeeze %dma_start3A_16 : memref<1x128x128xf32, #tpu.memory_space<vmem>> -> memref<128x128xf32, #tpu.memory_space<vmem>>
    %dma_start3A_18 = arith.constant 0 : i32
    %dma_start3A_19 = tpu.memref_slice %arg5[%dma_start3A_12, %dma_start3A_18] : memref<4x128xi32, #tpu.memory_space<vmem>> -> memref<1x128xi32, #tpu.memory_space<vmem>>
    %dma_start3A_20 = tpu.memref_squeeze %dma_start3A_19 : memref<1x128xi32, #tpu.memory_space<vmem>> -> memref<128xi32, #tpu.memory_space<vmem>>
    %dma_start3A_21 = arith.constant 0 : i32
    %dma_start3A_22 = arith.constant 0 : i32
    %dma_start3A_23 = tpu.memref_slice %arg2[%dma_start3A_21, %dma_start3A_22] : memref<8192x128xf32, #tpu.memory_space<hbm>> -> memref<8192x128xf32, #tpu.memory_space<hbm>>
    tpu.enqueue_indirect_dma source(%dma_start3A_23 : memref<8192x128xf32, #tpu.memory_space<hbm>>) target(%dma_start3A_17 : memref<128x128xf32, #tpu.memory_space<vmem>>) offsets(%dma_start3A_20 : memref<128xi32, #tpu.memory_space<vmem>>) semaphore(%arg7 : memref<!tpu.dma_semaphore, #tpu.memory_space<semaphore_mem>>)
    %dma_start3A_24 = arith.constant 2 : i32
    %dma_start3A_25 = arith.constant 2 : i32
    %dma_start3A_26 = arith.constant 0 : i32
    %dma_start3A_27 = arith.constant 0 : i32
    %dma_start3A_28 = tpu.memref_slice %arg6[%dma_start3A_25, %dma_start3A_26, %dma_start3A_27] : memref<4x128x128xf32, #tpu.memory_space<vmem>> -> memref<1x128x128xf32, #tpu.memory_space<vmem>>
    %dma_start3A_29 = tpu.memref_squeeze %dma_start3A_28 : memref<1x128x128xf32, #tpu.memory_space<vmem>> -> memref<128x128xf32, #tpu.memory_space<vmem>>
    %dma_start3A_30 = arith.constant 0 : i32
    %dma_start3A_31 = tpu.memref_slice %arg5[%dma_start3A_24, %dma_start3A_30] : memref<4x128xi32, #tpu.memory_space<vmem>> -> memref<1x128xi32, #tpu.memory_space<vmem>>
    %dma_start3A_32 = tpu.memref_squeeze %dma_start3A_31 : memref<1x128xi32, #tpu.memory_space<vmem>> -> memref<128xi32, #tpu.memory_space<vmem>>
    %dma_start3A_33 = arith.constant 0 : i32
    %dma_start3A_34 = arith.constant 0 : i32
    %dma_start3A_35 = tpu.memref_slice %arg2[%dma_start3A_33, %dma_start3A_34] : memref<8192x128xf32, #tpu.memory_space<hbm>> -> memref<8192x128xf32, #tpu.memory_space<hbm>>
    tpu.enqueue_indirect_dma source(%dma_start3A_35 : memref<8192x128xf32, #tpu.memory_space<hbm>>) target(%dma_start3A_29 : memref<128x128xf32, #tpu.memory_space<vmem>>) offsets(%dma_start3A_32 : memref<128xi32, #tpu.memory_space<vmem>>) semaphore(%arg7 : memref<!tpu.dma_semaphore, #tpu.memory_space<semaphore_mem>>)
    %dma_start3A_36 = arith.constant 3 : i32
    %dma_start3A_37 = arith.constant 3 : i32
    %dma_start3A_38 = arith.constant 0 : i32
    %dma_start3A_39 = arith.constant 0 : i32
    %dma_start3A_40 = tpu.memref_slice %arg6[%dma_start3A_37, %dma_start3A_38, %dma_start3A_39] : memref<4x128x128xf32, #tpu.memory_space<vmem>> -> memref<1x128x128xf32, #tpu.memory_space<vmem>>
    %dma_start3A_41 = tpu.memref_squeeze %dma_start3A_40 : memref<1x128x128xf32, #tpu.memory_space<vmem>> -> memref<128x128xf32, #tpu.memory_space<vmem>>
    %dma_start3A_42 = arith.constant 0 : i32
    %dma_start3A_43 = tpu.memref_slice %arg5[%dma_start3A_36, %dma_start3A_42] : memref<4x128xi32, #tpu.memory_space<vmem>> -> memref<1x128xi32, #tpu.memory_space<vmem>>
    %dma_start3A_44 = tpu.memref_squeeze %dma_start3A_43 : memref<1x128xi32, #tpu.memory_space<vmem>> -> memref<128xi32, #tpu.memory_space<vmem>>
    %dma_start3A_45 = arith.constant 0 : i32
    %dma_start3A_46 = arith.constant 0 : i32
    %dma_start3A_47 = tpu.memref_slice %arg2[%dma_start3A_45, %dma_start3A_46] : memref<8192x128xf32, #tpu.memory_space<hbm>> -> memref<8192x128xf32, #tpu.memory_space<hbm>>
    tpu.enqueue_indirect_dma source(%dma_start3A_47 : memref<8192x128xf32, #tpu.memory_space<hbm>>) target(%dma_start3A_41 : memref<128x128xf32, #tpu.memory_space<vmem>>) offsets(%dma_start3A_44 : memref<128xi32, #tpu.memory_space<vmem>>) semaphore(%arg7 : memref<!tpu.dma_semaphore, #tpu.memory_space<semaphore_mem>>)
    %dma_wait3A = arith.constant 0 : i32
    %dma_wait3A_48 = arith.constant 0 : i32
    %dma_wait3A_49 = arith.constant 0 : i32
    %dma_wait3A_50 = arith.constant 0 : i32
    %dma_wait3A_51 = tpu.memref_slice %arg6[%dma_wait3A_48, %dma_wait3A_49, %dma_wait3A_50] : memref<4x128x128xf32, #tpu.memory_space<vmem>> -> memref<1x128x128xf32, #tpu.memory_space<vmem>>
    %dma_wait3A_52 = tpu.memref_squeeze %dma_wait3A_51 : memref<1x128x128xf32, #tpu.memory_space<vmem>> -> memref<128x128xf32, #tpu.memory_space<vmem>>
    %dma_wait3A_53 = arith.constant 0 : i32
    %dma_wait3A_54 = tpu.memref_slice %arg5[%dma_wait3A, %dma_wait3A_53] : memref<4x128xi32, #tpu.memory_space<vmem>> -> memref<1x128xi32, #tpu.memory_space<vmem>>
    %dma_wait3A_55 = tpu.memref_squeeze %dma_wait3A_54 : memref<1x128xi32, #tpu.memory_space<vmem>> -> memref<128xi32, #tpu.memory_space<vmem>>
    %dma_wait3A_56 = arith.constant 0 : i32
    %dma_wait3A_57 = arith.constant 0 : i32
    %dma_wait3A_58 = tpu.memref_slice %arg2[%dma_wait3A_56, %dma_wait3A_57] : memref<8192x128xf32, #tpu.memory_space<hbm>> -> memref<8192x128xf32, #tpu.memory_space<hbm>>
    tpu.wait_indirect_dma semaphore(%arg7 : memref<!tpu.dma_semaphore, #tpu.memory_space<semaphore_mem>>) src(%dma_wait3A_58 : memref<8192x128xf32, #tpu.memory_space<hbm>>) dst(%dma_wait3A_52 : memref<128x128xf32, #tpu.memory_space<vmem>>)
    %dma_wait3A_59 = arith.constant 1 : i32
    %dma_wait3A_60 = arith.constant 1 : i32
    %dma_wait3A_61 = arith.constant 0 : i32
    %dma_wait3A_62 = arith.constant 0 : i32
    %dma_wait3A_63 = tpu.memref_slice %arg6[%dma_wait3A_60, %dma_wait3A_61, %dma_wait3A_62] : memref<4x128x128xf32, #tpu.memory_space<vmem>> -> memref<1x128x128xf32, #tpu.memory_space<vmem>>
    %dma_wait3A_64 = tpu.memref_squeeze %dma_wait3A_63 : memref<1x128x128xf32, #tpu.memory_space<vmem>> -> memref<128x128xf32, #tpu.memory_space<vmem>>
    %dma_wait3A_65 = arith.constant 0 : i32
    %dma_wait3A_66 = tpu.memref_slice %arg5[%dma_wait3A_59, %dma_wait3A_65] : memref<4x128xi32, #tpu.memory_space<vmem>> -> memref<1x128xi32, #tpu.memory_space<vmem>>
    %dma_wait3A_67 = tpu.memref_squeeze %dma_wait3A_66 : memref<1x128xi32, #tpu.memory_space<vmem>> -> memref<128xi32, #tpu.memory_space<vmem>>
    %dma_wait3A_68 = arith.constant 0 : i32
    %dma_wait3A_69 = arith.constant 0 : i32
    %dma_wait3A_70 = tpu.memref_slice %arg2[%dma_wait3A_68, %dma_wait3A_69] : memref<8192x128xf32, #tpu.memory_space<hbm>> -> memref<8192x128xf32, #tpu.memory_space<hbm>>
    tpu.wait_indirect_dma semaphore(%arg7 : memref<!tpu.dma_semaphore, #tpu.memory_space<semaphore_mem>>) src(%dma_wait3A_70 : memref<8192x128xf32, #tpu.memory_space<hbm>>) dst(%dma_wait3A_64 : memref<128x128xf32, #tpu.memory_space<vmem>>)
    %dma_wait3A_71 = arith.constant 2 : i32
    %dma_wait3A_72 = arith.constant 2 : i32
    %dma_wait3A_73 = arith.constant 0 : i32
    %dma_wait3A_74 = arith.constant 0 : i32
    %dma_wait3A_75 = tpu.memref_slice %arg6[%dma_wait3A_72, %dma_wait3A_73, %dma_wait3A_74] : memref<4x128x128xf32, #tpu.memory_space<vmem>> -> memref<1x128x128xf32, #tpu.memory_space<vmem>>
    %dma_wait3A_76 = tpu.memref_squeeze %dma_wait3A_75 : memref<1x128x128xf32, #tpu.memory_space<vmem>> -> memref<128x128xf32, #tpu.memory_space<vmem>>
    %dma_wait3A_77 = arith.constant 0 : i32
    %dma_wait3A_78 = tpu.memref_slice %arg5[%dma_wait3A_71, %dma_wait3A_77] : memref<4x128xi32, #tpu.memory_space<vmem>> -> memref<1x128xi32, #tpu.memory_space<vmem>>
    %dma_wait3A_79 = tpu.memref_squeeze %dma_wait3A_78 : memref<1x128xi32, #tpu.memory_space<vmem>> -> memref<128xi32, #tpu.memory_space<vmem>>
    %dma_wait3A_80 = arith.constant 0 : i32
    %dma_wait3A_81 = arith.constant 0 : i32
    %dma_wait3A_82 = tpu.memref_slice %arg2[%dma_wait3A_80, %dma_wait3A_81] : memref<8192x128xf32, #tpu.memory_space<hbm>> -> memref<8192x128xf32, #tpu.memory_space<hbm>>
    tpu.wait_indirect_dma semaphore(%arg7 : memref<!tpu.dma_semaphore, #tpu.memory_space<semaphore_mem>>) src(%dma_wait3A_82 : memref<8192x128xf32, #tpu.memory_space<hbm>>) dst(%dma_wait3A_76 : memref<128x128xf32, #tpu.memory_space<vmem>>)
    %dma_wait3A_83 = arith.constant 3 : i32
    %dma_wait3A_84 = arith.constant 3 : i32
    %dma_wait3A_85 = arith.constant 0 : i32
    %dma_wait3A_86 = arith.constant 0 : i32
    %dma_wait3A_87 = tpu.memref_slice %arg6[%dma_wait3A_84, %dma_wait3A_85, %dma_wait3A_86] : memref<4x128x128xf32, #tpu.memory_space<vmem>> -> memref<1x128x128xf32, #tpu.memory_space<vmem>>
    %dma_wait3A_88 = tpu.memref_squeeze %dma_wait3A_87 : memref<1x128x128xf32, #tpu.memory_space<vmem>> -> memref<128x128xf32, #tpu.memory_space<vmem>>
    %dma_wait3A_89 = arith.constant 0 : i32
    %dma_wait3A_90 = tpu.memref_slice %arg5[%dma_wait3A_83, %dma_wait3A_89] : memref<4x128xi32, #tpu.memory_space<vmem>> -> memref<1x128xi32, #tpu.memory_space<vmem>>
    %dma_wait3A_91 = tpu.memref_squeeze %dma_wait3A_90 : memref<1x128xi32, #tpu.memory_space<vmem>> -> memref<128xi32, #tpu.memory_space<vmem>>
    %dma_wait3A_92 = arith.constant 0 : i32
    %dma_wait3A_93 = arith.constant 0 : i32
    %dma_wait3A_94 = tpu.memref_slice %arg2[%dma_wait3A_92, %dma_wait3A_93] : memref<8192x128xf32, #tpu.memory_space<hbm>> -> memref<8192x128xf32, #tpu.memory_space<hbm>>
    tpu.wait_indirect_dma semaphore(%arg7 : memref<!tpu.dma_semaphore, #tpu.memory_space<semaphore_mem>>) src(%dma_wait3A_94 : memref<8192x128xf32, #tpu.memory_space<hbm>>) dst(%dma_wait3A_88 : memref<128x128xf32, #tpu.memory_space<vmem>>)
    "tpu.region"() ({
      %run_scoped3A = tpu.sem_alloc : memref<!tpu.dma_semaphore, #tpu.memory_space<semaphore_mem>>
      %dma_start3A_95 = arith.constant 0 : i32
      %dma_start3A_96 = arith.constant 0 : i32
      %dma_start3A_97 = arith.constant 0 : i32
      %dma_start3A_98 = tpu.memref_slice %arg4[%add3A, %dma_start3A_95, %dma_start3A_96, %dma_start3A_97] : memref<32x4x128x128xf32, #tpu.memory_space<hbm>> -> memref<1x4x128x128xf32, #tpu.memory_space<hbm>>
      %dma_start3A_99 = tpu.memref_squeeze %dma_start3A_98 : memref<1x4x128x128xf32, #tpu.memory_space<hbm>> -> memref<4x128x128xf32, #tpu.memory_space<hbm>>
      %dma_start3A_100 = arith.constant 0 : i32
      %dma_start3A_101 = arith.constant 0 : i32
      %dma_start3A_102 = arith.constant 0 : i32
      %dma_start3A_103 = tpu.memref_slice %arg4[%add3A, %dma_start3A_100, %dma_start3A_101, %dma_start3A_102] : memref<32x4x128x128xf32, #tpu.memory_space<hbm>> -> memref<1x4x128x128xf32, #tpu.memory_space<hbm>>
      %dma_start3A_104 = tpu.memref_squeeze %dma_start3A_103 : memref<1x4x128x128xf32, #tpu.memory_space<hbm>> -> memref<4x128x128xf32, #tpu.memory_space<hbm>>
      tpu.enqueue_dma source(%arg6 : memref<4x128x128xf32, #tpu.memory_space<vmem>>) target(%dma_start3A_104 : memref<4x128x128xf32, #tpu.memory_space<hbm>>) target_semaphore(%run_scoped3A : memref<!tpu.dma_semaphore, #tpu.memory_space<semaphore_mem>>)
      %dma_wait3A_105 = arith.constant 0 : i32
      %dma_wait3A_106 = arith.constant 0 : i32
      %dma_wait3A_107 = arith.constant 0 : i32
      %dma_wait3A_108 = tpu.memref_slice %arg4[%add3A, %dma_wait3A_105, %dma_wait3A_106, %dma_wait3A_107] : memref<32x4x128x128xf32, #tpu.memory_space<hbm>> -> memref<1x4x128x128xf32, #tpu.memory_space<hbm>>
      %dma_wait3A_109 = tpu.memref_squeeze %dma_wait3A_108 : memref<1x4x128x128xf32, #tpu.memory_space<hbm>> -> memref<4x128x128xf32, #tpu.memory_space<hbm>>
      %dma_wait3A_110 = arith.constant 0 : i32
      %dma_wait3A_111 = arith.constant 0 : i32
      %dma_wait3A_112 = arith.constant 0 : i32
      %dma_wait3A_113 = tpu.memref_slice %arg4[%add3A, %dma_wait3A_110, %dma_wait3A_111, %dma_wait3A_112] : memref<32x4x128x128xf32, #tpu.memory_space<hbm>> -> memref<1x4x128x128xf32, #tpu.memory_space<hbm>>
      %dma_wait3A_114 = tpu.memref_squeeze %dma_wait3A_113 : memref<1x4x128x128xf32, #tpu.memory_space<hbm>> -> memref<4x128x128xf32, #tpu.memory_space<hbm>>
      tpu.wait_dma2 semaphore(%run_scoped3A : memref<!tpu.dma_semaphore, #tpu.memory_space<semaphore_mem>>) src(%arg6 : memref<4x128x128xf32, #tpu.memory_space<vmem>>) dst(%dma_wait3A_114 : memref<4x128x128xf32, #tpu.memory_space<hbm>>)
      tpu.yield
    }) : () -> ()
    return
  }
}

module attributes {stable_mosaic.version = 14 : i64} {
  func.func @_dist_argmin_body(%arg0: i32, %arg1: memref<4x128x1024xf32, #tpu.memory_space<vmem>>, %arg2: memref<4x1x1024xf32, #tpu.memory_space<vmem>>, %arg3: memref<8192x128xf32, #tpu.memory_space<vmem>>, %arg4: memref<8192x1xf32, #tpu.memory_space<vmem>>, %arg5: memref<4x1x1024xi32, #tpu.memory_space<vmem>>) attributes {dimension_semantics = [#tpu.dimension_semantics<arbitrary>], iteration_bounds = array<i64: 4>, scalar_prefetch = 0 : i64, scratch_operands = 0 : i64, tpu.core_type = #tpu.core_type<tc>, window_params = [{transform_indices = @transform_0, window_bounds = array<i64: 4, 128, 1024>}, {transform_indices = @transform_1, window_bounds = array<i64: 4, 1, 1024>}, {pipeline_mode = #tpu.pipeline_mode<synchronous>, transform_indices = @transform_2, window_bounds = array<i64: 8192, 128>}, {pipeline_mode = #tpu.pipeline_mode<synchronous>, transform_indices = @transform_3, window_bounds = array<i64: 8192, 1>}, {transform_indices = @transform_4, window_bounds = array<i64: 4, 1, 1024>}]} {
    %iota3A = tpu.iota {dimensions = array<i32: 0>} : vector<128x1024xi32>
    %get3A = arith.constant 0 : index
    %get3A_0 = arith.constant 0 : index
    %get3A_1 = arith.constant 0 : index
    %get3A_2 = vector.load %arg1[%get3A, %get3A_0, %get3A_1] : memref<4x128x1024xf32, #tpu.memory_space<vmem>>, vector<1x128x1024xf32>
    %get3A_3 = vector.shape_cast %get3A_2 : vector<1x128x1024xf32> to vector<128x1024xf32>
    %get3A_4 = arith.constant 0 : index
    %get3A_5 = arith.constant 0 : index
    %get3A_6 = arith.constant 0 : index
    %get3A_7 = vector.load %arg2[%get3A_4, %get3A_5, %get3A_6] : memref<4x1x1024xf32, #tpu.memory_space<vmem>>, vector<1x1x1024xf32>
    %get3A_8 = vector.shape_cast %get3A_7 : vector<1x1x1024xf32> to vector<1x1024xf32>
    %get3A_9 = arith.constant 0 : index
    %get3A_10 = arith.constant 0 : index
    %get3A_11 = vector.load %arg3[%get3A_9, %get3A_10] : memref<8192x128xf32, #tpu.memory_space<vmem>>, vector<256x128xf32>
    %get3A_12 = arith.constant 0 : index
    %get3A_13 = arith.constant 0 : index
    %get3A_14 = vector.load %arg4[%get3A_12, %get3A_13] : memref<8192x1xf32, #tpu.memory_space<vmem>>, vector<256x1xf32>
    %dot_general3A = arith.constant dense<0.000000e+00> : vector<256x1024xf32>
    %dot_general3A_15 = tpu.matmul %get3A_11, %get3A_3, %dot_general3A {dimension_numbers = #tpu.dot_dimension_numbers<[1], [0], [0], [1], [0, 0, 1, 1], [], []>, transpose_lhs_hint = false} : vector<256x128xf32>, vector<128x1024xf32>, vector<256x1024xf32> -> vector<256x1024xf32>
    %add3A = vector.broadcast %get3A_8 : vector<1x1024xf32> to vector<256x1024xf32>
    %add3A_16 = vector.broadcast %get3A_14 : vector<256x1xf32> to vector<256x1024xf32>
    %add3A_17 = arith.addf %add3A, %add3A_16 : vector<256x1024xf32>
    %add3A_18 = arith.addf %add3A_17, %dot_general3A_15 : vector<256x1024xf32>
    %slice3A = vector.extract_strided_slice %add3A_18 {offsets = [0, 0], sizes = [128, 1024], strides = [1, 1]} : vector<256x1024xf32> to vector<128x1024xf32>
    %slice3A_19 = vector.extract_strided_slice %add3A_18 {offsets = [128, 0], sizes = [128, 1024], strides = [1, 1]} : vector<256x1024xf32> to vector<128x1024xf32>
    %lt3A = arith.cmpf olt, %slice3A_19, %slice3A : vector<128x1024xf32>
    %min3A = arith.minimumf %slice3A, %slice3A_19 : vector<128x1024xf32>
    %jit3A = arith.constant 1 : i32
    %jit3A_20 = arith.constant 0 : i32
    %broadcast_in_dim3A = vector.broadcast %jit3A : i32 to vector<128x1024xi32>
    %broadcast_in_dim3A_21 = vector.broadcast %jit3A_20 : i32 to vector<128x1024xi32>
    %select_n3A = arith.select %lt3A, %broadcast_in_dim3A, %broadcast_in_dim3A_21 : vector<128x1024xi1>, vector<128x1024xi32>
    %get3A_22 = arith.constant 256 : index
    %get3A_23 = arith.constant 0 : index
    %get3A_24 = vector.load %arg3[%get3A_22, %get3A_23] : memref<8192x128xf32, #tpu.memory_space<vmem>>, vector<256x128xf32>
    %get3A_25 = arith.constant 256 : index
    %get3A_26 = arith.constant 0 : index
    %get3A_27 = vector.load %arg4[%get3A_25, %get3A_26] : memref<8192x1xf32, #tpu.memory_space<vmem>>, vector<256x1xf32>
    %dot_general3A_28 = arith.constant dense<0.000000e+00> : vector<256x1024xf32>
    %dot_general3A_29 = tpu.matmul %get3A_24, %get3A_3, %dot_general3A_28 {dimension_numbers = #tpu.dot_dimension_numbers<[1], [0], [0], [1], [0, 0, 1, 1], [], []>, transpose_lhs_hint = false} : vector<256x128xf32>, vector<128x1024xf32>, vector<256x1024xf32> -> vector<256x1024xf32>
    %add3A_30 = vector.broadcast %get3A_8 : vector<1x1024xf32> to vector<256x1024xf32>
    %add3A_31 = vector.broadcast %get3A_27 : vector<256x1xf32> to vector<256x1024xf32>
    %add3A_32 = arith.addf %add3A_30, %add3A_31 : vector<256x1024xf32>
    %add3A_33 = arith.addf %add3A_32, %dot_general3A_29 : vector<256x1024xf32>
    %slice3A_34 = vector.extract_strided_slice %add3A_33 {offsets = [0, 0], sizes = [128, 1024], strides = [1, 1]} : vector<256x1024xf32> to vector<128x1024xf32>
    %slice3A_35 = vector.extract_strided_slice %add3A_33 {offsets = [128, 0], sizes = [128, 1024], strides = [1, 1]} : vector<256x1024xf32> to vector<128x1024xf32>
    %lt3A_36 = arith.cmpf olt, %slice3A_35, %slice3A_34 : vector<128x1024xf32>
    %min3A_37 = arith.minimumf %slice3A_34, %slice3A_35 : vector<128x1024xf32>
    %jit3A_38 = arith.constant 3 : i32
    %jit3A_39 = arith.constant 2 : i32
    %broadcast_in_dim3A_40 = vector.broadcast %jit3A_38 : i32 to vector<128x1024xi32>
    %broadcast_in_dim3A_41 = vector.broadcast %jit3A_39 : i32 to vector<128x1024xi32>
    %select_n3A_42 = arith.select %lt3A_36, %broadcast_in_dim3A_40, %broadcast_in_dim3A_41 : vector<128x1024xi1>, vector<128x1024xi32>
    %lt3A_43 = arith.cmpf olt, %min3A_37, %min3A : vector<128x1024xf32>
    %min3A_44 = arith.minimumf %min3A, %min3A_37 : vector<128x1024xf32>
    %select_n3A_45 = arith.select %lt3A_43, %select_n3A_42, %select_n3A : vector<128x1024xi1>, vector<128x1024xi32>
    %get3A_46 = arith.constant 512 : index
    %get3A_47 = arith.constant 0 : index
    %get3A_48 = vector.load %arg3[%get3A_46, %get3A_47] : memref<8192x128xf32, #tpu.memory_space<vmem>>, vector<256x128xf32>
    %get3A_49 = arith.constant 512 : index
    %get3A_50 = arith.constant 0 : index
    %get3A_51 = vector.load %arg4[%get3A_49, %get3A_50] : memref<8192x1xf32, #tpu.memory_space<vmem>>, vector<256x1xf32>
    %dot_general3A_52 = arith.constant dense<0.000000e+00> : vector<256x1024xf32>
    %dot_general3A_53 = tpu.matmul %get3A_48, %get3A_3, %dot_general3A_52 {dimension_numbers = #tpu.dot_dimension_numbers<[1], [0], [0], [1], [0, 0, 1, 1], [], []>, transpose_lhs_hint = false} : vector<256x128xf32>, vector<128x1024xf32>, vector<256x1024xf32> -> vector<256x1024xf32>
    %add3A_54 = vector.broadcast %get3A_8 : vector<1x1024xf32> to vector<256x1024xf32>
    %add3A_55 = vector.broadcast %get3A_51 : vector<256x1xf32> to vector<256x1024xf32>
    %add3A_56 = arith.addf %add3A_54, %add3A_55 : vector<256x1024xf32>
    %add3A_57 = arith.addf %add3A_56, %dot_general3A_53 : vector<256x1024xf32>
    %slice3A_58 = vector.extract_strided_slice %add3A_57 {offsets = [0, 0], sizes = [128, 1024], strides = [1, 1]} : vector<256x1024xf32> to vector<128x1024xf32>
    %slice3A_59 = vector.extract_strided_slice %add3A_57 {offsets = [128, 0], sizes = [128, 1024], strides = [1, 1]} : vector<256x1024xf32> to vector<128x1024xf32>
    %lt3A_60 = arith.cmpf olt, %slice3A_59, %slice3A_58 : vector<128x1024xf32>
    %min3A_61 = arith.minimumf %slice3A_58, %slice3A_59 : vector<128x1024xf32>
    %jit3A_62 = arith.constant 5 : i32
    %jit3A_63 = arith.constant 4 : i32
    %broadcast_in_dim3A_64 = vector.broadcast %jit3A_62 : i32 to vector<128x1024xi32>
    %broadcast_in_dim3A_65 = vector.broadcast %jit3A_63 : i32 to vector<128x1024xi32>
    %select_n3A_66 = arith.select %lt3A_60, %broadcast_in_dim3A_64, %broadcast_in_dim3A_65 : vector<128x1024xi1>, vector<128x1024xi32>
    %lt3A_67 = arith.cmpf olt, %min3A_61, %min3A_44 : vector<128x1024xf32>
    %min3A_68 = arith.minimumf %min3A_44, %min3A_61 : vector<128x1024xf32>
    %select_n3A_69 = arith.select %lt3A_67, %select_n3A_66, %select_n3A_45 : vector<128x1024xi1>, vector<128x1024xi32>
    %get3A_70 = arith.constant 768 : index
    %get3A_71 = arith.constant 0 : index
    %get3A_72 = vector.load %arg3[%get3A_70, %get3A_71] : memref<8192x128xf32, #tpu.memory_space<vmem>>, vector<256x128xf32>
    %get3A_73 = arith.constant 768 : index
    %get3A_74 = arith.constant 0 : index
    %get3A_75 = vector.load %arg4[%get3A_73, %get3A_74] : memref<8192x1xf32, #tpu.memory_space<vmem>>, vector<256x1xf32>
    %dot_general3A_76 = arith.constant dense<0.000000e+00> : vector<256x1024xf32>
    %dot_general3A_77 = tpu.matmul %get3A_72, %get3A_3, %dot_general3A_76 {dimension_numbers = #tpu.dot_dimension_numbers<[1], [0], [0], [1], [0, 0, 1, 1], [], []>, transpose_lhs_hint = false} : vector<256x128xf32>, vector<128x1024xf32>, vector<256x1024xf32> -> vector<256x1024xf32>
    %add3A_78 = vector.broadcast %get3A_8 : vector<1x1024xf32> to vector<256x1024xf32>
    %add3A_79 = vector.broadcast %get3A_75 : vector<256x1xf32> to vector<256x1024xf32>
    %add3A_80 = arith.addf %add3A_78, %add3A_79 : vector<256x1024xf32>
    %add3A_81 = arith.addf %add3A_80, %dot_general3A_77 : vector<256x1024xf32>
    %slice3A_82 = vector.extract_strided_slice %add3A_81 {offsets = [0, 0], sizes = [128, 1024], strides = [1, 1]} : vector<256x1024xf32> to vector<128x1024xf32>
    %slice3A_83 = vector.extract_strided_slice %add3A_81 {offsets = [128, 0], sizes = [128, 1024], strides = [1, 1]} : vector<256x1024xf32> to vector<128x1024xf32>
    %lt3A_84 = arith.cmpf olt, %slice3A_83, %slice3A_82 : vector<128x1024xf32>
    %min3A_85 = arith.minimumf %slice3A_82, %slice3A_83 : vector<128x1024xf32>
    %jit3A_86 = arith.constant 7 : i32
    %jit3A_87 = arith.constant 6 : i32
    %broadcast_in_dim3A_88 = vector.broadcast %jit3A_86 : i32 to vector<128x1024xi32>
    %broadcast_in_dim3A_89 = vector.broadcast %jit3A_87 : i32 to vector<128x1024xi32>
    %select_n3A_90 = arith.select %lt3A_84, %broadcast_in_dim3A_88, %broadcast_in_dim3A_89 : vector<128x1024xi1>, vector<128x1024xi32>
    %lt3A_91 = arith.cmpf olt, %min3A_85, %min3A_68 : vector<128x1024xf32>
    %min3A_92 = arith.minimumf %min3A_68, %min3A_85 : vector<128x1024xf32>
    %select_n3A_93 = arith.select %lt3A_91, %select_n3A_90, %select_n3A_69 : vector<128x1024xi1>, vector<128x1024xi32>
    %get3A_94 = arith.constant 1024 : index
    %get3A_95 = arith.constant 0 : index
    %get3A_96 = vector.load %arg3[%get3A_94, %get3A_95] : memref<8192x128xf32, #tpu.memory_space<vmem>>, vector<256x128xf32>
    %get3A_97 = arith.constant 1024 : index
    %get3A_98 = arith.constant 0 : index
    %get3A_99 = vector.load %arg4[%get3A_97, %get3A_98] : memref<8192x1xf32, #tpu.memory_space<vmem>>, vector<256x1xf32>
    %dot_general3A_100 = arith.constant dense<0.000000e+00> : vector<256x1024xf32>
    %dot_general3A_101 = tpu.matmul %get3A_96, %get3A_3, %dot_general3A_100 {dimension_numbers = #tpu.dot_dimension_numbers<[1], [0], [0], [1], [0, 0, 1, 1], [], []>, transpose_lhs_hint = false} : vector<256x128xf32>, vector<128x1024xf32>, vector<256x1024xf32> -> vector<256x1024xf32>
    %add3A_102 = vector.broadcast %get3A_8 : vector<1x1024xf32> to vector<256x1024xf32>
    %add3A_103 = vector.broadcast %get3A_99 : vector<256x1xf32> to vector<256x1024xf32>
    %add3A_104 = arith.addf %add3A_102, %add3A_103 : vector<256x1024xf32>
    %add3A_105 = arith.addf %add3A_104, %dot_general3A_101 : vector<256x1024xf32>
    %slice3A_106 = vector.extract_strided_slice %add3A_105 {offsets = [0, 0], sizes = [128, 1024], strides = [1, 1]} : vector<256x1024xf32> to vector<128x1024xf32>
    %slice3A_107 = vector.extract_strided_slice %add3A_105 {offsets = [128, 0], sizes = [128, 1024], strides = [1, 1]} : vector<256x1024xf32> to vector<128x1024xf32>
    %lt3A_108 = arith.cmpf olt, %slice3A_107, %slice3A_106 : vector<128x1024xf32>
    %min3A_109 = arith.minimumf %slice3A_106, %slice3A_107 : vector<128x1024xf32>
    %jit3A_110 = arith.constant 9 : i32
    %jit3A_111 = arith.constant 8 : i32
    %broadcast_in_dim3A_112 = vector.broadcast %jit3A_110 : i32 to vector<128x1024xi32>
    %broadcast_in_dim3A_113 = vector.broadcast %jit3A_111 : i32 to vector<128x1024xi32>
    %select_n3A_114 = arith.select %lt3A_108, %broadcast_in_dim3A_112, %broadcast_in_dim3A_113 : vector<128x1024xi1>, vector<128x1024xi32>
    %lt3A_115 = arith.cmpf olt, %min3A_109, %min3A_92 : vector<128x1024xf32>
    %min3A_116 = arith.minimumf %min3A_92, %min3A_109 : vector<128x1024xf32>
    %select_n3A_117 = arith.select %lt3A_115, %select_n3A_114, %select_n3A_93 : vector<128x1024xi1>, vector<128x1024xi32>
    %get3A_118 = arith.constant 1280 : index
    %get3A_119 = arith.constant 0 : index
    %get3A_120 = vector.load %arg3[%get3A_118, %get3A_119] : memref<8192x128xf32, #tpu.memory_space<vmem>>, vector<256x128xf32>
    %get3A_121 = arith.constant 1280 : index
    %get3A_122 = arith.constant 0 : index
    %get3A_123 = vector.load %arg4[%get3A_121, %get3A_122] : memref<8192x1xf32, #tpu.memory_space<vmem>>, vector<256x1xf32>
    %dot_general3A_124 = arith.constant dense<0.000000e+00> : vector<256x1024xf32>
    %dot_general3A_125 = tpu.matmul %get3A_120, %get3A_3, %dot_general3A_124 {dimension_numbers = #tpu.dot_dimension_numbers<[1], [0], [0], [1], [0, 0, 1, 1], [], []>, transpose_lhs_hint = false} : vector<256x128xf32>, vector<128x1024xf32>, vector<256x1024xf32> -> vector<256x1024xf32>
    %add3A_126 = vector.broadcast %get3A_8 : vector<1x1024xf32> to vector<256x1024xf32>
    %add3A_127 = vector.broadcast %get3A_123 : vector<256x1xf32> to vector<256x1024xf32>
    %add3A_128 = arith.addf %add3A_126, %add3A_127 : vector<256x1024xf32>
    %add3A_129 = arith.addf %add3A_128, %dot_general3A_125 : vector<256x1024xf32>
    %slice3A_130 = vector.extract_strided_slice %add3A_129 {offsets = [0, 0], sizes = [128, 1024], strides = [1, 1]} : vector<256x1024xf32> to vector<128x1024xf32>
    %slice3A_131 = vector.extract_strided_slice %add3A_129 {offsets = [128, 0], sizes = [128, 1024], strides = [1, 1]} : vector<256x1024xf32> to vector<128x1024xf32>
    %lt3A_132 = arith.cmpf olt, %slice3A_131, %slice3A_130 : vector<128x1024xf32>
    %min3A_133 = arith.minimumf %slice3A_130, %slice3A_131 : vector<128x1024xf32>
    %jit3A_134 = arith.constant 11 : i32
    %jit3A_135 = arith.constant 10 : i32
    %broadcast_in_dim3A_136 = vector.broadcast %jit3A_134 : i32 to vector<128x1024xi32>
    %broadcast_in_dim3A_137 = vector.broadcast %jit3A_135 : i32 to vector<128x1024xi32>
    %select_n3A_138 = arith.select %lt3A_132, %broadcast_in_dim3A_136, %broadcast_in_dim3A_137 : vector<128x1024xi1>, vector<128x1024xi32>
    %lt3A_139 = arith.cmpf olt, %min3A_133, %min3A_116 : vector<128x1024xf32>
    %min3A_140 = arith.minimumf %min3A_116, %min3A_133 : vector<128x1024xf32>
    %select_n3A_141 = arith.select %lt3A_139, %select_n3A_138, %select_n3A_117 : vector<128x1024xi1>, vector<128x1024xi32>
    %get3A_142 = arith.constant 1536 : index
    %get3A_143 = arith.constant 0 : index
    %get3A_144 = vector.load %arg3[%get3A_142, %get3A_143] : memref<8192x128xf32, #tpu.memory_space<vmem>>, vector<256x128xf32>
    %get3A_145 = arith.constant 1536 : index
    %get3A_146 = arith.constant 0 : index
    %get3A_147 = vector.load %arg4[%get3A_145, %get3A_146] : memref<8192x1xf32, #tpu.memory_space<vmem>>, vector<256x1xf32>
    %dot_general3A_148 = arith.constant dense<0.000000e+00> : vector<256x1024xf32>
    %dot_general3A_149 = tpu.matmul %get3A_144, %get3A_3, %dot_general3A_148 {dimension_numbers = #tpu.dot_dimension_numbers<[1], [0], [0], [1], [0, 0, 1, 1], [], []>, transpose_lhs_hint = false} : vector<256x128xf32>, vector<128x1024xf32>, vector<256x1024xf32> -> vector<256x1024xf32>
    %add3A_150 = vector.broadcast %get3A_8 : vector<1x1024xf32> to vector<256x1024xf32>
    %add3A_151 = vector.broadcast %get3A_147 : vector<256x1xf32> to vector<256x1024xf32>
    %add3A_152 = arith.addf %add3A_150, %add3A_151 : vector<256x1024xf32>
    %add3A_153 = arith.addf %add3A_152, %dot_general3A_149 : vector<256x1024xf32>
    %slice3A_154 = vector.extract_strided_slice %add3A_153 {offsets = [0, 0], sizes = [128, 1024], strides = [1, 1]} : vector<256x1024xf32> to vector<128x1024xf32>
    %slice3A_155 = vector.extract_strided_slice %add3A_153 {offsets = [128, 0], sizes = [128, 1024], strides = [1, 1]} : vector<256x1024xf32> to vector<128x1024xf32>
    %lt3A_156 = arith.cmpf olt, %slice3A_155, %slice3A_154 : vector<128x1024xf32>
    %min3A_157 = arith.minimumf %slice3A_154, %slice3A_155 : vector<128x1024xf32>
    %jit3A_158 = arith.constant 13 : i32
    %jit3A_159 = arith.constant 12 : i32
    %broadcast_in_dim3A_160 = vector.broadcast %jit3A_158 : i32 to vector<128x1024xi32>
    %broadcast_in_dim3A_161 = vector.broadcast %jit3A_159 : i32 to vector<128x1024xi32>
    %select_n3A_162 = arith.select %lt3A_156, %broadcast_in_dim3A_160, %broadcast_in_dim3A_161 : vector<128x1024xi1>, vector<128x1024xi32>
    %lt3A_163 = arith.cmpf olt, %min3A_157, %min3A_140 : vector<128x1024xf32>
    %min3A_164 = arith.minimumf %min3A_140, %min3A_157 : vector<128x1024xf32>
    %select_n3A_165 = arith.select %lt3A_163, %select_n3A_162, %select_n3A_141 : vector<128x1024xi1>, vector<128x1024xi32>
    %get3A_166 = arith.constant 1792 : index
    %get3A_167 = arith.constant 0 : index
    %get3A_168 = vector.load %arg3[%get3A_166, %get3A_167] : memref<8192x128xf32, #tpu.memory_space<vmem>>, vector<256x128xf32>
    %get3A_169 = arith.constant 1792 : index
    %get3A_170 = arith.constant 0 : index
    %get3A_171 = vector.load %arg4[%get3A_169, %get3A_170] : memref<8192x1xf32, #tpu.memory_space<vmem>>, vector<256x1xf32>
    %dot_general3A_172 = arith.constant dense<0.000000e+00> : vector<256x1024xf32>
    %dot_general3A_173 = tpu.matmul %get3A_168, %get3A_3, %dot_general3A_172 {dimension_numbers = #tpu.dot_dimension_numbers<[1], [0], [0], [1], [0, 0, 1, 1], [], []>, transpose_lhs_hint = false} : vector<256x128xf32>, vector<128x1024xf32>, vector<256x1024xf32> -> vector<256x1024xf32>
    %add3A_174 = vector.broadcast %get3A_8 : vector<1x1024xf32> to vector<256x1024xf32>
    %add3A_175 = vector.broadcast %get3A_171 : vector<256x1xf32> to vector<256x1024xf32>
    %add3A_176 = arith.addf %add3A_174, %add3A_175 : vector<256x1024xf32>
    %add3A_177 = arith.addf %add3A_176, %dot_general3A_173 : vector<256x1024xf32>
    %slice3A_178 = vector.extract_strided_slice %add3A_177 {offsets = [0, 0], sizes = [128, 1024], strides = [1, 1]} : vector<256x1024xf32> to vector<128x1024xf32>
    %slice3A_179 = vector.extract_strided_slice %add3A_177 {offsets = [128, 0], sizes = [128, 1024], strides = [1, 1]} : vector<256x1024xf32> to vector<128x1024xf32>
    %lt3A_180 = arith.cmpf olt, %slice3A_179, %slice3A_178 : vector<128x1024xf32>
    %min3A_181 = arith.minimumf %slice3A_178, %slice3A_179 : vector<128x1024xf32>
    %jit3A_182 = arith.constant 15 : i32
    %jit3A_183 = arith.constant 14 : i32
    %broadcast_in_dim3A_184 = vector.broadcast %jit3A_182 : i32 to vector<128x1024xi32>
    %broadcast_in_dim3A_185 = vector.broadcast %jit3A_183 : i32 to vector<128x1024xi32>
    %select_n3A_186 = arith.select %lt3A_180, %broadcast_in_dim3A_184, %broadcast_in_dim3A_185 : vector<128x1024xi1>, vector<128x1024xi32>
    %lt3A_187 = arith.cmpf olt, %min3A_181, %min3A_164 : vector<128x1024xf32>
    %min3A_188 = arith.minimumf %min3A_164, %min3A_181 : vector<128x1024xf32>
    %select_n3A_189 = arith.select %lt3A_187, %select_n3A_186, %select_n3A_165 : vector<128x1024xi1>, vector<128x1024xi32>
    %get3A_190 = arith.constant 2048 : index
    %get3A_191 = arith.constant 0 : index
    %get3A_192 = vector.load %arg3[%get3A_190, %get3A_191] : memref<8192x128xf32, #tpu.memory_space<vmem>>, vector<256x128xf32>
    %get3A_193 = arith.constant 2048 : index
    %get3A_194 = arith.constant 0 : index
    %get3A_195 = vector.load %arg4[%get3A_193, %get3A_194] : memref<8192x1xf32, #tpu.memory_space<vmem>>, vector<256x1xf32>
    %dot_general3A_196 = arith.constant dense<0.000000e+00> : vector<256x1024xf32>
    %dot_general3A_197 = tpu.matmul %get3A_192, %get3A_3, %dot_general3A_196 {dimension_numbers = #tpu.dot_dimension_numbers<[1], [0], [0], [1], [0, 0, 1, 1], [], []>, transpose_lhs_hint = false} : vector<256x128xf32>, vector<128x1024xf32>, vector<256x1024xf32> -> vector<256x1024xf32>
    %add3A_198 = vector.broadcast %get3A_8 : vector<1x1024xf32> to vector<256x1024xf32>
    %add3A_199 = vector.broadcast %get3A_195 : vector<256x1xf32> to vector<256x1024xf32>
    %add3A_200 = arith.addf %add3A_198, %add3A_199 : vector<256x1024xf32>
    %add3A_201 = arith.addf %add3A_200, %dot_general3A_197 : vector<256x1024xf32>
    %slice3A_202 = vector.extract_strided_slice %add3A_201 {offsets = [0, 0], sizes = [128, 1024], strides = [1, 1]} : vector<256x1024xf32> to vector<128x1024xf32>
    %slice3A_203 = vector.extract_strided_slice %add3A_201 {offsets = [128, 0], sizes = [128, 1024], strides = [1, 1]} : vector<256x1024xf32> to vector<128x1024xf32>
    %lt3A_204 = arith.cmpf olt, %slice3A_203, %slice3A_202 : vector<128x1024xf32>
    %min3A_205 = arith.minimumf %slice3A_202, %slice3A_203 : vector<128x1024xf32>
    %jit3A_206 = arith.constant 17 : i32
    %jit3A_207 = arith.constant 16 : i32
    %broadcast_in_dim3A_208 = vector.broadcast %jit3A_206 : i32 to vector<128x1024xi32>
    %broadcast_in_dim3A_209 = vector.broadcast %jit3A_207 : i32 to vector<128x1024xi32>
    %select_n3A_210 = arith.select %lt3A_204, %broadcast_in_dim3A_208, %broadcast_in_dim3A_209 : vector<128x1024xi1>, vector<128x1024xi32>
    %lt3A_211 = arith.cmpf olt, %min3A_205, %min3A_188 : vector<128x1024xf32>
    %min3A_212 = arith.minimumf %min3A_188, %min3A_205 : vector<128x1024xf32>
    %select_n3A_213 = arith.select %lt3A_211, %select_n3A_210, %select_n3A_189 : vector<128x1024xi1>, vector<128x1024xi32>
    %get3A_214 = arith.constant 2304 : index
    %get3A_215 = arith.constant 0 : index
    %get3A_216 = vector.load %arg3[%get3A_214, %get3A_215] : memref<8192x128xf32, #tpu.memory_space<vmem>>, vector<256x128xf32>
    %get3A_217 = arith.constant 2304 : index
    %get3A_218 = arith.constant 0 : index
    %get3A_219 = vector.load %arg4[%get3A_217, %get3A_218] : memref<8192x1xf32, #tpu.memory_space<vmem>>, vector<256x1xf32>
    %dot_general3A_220 = arith.constant dense<0.000000e+00> : vector<256x1024xf32>
    %dot_general3A_221 = tpu.matmul %get3A_216, %get3A_3, %dot_general3A_220 {dimension_numbers = #tpu.dot_dimension_numbers<[1], [0], [0], [1], [0, 0, 1, 1], [], []>, transpose_lhs_hint = false} : vector<256x128xf32>, vector<128x1024xf32>, vector<256x1024xf32> -> vector<256x1024xf32>
    %add3A_222 = vector.broadcast %get3A_8 : vector<1x1024xf32> to vector<256x1024xf32>
    %add3A_223 = vector.broadcast %get3A_219 : vector<256x1xf32> to vector<256x1024xf32>
    %add3A_224 = arith.addf %add3A_222, %add3A_223 : vector<256x1024xf32>
    %add3A_225 = arith.addf %add3A_224, %dot_general3A_221 : vector<256x1024xf32>
    %slice3A_226 = vector.extract_strided_slice %add3A_225 {offsets = [0, 0], sizes = [128, 1024], strides = [1, 1]} : vector<256x1024xf32> to vector<128x1024xf32>
    %slice3A_227 = vector.extract_strided_slice %add3A_225 {offsets = [128, 0], sizes = [128, 1024], strides = [1, 1]} : vector<256x1024xf32> to vector<128x1024xf32>
    %lt3A_228 = arith.cmpf olt, %slice3A_227, %slice3A_226 : vector<128x1024xf32>
    %min3A_229 = arith.minimumf %slice3A_226, %slice3A_227 : vector<128x1024xf32>
    %jit3A_230 = arith.constant 19 : i32
    %jit3A_231 = arith.constant 18 : i32
    %broadcast_in_dim3A_232 = vector.broadcast %jit3A_230 : i32 to vector<128x1024xi32>
    %broadcast_in_dim3A_233 = vector.broadcast %jit3A_231 : i32 to vector<128x1024xi32>
    %select_n3A_234 = arith.select %lt3A_228, %broadcast_in_dim3A_232, %broadcast_in_dim3A_233 : vector<128x1024xi1>, vector<128x1024xi32>
    %lt3A_235 = arith.cmpf olt, %min3A_229, %min3A_212 : vector<128x1024xf32>
    %min3A_236 = arith.minimumf %min3A_212, %min3A_229 : vector<128x1024xf32>
    %select_n3A_237 = arith.select %lt3A_235, %select_n3A_234, %select_n3A_213 : vector<128x1024xi1>, vector<128x1024xi32>
    %get3A_238 = arith.constant 2560 : index
    %get3A_239 = arith.constant 0 : index
    %get3A_240 = vector.load %arg3[%get3A_238, %get3A_239] : memref<8192x128xf32, #tpu.memory_space<vmem>>, vector<256x128xf32>
    %get3A_241 = arith.constant 2560 : index
    %get3A_242 = arith.constant 0 : index
    %get3A_243 = vector.load %arg4[%get3A_241, %get3A_242] : memref<8192x1xf32, #tpu.memory_space<vmem>>, vector<256x1xf32>
    %dot_general3A_244 = arith.constant dense<0.000000e+00> : vector<256x1024xf32>
    %dot_general3A_245 = tpu.matmul %get3A_240, %get3A_3, %dot_general3A_244 {dimension_numbers = #tpu.dot_dimension_numbers<[1], [0], [0], [1], [0, 0, 1, 1], [], []>, transpose_lhs_hint = false} : vector<256x128xf32>, vector<128x1024xf32>, vector<256x1024xf32> -> vector<256x1024xf32>
    %add3A_246 = vector.broadcast %get3A_8 : vector<1x1024xf32> to vector<256x1024xf32>
    %add3A_247 = vector.broadcast %get3A_243 : vector<256x1xf32> to vector<256x1024xf32>
    %add3A_248 = arith.addf %add3A_246, %add3A_247 : vector<256x1024xf32>
    %add3A_249 = arith.addf %add3A_248, %dot_general3A_245 : vector<256x1024xf32>
    %slice3A_250 = vector.extract_strided_slice %add3A_249 {offsets = [0, 0], sizes = [128, 1024], strides = [1, 1]} : vector<256x1024xf32> to vector<128x1024xf32>
    %slice3A_251 = vector.extract_strided_slice %add3A_249 {offsets = [128, 0], sizes = [128, 1024], strides = [1, 1]} : vector<256x1024xf32> to vector<128x1024xf32>
    %lt3A_252 = arith.cmpf olt, %slice3A_251, %slice3A_250 : vector<128x1024xf32>
    %min3A_253 = arith.minimumf %slice3A_250, %slice3A_251 : vector<128x1024xf32>
    %jit3A_254 = arith.constant 21 : i32
    %jit3A_255 = arith.constant 20 : i32
    %broadcast_in_dim3A_256 = vector.broadcast %jit3A_254 : i32 to vector<128x1024xi32>
    %broadcast_in_dim3A_257 = vector.broadcast %jit3A_255 : i32 to vector<128x1024xi32>
    %select_n3A_258 = arith.select %lt3A_252, %broadcast_in_dim3A_256, %broadcast_in_dim3A_257 : vector<128x1024xi1>, vector<128x1024xi32>
    %lt3A_259 = arith.cmpf olt, %min3A_253, %min3A_236 : vector<128x1024xf32>
    %min3A_260 = arith.minimumf %min3A_236, %min3A_253 : vector<128x1024xf32>
    %select_n3A_261 = arith.select %lt3A_259, %select_n3A_258, %select_n3A_237 : vector<128x1024xi1>, vector<128x1024xi32>
    %get3A_262 = arith.constant 2816 : index
    %get3A_263 = arith.constant 0 : index
    %get3A_264 = vector.load %arg3[%get3A_262, %get3A_263] : memref<8192x128xf32, #tpu.memory_space<vmem>>, vector<256x128xf32>
    %get3A_265 = arith.constant 2816 : index
    %get3A_266 = arith.constant 0 : index
    %get3A_267 = vector.load %arg4[%get3A_265, %get3A_266] : memref<8192x1xf32, #tpu.memory_space<vmem>>, vector<256x1xf32>
    %dot_general3A_268 = arith.constant dense<0.000000e+00> : vector<256x1024xf32>
    %dot_general3A_269 = tpu.matmul %get3A_264, %get3A_3, %dot_general3A_268 {dimension_numbers = #tpu.dot_dimension_numbers<[1], [0], [0], [1], [0, 0, 1, 1], [], []>, transpose_lhs_hint = false} : vector<256x128xf32>, vector<128x1024xf32>, vector<256x1024xf32> -> vector<256x1024xf32>
    %add3A_270 = vector.broadcast %get3A_8 : vector<1x1024xf32> to vector<256x1024xf32>
    %add3A_271 = vector.broadcast %get3A_267 : vector<256x1xf32> to vector<256x1024xf32>
    %add3A_272 = arith.addf %add3A_270, %add3A_271 : vector<256x1024xf32>
    %add3A_273 = arith.addf %add3A_272, %dot_general3A_269 : vector<256x1024xf32>
    %slice3A_274 = vector.extract_strided_slice %add3A_273 {offsets = [0, 0], sizes = [128, 1024], strides = [1, 1]} : vector<256x1024xf32> to vector<128x1024xf32>
    %slice3A_275 = vector.extract_strided_slice %add3A_273 {offsets = [128, 0], sizes = [128, 1024], strides = [1, 1]} : vector<256x1024xf32> to vector<128x1024xf32>
    %lt3A_276 = arith.cmpf olt, %slice3A_275, %slice3A_274 : vector<128x1024xf32>
    %min3A_277 = arith.minimumf %slice3A_274, %slice3A_275 : vector<128x1024xf32>
    %jit3A_278 = arith.constant 23 : i32
    %jit3A_279 = arith.constant 22 : i32
    %broadcast_in_dim3A_280 = vector.broadcast %jit3A_278 : i32 to vector<128x1024xi32>
    %broadcast_in_dim3A_281 = vector.broadcast %jit3A_279 : i32 to vector<128x1024xi32>
    %select_n3A_282 = arith.select %lt3A_276, %broadcast_in_dim3A_280, %broadcast_in_dim3A_281 : vector<128x1024xi1>, vector<128x1024xi32>
    %lt3A_283 = arith.cmpf olt, %min3A_277, %min3A_260 : vector<128x1024xf32>
    %min3A_284 = arith.minimumf %min3A_260, %min3A_277 : vector<128x1024xf32>
    %select_n3A_285 = arith.select %lt3A_283, %select_n3A_282, %select_n3A_261 : vector<128x1024xi1>, vector<128x1024xi32>
    %get3A_286 = arith.constant 3072 : index
    %get3A_287 = arith.constant 0 : index
    %get3A_288 = vector.load %arg3[%get3A_286, %get3A_287] : memref<8192x128xf32, #tpu.memory_space<vmem>>, vector<256x128xf32>
    %get3A_289 = arith.constant 3072 : index
    %get3A_290 = arith.constant 0 : index
    %get3A_291 = vector.load %arg4[%get3A_289, %get3A_290] : memref<8192x1xf32, #tpu.memory_space<vmem>>, vector<256x1xf32>
    %dot_general3A_292 = arith.constant dense<0.000000e+00> : vector<256x1024xf32>
    %dot_general3A_293 = tpu.matmul %get3A_288, %get3A_3, %dot_general3A_292 {dimension_numbers = #tpu.dot_dimension_numbers<[1], [0], [0], [1], [0, 0, 1, 1], [], []>, transpose_lhs_hint = false} : vector<256x128xf32>, vector<128x1024xf32>, vector<256x1024xf32> -> vector<256x1024xf32>
    %add3A_294 = vector.broadcast %get3A_8 : vector<1x1024xf32> to vector<256x1024xf32>
    %add3A_295 = vector.broadcast %get3A_291 : vector<256x1xf32> to vector<256x1024xf32>
    %add3A_296 = arith.addf %add3A_294, %add3A_295 : vector<256x1024xf32>
    %add3A_297 = arith.addf %add3A_296, %dot_general3A_293 : vector<256x1024xf32>
    %slice3A_298 = vector.extract_strided_slice %add3A_297 {offsets = [0, 0], sizes = [128, 1024], strides = [1, 1]} : vector<256x1024xf32> to vector<128x1024xf32>
    %slice3A_299 = vector.extract_strided_slice %add3A_297 {offsets = [128, 0], sizes = [128, 1024], strides = [1, 1]} : vector<256x1024xf32> to vector<128x1024xf32>
    %lt3A_300 = arith.cmpf olt, %slice3A_299, %slice3A_298 : vector<128x1024xf32>
    %min3A_301 = arith.minimumf %slice3A_298, %slice3A_299 : vector<128x1024xf32>
    %jit3A_302 = arith.constant 25 : i32
    %jit3A_303 = arith.constant 24 : i32
    %broadcast_in_dim3A_304 = vector.broadcast %jit3A_302 : i32 to vector<128x1024xi32>
    %broadcast_in_dim3A_305 = vector.broadcast %jit3A_303 : i32 to vector<128x1024xi32>
    %select_n3A_306 = arith.select %lt3A_300, %broadcast_in_dim3A_304, %broadcast_in_dim3A_305 : vector<128x1024xi1>, vector<128x1024xi32>
    %lt3A_307 = arith.cmpf olt, %min3A_301, %min3A_284 : vector<128x1024xf32>
    %min3A_308 = arith.minimumf %min3A_284, %min3A_301 : vector<128x1024xf32>
    %select_n3A_309 = arith.select %lt3A_307, %select_n3A_306, %select_n3A_285 : vector<128x1024xi1>, vector<128x1024xi32>
    %get3A_310 = arith.constant 3328 : index
    %get3A_311 = arith.constant 0 : index
    %get3A_312 = vector.load %arg3[%get3A_310, %get3A_311] : memref<8192x128xf32, #tpu.memory_space<vmem>>, vector<256x128xf32>
    %get3A_313 = arith.constant 3328 : index
    %get3A_314 = arith.constant 0 : index
    %get3A_315 = vector.load %arg4[%get3A_313, %get3A_314] : memref<8192x1xf32, #tpu.memory_space<vmem>>, vector<256x1xf32>
    %dot_general3A_316 = arith.constant dense<0.000000e+00> : vector<256x1024xf32>
    %dot_general3A_317 = tpu.matmul %get3A_312, %get3A_3, %dot_general3A_316 {dimension_numbers = #tpu.dot_dimension_numbers<[1], [0], [0], [1], [0, 0, 1, 1], [], []>, transpose_lhs_hint = false} : vector<256x128xf32>, vector<128x1024xf32>, vector<256x1024xf32> -> vector<256x1024xf32>
    %add3A_318 = vector.broadcast %get3A_8 : vector<1x1024xf32> to vector<256x1024xf32>
    %add3A_319 = vector.broadcast %get3A_315 : vector<256x1xf32> to vector<256x1024xf32>
    %add3A_320 = arith.addf %add3A_318, %add3A_319 : vector<256x1024xf32>
    %add3A_321 = arith.addf %add3A_320, %dot_general3A_317 : vector<256x1024xf32>
    %slice3A_322 = vector.extract_strided_slice %add3A_321 {offsets = [0, 0], sizes = [128, 1024], strides = [1, 1]} : vector<256x1024xf32> to vector<128x1024xf32>
    %slice3A_323 = vector.extract_strided_slice %add3A_321 {offsets = [128, 0], sizes = [128, 1024], strides = [1, 1]} : vector<256x1024xf32> to vector<128x1024xf32>
    %lt3A_324 = arith.cmpf olt, %slice3A_323, %slice3A_322 : vector<128x1024xf32>
    %min3A_325 = arith.minimumf %slice3A_322, %slice3A_323 : vector<128x1024xf32>
    %jit3A_326 = arith.constant 27 : i32
    %jit3A_327 = arith.constant 26 : i32
    %broadcast_in_dim3A_328 = vector.broadcast %jit3A_326 : i32 to vector<128x1024xi32>
    %broadcast_in_dim3A_329 = vector.broadcast %jit3A_327 : i32 to vector<128x1024xi32>
    %select_n3A_330 = arith.select %lt3A_324, %broadcast_in_dim3A_328, %broadcast_in_dim3A_329 : vector<128x1024xi1>, vector<128x1024xi32>
    %lt3A_331 = arith.cmpf olt, %min3A_325, %min3A_308 : vector<128x1024xf32>
    %min3A_332 = arith.minimumf %min3A_308, %min3A_325 : vector<128x1024xf32>
    %select_n3A_333 = arith.select %lt3A_331, %select_n3A_330, %select_n3A_309 : vector<128x1024xi1>, vector<128x1024xi32>
    %get3A_334 = arith.constant 3584 : index
    %get3A_335 = arith.constant 0 : index
    %get3A_336 = vector.load %arg3[%get3A_334, %get3A_335] : memref<8192x128xf32, #tpu.memory_space<vmem>>, vector<256x128xf32>
    %get3A_337 = arith.constant 3584 : index
    %get3A_338 = arith.constant 0 : index
    %get3A_339 = vector.load %arg4[%get3A_337, %get3A_338] : memref<8192x1xf32, #tpu.memory_space<vmem>>, vector<256x1xf32>
    %dot_general3A_340 = arith.constant dense<0.000000e+00> : vector<256x1024xf32>
    %dot_general3A_341 = tpu.matmul %get3A_336, %get3A_3, %dot_general3A_340 {dimension_numbers = #tpu.dot_dimension_numbers<[1], [0], [0], [1], [0, 0, 1, 1], [], []>, transpose_lhs_hint = false} : vector<256x128xf32>, vector<128x1024xf32>, vector<256x1024xf32> -> vector<256x1024xf32>
    %add3A_342 = vector.broadcast %get3A_8 : vector<1x1024xf32> to vector<256x1024xf32>
    %add3A_343 = vector.broadcast %get3A_339 : vector<256x1xf32> to vector<256x1024xf32>
    %add3A_344 = arith.addf %add3A_342, %add3A_343 : vector<256x1024xf32>
    %add3A_345 = arith.addf %add3A_344, %dot_general3A_341 : vector<256x1024xf32>
    %slice3A_346 = vector.extract_strided_slice %add3A_345 {offsets = [0, 0], sizes = [128, 1024], strides = [1, 1]} : vector<256x1024xf32> to vector<128x1024xf32>
    %slice3A_347 = vector.extract_strided_slice %add3A_345 {offsets = [128, 0], sizes = [128, 1024], strides = [1, 1]} : vector<256x1024xf32> to vector<128x1024xf32>
    %lt3A_348 = arith.cmpf olt, %slice3A_347, %slice3A_346 : vector<128x1024xf32>
    %min3A_349 = arith.minimumf %slice3A_346, %slice3A_347 : vector<128x1024xf32>
    %jit3A_350 = arith.constant 29 : i32
    %jit3A_351 = arith.constant 28 : i32
    %broadcast_in_dim3A_352 = vector.broadcast %jit3A_350 : i32 to vector<128x1024xi32>
    %broadcast_in_dim3A_353 = vector.broadcast %jit3A_351 : i32 to vector<128x1024xi32>
    %select_n3A_354 = arith.select %lt3A_348, %broadcast_in_dim3A_352, %broadcast_in_dim3A_353 : vector<128x1024xi1>, vector<128x1024xi32>
    %lt3A_355 = arith.cmpf olt, %min3A_349, %min3A_332 : vector<128x1024xf32>
    %min3A_356 = arith.minimumf %min3A_332, %min3A_349 : vector<128x1024xf32>
    %select_n3A_357 = arith.select %lt3A_355, %select_n3A_354, %select_n3A_333 : vector<128x1024xi1>, vector<128x1024xi32>
    %get3A_358 = arith.constant 3840 : index
    %get3A_359 = arith.constant 0 : index
    %get3A_360 = vector.load %arg3[%get3A_358, %get3A_359] : memref<8192x128xf32, #tpu.memory_space<vmem>>, vector<256x128xf32>
    %get3A_361 = arith.constant 3840 : index
    %get3A_362 = arith.constant 0 : index
    %get3A_363 = vector.load %arg4[%get3A_361, %get3A_362] : memref<8192x1xf32, #tpu.memory_space<vmem>>, vector<256x1xf32>
    %dot_general3A_364 = arith.constant dense<0.000000e+00> : vector<256x1024xf32>
    %dot_general3A_365 = tpu.matmul %get3A_360, %get3A_3, %dot_general3A_364 {dimension_numbers = #tpu.dot_dimension_numbers<[1], [0], [0], [1], [0, 0, 1, 1], [], []>, transpose_lhs_hint = false} : vector<256x128xf32>, vector<128x1024xf32>, vector<256x1024xf32> -> vector<256x1024xf32>
    %add3A_366 = vector.broadcast %get3A_8 : vector<1x1024xf32> to vector<256x1024xf32>
    %add3A_367 = vector.broadcast %get3A_363 : vector<256x1xf32> to vector<256x1024xf32>
    %add3A_368 = arith.addf %add3A_366, %add3A_367 : vector<256x1024xf32>
    %add3A_369 = arith.addf %add3A_368, %dot_general3A_365 : vector<256x1024xf32>
    %slice3A_370 = vector.extract_strided_slice %add3A_369 {offsets = [0, 0], sizes = [128, 1024], strides = [1, 1]} : vector<256x1024xf32> to vector<128x1024xf32>
    %slice3A_371 = vector.extract_strided_slice %add3A_369 {offsets = [128, 0], sizes = [128, 1024], strides = [1, 1]} : vector<256x1024xf32> to vector<128x1024xf32>
    %lt3A_372 = arith.cmpf olt, %slice3A_371, %slice3A_370 : vector<128x1024xf32>
    %min3A_373 = arith.minimumf %slice3A_370, %slice3A_371 : vector<128x1024xf32>
    %jit3A_374 = arith.constant 31 : i32
    %jit3A_375 = arith.constant 30 : i32
    %broadcast_in_dim3A_376 = vector.broadcast %jit3A_374 : i32 to vector<128x1024xi32>
    %broadcast_in_dim3A_377 = vector.broadcast %jit3A_375 : i32 to vector<128x1024xi32>
    %select_n3A_378 = arith.select %lt3A_372, %broadcast_in_dim3A_376, %broadcast_in_dim3A_377 : vector<128x1024xi1>, vector<128x1024xi32>
    %lt3A_379 = arith.cmpf olt, %min3A_373, %min3A_356 : vector<128x1024xf32>
    %min3A_380 = arith.minimumf %min3A_356, %min3A_373 : vector<128x1024xf32>
    %select_n3A_381 = arith.select %lt3A_379, %select_n3A_378, %select_n3A_357 : vector<128x1024xi1>, vector<128x1024xi32>
    %get3A_382 = arith.constant 4096 : index
    %get3A_383 = arith.constant 0 : index
    %get3A_384 = vector.load %arg3[%get3A_382, %get3A_383] : memref<8192x128xf32, #tpu.memory_space<vmem>>, vector<256x128xf32>
    %get3A_385 = arith.constant 4096 : index
    %get3A_386 = arith.constant 0 : index
    %get3A_387 = vector.load %arg4[%get3A_385, %get3A_386] : memref<8192x1xf32, #tpu.memory_space<vmem>>, vector<256x1xf32>
    %dot_general3A_388 = arith.constant dense<0.000000e+00> : vector<256x1024xf32>
    %dot_general3A_389 = tpu.matmul %get3A_384, %get3A_3, %dot_general3A_388 {dimension_numbers = #tpu.dot_dimension_numbers<[1], [0], [0], [1], [0, 0, 1, 1], [], []>, transpose_lhs_hint = false} : vector<256x128xf32>, vector<128x1024xf32>, vector<256x1024xf32> -> vector<256x1024xf32>
    %add3A_390 = vector.broadcast %get3A_8 : vector<1x1024xf32> to vector<256x1024xf32>
    %add3A_391 = vector.broadcast %get3A_387 : vector<256x1xf32> to vector<256x1024xf32>
    %add3A_392 = arith.addf %add3A_390, %add3A_391 : vector<256x1024xf32>
    %add3A_393 = arith.addf %add3A_392, %dot_general3A_389 : vector<256x1024xf32>
    %slice3A_394 = vector.extract_strided_slice %add3A_393 {offsets = [0, 0], sizes = [128, 1024], strides = [1, 1]} : vector<256x1024xf32> to vector<128x1024xf32>
    %slice3A_395 = vector.extract_strided_slice %add3A_393 {offsets = [128, 0], sizes = [128, 1024], strides = [1, 1]} : vector<256x1024xf32> to vector<128x1024xf32>
    %lt3A_396 = arith.cmpf olt, %slice3A_395, %slice3A_394 : vector<128x1024xf32>
    %min3A_397 = arith.minimumf %slice3A_394, %slice3A_395 : vector<128x1024xf32>
    %jit3A_398 = arith.constant 33 : i32
    %jit3A_399 = arith.constant 32 : i32
    %broadcast_in_dim3A_400 = vector.broadcast %jit3A_398 : i32 to vector<128x1024xi32>
    %broadcast_in_dim3A_401 = vector.broadcast %jit3A_399 : i32 to vector<128x1024xi32>
    %select_n3A_402 = arith.select %lt3A_396, %broadcast_in_dim3A_400, %broadcast_in_dim3A_401 : vector<128x1024xi1>, vector<128x1024xi32>
    %lt3A_403 = arith.cmpf olt, %min3A_397, %min3A_380 : vector<128x1024xf32>
    %min3A_404 = arith.minimumf %min3A_380, %min3A_397 : vector<128x1024xf32>
    %select_n3A_405 = arith.select %lt3A_403, %select_n3A_402, %select_n3A_381 : vector<128x1024xi1>, vector<128x1024xi32>
    %get3A_406 = arith.constant 4352 : index
    %get3A_407 = arith.constant 0 : index
    %get3A_408 = vector.load %arg3[%get3A_406, %get3A_407] : memref<8192x128xf32, #tpu.memory_space<vmem>>, vector<256x128xf32>
    %get3A_409 = arith.constant 4352 : index
    %get3A_410 = arith.constant 0 : index
    %get3A_411 = vector.load %arg4[%get3A_409, %get3A_410] : memref<8192x1xf32, #tpu.memory_space<vmem>>, vector<256x1xf32>
    %dot_general3A_412 = arith.constant dense<0.000000e+00> : vector<256x1024xf32>
    %dot_general3A_413 = tpu.matmul %get3A_408, %get3A_3, %dot_general3A_412 {dimension_numbers = #tpu.dot_dimension_numbers<[1], [0], [0], [1], [0, 0, 1, 1], [], []>, transpose_lhs_hint = false} : vector<256x128xf32>, vector<128x1024xf32>, vector<256x1024xf32> -> vector<256x1024xf32>
    %add3A_414 = vector.broadcast %get3A_8 : vector<1x1024xf32> to vector<256x1024xf32>
    %add3A_415 = vector.broadcast %get3A_411 : vector<256x1xf32> to vector<256x1024xf32>
    %add3A_416 = arith.addf %add3A_414, %add3A_415 : vector<256x1024xf32>
    %add3A_417 = arith.addf %add3A_416, %dot_general3A_413 : vector<256x1024xf32>
    %slice3A_418 = vector.extract_strided_slice %add3A_417 {offsets = [0, 0], sizes = [128, 1024], strides = [1, 1]} : vector<256x1024xf32> to vector<128x1024xf32>
    %slice3A_419 = vector.extract_strided_slice %add3A_417 {offsets = [128, 0], sizes = [128, 1024], strides = [1, 1]} : vector<256x1024xf32> to vector<128x1024xf32>
    %lt3A_420 = arith.cmpf olt, %slice3A_419, %slice3A_418 : vector<128x1024xf32>
    %min3A_421 = arith.minimumf %slice3A_418, %slice3A_419 : vector<128x1024xf32>
    %jit3A_422 = arith.constant 35 : i32
    %jit3A_423 = arith.constant 34 : i32
    %broadcast_in_dim3A_424 = vector.broadcast %jit3A_422 : i32 to vector<128x1024xi32>
    %broadcast_in_dim3A_425 = vector.broadcast %jit3A_423 : i32 to vector<128x1024xi32>
    %select_n3A_426 = arith.select %lt3A_420, %broadcast_in_dim3A_424, %broadcast_in_dim3A_425 : vector<128x1024xi1>, vector<128x1024xi32>
    %lt3A_427 = arith.cmpf olt, %min3A_421, %min3A_404 : vector<128x1024xf32>
    %min3A_428 = arith.minimumf %min3A_404, %min3A_421 : vector<128x1024xf32>
    %select_n3A_429 = arith.select %lt3A_427, %select_n3A_426, %select_n3A_405 : vector<128x1024xi1>, vector<128x1024xi32>
    %get3A_430 = arith.constant 4608 : index
    %get3A_431 = arith.constant 0 : index
    %get3A_432 = vector.load %arg3[%get3A_430, %get3A_431] : memref<8192x128xf32, #tpu.memory_space<vmem>>, vector<256x128xf32>
    %get3A_433 = arith.constant 4608 : index
    %get3A_434 = arith.constant 0 : index
    %get3A_435 = vector.load %arg4[%get3A_433, %get3A_434] : memref<8192x1xf32, #tpu.memory_space<vmem>>, vector<256x1xf32>
    %dot_general3A_436 = arith.constant dense<0.000000e+00> : vector<256x1024xf32>
    %dot_general3A_437 = tpu.matmul %get3A_432, %get3A_3, %dot_general3A_436 {dimension_numbers = #tpu.dot_dimension_numbers<[1], [0], [0], [1], [0, 0, 1, 1], [], []>, transpose_lhs_hint = false} : vector<256x128xf32>, vector<128x1024xf32>, vector<256x1024xf32> -> vector<256x1024xf32>
    %add3A_438 = vector.broadcast %get3A_8 : vector<1x1024xf32> to vector<256x1024xf32>
    %add3A_439 = vector.broadcast %get3A_435 : vector<256x1xf32> to vector<256x1024xf32>
    %add3A_440 = arith.addf %add3A_438, %add3A_439 : vector<256x1024xf32>
    %add3A_441 = arith.addf %add3A_440, %dot_general3A_437 : vector<256x1024xf32>
    %slice3A_442 = vector.extract_strided_slice %add3A_441 {offsets = [0, 0], sizes = [128, 1024], strides = [1, 1]} : vector<256x1024xf32> to vector<128x1024xf32>
    %slice3A_443 = vector.extract_strided_slice %add3A_441 {offsets = [128, 0], sizes = [128, 1024], strides = [1, 1]} : vector<256x1024xf32> to vector<128x1024xf32>
    %lt3A_444 = arith.cmpf olt, %slice3A_443, %slice3A_442 : vector<128x1024xf32>
    %min3A_445 = arith.minimumf %slice3A_442, %slice3A_443 : vector<128x1024xf32>
    %jit3A_446 = arith.constant 37 : i32
    %jit3A_447 = arith.constant 36 : i32
    %broadcast_in_dim3A_448 = vector.broadcast %jit3A_446 : i32 to vector<128x1024xi32>
    %broadcast_in_dim3A_449 = vector.broadcast %jit3A_447 : i32 to vector<128x1024xi32>
    %select_n3A_450 = arith.select %lt3A_444, %broadcast_in_dim3A_448, %broadcast_in_dim3A_449 : vector<128x1024xi1>, vector<128x1024xi32>
    %lt3A_451 = arith.cmpf olt, %min3A_445, %min3A_428 : vector<128x1024xf32>
    %min3A_452 = arith.minimumf %min3A_428, %min3A_445 : vector<128x1024xf32>
    %select_n3A_453 = arith.select %lt3A_451, %select_n3A_450, %select_n3A_429 : vector<128x1024xi1>, vector<128x1024xi32>
    %get3A_454 = arith.constant 4864 : index
    %get3A_455 = arith.constant 0 : index
    %get3A_456 = vector.load %arg3[%get3A_454, %get3A_455] : memref<8192x128xf32, #tpu.memory_space<vmem>>, vector<256x128xf32>
    %get3A_457 = arith.constant 4864 : index
    %get3A_458 = arith.constant 0 : index
    %get3A_459 = vector.load %arg4[%get3A_457, %get3A_458] : memref<8192x1xf32, #tpu.memory_space<vmem>>, vector<256x1xf32>
    %dot_general3A_460 = arith.constant dense<0.000000e+00> : vector<256x1024xf32>
    %dot_general3A_461 = tpu.matmul %get3A_456, %get3A_3, %dot_general3A_460 {dimension_numbers = #tpu.dot_dimension_numbers<[1], [0], [0], [1], [0, 0, 1, 1], [], []>, transpose_lhs_hint = false} : vector<256x128xf32>, vector<128x1024xf32>, vector<256x1024xf32> -> vector<256x1024xf32>
    %add3A_462 = vector.broadcast %get3A_8 : vector<1x1024xf32> to vector<256x1024xf32>
    %add3A_463 = vector.broadcast %get3A_459 : vector<256x1xf32> to vector<256x1024xf32>
    %add3A_464 = arith.addf %add3A_462, %add3A_463 : vector<256x1024xf32>
    %add3A_465 = arith.addf %add3A_464, %dot_general3A_461 : vector<256x1024xf32>
    %slice3A_466 = vector.extract_strided_slice %add3A_465 {offsets = [0, 0], sizes = [128, 1024], strides = [1, 1]} : vector<256x1024xf32> to vector<128x1024xf32>
    %slice3A_467 = vector.extract_strided_slice %add3A_465 {offsets = [128, 0], sizes = [128, 1024], strides = [1, 1]} : vector<256x1024xf32> to vector<128x1024xf32>
    %lt3A_468 = arith.cmpf olt, %slice3A_467, %slice3A_466 : vector<128x1024xf32>
    %min3A_469 = arith.minimumf %slice3A_466, %slice3A_467 : vector<128x1024xf32>
    %jit3A_470 = arith.constant 39 : i32
    %jit3A_471 = arith.constant 38 : i32
    %broadcast_in_dim3A_472 = vector.broadcast %jit3A_470 : i32 to vector<128x1024xi32>
    %broadcast_in_dim3A_473 = vector.broadcast %jit3A_471 : i32 to vector<128x1024xi32>
    %select_n3A_474 = arith.select %lt3A_468, %broadcast_in_dim3A_472, %broadcast_in_dim3A_473 : vector<128x1024xi1>, vector<128x1024xi32>
    %lt3A_475 = arith.cmpf olt, %min3A_469, %min3A_452 : vector<128x1024xf32>
    %min3A_476 = arith.minimumf %min3A_452, %min3A_469 : vector<128x1024xf32>
    %select_n3A_477 = arith.select %lt3A_475, %select_n3A_474, %select_n3A_453 : vector<128x1024xi1>, vector<128x1024xi32>
    %get3A_478 = arith.constant 5120 : index
    %get3A_479 = arith.constant 0 : index
    %get3A_480 = vector.load %arg3[%get3A_478, %get3A_479] : memref<8192x128xf32, #tpu.memory_space<vmem>>, vector<256x128xf32>
    %get3A_481 = arith.constant 5120 : index
    %get3A_482 = arith.constant 0 : index
    %get3A_483 = vector.load %arg4[%get3A_481, %get3A_482] : memref<8192x1xf32, #tpu.memory_space<vmem>>, vector<256x1xf32>
    %dot_general3A_484 = arith.constant dense<0.000000e+00> : vector<256x1024xf32>
    %dot_general3A_485 = tpu.matmul %get3A_480, %get3A_3, %dot_general3A_484 {dimension_numbers = #tpu.dot_dimension_numbers<[1], [0], [0], [1], [0, 0, 1, 1], [], []>, transpose_lhs_hint = false} : vector<256x128xf32>, vector<128x1024xf32>, vector<256x1024xf32> -> vector<256x1024xf32>
    %add3A_486 = vector.broadcast %get3A_8 : vector<1x1024xf32> to vector<256x1024xf32>
    %add3A_487 = vector.broadcast %get3A_483 : vector<256x1xf32> to vector<256x1024xf32>
    %add3A_488 = arith.addf %add3A_486, %add3A_487 : vector<256x1024xf32>
    %add3A_489 = arith.addf %add3A_488, %dot_general3A_485 : vector<256x1024xf32>
    %slice3A_490 = vector.extract_strided_slice %add3A_489 {offsets = [0, 0], sizes = [128, 1024], strides = [1, 1]} : vector<256x1024xf32> to vector<128x1024xf32>
    %slice3A_491 = vector.extract_strided_slice %add3A_489 {offsets = [128, 0], sizes = [128, 1024], strides = [1, 1]} : vector<256x1024xf32> to vector<128x1024xf32>
    %lt3A_492 = arith.cmpf olt, %slice3A_491, %slice3A_490 : vector<128x1024xf32>
    %min3A_493 = arith.minimumf %slice3A_490, %slice3A_491 : vector<128x1024xf32>
    %jit3A_494 = arith.constant 41 : i32
    %jit3A_495 = arith.constant 40 : i32
    %broadcast_in_dim3A_496 = vector.broadcast %jit3A_494 : i32 to vector<128x1024xi32>
    %broadcast_in_dim3A_497 = vector.broadcast %jit3A_495 : i32 to vector<128x1024xi32>
    %select_n3A_498 = arith.select %lt3A_492, %broadcast_in_dim3A_496, %broadcast_in_dim3A_497 : vector<128x1024xi1>, vector<128x1024xi32>
    %lt3A_499 = arith.cmpf olt, %min3A_493, %min3A_476 : vector<128x1024xf32>
    %min3A_500 = arith.minimumf %min3A_476, %min3A_493 : vector<128x1024xf32>
    %select_n3A_501 = arith.select %lt3A_499, %select_n3A_498, %select_n3A_477 : vector<128x1024xi1>, vector<128x1024xi32>
    %get3A_502 = arith.constant 5376 : index
    %get3A_503 = arith.constant 0 : index
    %get3A_504 = vector.load %arg3[%get3A_502, %get3A_503] : memref<8192x128xf32, #tpu.memory_space<vmem>>, vector<256x128xf32>
    %get3A_505 = arith.constant 5376 : index
    %get3A_506 = arith.constant 0 : index
    %get3A_507 = vector.load %arg4[%get3A_505, %get3A_506] : memref<8192x1xf32, #tpu.memory_space<vmem>>, vector<256x1xf32>
    %dot_general3A_508 = arith.constant dense<0.000000e+00> : vector<256x1024xf32>
    %dot_general3A_509 = tpu.matmul %get3A_504, %get3A_3, %dot_general3A_508 {dimension_numbers = #tpu.dot_dimension_numbers<[1], [0], [0], [1], [0, 0, 1, 1], [], []>, transpose_lhs_hint = false} : vector<256x128xf32>, vector<128x1024xf32>, vector<256x1024xf32> -> vector<256x1024xf32>
    %add3A_510 = vector.broadcast %get3A_8 : vector<1x1024xf32> to vector<256x1024xf32>
    %add3A_511 = vector.broadcast %get3A_507 : vector<256x1xf32> to vector<256x1024xf32>
    %add3A_512 = arith.addf %add3A_510, %add3A_511 : vector<256x1024xf32>
    %add3A_513 = arith.addf %add3A_512, %dot_general3A_509 : vector<256x1024xf32>
    %slice3A_514 = vector.extract_strided_slice %add3A_513 {offsets = [0, 0], sizes = [128, 1024], strides = [1, 1]} : vector<256x1024xf32> to vector<128x1024xf32>
    %slice3A_515 = vector.extract_strided_slice %add3A_513 {offsets = [128, 0], sizes = [128, 1024], strides = [1, 1]} : vector<256x1024xf32> to vector<128x1024xf32>
    %lt3A_516 = arith.cmpf olt, %slice3A_515, %slice3A_514 : vector<128x1024xf32>
    %min3A_517 = arith.minimumf %slice3A_514, %slice3A_515 : vector<128x1024xf32>
    %jit3A_518 = arith.constant 43 : i32
    %jit3A_519 = arith.constant 42 : i32
    %broadcast_in_dim3A_520 = vector.broadcast %jit3A_518 : i32 to vector<128x1024xi32>
    %broadcast_in_dim3A_521 = vector.broadcast %jit3A_519 : i32 to vector<128x1024xi32>
    %select_n3A_522 = arith.select %lt3A_516, %broadcast_in_dim3A_520, %broadcast_in_dim3A_521 : vector<128x1024xi1>, vector<128x1024xi32>
    %lt3A_523 = arith.cmpf olt, %min3A_517, %min3A_500 : vector<128x1024xf32>
    %min3A_524 = arith.minimumf %min3A_500, %min3A_517 : vector<128x1024xf32>
    %select_n3A_525 = arith.select %lt3A_523, %select_n3A_522, %select_n3A_501 : vector<128x1024xi1>, vector<128x1024xi32>
    %get3A_526 = arith.constant 5632 : index
    %get3A_527 = arith.constant 0 : index
    %get3A_528 = vector.load %arg3[%get3A_526, %get3A_527] : memref<8192x128xf32, #tpu.memory_space<vmem>>, vector<256x128xf32>
    %get3A_529 = arith.constant 5632 : index
    %get3A_530 = arith.constant 0 : index
    %get3A_531 = vector.load %arg4[%get3A_529, %get3A_530] : memref<8192x1xf32, #tpu.memory_space<vmem>>, vector<256x1xf32>
    %dot_general3A_532 = arith.constant dense<0.000000e+00> : vector<256x1024xf32>
    %dot_general3A_533 = tpu.matmul %get3A_528, %get3A_3, %dot_general3A_532 {dimension_numbers = #tpu.dot_dimension_numbers<[1], [0], [0], [1], [0, 0, 1, 1], [], []>, transpose_lhs_hint = false} : vector<256x128xf32>, vector<128x1024xf32>, vector<256x1024xf32> -> vector<256x1024xf32>
    %add3A_534 = vector.broadcast %get3A_8 : vector<1x1024xf32> to vector<256x1024xf32>
    %add3A_535 = vector.broadcast %get3A_531 : vector<256x1xf32> to vector<256x1024xf32>
    %add3A_536 = arith.addf %add3A_534, %add3A_535 : vector<256x1024xf32>
    %add3A_537 = arith.addf %add3A_536, %dot_general3A_533 : vector<256x1024xf32>
    %slice3A_538 = vector.extract_strided_slice %add3A_537 {offsets = [0, 0], sizes = [128, 1024], strides = [1, 1]} : vector<256x1024xf32> to vector<128x1024xf32>
    %slice3A_539 = vector.extract_strided_slice %add3A_537 {offsets = [128, 0], sizes = [128, 1024], strides = [1, 1]} : vector<256x1024xf32> to vector<128x1024xf32>
    %lt3A_540 = arith.cmpf olt, %slice3A_539, %slice3A_538 : vector<128x1024xf32>
    %min3A_541 = arith.minimumf %slice3A_538, %slice3A_539 : vector<128x1024xf32>
    %jit3A_542 = arith.constant 45 : i32
    %jit3A_543 = arith.constant 44 : i32
    %broadcast_in_dim3A_544 = vector.broadcast %jit3A_542 : i32 to vector<128x1024xi32>
    %broadcast_in_dim3A_545 = vector.broadcast %jit3A_543 : i32 to vector<128x1024xi32>
    %select_n3A_546 = arith.select %lt3A_540, %broadcast_in_dim3A_544, %broadcast_in_dim3A_545 : vector<128x1024xi1>, vector<128x1024xi32>
    %lt3A_547 = arith.cmpf olt, %min3A_541, %min3A_524 : vector<128x1024xf32>
    %min3A_548 = arith.minimumf %min3A_524, %min3A_541 : vector<128x1024xf32>
    %select_n3A_549 = arith.select %lt3A_547, %select_n3A_546, %select_n3A_525 : vector<128x1024xi1>, vector<128x1024xi32>
    %get3A_550 = arith.constant 5888 : index
    %get3A_551 = arith.constant 0 : index
    %get3A_552 = vector.load %arg3[%get3A_550, %get3A_551] : memref<8192x128xf32, #tpu.memory_space<vmem>>, vector<256x128xf32>
    %get3A_553 = arith.constant 5888 : index
    %get3A_554 = arith.constant 0 : index
    %get3A_555 = vector.load %arg4[%get3A_553, %get3A_554] : memref<8192x1xf32, #tpu.memory_space<vmem>>, vector<256x1xf32>
    %dot_general3A_556 = arith.constant dense<0.000000e+00> : vector<256x1024xf32>
    %dot_general3A_557 = tpu.matmul %get3A_552, %get3A_3, %dot_general3A_556 {dimension_numbers = #tpu.dot_dimension_numbers<[1], [0], [0], [1], [0, 0, 1, 1], [], []>, transpose_lhs_hint = false} : vector<256x128xf32>, vector<128x1024xf32>, vector<256x1024xf32> -> vector<256x1024xf32>
    %add3A_558 = vector.broadcast %get3A_8 : vector<1x1024xf32> to vector<256x1024xf32>
    %add3A_559 = vector.broadcast %get3A_555 : vector<256x1xf32> to vector<256x1024xf32>
    %add3A_560 = arith.addf %add3A_558, %add3A_559 : vector<256x1024xf32>
    %add3A_561 = arith.addf %add3A_560, %dot_general3A_557 : vector<256x1024xf32>
    %slice3A_562 = vector.extract_strided_slice %add3A_561 {offsets = [0, 0], sizes = [128, 1024], strides = [1, 1]} : vector<256x1024xf32> to vector<128x1024xf32>
    %slice3A_563 = vector.extract_strided_slice %add3A_561 {offsets = [128, 0], sizes = [128, 1024], strides = [1, 1]} : vector<256x1024xf32> to vector<128x1024xf32>
    %lt3A_564 = arith.cmpf olt, %slice3A_563, %slice3A_562 : vector<128x1024xf32>
    %min3A_565 = arith.minimumf %slice3A_562, %slice3A_563 : vector<128x1024xf32>
    %jit3A_566 = arith.constant 47 : i32
    %jit3A_567 = arith.constant 46 : i32
    %broadcast_in_dim3A_568 = vector.broadcast %jit3A_566 : i32 to vector<128x1024xi32>
    %broadcast_in_dim3A_569 = vector.broadcast %jit3A_567 : i32 to vector<128x1024xi32>
    %select_n3A_570 = arith.select %lt3A_564, %broadcast_in_dim3A_568, %broadcast_in_dim3A_569 : vector<128x1024xi1>, vector<128x1024xi32>
    %lt3A_571 = arith.cmpf olt, %min3A_565, %min3A_548 : vector<128x1024xf32>
    %min3A_572 = arith.minimumf %min3A_548, %min3A_565 : vector<128x1024xf32>
    %select_n3A_573 = arith.select %lt3A_571, %select_n3A_570, %select_n3A_549 : vector<128x1024xi1>, vector<128x1024xi32>
    %get3A_574 = arith.constant 6144 : index
    %get3A_575 = arith.constant 0 : index
    %get3A_576 = vector.load %arg3[%get3A_574, %get3A_575] : memref<8192x128xf32, #tpu.memory_space<vmem>>, vector<256x128xf32>
    %get3A_577 = arith.constant 6144 : index
    %get3A_578 = arith.constant 0 : index
    %get3A_579 = vector.load %arg4[%get3A_577, %get3A_578] : memref<8192x1xf32, #tpu.memory_space<vmem>>, vector<256x1xf32>
    %dot_general3A_580 = arith.constant dense<0.000000e+00> : vector<256x1024xf32>
    %dot_general3A_581 = tpu.matmul %get3A_576, %get3A_3, %dot_general3A_580 {dimension_numbers = #tpu.dot_dimension_numbers<[1], [0], [0], [1], [0, 0, 1, 1], [], []>, transpose_lhs_hint = false} : vector<256x128xf32>, vector<128x1024xf32>, vector<256x1024xf32> -> vector<256x1024xf32>
    %add3A_582 = vector.broadcast %get3A_8 : vector<1x1024xf32> to vector<256x1024xf32>
    %add3A_583 = vector.broadcast %get3A_579 : vector<256x1xf32> to vector<256x1024xf32>
    %add3A_584 = arith.addf %add3A_582, %add3A_583 : vector<256x1024xf32>
    %add3A_585 = arith.addf %add3A_584, %dot_general3A_581 : vector<256x1024xf32>
    %slice3A_586 = vector.extract_strided_slice %add3A_585 {offsets = [0, 0], sizes = [128, 1024], strides = [1, 1]} : vector<256x1024xf32> to vector<128x1024xf32>
    %slice3A_587 = vector.extract_strided_slice %add3A_585 {offsets = [128, 0], sizes = [128, 1024], strides = [1, 1]} : vector<256x1024xf32> to vector<128x1024xf32>
    %lt3A_588 = arith.cmpf olt, %slice3A_587, %slice3A_586 : vector<128x1024xf32>
    %min3A_589 = arith.minimumf %slice3A_586, %slice3A_587 : vector<128x1024xf32>
    %jit3A_590 = arith.constant 49 : i32
    %jit3A_591 = arith.constant 48 : i32
    %broadcast_in_dim3A_592 = vector.broadcast %jit3A_590 : i32 to vector<128x1024xi32>
    %broadcast_in_dim3A_593 = vector.broadcast %jit3A_591 : i32 to vector<128x1024xi32>
    %select_n3A_594 = arith.select %lt3A_588, %broadcast_in_dim3A_592, %broadcast_in_dim3A_593 : vector<128x1024xi1>, vector<128x1024xi32>
    %lt3A_595 = arith.cmpf olt, %min3A_589, %min3A_572 : vector<128x1024xf32>
    %min3A_596 = arith.minimumf %min3A_572, %min3A_589 : vector<128x1024xf32>
    %select_n3A_597 = arith.select %lt3A_595, %select_n3A_594, %select_n3A_573 : vector<128x1024xi1>, vector<128x1024xi32>
    %get3A_598 = arith.constant 6400 : index
    %get3A_599 = arith.constant 0 : index
    %get3A_600 = vector.load %arg3[%get3A_598, %get3A_599] : memref<8192x128xf32, #tpu.memory_space<vmem>>, vector<256x128xf32>
    %get3A_601 = arith.constant 6400 : index
    %get3A_602 = arith.constant 0 : index
    %get3A_603 = vector.load %arg4[%get3A_601, %get3A_602] : memref<8192x1xf32, #tpu.memory_space<vmem>>, vector<256x1xf32>
    %dot_general3A_604 = arith.constant dense<0.000000e+00> : vector<256x1024xf32>
    %dot_general3A_605 = tpu.matmul %get3A_600, %get3A_3, %dot_general3A_604 {dimension_numbers = #tpu.dot_dimension_numbers<[1], [0], [0], [1], [0, 0, 1, 1], [], []>, transpose_lhs_hint = false} : vector<256x128xf32>, vector<128x1024xf32>, vector<256x1024xf32> -> vector<256x1024xf32>
    %add3A_606 = vector.broadcast %get3A_8 : vector<1x1024xf32> to vector<256x1024xf32>
    %add3A_607 = vector.broadcast %get3A_603 : vector<256x1xf32> to vector<256x1024xf32>
    %add3A_608 = arith.addf %add3A_606, %add3A_607 : vector<256x1024xf32>
    %add3A_609 = arith.addf %add3A_608, %dot_general3A_605 : vector<256x1024xf32>
    %slice3A_610 = vector.extract_strided_slice %add3A_609 {offsets = [0, 0], sizes = [128, 1024], strides = [1, 1]} : vector<256x1024xf32> to vector<128x1024xf32>
    %slice3A_611 = vector.extract_strided_slice %add3A_609 {offsets = [128, 0], sizes = [128, 1024], strides = [1, 1]} : vector<256x1024xf32> to vector<128x1024xf32>
    %lt3A_612 = arith.cmpf olt, %slice3A_611, %slice3A_610 : vector<128x1024xf32>
    %min3A_613 = arith.minimumf %slice3A_610, %slice3A_611 : vector<128x1024xf32>
    %jit3A_614 = arith.constant 51 : i32
    %jit3A_615 = arith.constant 50 : i32
    %broadcast_in_dim3A_616 = vector.broadcast %jit3A_614 : i32 to vector<128x1024xi32>
    %broadcast_in_dim3A_617 = vector.broadcast %jit3A_615 : i32 to vector<128x1024xi32>
    %select_n3A_618 = arith.select %lt3A_612, %broadcast_in_dim3A_616, %broadcast_in_dim3A_617 : vector<128x1024xi1>, vector<128x1024xi32>
    %lt3A_619 = arith.cmpf olt, %min3A_613, %min3A_596 : vector<128x1024xf32>
    %min3A_620 = arith.minimumf %min3A_596, %min3A_613 : vector<128x1024xf32>
    %select_n3A_621 = arith.select %lt3A_619, %select_n3A_618, %select_n3A_597 : vector<128x1024xi1>, vector<128x1024xi32>
    %get3A_622 = arith.constant 6656 : index
    %get3A_623 = arith.constant 0 : index
    %get3A_624 = vector.load %arg3[%get3A_622, %get3A_623] : memref<8192x128xf32, #tpu.memory_space<vmem>>, vector<256x128xf32>
    %get3A_625 = arith.constant 6656 : index
    %get3A_626 = arith.constant 0 : index
    %get3A_627 = vector.load %arg4[%get3A_625, %get3A_626] : memref<8192x1xf32, #tpu.memory_space<vmem>>, vector<256x1xf32>
    %dot_general3A_628 = arith.constant dense<0.000000e+00> : vector<256x1024xf32>
    %dot_general3A_629 = tpu.matmul %get3A_624, %get3A_3, %dot_general3A_628 {dimension_numbers = #tpu.dot_dimension_numbers<[1], [0], [0], [1], [0, 0, 1, 1], [], []>, transpose_lhs_hint = false} : vector<256x128xf32>, vector<128x1024xf32>, vector<256x1024xf32> -> vector<256x1024xf32>
    %add3A_630 = vector.broadcast %get3A_8 : vector<1x1024xf32> to vector<256x1024xf32>
    %add3A_631 = vector.broadcast %get3A_627 : vector<256x1xf32> to vector<256x1024xf32>
    %add3A_632 = arith.addf %add3A_630, %add3A_631 : vector<256x1024xf32>
    %add3A_633 = arith.addf %add3A_632, %dot_general3A_629 : vector<256x1024xf32>
    %slice3A_634 = vector.extract_strided_slice %add3A_633 {offsets = [0, 0], sizes = [128, 1024], strides = [1, 1]} : vector<256x1024xf32> to vector<128x1024xf32>
    %slice3A_635 = vector.extract_strided_slice %add3A_633 {offsets = [128, 0], sizes = [128, 1024], strides = [1, 1]} : vector<256x1024xf32> to vector<128x1024xf32>
    %lt3A_636 = arith.cmpf olt, %slice3A_635, %slice3A_634 : vector<128x1024xf32>
    %min3A_637 = arith.minimumf %slice3A_634, %slice3A_635 : vector<128x1024xf32>
    %jit3A_638 = arith.constant 53 : i32
    %jit3A_639 = arith.constant 52 : i32
    %broadcast_in_dim3A_640 = vector.broadcast %jit3A_638 : i32 to vector<128x1024xi32>
    %broadcast_in_dim3A_641 = vector.broadcast %jit3A_639 : i32 to vector<128x1024xi32>
    %select_n3A_642 = arith.select %lt3A_636, %broadcast_in_dim3A_640, %broadcast_in_dim3A_641 : vector<128x1024xi1>, vector<128x1024xi32>
    %lt3A_643 = arith.cmpf olt, %min3A_637, %min3A_620 : vector<128x1024xf32>
    %min3A_644 = arith.minimumf %min3A_620, %min3A_637 : vector<128x1024xf32>
    %select_n3A_645 = arith.select %lt3A_643, %select_n3A_642, %select_n3A_621 : vector<128x1024xi1>, vector<128x1024xi32>
    %get3A_646 = arith.constant 6912 : index
    %get3A_647 = arith.constant 0 : index
    %get3A_648 = vector.load %arg3[%get3A_646, %get3A_647] : memref<8192x128xf32, #tpu.memory_space<vmem>>, vector<256x128xf32>
    %get3A_649 = arith.constant 6912 : index
    %get3A_650 = arith.constant 0 : index
    %get3A_651 = vector.load %arg4[%get3A_649, %get3A_650] : memref<8192x1xf32, #tpu.memory_space<vmem>>, vector<256x1xf32>
    %dot_general3A_652 = arith.constant dense<0.000000e+00> : vector<256x1024xf32>
    %dot_general3A_653 = tpu.matmul %get3A_648, %get3A_3, %dot_general3A_652 {dimension_numbers = #tpu.dot_dimension_numbers<[1], [0], [0], [1], [0, 0, 1, 1], [], []>, transpose_lhs_hint = false} : vector<256x128xf32>, vector<128x1024xf32>, vector<256x1024xf32> -> vector<256x1024xf32>
    %add3A_654 = vector.broadcast %get3A_8 : vector<1x1024xf32> to vector<256x1024xf32>
    %add3A_655 = vector.broadcast %get3A_651 : vector<256x1xf32> to vector<256x1024xf32>
    %add3A_656 = arith.addf %add3A_654, %add3A_655 : vector<256x1024xf32>
    %add3A_657 = arith.addf %add3A_656, %dot_general3A_653 : vector<256x1024xf32>
    %slice3A_658 = vector.extract_strided_slice %add3A_657 {offsets = [0, 0], sizes = [128, 1024], strides = [1, 1]} : vector<256x1024xf32> to vector<128x1024xf32>
    %slice3A_659 = vector.extract_strided_slice %add3A_657 {offsets = [128, 0], sizes = [128, 1024], strides = [1, 1]} : vector<256x1024xf32> to vector<128x1024xf32>
    %lt3A_660 = arith.cmpf olt, %slice3A_659, %slice3A_658 : vector<128x1024xf32>
    %min3A_661 = arith.minimumf %slice3A_658, %slice3A_659 : vector<128x1024xf32>
    %jit3A_662 = arith.constant 55 : i32
    %jit3A_663 = arith.constant 54 : i32
    %broadcast_in_dim3A_664 = vector.broadcast %jit3A_662 : i32 to vector<128x1024xi32>
    %broadcast_in_dim3A_665 = vector.broadcast %jit3A_663 : i32 to vector<128x1024xi32>
    %select_n3A_666 = arith.select %lt3A_660, %broadcast_in_dim3A_664, %broadcast_in_dim3A_665 : vector<128x1024xi1>, vector<128x1024xi32>
    %lt3A_667 = arith.cmpf olt, %min3A_661, %min3A_644 : vector<128x1024xf32>
    %min3A_668 = arith.minimumf %min3A_644, %min3A_661 : vector<128x1024xf32>
    %select_n3A_669 = arith.select %lt3A_667, %select_n3A_666, %select_n3A_645 : vector<128x1024xi1>, vector<128x1024xi32>
    %get3A_670 = arith.constant 7168 : index
    %get3A_671 = arith.constant 0 : index
    %get3A_672 = vector.load %arg3[%get3A_670, %get3A_671] : memref<8192x128xf32, #tpu.memory_space<vmem>>, vector<256x128xf32>
    %get3A_673 = arith.constant 7168 : index
    %get3A_674 = arith.constant 0 : index
    %get3A_675 = vector.load %arg4[%get3A_673, %get3A_674] : memref<8192x1xf32, #tpu.memory_space<vmem>>, vector<256x1xf32>
    %dot_general3A_676 = arith.constant dense<0.000000e+00> : vector<256x1024xf32>
    %dot_general3A_677 = tpu.matmul %get3A_672, %get3A_3, %dot_general3A_676 {dimension_numbers = #tpu.dot_dimension_numbers<[1], [0], [0], [1], [0, 0, 1, 1], [], []>, transpose_lhs_hint = false} : vector<256x128xf32>, vector<128x1024xf32>, vector<256x1024xf32> -> vector<256x1024xf32>
    %add3A_678 = vector.broadcast %get3A_8 : vector<1x1024xf32> to vector<256x1024xf32>
    %add3A_679 = vector.broadcast %get3A_675 : vector<256x1xf32> to vector<256x1024xf32>
    %add3A_680 = arith.addf %add3A_678, %add3A_679 : vector<256x1024xf32>
    %add3A_681 = arith.addf %add3A_680, %dot_general3A_677 : vector<256x1024xf32>
    %slice3A_682 = vector.extract_strided_slice %add3A_681 {offsets = [0, 0], sizes = [128, 1024], strides = [1, 1]} : vector<256x1024xf32> to vector<128x1024xf32>
    %slice3A_683 = vector.extract_strided_slice %add3A_681 {offsets = [128, 0], sizes = [128, 1024], strides = [1, 1]} : vector<256x1024xf32> to vector<128x1024xf32>
    %lt3A_684 = arith.cmpf olt, %slice3A_683, %slice3A_682 : vector<128x1024xf32>
    %min3A_685 = arith.minimumf %slice3A_682, %slice3A_683 : vector<128x1024xf32>
    %jit3A_686 = arith.constant 57 : i32
    %jit3A_687 = arith.constant 56 : i32
    %broadcast_in_dim3A_688 = vector.broadcast %jit3A_686 : i32 to vector<128x1024xi32>
    %broadcast_in_dim3A_689 = vector.broadcast %jit3A_687 : i32 to vector<128x1024xi32>
    %select_n3A_690 = arith.select %lt3A_684, %broadcast_in_dim3A_688, %broadcast_in_dim3A_689 : vector<128x1024xi1>, vector<128x1024xi32>
    %lt3A_691 = arith.cmpf olt, %min3A_685, %min3A_668 : vector<128x1024xf32>
    %min3A_692 = arith.minimumf %min3A_668, %min3A_685 : vector<128x1024xf32>
    %select_n3A_693 = arith.select %lt3A_691, %select_n3A_690, %select_n3A_669 : vector<128x1024xi1>, vector<128x1024xi32>
    %get3A_694 = arith.constant 7424 : index
    %get3A_695 = arith.constant 0 : index
    %get3A_696 = vector.load %arg3[%get3A_694, %get3A_695] : memref<8192x128xf32, #tpu.memory_space<vmem>>, vector<256x128xf32>
    %get3A_697 = arith.constant 7424 : index
    %get3A_698 = arith.constant 0 : index
    %get3A_699 = vector.load %arg4[%get3A_697, %get3A_698] : memref<8192x1xf32, #tpu.memory_space<vmem>>, vector<256x1xf32>
    %dot_general3A_700 = arith.constant dense<0.000000e+00> : vector<256x1024xf32>
    %dot_general3A_701 = tpu.matmul %get3A_696, %get3A_3, %dot_general3A_700 {dimension_numbers = #tpu.dot_dimension_numbers<[1], [0], [0], [1], [0, 0, 1, 1], [], []>, transpose_lhs_hint = false} : vector<256x128xf32>, vector<128x1024xf32>, vector<256x1024xf32> -> vector<256x1024xf32>
    %add3A_702 = vector.broadcast %get3A_8 : vector<1x1024xf32> to vector<256x1024xf32>
    %add3A_703 = vector.broadcast %get3A_699 : vector<256x1xf32> to vector<256x1024xf32>
    %add3A_704 = arith.addf %add3A_702, %add3A_703 : vector<256x1024xf32>
    %add3A_705 = arith.addf %add3A_704, %dot_general3A_701 : vector<256x1024xf32>
    %slice3A_706 = vector.extract_strided_slice %add3A_705 {offsets = [0, 0], sizes = [128, 1024], strides = [1, 1]} : vector<256x1024xf32> to vector<128x1024xf32>
    %slice3A_707 = vector.extract_strided_slice %add3A_705 {offsets = [128, 0], sizes = [128, 1024], strides = [1, 1]} : vector<256x1024xf32> to vector<128x1024xf32>
    %lt3A_708 = arith.cmpf olt, %slice3A_707, %slice3A_706 : vector<128x1024xf32>
    %min3A_709 = arith.minimumf %slice3A_706, %slice3A_707 : vector<128x1024xf32>
    %jit3A_710 = arith.constant 59 : i32
    %jit3A_711 = arith.constant 58 : i32
    %broadcast_in_dim3A_712 = vector.broadcast %jit3A_710 : i32 to vector<128x1024xi32>
    %broadcast_in_dim3A_713 = vector.broadcast %jit3A_711 : i32 to vector<128x1024xi32>
    %select_n3A_714 = arith.select %lt3A_708, %broadcast_in_dim3A_712, %broadcast_in_dim3A_713 : vector<128x1024xi1>, vector<128x1024xi32>
    %lt3A_715 = arith.cmpf olt, %min3A_709, %min3A_692 : vector<128x1024xf32>
    %min3A_716 = arith.minimumf %min3A_692, %min3A_709 : vector<128x1024xf32>
    %select_n3A_717 = arith.select %lt3A_715, %select_n3A_714, %select_n3A_693 : vector<128x1024xi1>, vector<128x1024xi32>
    %get3A_718 = arith.constant 7680 : index
    %get3A_719 = arith.constant 0 : index
    %get3A_720 = vector.load %arg3[%get3A_718, %get3A_719] : memref<8192x128xf32, #tpu.memory_space<vmem>>, vector<256x128xf32>
    %get3A_721 = arith.constant 7680 : index
    %get3A_722 = arith.constant 0 : index
    %get3A_723 = vector.load %arg4[%get3A_721, %get3A_722] : memref<8192x1xf32, #tpu.memory_space<vmem>>, vector<256x1xf32>
    %dot_general3A_724 = arith.constant dense<0.000000e+00> : vector<256x1024xf32>
    %dot_general3A_725 = tpu.matmul %get3A_720, %get3A_3, %dot_general3A_724 {dimension_numbers = #tpu.dot_dimension_numbers<[1], [0], [0], [1], [0, 0, 1, 1], [], []>, transpose_lhs_hint = false} : vector<256x128xf32>, vector<128x1024xf32>, vector<256x1024xf32> -> vector<256x1024xf32>
    %add3A_726 = vector.broadcast %get3A_8 : vector<1x1024xf32> to vector<256x1024xf32>
    %add3A_727 = vector.broadcast %get3A_723 : vector<256x1xf32> to vector<256x1024xf32>
    %add3A_728 = arith.addf %add3A_726, %add3A_727 : vector<256x1024xf32>
    %add3A_729 = arith.addf %add3A_728, %dot_general3A_725 : vector<256x1024xf32>
    %slice3A_730 = vector.extract_strided_slice %add3A_729 {offsets = [0, 0], sizes = [128, 1024], strides = [1, 1]} : vector<256x1024xf32> to vector<128x1024xf32>
    %slice3A_731 = vector.extract_strided_slice %add3A_729 {offsets = [128, 0], sizes = [128, 1024], strides = [1, 1]} : vector<256x1024xf32> to vector<128x1024xf32>
    %lt3A_732 = arith.cmpf olt, %slice3A_731, %slice3A_730 : vector<128x1024xf32>
    %min3A_733 = arith.minimumf %slice3A_730, %slice3A_731 : vector<128x1024xf32>
    %jit3A_734 = arith.constant 61 : i32
    %jit3A_735 = arith.constant 60 : i32
    %broadcast_in_dim3A_736 = vector.broadcast %jit3A_734 : i32 to vector<128x1024xi32>
    %broadcast_in_dim3A_737 = vector.broadcast %jit3A_735 : i32 to vector<128x1024xi32>
    %select_n3A_738 = arith.select %lt3A_732, %broadcast_in_dim3A_736, %broadcast_in_dim3A_737 : vector<128x1024xi1>, vector<128x1024xi32>
    %lt3A_739 = arith.cmpf olt, %min3A_733, %min3A_716 : vector<128x1024xf32>
    %min3A_740 = arith.minimumf %min3A_716, %min3A_733 : vector<128x1024xf32>
    %select_n3A_741 = arith.select %lt3A_739, %select_n3A_738, %select_n3A_717 : vector<128x1024xi1>, vector<128x1024xi32>
    %get3A_742 = arith.constant 7936 : index
    %get3A_743 = arith.constant 0 : index
    %get3A_744 = vector.load %arg3[%get3A_742, %get3A_743] : memref<8192x128xf32, #tpu.memory_space<vmem>>, vector<256x128xf32>
    %get3A_745 = arith.constant 7936 : index
    %get3A_746 = arith.constant 0 : index
    %get3A_747 = vector.load %arg4[%get3A_745, %get3A_746] : memref<8192x1xf32, #tpu.memory_space<vmem>>, vector<256x1xf32>
    %dot_general3A_748 = arith.constant dense<0.000000e+00> : vector<256x1024xf32>
    %dot_general3A_749 = tpu.matmul %get3A_744, %get3A_3, %dot_general3A_748 {dimension_numbers = #tpu.dot_dimension_numbers<[1], [0], [0], [1], [0, 0, 1, 1], [], []>, transpose_lhs_hint = false} : vector<256x128xf32>, vector<128x1024xf32>, vector<256x1024xf32> -> vector<256x1024xf32>
    %add3A_750 = vector.broadcast %get3A_8 : vector<1x1024xf32> to vector<256x1024xf32>
    %add3A_751 = vector.broadcast %get3A_747 : vector<256x1xf32> to vector<256x1024xf32>
    %add3A_752 = arith.addf %add3A_750, %add3A_751 : vector<256x1024xf32>
    %add3A_753 = arith.addf %add3A_752, %dot_general3A_749 : vector<256x1024xf32>
    %slice3A_754 = vector.extract_strided_slice %add3A_753 {offsets = [0, 0], sizes = [128, 1024], strides = [1, 1]} : vector<256x1024xf32> to vector<128x1024xf32>
    %slice3A_755 = vector.extract_strided_slice %add3A_753 {offsets = [128, 0], sizes = [128, 1024], strides = [1, 1]} : vector<256x1024xf32> to vector<128x1024xf32>
    %lt3A_756 = arith.cmpf olt, %slice3A_755, %slice3A_754 : vector<128x1024xf32>
    %min3A_757 = arith.minimumf %slice3A_754, %slice3A_755 : vector<128x1024xf32>
    %jit3A_758 = arith.constant 63 : i32
    %jit3A_759 = arith.constant 62 : i32
    %broadcast_in_dim3A_760 = vector.broadcast %jit3A_758 : i32 to vector<128x1024xi32>
    %broadcast_in_dim3A_761 = vector.broadcast %jit3A_759 : i32 to vector<128x1024xi32>
    %select_n3A_762 = arith.select %lt3A_756, %broadcast_in_dim3A_760, %broadcast_in_dim3A_761 : vector<128x1024xi1>, vector<128x1024xi32>
    %lt3A_763 = arith.cmpf olt, %min3A_757, %min3A_740 : vector<128x1024xf32>
    %min3A_764 = arith.minimumf %min3A_740, %min3A_757 : vector<128x1024xf32>
    %select_n3A_765 = arith.select %lt3A_763, %select_n3A_762, %select_n3A_741 : vector<128x1024xi1>, vector<128x1024xi32>
    %mul3A = arith.constant 128 : i32
    %mul3A_766 = vector.broadcast %mul3A : i32 to vector<128x1024xi32>
    %mul3A_767 = arith.muli %select_n3A_765, %mul3A_766 : vector<128x1024xi32>
    %add3A_768 = arith.addi %mul3A_767, %iota3A : vector<128x1024xi32>
    %reduce_min3A = arith.constant dense<0x7F800000> : vector<1024xf32>
    %reduce_min3A_769 = vector.multi_reduction <minimumf>, %min3A_764, %reduce_min3A [0] : vector<128x1024xf32> to vector<1024xf32>
    %broadcast_in_dim3A_770 = vector.shape_cast %reduce_min3A_769 : vector<1024xf32> to vector<1x1024xf32>
    %eq3A = vector.broadcast %broadcast_in_dim3A_770 : vector<1x1024xf32> to vector<128x1024xf32>
    %eq3A_771 = arith.cmpf oeq, %min3A_764, %eq3A : vector<128x1024xf32>
    %jit3A_772 = arith.constant 1073741824 : i32
    %broadcast_in_dim3A_773 = vector.broadcast %jit3A_772 : i32 to vector<128x1024xi32>
    %select_n3A_774 = arith.select %eq3A_771, %add3A_768, %broadcast_in_dim3A_773 : vector<128x1024xi1>, vector<128x1024xi32>
    %reduce_min3A_775 = arith.constant dense<2147483647> : vector<1024xi32>
    %reduce_min3A_776 = vector.multi_reduction <minsi>, %select_n3A_774, %reduce_min3A_775 [0] : vector<128x1024xi32> to vector<1024xi32>
    %broadcast_in_dim3A_777 = vector.shape_cast %reduce_min3A_776 : vector<1024xi32> to vector<1x1024xi32>
    %swap3A = arith.constant 0 : index
    %swap3A_778 = arith.constant 0 : index
    %swap3A_779 = arith.constant 0 : index
    %swap3A_780 = vector.load %arg5[%swap3A, %swap3A_778, %swap3A_779] : memref<4x1x1024xi32, #tpu.memory_space<vmem>>, vector<1x1x1024xi32>
    %swap3A_781 = vector.shape_cast %swap3A_780 : vector<1x1x1024xi32> to vector<1x1024xi32>
    %swap3A_782 = vector.shape_cast %broadcast_in_dim3A_777 : vector<1x1024xi32> to vector<1x1x1024xi32>
    tpu.vector_store %arg5[%swap3A, %swap3A_778, %swap3A_779], %swap3A_782 {strides = array<i32>} : memref<4x1x1024xi32, #tpu.memory_space<vmem>>, vector<1x1x1024xi32>,
    %get3A_783 = arith.constant 1 : index
    %get3A_784 = arith.constant 0 : index
    %get3A_785 = arith.constant 0 : index
    %get3A_786 = vector.load %arg1[%get3A_783, %get3A_784, %get3A_785] : memref<4x128x1024xf32, #tpu.memory_space<vmem>>, vector<1x128x1024xf32>
    %get3A_787 = vector.shape_cast %get3A_786 : vector<1x128x1024xf32> to vector<128x1024xf32>
    %get3A_788 = arith.constant 1 : index
    %get3A_789 = arith.constant 0 : index
    %get3A_790 = arith.constant 0 : index
    %get3A_791 = vector.load %arg2[%get3A_788, %get3A_789, %get3A_790] : memref<4x1x1024xf32, #tpu.memory_space<vmem>>, vector<1x1x1024xf32>
    %get3A_792 = vector.shape_cast %get3A_791 : vector<1x1x1024xf32> to vector<1x1024xf32>
    %get3A_793 = arith.constant 0 : index
    %get3A_794 = arith.constant 0 : index
    %get3A_795 = vector.load %arg3[%get3A_793, %get3A_794] : memref<8192x128xf32, #tpu.memory_space<vmem>>, vector<256x128xf32>
    %get3A_796 = arith.constant 0 : index
    %get3A_797 = arith.constant 0 : index
    %get3A_798 = vector.load %arg4[%get3A_796, %get3A_797] : memref<8192x1xf32, #tpu.memory_space<vmem>>, vector<256x1xf32>
    %dot_general3A_799 = arith.constant dense<0.000000e+00> : vector<256x1024xf32>
    %dot_general3A_800 = tpu.matmul %get3A_795, %get3A_787, %dot_general3A_799 {dimension_numbers = #tpu.dot_dimension_numbers<[1], [0], [0], [1], [0, 0, 1, 1], [], []>, transpose_lhs_hint = false} : vector<256x128xf32>, vector<128x1024xf32>, vector<256x1024xf32> -> vector<256x1024xf32>
    %add3A_801 = vector.broadcast %get3A_792 : vector<1x1024xf32> to vector<256x1024xf32>
    %add3A_802 = vector.broadcast %get3A_798 : vector<256x1xf32> to vector<256x1024xf32>
    %add3A_803 = arith.addf %add3A_801, %add3A_802 : vector<256x1024xf32>
    %add3A_804 = arith.addf %add3A_803, %dot_general3A_800 : vector<256x1024xf32>
    %slice3A_805 = vector.extract_strided_slice %add3A_804 {offsets = [0, 0], sizes = [128, 1024], strides = [1, 1]} : vector<256x1024xf32> to vector<128x1024xf32>
    %slice3A_806 = vector.extract_strided_slice %add3A_804 {offsets = [128, 0], sizes = [128, 1024], strides = [1, 1]} : vector<256x1024xf32> to vector<128x1024xf32>
    %lt3A_807 = arith.cmpf olt, %slice3A_806, %slice3A_805 : vector<128x1024xf32>
    %min3A_808 = arith.minimumf %slice3A_805, %slice3A_806 : vector<128x1024xf32>
    %jit3A_809 = arith.constant 1 : i32
    %jit3A_810 = arith.constant 0 : i32
    %broadcast_in_dim3A_811 = vector.broadcast %jit3A_809 : i32 to vector<128x1024xi32>
    %broadcast_in_dim3A_812 = vector.broadcast %jit3A_810 : i32 to vector<128x1024xi32>
    %select_n3A_813 = arith.select %lt3A_807, %broadcast_in_dim3A_811, %broadcast_in_dim3A_812 : vector<128x1024xi1>, vector<128x1024xi32>
    %get3A_814 = arith.constant 256 : index
    %get3A_815 = arith.constant 0 : index
    %get3A_816 = vector.load %arg3[%get3A_814, %get3A_815] : memref<8192x128xf32, #tpu.memory_space<vmem>>, vector<256x128xf32>
    %get3A_817 = arith.constant 256 : index
    %get3A_818 = arith.constant 0 : index
    %get3A_819 = vector.load %arg4[%get3A_817, %get3A_818] : memref<8192x1xf32, #tpu.memory_space<vmem>>, vector<256x1xf32>
    %dot_general3A_820 = arith.constant dense<0.000000e+00> : vector<256x1024xf32>
    %dot_general3A_821 = tpu.matmul %get3A_816, %get3A_787, %dot_general3A_820 {dimension_numbers = #tpu.dot_dimension_numbers<[1], [0], [0], [1], [0, 0, 1, 1], [], []>, transpose_lhs_hint = false} : vector<256x128xf32>, vector<128x1024xf32>, vector<256x1024xf32> -> vector<256x1024xf32>
    %add3A_822 = vector.broadcast %get3A_792 : vector<1x1024xf32> to vector<256x1024xf32>
    %add3A_823 = vector.broadcast %get3A_819 : vector<256x1xf32> to vector<256x1024xf32>
    %add3A_824 = arith.addf %add3A_822, %add3A_823 : vector<256x1024xf32>
    %add3A_825 = arith.addf %add3A_824, %dot_general3A_821 : vector<256x1024xf32>
    %slice3A_826 = vector.extract_strided_slice %add3A_825 {offsets = [0, 0], sizes = [128, 1024], strides = [1, 1]} : vector<256x1024xf32> to vector<128x1024xf32>
    %slice3A_827 = vector.extract_strided_slice %add3A_825 {offsets = [128, 0], sizes = [128, 1024], strides = [1, 1]} : vector<256x1024xf32> to vector<128x1024xf32>
    %lt3A_828 = arith.cmpf olt, %slice3A_827, %slice3A_826 : vector<128x1024xf32>
    %min3A_829 = arith.minimumf %slice3A_826, %slice3A_827 : vector<128x1024xf32>
    %jit3A_830 = arith.constant 3 : i32
    %jit3A_831 = arith.constant 2 : i32
    %broadcast_in_dim3A_832 = vector.broadcast %jit3A_830 : i32 to vector<128x1024xi32>
    %broadcast_in_dim3A_833 = vector.broadcast %jit3A_831 : i32 to vector<128x1024xi32>
    %select_n3A_834 = arith.select %lt3A_828, %broadcast_in_dim3A_832, %broadcast_in_dim3A_833 : vector<128x1024xi1>, vector<128x1024xi32>
    %lt3A_835 = arith.cmpf olt, %min3A_829, %min3A_808 : vector<128x1024xf32>
    %min3A_836 = arith.minimumf %min3A_808, %min3A_829 : vector<128x1024xf32>
    %select_n3A_837 = arith.select %lt3A_835, %select_n3A_834, %select_n3A_813 : vector<128x1024xi1>, vector<128x1024xi32>
    %get3A_838 = arith.constant 512 : index
    %get3A_839 = arith.constant 0 : index
    %get3A_840 = vector.load %arg3[%get3A_838, %get3A_839] : memref<8192x128xf32, #tpu.memory_space<vmem>>, vector<256x128xf32>
    %get3A_841 = arith.constant 512 : index
    %get3A_842 = arith.constant 0 : index
    %get3A_843 = vector.load %arg4[%get3A_841, %get3A_842] : memref<8192x1xf32, #tpu.memory_space<vmem>>, vector<256x1xf32>
    %dot_general3A_844 = arith.constant dense<0.000000e+00> : vector<256x1024xf32>
    %dot_general3A_845 = tpu.matmul %get3A_840, %get3A_787, %dot_general3A_844 {dimension_numbers = #tpu.dot_dimension_numbers<[1], [0], [0], [1], [0, 0, 1, 1], [], []>, transpose_lhs_hint = false} : vector<256x128xf32>, vector<128x1024xf32>, vector<256x1024xf32> -> vector<256x1024xf32>
    %add3A_846 = vector.broadcast %get3A_792 : vector<1x1024xf32> to vector<256x1024xf32>
    %add3A_847 = vector.broadcast %get3A_843 : vector<256x1xf32> to vector<256x1024xf32>
    %add3A_848 = arith.addf %add3A_846, %add3A_847 : vector<256x1024xf32>
    %add3A_849 = arith.addf %add3A_848, %dot_general3A_845 : vector<256x1024xf32>
    %slice3A_850 = vector.extract_strided_slice %add3A_849 {offsets = [0, 0], sizes = [128, 1024], strides = [1, 1]} : vector<256x1024xf32> to vector<128x1024xf32>
    %slice3A_851 = vector.extract_strided_slice %add3A_849 {offsets = [128, 0], sizes = [128, 1024], strides = [1, 1]} : vector<256x1024xf32> to vector<128x1024xf32>
    %lt3A_852 = arith.cmpf olt, %slice3A_851, %slice3A_850 : vector<128x1024xf32>
    %min3A_853 = arith.minimumf %slice3A_850, %slice3A_851 : vector<128x1024xf32>
    %jit3A_854 = arith.constant 5 : i32
    %jit3A_855 = arith.constant 4 : i32
    %broadcast_in_dim3A_856 = vector.broadcast %jit3A_854 : i32 to vector<128x1024xi32>
    %broadcast_in_dim3A_857 = vector.broadcast %jit3A_855 : i32 to vector<128x1024xi32>
    %select_n3A_858 = arith.select %lt3A_852, %broadcast_in_dim3A_856, %broadcast_in_dim3A_857 : vector<128x1024xi1>, vector<128x1024xi32>
    %lt3A_859 = arith.cmpf olt, %min3A_853, %min3A_836 : vector<128x1024xf32>
    %min3A_860 = arith.minimumf %min3A_836, %min3A_853 : vector<128x1024xf32>
    %select_n3A_861 = arith.select %lt3A_859, %select_n3A_858, %select_n3A_837 : vector<128x1024xi1>, vector<128x1024xi32>
    %get3A_862 = arith.constant 768 : index
    %get3A_863 = arith.constant 0 : index
    %get3A_864 = vector.load %arg3[%get3A_862, %get3A_863] : memref<8192x128xf32, #tpu.memory_space<vmem>>, vector<256x128xf32>
    %get3A_865 = arith.constant 768 : index
    %get3A_866 = arith.constant 0 : index
    %get3A_867 = vector.load %arg4[%get3A_865, %get3A_866] : memref<8192x1xf32, #tpu.memory_space<vmem>>, vector<256x1xf32>
    %dot_general3A_868 = arith.constant dense<0.000000e+00> : vector<256x1024xf32>
    %dot_general3A_869 = tpu.matmul %get3A_864, %get3A_787, %dot_general3A_868 {dimension_numbers = #tpu.dot_dimension_numbers<[1], [0], [0], [1], [0, 0, 1, 1], [], []>, transpose_lhs_hint = false} : vector<256x128xf32>, vector<128x1024xf32>, vector<256x1024xf32> -> vector<256x1024xf32>
    %add3A_870 = vector.broadcast %get3A_792 : vector<1x1024xf32> to vector<256x1024xf32>
    %add3A_871 = vector.broadcast %get3A_867 : vector<256x1xf32> to vector<256x1024xf32>
    %add3A_872 = arith.addf %add3A_870, %add3A_871 : vector<256x1024xf32>
    %add3A_873 = arith.addf %add3A_872, %dot_general3A_869 : vector<256x1024xf32>
    %slice3A_874 = vector.extract_strided_slice %add3A_873 {offsets = [0, 0], sizes = [128, 1024], strides = [1, 1]} : vector<256x1024xf32> to vector<128x1024xf32>
    %slice3A_875 = vector.extract_strided_slice %add3A_873 {offsets = [128, 0], sizes = [128, 1024], strides = [1, 1]} : vector<256x1024xf32> to vector<128x1024xf32>
    %lt3A_876 = arith.cmpf olt, %slice3A_875, %slice3A_874 : vector<128x1024xf32>
    %min3A_877 = arith.minimumf %slice3A_874, %slice3A_875 : vector<128x1024xf32>
    %jit3A_878 = arith.constant 7 : i32
    %jit3A_879 = arith.constant 6 : i32
    %broadcast_in_dim3A_880 = vector.broadcast %jit3A_878 : i32 to vector<128x1024xi32>
    %broadcast_in_dim3A_881 = vector.broadcast %jit3A_879 : i32 to vector<128x1024xi32>
    %select_n3A_882 = arith.select %lt3A_876, %broadcast_in_dim3A_880, %broadcast_in_dim3A_881 : vector<128x1024xi1>, vector<128x1024xi32>
    %lt3A_883 = arith.cmpf olt, %min3A_877, %min3A_860 : vector<128x1024xf32>
    %min3A_884 = arith.minimumf %min3A_860, %min3A_877 : vector<128x1024xf32>
    %select_n3A_885 = arith.select %lt3A_883, %select_n3A_882, %select_n3A_861 : vector<128x1024xi1>, vector<128x1024xi32>
    %get3A_886 = arith.constant 1024 : index
    %get3A_887 = arith.constant 0 : index
    %get3A_888 = vector.load %arg3[%get3A_886, %get3A_887] : memref<8192x128xf32, #tpu.memory_space<vmem>>, vector<256x128xf32>
    %get3A_889 = arith.constant 1024 : index
    %get3A_890 = arith.constant 0 : index
    %get3A_891 = vector.load %arg4[%get3A_889, %get3A_890] : memref<8192x1xf32, #tpu.memory_space<vmem>>, vector<256x1xf32>
    %dot_general3A_892 = arith.constant dense<0.000000e+00> : vector<256x1024xf32>
    %dot_general3A_893 = tpu.matmul %get3A_888, %get3A_787, %dot_general3A_892 {dimension_numbers = #tpu.dot_dimension_numbers<[1], [0], [0], [1], [0, 0, 1, 1], [], []>, transpose_lhs_hint = false} : vector<256x128xf32>, vector<128x1024xf32>, vector<256x1024xf32> -> vector<256x1024xf32>
    %add3A_894 = vector.broadcast %get3A_792 : vector<1x1024xf32> to vector<256x1024xf32>
    %add3A_895 = vector.broadcast %get3A_891 : vector<256x1xf32> to vector<256x1024xf32>
    %add3A_896 = arith.addf %add3A_894, %add3A_895 : vector<256x1024xf32>
    %add3A_897 = arith.addf %add3A_896, %dot_general3A_893 : vector<256x1024xf32>
    %slice3A_898 = vector.extract_strided_slice %add3A_897 {offsets = [0, 0], sizes = [128, 1024], strides = [1, 1]} : vector<256x1024xf32> to vector<128x1024xf32>
    %slice3A_899 = vector.extract_strided_slice %add3A_897 {offsets = [128, 0], sizes = [128, 1024], strides = [1, 1]} : vector<256x1024xf32> to vector<128x1024xf32>
    %lt3A_900 = arith.cmpf olt, %slice3A_899, %slice3A_898 : vector<128x1024xf32>
    %min3A_901 = arith.minimumf %slice3A_898, %slice3A_899 : vector<128x1024xf32>
    %jit3A_902 = arith.constant 9 : i32
    %jit3A_903 = arith.constant 8 : i32
    %broadcast_in_dim3A_904 = vector.broadcast %jit3A_902 : i32 to vector<128x1024xi32>
    %broadcast_in_dim3A_905 = vector.broadcast %jit3A_903 : i32 to vector<128x1024xi32>
    %select_n3A_906 = arith.select %lt3A_900, %broadcast_in_dim3A_904, %broadcast_in_dim3A_905 : vector<128x1024xi1>, vector<128x1024xi32>
    %lt3A_907 = arith.cmpf olt, %min3A_901, %min3A_884 : vector<128x1024xf32>
    %min3A_908 = arith.minimumf %min3A_884, %min3A_901 : vector<128x1024xf32>
    %select_n3A_909 = arith.select %lt3A_907, %select_n3A_906, %select_n3A_885 : vector<128x1024xi1>, vector<128x1024xi32>
    %get3A_910 = arith.constant 1280 : index
    %get3A_911 = arith.constant 0 : index
    %get3A_912 = vector.load %arg3[%get3A_910, %get3A_911] : memref<8192x128xf32, #tpu.memory_space<vmem>>, vector<256x128xf32>
    %get3A_913 = arith.constant 1280 : index
    %get3A_914 = arith.constant 0 : index
    %get3A_915 = vector.load %arg4[%get3A_913, %get3A_914] : memref<8192x1xf32, #tpu.memory_space<vmem>>, vector<256x1xf32>
    %dot_general3A_916 = arith.constant dense<0.000000e+00> : vector<256x1024xf32>
    %dot_general3A_917 = tpu.matmul %get3A_912, %get3A_787, %dot_general3A_916 {dimension_numbers = #tpu.dot_dimension_numbers<[1], [0], [0], [1], [0, 0, 1, 1], [], []>, transpose_lhs_hint = false} : vector<256x128xf32>, vector<128x1024xf32>, vector<256x1024xf32> -> vector<256x1024xf32>
    %add3A_918 = vector.broadcast %get3A_792 : vector<1x1024xf32> to vector<256x1024xf32>
    %add3A_919 = vector.broadcast %get3A_915 : vector<256x1xf32> to vector<256x1024xf32>
    %add3A_920 = arith.addf %add3A_918, %add3A_919 : vector<256x1024xf32>
    %add3A_921 = arith.addf %add3A_920, %dot_general3A_917 : vector<256x1024xf32>
    %slice3A_922 = vector.extract_strided_slice %add3A_921 {offsets = [0, 0], sizes = [128, 1024], strides = [1, 1]} : vector<256x1024xf32> to vector<128x1024xf32>
    %slice3A_923 = vector.extract_strided_slice %add3A_921 {offsets = [128, 0], sizes = [128, 1024], strides = [1, 1]} : vector<256x1024xf32> to vector<128x1024xf32>
    %lt3A_924 = arith.cmpf olt, %slice3A_923, %slice3A_922 : vector<128x1024xf32>
    %min3A_925 = arith.minimumf %slice3A_922, %slice3A_923 : vector<128x1024xf32>
    %jit3A_926 = arith.constant 11 : i32
    %jit3A_927 = arith.constant 10 : i32
    %broadcast_in_dim3A_928 = vector.broadcast %jit3A_926 : i32 to vector<128x1024xi32>
    %broadcast_in_dim3A_929 = vector.broadcast %jit3A_927 : i32 to vector<128x1024xi32>
    %select_n3A_930 = arith.select %lt3A_924, %broadcast_in_dim3A_928, %broadcast_in_dim3A_929 : vector<128x1024xi1>, vector<128x1024xi32>
    %lt3A_931 = arith.cmpf olt, %min3A_925, %min3A_908 : vector<128x1024xf32>
    %min3A_932 = arith.minimumf %min3A_908, %min3A_925 : vector<128x1024xf32>
    %select_n3A_933 = arith.select %lt3A_931, %select_n3A_930, %select_n3A_909 : vector<128x1024xi1>, vector<128x1024xi32>
    %get3A_934 = arith.constant 1536 : index
    %get3A_935 = arith.constant 0 : index
    %get3A_936 = vector.load %arg3[%get3A_934, %get3A_935] : memref<8192x128xf32, #tpu.memory_space<vmem>>, vector<256x128xf32>
    %get3A_937 = arith.constant 1536 : index
    %get3A_938 = arith.constant 0 : index
    %get3A_939 = vector.load %arg4[%get3A_937, %get3A_938] : memref<8192x1xf32, #tpu.memory_space<vmem>>, vector<256x1xf32>
    %dot_general3A_940 = arith.constant dense<0.000000e+00> : vector<256x1024xf32>
    %dot_general3A_941 = tpu.matmul %get3A_936, %get3A_787, %dot_general3A_940 {dimension_numbers = #tpu.dot_dimension_numbers<[1], [0], [0], [1], [0, 0, 1, 1], [], []>, transpose_lhs_hint = false} : vector<256x128xf32>, vector<128x1024xf32>, vector<256x1024xf32> -> vector<256x1024xf32>
    %add3A_942 = vector.broadcast %get3A_792 : vector<1x1024xf32> to vector<256x1024xf32>
    %add3A_943 = vector.broadcast %get3A_939 : vector<256x1xf32> to vector<256x1024xf32>
    %add3A_944 = arith.addf %add3A_942, %add3A_943 : vector<256x1024xf32>
    %add3A_945 = arith.addf %add3A_944, %dot_general3A_941 : vector<256x1024xf32>
    %slice3A_946 = vector.extract_strided_slice %add3A_945 {offsets = [0, 0], sizes = [128, 1024], strides = [1, 1]} : vector<256x1024xf32> to vector<128x1024xf32>
    %slice3A_947 = vector.extract_strided_slice %add3A_945 {offsets = [128, 0], sizes = [128, 1024], strides = [1, 1]} : vector<256x1024xf32> to vector<128x1024xf32>
    %lt3A_948 = arith.cmpf olt, %slice3A_947, %slice3A_946 : vector<128x1024xf32>
    %min3A_949 = arith.minimumf %slice3A_946, %slice3A_947 : vector<128x1024xf32>
    %jit3A_950 = arith.constant 13 : i32
    %jit3A_951 = arith.constant 12 : i32
    %broadcast_in_dim3A_952 = vector.broadcast %jit3A_950 : i32 to vector<128x1024xi32>
    %broadcast_in_dim3A_953 = vector.broadcast %jit3A_951 : i32 to vector<128x1024xi32>
    %select_n3A_954 = arith.select %lt3A_948, %broadcast_in_dim3A_952, %broadcast_in_dim3A_953 : vector<128x1024xi1>, vector<128x1024xi32>
    %lt3A_955 = arith.cmpf olt, %min3A_949, %min3A_932 : vector<128x1024xf32>
    %min3A_956 = arith.minimumf %min3A_932, %min3A_949 : vector<128x1024xf32>
    %select_n3A_957 = arith.select %lt3A_955, %select_n3A_954, %select_n3A_933 : vector<128x1024xi1>, vector<128x1024xi32>
    %get3A_958 = arith.constant 1792 : index
    %get3A_959 = arith.constant 0 : index
    %get3A_960 = vector.load %arg3[%get3A_958, %get3A_959] : memref<8192x128xf32, #tpu.memory_space<vmem>>, vector<256x128xf32>
    %get3A_961 = arith.constant 1792 : index
    %get3A_962 = arith.constant 0 : index
    %get3A_963 = vector.load %arg4[%get3A_961, %get3A_962] : memref<8192x1xf32, #tpu.memory_space<vmem>>, vector<256x1xf32>
    %dot_general3A_964 = arith.constant dense<0.000000e+00> : vector<256x1024xf32>
    %dot_general3A_965 = tpu.matmul %get3A_960, %get3A_787, %dot_general3A_964 {dimension_numbers = #tpu.dot_dimension_numbers<[1], [0], [0], [1], [0, 0, 1, 1], [], []>, transpose_lhs_hint = false} : vector<256x128xf32>, vector<128x1024xf32>, vector<256x1024xf32> -> vector<256x1024xf32>
    %add3A_966 = vector.broadcast %get3A_792 : vector<1x1024xf32> to vector<256x1024xf32>
    %add3A_967 = vector.broadcast %get3A_963 : vector<256x1xf32> to vector<256x1024xf32>
    %add3A_968 = arith.addf %add3A_966, %add3A_967 : vector<256x1024xf32>
    %add3A_969 = arith.addf %add3A_968, %dot_general3A_965 : vector<256x1024xf32>
    %slice3A_970 = vector.extract_strided_slice %add3A_969 {offsets = [0, 0], sizes = [128, 1024], strides = [1, 1]} : vector<256x1024xf32> to vector<128x1024xf32>
    %slice3A_971 = vector.extract_strided_slice %add3A_969 {offsets = [128, 0], sizes = [128, 1024], strides = [1, 1]} : vector<256x1024xf32> to vector<128x1024xf32>
    %lt3A_972 = arith.cmpf olt, %slice3A_971, %slice3A_970 : vector<128x1024xf32>
    %min3A_973 = arith.minimumf %slice3A_970, %slice3A_971 : vector<128x1024xf32>
    %jit3A_974 = arith.constant 15 : i32
    %jit3A_975 = arith.constant 14 : i32
    %broadcast_in_dim3A_976 = vector.broadcast %jit3A_974 : i32 to vector<128x1024xi32>
    %broadcast_in_dim3A_977 = vector.broadcast %jit3A_975 : i32 to vector<128x1024xi32>
    %select_n3A_978 = arith.select %lt3A_972, %broadcast_in_dim3A_976, %broadcast_in_dim3A_977 : vector<128x1024xi1>, vector<128x1024xi32>
    %lt3A_979 = arith.cmpf olt, %min3A_973, %min3A_956 : vector<128x1024xf32>
    %min3A_980 = arith.minimumf %min3A_956, %min3A_973 : vector<128x1024xf32>
    %select_n3A_981 = arith.select %lt3A_979, %select_n3A_978, %select_n3A_957 : vector<128x1024xi1>, vector<128x1024xi32>
    %get3A_982 = arith.constant 2048 : index
    %get3A_983 = arith.constant 0 : index
    %get3A_984 = vector.load %arg3[%get3A_982, %get3A_983] : memref<8192x128xf32, #tpu.memory_space<vmem>>, vector<256x128xf32>
    %get3A_985 = arith.constant 2048 : index
    %get3A_986 = arith.constant 0 : index
    %get3A_987 = vector.load %arg4[%get3A_985, %get3A_986] : memref<8192x1xf32, #tpu.memory_space<vmem>>, vector<256x1xf32>
    %dot_general3A_988 = arith.constant dense<0.000000e+00> : vector<256x1024xf32>
    %dot_general3A_989 = tpu.matmul %get3A_984, %get3A_787, %dot_general3A_988 {dimension_numbers = #tpu.dot_dimension_numbers<[1], [0], [0], [1], [0, 0, 1, 1], [], []>, transpose_lhs_hint = false} : vector<256x128xf32>, vector<128x1024xf32>, vector<256x1024xf32> -> vector<256x1024xf32>
    %add3A_990 = vector.broadcast %get3A_792 : vector<1x1024xf32> to vector<256x1024xf32>
    %add3A_991 = vector.broadcast %get3A_987 : vector<256x1xf32> to vector<256x1024xf32>
    %add3A_992 = arith.addf %add3A_990, %add3A_991 : vector<256x1024xf32>
    %add3A_993 = arith.addf %add3A_992, %dot_general3A_989 : vector<256x1024xf32>
    %slice3A_994 = vector.extract_strided_slice %add3A_993 {offsets = [0, 0], sizes = [128, 1024], strides = [1, 1]} : vector<256x1024xf32> to vector<128x1024xf32>
    %slice3A_995 = vector.extract_strided_slice %add3A_993 {offsets = [128, 0], sizes = [128, 1024], strides = [1, 1]} : vector<256x1024xf32> to vector<128x1024xf32>
    %lt3A_996 = arith.cmpf olt, %slice3A_995, %slice3A_994 : vector<128x1024xf32>
    %min3A_997 = arith.minimumf %slice3A_994, %slice3A_995 : vector<128x1024xf32>
    %jit3A_998 = arith.constant 17 : i32
    %jit3A_999 = arith.constant 16 : i32
    %broadcast_in_dim3A_1000 = vector.broadcast %jit3A_998 : i32 to vector<128x1024xi32>
    %broadcast_in_dim3A_1001 = vector.broadcast %jit3A_999 : i32 to vector<128x1024xi32>
    %select_n3A_1002 = arith.select %lt3A_996, %broadcast_in_dim3A_1000, %broadcast_in_dim3A_1001 : vector<128x1024xi1>, vector<128x1024xi32>
    %lt3A_1003 = arith.cmpf olt, %min3A_997, %min3A_980 : vector<128x1024xf32>
    %min3A_1004 = arith.minimumf %min3A_980, %min3A_997 : vector<128x1024xf32>
    %select_n3A_1005 = arith.select %lt3A_1003, %select_n3A_1002, %select_n3A_981 : vector<128x1024xi1>, vector<128x1024xi32>
    %get3A_1006 = arith.constant 2304 : index
    %get3A_1007 = arith.constant 0 : index
    %get3A_1008 = vector.load %arg3[%get3A_1006, %get3A_1007] : memref<8192x128xf32, #tpu.memory_space<vmem>>, vector<256x128xf32>
    %get3A_1009 = arith.constant 2304 : index
    %get3A_1010 = arith.constant 0 : index
    %get3A_1011 = vector.load %arg4[%get3A_1009, %get3A_1010] : memref<8192x1xf32, #tpu.memory_space<vmem>>, vector<256x1xf32>
    %dot_general3A_1012 = arith.constant dense<0.000000e+00> : vector<256x1024xf32>
    %dot_general3A_1013 = tpu.matmul %get3A_1008, %get3A_787, %dot_general3A_1012 {dimension_numbers = #tpu.dot_dimension_numbers<[1], [0], [0], [1], [0, 0, 1, 1], [], []>, transpose_lhs_hint = false} : vector<256x128xf32>, vector<128x1024xf32>, vector<256x1024xf32> -> vector<256x1024xf32>
    %add3A_1014 = vector.broadcast %get3A_792 : vector<1x1024xf32> to vector<256x1024xf32>
    %add3A_1015 = vector.broadcast %get3A_1011 : vector<256x1xf32> to vector<256x1024xf32>
    %add3A_1016 = arith.addf %add3A_1014, %add3A_1015 : vector<256x1024xf32>
    %add3A_1017 = arith.addf %add3A_1016, %dot_general3A_1013 : vector<256x1024xf32>
    %slice3A_1018 = vector.extract_strided_slice %add3A_1017 {offsets = [0, 0], sizes = [128, 1024], strides = [1, 1]} : vector<256x1024xf32> to vector<128x1024xf32>
    %slice3A_1019 = vector.extract_strided_slice %add3A_1017 {offsets = [128, 0], sizes = [128, 1024], strides = [1, 1]} : vector<256x1024xf32> to vector<128x1024xf32>
    %lt3A_1020 = arith.cmpf olt, %slice3A_1019, %slice3A_1018 : vector<128x1024xf32>
    %min3A_1021 = arith.minimumf %slice3A_1018, %slice3A_1019 : vector<128x1024xf32>
    %jit3A_1022 = arith.constant 19 : i32
    %jit3A_1023 = arith.constant 18 : i32
    %broadcast_in_dim3A_1024 = vector.broadcast %jit3A_1022 : i32 to vector<128x1024xi32>
    %broadcast_in_dim3A_1025 = vector.broadcast %jit3A_1023 : i32 to vector<128x1024xi32>
    %select_n3A_1026 = arith.select %lt3A_1020, %broadcast_in_dim3A_1024, %broadcast_in_dim3A_1025 : vector<128x1024xi1>, vector<128x1024xi32>
    %lt3A_1027 = arith.cmpf olt, %min3A_1021, %min3A_1004 : vector<128x1024xf32>
    %min3A_1028 = arith.minimumf %min3A_1004, %min3A_1021 : vector<128x1024xf32>
    %select_n3A_1029 = arith.select %lt3A_1027, %select_n3A_1026, %select_n3A_1005 : vector<128x1024xi1>, vector<128x1024xi32>
    %get3A_1030 = arith.constant 2560 : index
    %get3A_1031 = arith.constant 0 : index
    %get3A_1032 = vector.load %arg3[%get3A_1030, %get3A_1031] : memref<8192x128xf32, #tpu.memory_space<vmem>>, vector<256x128xf32>
    %get3A_1033 = arith.constant 2560 : index
    %get3A_1034 = arith.constant 0 : index
    %get3A_1035 = vector.load %arg4[%get3A_1033, %get3A_1034] : memref<8192x1xf32, #tpu.memory_space<vmem>>, vector<256x1xf32>
    %dot_general3A_1036 = arith.constant dense<0.000000e+00> : vector<256x1024xf32>
    %dot_general3A_1037 = tpu.matmul %get3A_1032, %get3A_787, %dot_general3A_1036 {dimension_numbers = #tpu.dot_dimension_numbers<[1], [0], [0], [1], [0, 0, 1, 1], [], []>, transpose_lhs_hint = false} : vector<256x128xf32>, vector<128x1024xf32>, vector<256x1024xf32> -> vector<256x1024xf32>
    %add3A_1038 = vector.broadcast %get3A_792 : vector<1x1024xf32> to vector<256x1024xf32>
    %add3A_1039 = vector.broadcast %get3A_1035 : vector<256x1xf32> to vector<256x1024xf32>
    %add3A_1040 = arith.addf %add3A_1038, %add3A_1039 : vector<256x1024xf32>
    %add3A_1041 = arith.addf %add3A_1040, %dot_general3A_1037 : vector<256x1024xf32>
    %slice3A_1042 = vector.extract_strided_slice %add3A_1041 {offsets = [0, 0], sizes = [128, 1024], strides = [1, 1]} : vector<256x1024xf32> to vector<128x1024xf32>
    %slice3A_1043 = vector.extract_strided_slice %add3A_1041 {offsets = [128, 0], sizes = [128, 1024], strides = [1, 1]} : vector<256x1024xf32> to vector<128x1024xf32>
    %lt3A_1044 = arith.cmpf olt, %slice3A_1043, %slice3A_1042 : vector<128x1024xf32>
    %min3A_1045 = arith.minimumf %slice3A_1042, %slice3A_1043 : vector<128x1024xf32>
    %jit3A_1046 = arith.constant 21 : i32
    %jit3A_1047 = arith.constant 20 : i32
    %broadcast_in_dim3A_1048 = vector.broadcast %jit3A_1046 : i32 to vector<128x1024xi32>
    %broadcast_in_dim3A_1049 = vector.broadcast %jit3A_1047 : i32 to vector<128x1024xi32>
    %select_n3A_1050 = arith.select %lt3A_1044, %broadcast_in_dim3A_1048, %broadcast_in_dim3A_1049 : vector<128x1024xi1>, vector<128x1024xi32>
    %lt3A_1051 = arith.cmpf olt, %min3A_1045, %min3A_1028 : vector<128x1024xf32>
    %min3A_1052 = arith.minimumf %min3A_1028, %min3A_1045 : vector<128x1024xf32>
    %select_n3A_1053 = arith.select %lt3A_1051, %select_n3A_1050, %select_n3A_1029 : vector<128x1024xi1>, vector<128x1024xi32>
    %get3A_1054 = arith.constant 2816 : index
    %get3A_1055 = arith.constant 0 : index
    %get3A_1056 = vector.load %arg3[%get3A_1054, %get3A_1055] : memref<8192x128xf32, #tpu.memory_space<vmem>>, vector<256x128xf32>
    %get3A_1057 = arith.constant 2816 : index
    %get3A_1058 = arith.constant 0 : index
    %get3A_1059 = vector.load %arg4[%get3A_1057, %get3A_1058] : memref<8192x1xf32, #tpu.memory_space<vmem>>, vector<256x1xf32>
    %dot_general3A_1060 = arith.constant dense<0.000000e+00> : vector<256x1024xf32>
    %dot_general3A_1061 = tpu.matmul %get3A_1056, %get3A_787, %dot_general3A_1060 {dimension_numbers = #tpu.dot_dimension_numbers<[1], [0], [0], [1], [0, 0, 1, 1], [], []>, transpose_lhs_hint = false} : vector<256x128xf32>, vector<128x1024xf32>, vector<256x1024xf32> -> vector<256x1024xf32>
    %add3A_1062 = vector.broadcast %get3A_792 : vector<1x1024xf32> to vector<256x1024xf32>
    %add3A_1063 = vector.broadcast %get3A_1059 : vector<256x1xf32> to vector<256x1024xf32>
    %add3A_1064 = arith.addf %add3A_1062, %add3A_1063 : vector<256x1024xf32>
    %add3A_1065 = arith.addf %add3A_1064, %dot_general3A_1061 : vector<256x1024xf32>
    %slice3A_1066 = vector.extract_strided_slice %add3A_1065 {offsets = [0, 0], sizes = [128, 1024], strides = [1, 1]} : vector<256x1024xf32> to vector<128x1024xf32>
    %slice3A_1067 = vector.extract_strided_slice %add3A_1065 {offsets = [128, 0], sizes = [128, 1024], strides = [1, 1]} : vector<256x1024xf32> to vector<128x1024xf32>
    %lt3A_1068 = arith.cmpf olt, %slice3A_1067, %slice3A_1066 : vector<128x1024xf32>
    %min3A_1069 = arith.minimumf %slice3A_1066, %slice3A_1067 : vector<128x1024xf32>
    %jit3A_1070 = arith.constant 23 : i32
    %jit3A_1071 = arith.constant 22 : i32
    %broadcast_in_dim3A_1072 = vector.broadcast %jit3A_1070 : i32 to vector<128x1024xi32>
    %broadcast_in_dim3A_1073 = vector.broadcast %jit3A_1071 : i32 to vector<128x1024xi32>
    %select_n3A_1074 = arith.select %lt3A_1068, %broadcast_in_dim3A_1072, %broadcast_in_dim3A_1073 : vector<128x1024xi1>, vector<128x1024xi32>
    %lt3A_1075 = arith.cmpf olt, %min3A_1069, %min3A_1052 : vector<128x1024xf32>
    %min3A_1076 = arith.minimumf %min3A_1052, %min3A_1069 : vector<128x1024xf32>
    %select_n3A_1077 = arith.select %lt3A_1075, %select_n3A_1074, %select_n3A_1053 : vector<128x1024xi1>, vector<128x1024xi32>
    %get3A_1078 = arith.constant 3072 : index
    %get3A_1079 = arith.constant 0 : index
    %get3A_1080 = vector.load %arg3[%get3A_1078, %get3A_1079] : memref<8192x128xf32, #tpu.memory_space<vmem>>, vector<256x128xf32>
    %get3A_1081 = arith.constant 3072 : index
    %get3A_1082 = arith.constant 0 : index
    %get3A_1083 = vector.load %arg4[%get3A_1081, %get3A_1082] : memref<8192x1xf32, #tpu.memory_space<vmem>>, vector<256x1xf32>
    %dot_general3A_1084 = arith.constant dense<0.000000e+00> : vector<256x1024xf32>
    %dot_general3A_1085 = tpu.matmul %get3A_1080, %get3A_787, %dot_general3A_1084 {dimension_numbers = #tpu.dot_dimension_numbers<[1], [0], [0], [1], [0, 0, 1, 1], [], []>, transpose_lhs_hint = false} : vector<256x128xf32>, vector<128x1024xf32>, vector<256x1024xf32> -> vector<256x1024xf32>
    %add3A_1086 = vector.broadcast %get3A_792 : vector<1x1024xf32> to vector<256x1024xf32>
    %add3A_1087 = vector.broadcast %get3A_1083 : vector<256x1xf32> to vector<256x1024xf32>
    %add3A_1088 = arith.addf %add3A_1086, %add3A_1087 : vector<256x1024xf32>
    %add3A_1089 = arith.addf %add3A_1088, %dot_general3A_1085 : vector<256x1024xf32>
    %slice3A_1090 = vector.extract_strided_slice %add3A_1089 {offsets = [0, 0], sizes = [128, 1024], strides = [1, 1]} : vector<256x1024xf32> to vector<128x1024xf32>
    %slice3A_1091 = vector.extract_strided_slice %add3A_1089 {offsets = [128, 0], sizes = [128, 1024], strides = [1, 1]} : vector<256x1024xf32> to vector<128x1024xf32>
    %lt3A_1092 = arith.cmpf olt, %slice3A_1091, %slice3A_1090 : vector<128x1024xf32>
    %min3A_1093 = arith.minimumf %slice3A_1090, %slice3A_1091 : vector<128x1024xf32>
    %jit3A_1094 = arith.constant 25 : i32
    %jit3A_1095 = arith.constant 24 : i32
    %broadcast_in_dim3A_1096 = vector.broadcast %jit3A_1094 : i32 to vector<128x1024xi32>
    %broadcast_in_dim3A_1097 = vector.broadcast %jit3A_1095 : i32 to vector<128x1024xi32>
    %select_n3A_1098 = arith.select %lt3A_1092, %broadcast_in_dim3A_1096, %broadcast_in_dim3A_1097 : vector<128x1024xi1>, vector<128x1024xi32>
    %lt3A_1099 = arith.cmpf olt, %min3A_1093, %min3A_1076 : vector<128x1024xf32>
    %min3A_1100 = arith.minimumf %min3A_1076, %min3A_1093 : vector<128x1024xf32>
    %select_n3A_1101 = arith.select %lt3A_1099, %select_n3A_1098, %select_n3A_1077 : vector<128x1024xi1>, vector<128x1024xi32>
    %get3A_1102 = arith.constant 3328 : index
    %get3A_1103 = arith.constant 0 : index
    %get3A_1104 = vector.load %arg3[%get3A_1102, %get3A_1103] : memref<8192x128xf32, #tpu.memory_space<vmem>>, vector<256x128xf32>
    %get3A_1105 = arith.constant 3328 : index
    %get3A_1106 = arith.constant 0 : index
    %get3A_1107 = vector.load %arg4[%get3A_1105, %get3A_1106] : memref<8192x1xf32, #tpu.memory_space<vmem>>, vector<256x1xf32>
    %dot_general3A_1108 = arith.constant dense<0.000000e+00> : vector<256x1024xf32>
    %dot_general3A_1109 = tpu.matmul %get3A_1104, %get3A_787, %dot_general3A_1108 {dimension_numbers = #tpu.dot_dimension_numbers<[1], [0], [0], [1], [0, 0, 1, 1], [], []>, transpose_lhs_hint = false} : vector<256x128xf32>, vector<128x1024xf32>, vector<256x1024xf32> -> vector<256x1024xf32>
    %add3A_1110 = vector.broadcast %get3A_792 : vector<1x1024xf32> to vector<256x1024xf32>
    %add3A_1111 = vector.broadcast %get3A_1107 : vector<256x1xf32> to vector<256x1024xf32>
    %add3A_1112 = arith.addf %add3A_1110, %add3A_1111 : vector<256x1024xf32>
    %add3A_1113 = arith.addf %add3A_1112, %dot_general3A_1109 : vector<256x1024xf32>
    %slice3A_1114 = vector.extract_strided_slice %add3A_1113 {offsets = [0, 0], sizes = [128, 1024], strides = [1, 1]} : vector<256x1024xf32> to vector<128x1024xf32>
    %slice3A_1115 = vector.extract_strided_slice %add3A_1113 {offsets = [128, 0], sizes = [128, 1024], strides = [1, 1]} : vector<256x1024xf32> to vector<128x1024xf32>
    %lt3A_1116 = arith.cmpf olt, %slice3A_1115, %slice3A_1114 : vector<128x1024xf32>
    %min3A_1117 = arith.minimumf %slice3A_1114, %slice3A_1115 : vector<128x1024xf32>
    %jit3A_1118 = arith.constant 27 : i32
    %jit3A_1119 = arith.constant 26 : i32
    %broadcast_in_dim3A_1120 = vector.broadcast %jit3A_1118 : i32 to vector<128x1024xi32>
    %broadcast_in_dim3A_1121 = vector.broadcast %jit3A_1119 : i32 to vector<128x1024xi32>
    %select_n3A_1122 = arith.select %lt3A_1116, %broadcast_in_dim3A_1120, %broadcast_in_dim3A_1121 : vector<128x1024xi1>, vector<128x1024xi32>
    %lt3A_1123 = arith.cmpf olt, %min3A_1117, %min3A_1100 : vector<128x1024xf32>
    %min3A_1124 = arith.minimumf %min3A_1100, %min3A_1117 : vector<128x1024xf32>
    %select_n3A_1125 = arith.select %lt3A_1123, %select_n3A_1122, %select_n3A_1101 : vector<128x1024xi1>, vector<128x1024xi32>
    %get3A_1126 = arith.constant 3584 : index
    %get3A_1127 = arith.constant 0 : index
    %get3A_1128 = vector.load %arg3[%get3A_1126, %get3A_1127] : memref<8192x128xf32, #tpu.memory_space<vmem>>, vector<256x128xf32>
    %get3A_1129 = arith.constant 3584 : index
    %get3A_1130 = arith.constant 0 : index
    %get3A_1131 = vector.load %arg4[%get3A_1129, %get3A_1130] : memref<8192x1xf32, #tpu.memory_space<vmem>>, vector<256x1xf32>
    %dot_general3A_1132 = arith.constant dense<0.000000e+00> : vector<256x1024xf32>
    %dot_general3A_1133 = tpu.matmul %get3A_1128, %get3A_787, %dot_general3A_1132 {dimension_numbers = #tpu.dot_dimension_numbers<[1], [0], [0], [1], [0, 0, 1, 1], [], []>, transpose_lhs_hint = false} : vector<256x128xf32>, vector<128x1024xf32>, vector<256x1024xf32> -> vector<256x1024xf32>
    %add3A_1134 = vector.broadcast %get3A_792 : vector<1x1024xf32> to vector<256x1024xf32>
    %add3A_1135 = vector.broadcast %get3A_1131 : vector<256x1xf32> to vector<256x1024xf32>
    %add3A_1136 = arith.addf %add3A_1134, %add3A_1135 : vector<256x1024xf32>
    %add3A_1137 = arith.addf %add3A_1136, %dot_general3A_1133 : vector<256x1024xf32>
    %slice3A_1138 = vector.extract_strided_slice %add3A_1137 {offsets = [0, 0], sizes = [128, 1024], strides = [1, 1]} : vector<256x1024xf32> to vector<128x1024xf32>
    %slice3A_1139 = vector.extract_strided_slice %add3A_1137 {offsets = [128, 0], sizes = [128, 1024], strides = [1, 1]} : vector<256x1024xf32> to vector<128x1024xf32>
    %lt3A_1140 = arith.cmpf olt, %slice3A_1139, %slice3A_1138 : vector<128x1024xf32>
    %min3A_1141 = arith.minimumf %slice3A_1138, %slice3A_1139 : vector<128x1024xf32>
    %jit3A_1142 = arith.constant 29 : i32
    %jit3A_1143 = arith.constant 28 : i32
    %broadcast_in_dim3A_1144 = vector.broadcast %jit3A_1142 : i32 to vector<128x1024xi32>
    %broadcast_in_dim3A_1145 = vector.broadcast %jit3A_1143 : i32 to vector<128x1024xi32>
    %select_n3A_1146 = arith.select %lt3A_1140, %broadcast_in_dim3A_1144, %broadcast_in_dim3A_1145 : vector<128x1024xi1>, vector<128x1024xi32>
    %lt3A_1147 = arith.cmpf olt, %min3A_1141, %min3A_1124 : vector<128x1024xf32>
    %min3A_1148 = arith.minimumf %min3A_1124, %min3A_1141 : vector<128x1024xf32>
    %select_n3A_1149 = arith.select %lt3A_1147, %select_n3A_1146, %select_n3A_1125 : vector<128x1024xi1>, vector<128x1024xi32>
    %get3A_1150 = arith.constant 3840 : index
    %get3A_1151 = arith.constant 0 : index
    %get3A_1152 = vector.load %arg3[%get3A_1150, %get3A_1151] : memref<8192x128xf32, #tpu.memory_space<vmem>>, vector<256x128xf32>
    %get3A_1153 = arith.constant 3840 : index
    %get3A_1154 = arith.constant 0 : index
    %get3A_1155 = vector.load %arg4[%get3A_1153, %get3A_1154] : memref<8192x1xf32, #tpu.memory_space<vmem>>, vector<256x1xf32>
    %dot_general3A_1156 = arith.constant dense<0.000000e+00> : vector<256x1024xf32>
    %dot_general3A_1157 = tpu.matmul %get3A_1152, %get3A_787, %dot_general3A_1156 {dimension_numbers = #tpu.dot_dimension_numbers<[1], [0], [0], [1], [0, 0, 1, 1], [], []>, transpose_lhs_hint = false} : vector<256x128xf32>, vector<128x1024xf32>, vector<256x1024xf32> -> vector<256x1024xf32>
    %add3A_1158 = vector.broadcast %get3A_792 : vector<1x1024xf32> to vector<256x1024xf32>
    %add3A_1159 = vector.broadcast %get3A_1155 : vector<256x1xf32> to vector<256x1024xf32>
    %add3A_1160 = arith.addf %add3A_1158, %add3A_1159 : vector<256x1024xf32>
    %add3A_1161 = arith.addf %add3A_1160, %dot_general3A_1157 : vector<256x1024xf32>
    %slice3A_1162 = vector.extract_strided_slice %add3A_1161 {offsets = [0, 0], sizes = [128, 1024], strides = [1, 1]} : vector<256x1024xf32> to vector<128x1024xf32>
    %slice3A_1163 = vector.extract_strided_slice %add3A_1161 {offsets = [128, 0], sizes = [128, 1024], strides = [1, 1]} : vector<256x1024xf32> to vector<128x1024xf32>
    %lt3A_1164 = arith.cmpf olt, %slice3A_1163, %slice3A_1162 : vector<128x1024xf32>
    %min3A_1165 = arith.minimumf %slice3A_1162, %slice3A_1163 : vector<128x1024xf32>
    %jit3A_1166 = arith.constant 31 : i32
    %jit3A_1167 = arith.constant 30 : i32
    %broadcast_in_dim3A_1168 = vector.broadcast %jit3A_1166 : i32 to vector<128x1024xi32>
    %broadcast_in_dim3A_1169 = vector.broadcast %jit3A_1167 : i32 to vector<128x1024xi32>
    %select_n3A_1170 = arith.select %lt3A_1164, %broadcast_in_dim3A_1168, %broadcast_in_dim3A_1169 : vector<128x1024xi1>, vector<128x1024xi32>
    %lt3A_1171 = arith.cmpf olt, %min3A_1165, %min3A_1148 : vector<128x1024xf32>
    %min3A_1172 = arith.minimumf %min3A_1148, %min3A_1165 : vector<128x1024xf32>
    %select_n3A_1173 = arith.select %lt3A_1171, %select_n3A_1170, %select_n3A_1149 : vector<128x1024xi1>, vector<128x1024xi32>
    %get3A_1174 = arith.constant 4096 : index
    %get3A_1175 = arith.constant 0 : index
    %get3A_1176 = vector.load %arg3[%get3A_1174, %get3A_1175] : memref<8192x128xf32, #tpu.memory_space<vmem>>, vector<256x128xf32>
    %get3A_1177 = arith.constant 4096 : index
    %get3A_1178 = arith.constant 0 : index
    %get3A_1179 = vector.load %arg4[%get3A_1177, %get3A_1178] : memref<8192x1xf32, #tpu.memory_space<vmem>>, vector<256x1xf32>
    %dot_general3A_1180 = arith.constant dense<0.000000e+00> : vector<256x1024xf32>
    %dot_general3A_1181 = tpu.matmul %get3A_1176, %get3A_787, %dot_general3A_1180 {dimension_numbers = #tpu.dot_dimension_numbers<[1], [0], [0], [1], [0, 0, 1, 1], [], []>, transpose_lhs_hint = false} : vector<256x128xf32>, vector<128x1024xf32>, vector<256x1024xf32> -> vector<256x1024xf32>
    %add3A_1182 = vector.broadcast %get3A_792 : vector<1x1024xf32> to vector<256x1024xf32>
    %add3A_1183 = vector.broadcast %get3A_1179 : vector<256x1xf32> to vector<256x1024xf32>
    %add3A_1184 = arith.addf %add3A_1182, %add3A_1183 : vector<256x1024xf32>
    %add3A_1185 = arith.addf %add3A_1184, %dot_general3A_1181 : vector<256x1024xf32>
    %slice3A_1186 = vector.extract_strided_slice %add3A_1185 {offsets = [0, 0], sizes = [128, 1024], strides = [1, 1]} : vector<256x1024xf32> to vector<128x1024xf32>
    %slice3A_1187 = vector.extract_strided_slice %add3A_1185 {offsets = [128, 0], sizes = [128, 1024], strides = [1, 1]} : vector<256x1024xf32> to vector<128x1024xf32>
    %lt3A_1188 = arith.cmpf olt, %slice3A_1187, %slice3A_1186 : vector<128x1024xf32>
    %min3A_1189 = arith.minimumf %slice3A_1186, %slice3A_1187 : vector<128x1024xf32>
    %jit3A_1190 = arith.constant 33 : i32
    %jit3A_1191 = arith.constant 32 : i32
    %broadcast_in_dim3A_1192 = vector.broadcast %jit3A_1190 : i32 to vector<128x1024xi32>
    %broadcast_in_dim3A_1193 = vector.broadcast %jit3A_1191 : i32 to vector<128x1024xi32>
    %select_n3A_1194 = arith.select %lt3A_1188, %broadcast_in_dim3A_1192, %broadcast_in_dim3A_1193 : vector<128x1024xi1>, vector<128x1024xi32>
    %lt3A_1195 = arith.cmpf olt, %min3A_1189, %min3A_1172 : vector<128x1024xf32>
    %min3A_1196 = arith.minimumf %min3A_1172, %min3A_1189 : vector<128x1024xf32>
    %select_n3A_1197 = arith.select %lt3A_1195, %select_n3A_1194, %select_n3A_1173 : vector<128x1024xi1>, vector<128x1024xi32>
    %get3A_1198 = arith.constant 4352 : index
    %get3A_1199 = arith.constant 0 : index
    %get3A_1200 = vector.load %arg3[%get3A_1198, %get3A_1199] : memref<8192x128xf32, #tpu.memory_space<vmem>>, vector<256x128xf32>
    %get3A_1201 = arith.constant 4352 : index
    %get3A_1202 = arith.constant 0 : index
    %get3A_1203 = vector.load %arg4[%get3A_1201, %get3A_1202] : memref<8192x1xf32, #tpu.memory_space<vmem>>, vector<256x1xf32>
    %dot_general3A_1204 = arith.constant dense<0.000000e+00> : vector<256x1024xf32>
    %dot_general3A_1205 = tpu.matmul %get3A_1200, %get3A_787, %dot_general3A_1204 {dimension_numbers = #tpu.dot_dimension_numbers<[1], [0], [0], [1], [0, 0, 1, 1], [], []>, transpose_lhs_hint = false} : vector<256x128xf32>, vector<128x1024xf32>, vector<256x1024xf32> -> vector<256x1024xf32>
    %add3A_1206 = vector.broadcast %get3A_792 : vector<1x1024xf32> to vector<256x1024xf32>
    %add3A_1207 = vector.broadcast %get3A_1203 : vector<256x1xf32> to vector<256x1024xf32>
    %add3A_1208 = arith.addf %add3A_1206, %add3A_1207 : vector<256x1024xf32>
    %add3A_1209 = arith.addf %add3A_1208, %dot_general3A_1205 : vector<256x1024xf32>
    %slice3A_1210 = vector.extract_strided_slice %add3A_1209 {offsets = [0, 0], sizes = [128, 1024], strides = [1, 1]} : vector<256x1024xf32> to vector<128x1024xf32>
    %slice3A_1211 = vector.extract_strided_slice %add3A_1209 {offsets = [128, 0], sizes = [128, 1024], strides = [1, 1]} : vector<256x1024xf32> to vector<128x1024xf32>
    %lt3A_1212 = arith.cmpf olt, %slice3A_1211, %slice3A_1210 : vector<128x1024xf32>
    %min3A_1213 = arith.minimumf %slice3A_1210, %slice3A_1211 : vector<128x1024xf32>
    %jit3A_1214 = arith.constant 35 : i32
    %jit3A_1215 = arith.constant 34 : i32
    %broadcast_in_dim3A_1216 = vector.broadcast %jit3A_1214 : i32 to vector<128x1024xi32>
    %broadcast_in_dim3A_1217 = vector.broadcast %jit3A_1215 : i32 to vector<128x1024xi32>
    %select_n3A_1218 = arith.select %lt3A_1212, %broadcast_in_dim3A_1216, %broadcast_in_dim3A_1217 : vector<128x1024xi1>, vector<128x1024xi32>
    %lt3A_1219 = arith.cmpf olt, %min3A_1213, %min3A_1196 : vector<128x1024xf32>
    %min3A_1220 = arith.minimumf %min3A_1196, %min3A_1213 : vector<128x1024xf32>
    %select_n3A_1221 = arith.select %lt3A_1219, %select_n3A_1218, %select_n3A_1197 : vector<128x1024xi1>, vector<128x1024xi32>
    %get3A_1222 = arith.constant 4608 : index
    %get3A_1223 = arith.constant 0 : index
    %get3A_1224 = vector.load %arg3[%get3A_1222, %get3A_1223] : memref<8192x128xf32, #tpu.memory_space<vmem>>, vector<256x128xf32>
    %get3A_1225 = arith.constant 4608 : index
    %get3A_1226 = arith.constant 0 : index
    %get3A_1227 = vector.load %arg4[%get3A_1225, %get3A_1226] : memref<8192x1xf32, #tpu.memory_space<vmem>>, vector<256x1xf32>
    %dot_general3A_1228 = arith.constant dense<0.000000e+00> : vector<256x1024xf32>
    %dot_general3A_1229 = tpu.matmul %get3A_1224, %get3A_787, %dot_general3A_1228 {dimension_numbers = #tpu.dot_dimension_numbers<[1], [0], [0], [1], [0, 0, 1, 1], [], []>, transpose_lhs_hint = false} : vector<256x128xf32>, vector<128x1024xf32>, vector<256x1024xf32> -> vector<256x1024xf32>
    %add3A_1230 = vector.broadcast %get3A_792 : vector<1x1024xf32> to vector<256x1024xf32>
    %add3A_1231 = vector.broadcast %get3A_1227 : vector<256x1xf32> to vector<256x1024xf32>
    %add3A_1232 = arith.addf %add3A_1230, %add3A_1231 : vector<256x1024xf32>
    %add3A_1233 = arith.addf %add3A_1232, %dot_general3A_1229 : vector<256x1024xf32>
    %slice3A_1234 = vector.extract_strided_slice %add3A_1233 {offsets = [0, 0], sizes = [128, 1024], strides = [1, 1]} : vector<256x1024xf32> to vector<128x1024xf32>
    %slice3A_1235 = vector.extract_strided_slice %add3A_1233 {offsets = [128, 0], sizes = [128, 1024], strides = [1, 1]} : vector<256x1024xf32> to vector<128x1024xf32>
    %lt3A_1236 = arith.cmpf olt, %slice3A_1235, %slice3A_1234 : vector<128x1024xf32>
    %min3A_1237 = arith.minimumf %slice3A_1234, %slice3A_1235 : vector<128x1024xf32>
    %jit3A_1238 = arith.constant 37 : i32
    %jit3A_1239 = arith.constant 36 : i32
    %broadcast_in_dim3A_1240 = vector.broadcast %jit3A_1238 : i32 to vector<128x1024xi32>
    %broadcast_in_dim3A_1241 = vector.broadcast %jit3A_1239 : i32 to vector<128x1024xi32>
    %select_n3A_1242 = arith.select %lt3A_1236, %broadcast_in_dim3A_1240, %broadcast_in_dim3A_1241 : vector<128x1024xi1>, vector<128x1024xi32>
    %lt3A_1243 = arith.cmpf olt, %min3A_1237, %min3A_1220 : vector<128x1024xf32>
    %min3A_1244 = arith.minimumf %min3A_1220, %min3A_1237 : vector<128x1024xf32>
    %select_n3A_1245 = arith.select %lt3A_1243, %select_n3A_1242, %select_n3A_1221 : vector<128x1024xi1>, vector<128x1024xi32>
    %get3A_1246 = arith.constant 4864 : index
    %get3A_1247 = arith.constant 0 : index
    %get3A_1248 = vector.load %arg3[%get3A_1246, %get3A_1247] : memref<8192x128xf32, #tpu.memory_space<vmem>>, vector<256x128xf32>
    %get3A_1249 = arith.constant 4864 : index
    %get3A_1250 = arith.constant 0 : index
    %get3A_1251 = vector.load %arg4[%get3A_1249, %get3A_1250] : memref<8192x1xf32, #tpu.memory_space<vmem>>, vector<256x1xf32>
    %dot_general3A_1252 = arith.constant dense<0.000000e+00> : vector<256x1024xf32>
    %dot_general3A_1253 = tpu.matmul %get3A_1248, %get3A_787, %dot_general3A_1252 {dimension_numbers = #tpu.dot_dimension_numbers<[1], [0], [0], [1], [0, 0, 1, 1], [], []>, transpose_lhs_hint = false} : vector<256x128xf32>, vector<128x1024xf32>, vector<256x1024xf32> -> vector<256x1024xf32>
    %add3A_1254 = vector.broadcast %get3A_792 : vector<1x1024xf32> to vector<256x1024xf32>
    %add3A_1255 = vector.broadcast %get3A_1251 : vector<256x1xf32> to vector<256x1024xf32>
    %add3A_1256 = arith.addf %add3A_1254, %add3A_1255 : vector<256x1024xf32>
    %add3A_1257 = arith.addf %add3A_1256, %dot_general3A_1253 : vector<256x1024xf32>
    %slice3A_1258 = vector.extract_strided_slice %add3A_1257 {offsets = [0, 0], sizes = [128, 1024], strides = [1, 1]} : vector<256x1024xf32> to vector<128x1024xf32>
    %slice3A_1259 = vector.extract_strided_slice %add3A_1257 {offsets = [128, 0], sizes = [128, 1024], strides = [1, 1]} : vector<256x1024xf32> to vector<128x1024xf32>
    %lt3A_1260 = arith.cmpf olt, %slice3A_1259, %slice3A_1258 : vector<128x1024xf32>
    %min3A_1261 = arith.minimumf %slice3A_1258, %slice3A_1259 : vector<128x1024xf32>
    %jit3A_1262 = arith.constant 39 : i32
    %jit3A_1263 = arith.constant 38 : i32
    %broadcast_in_dim3A_1264 = vector.broadcast %jit3A_1262 : i32 to vector<128x1024xi32>
    %broadcast_in_dim3A_1265 = vector.broadcast %jit3A_1263 : i32 to vector<128x1024xi32>
    %select_n3A_1266 = arith.select %lt3A_1260, %broadcast_in_dim3A_1264, %broadcast_in_dim3A_1265 : vector<128x1024xi1>, vector<128x1024xi32>
    %lt3A_1267 = arith.cmpf olt, %min3A_1261, %min3A_1244 : vector<128x1024xf32>
    %min3A_1268 = arith.minimumf %min3A_1244, %min3A_1261 : vector<128x1024xf32>
    %select_n3A_1269 = arith.select %lt3A_1267, %select_n3A_1266, %select_n3A_1245 : vector<128x1024xi1>, vector<128x1024xi32>
    %get3A_1270 = arith.constant 5120 : index
    %get3A_1271 = arith.constant 0 : index
    %get3A_1272 = vector.load %arg3[%get3A_1270, %get3A_1271] : memref<8192x128xf32, #tpu.memory_space<vmem>>, vector<256x128xf32>
    %get3A_1273 = arith.constant 5120 : index
    %get3A_1274 = arith.constant 0 : index
    %get3A_1275 = vector.load %arg4[%get3A_1273, %get3A_1274] : memref<8192x1xf32, #tpu.memory_space<vmem>>, vector<256x1xf32>
    %dot_general3A_1276 = arith.constant dense<0.000000e+00> : vector<256x1024xf32>
    %dot_general3A_1277 = tpu.matmul %get3A_1272, %get3A_787, %dot_general3A_1276 {dimension_numbers = #tpu.dot_dimension_numbers<[1], [0], [0], [1], [0, 0, 1, 1], [], []>, transpose_lhs_hint = false} : vector<256x128xf32>, vector<128x1024xf32>, vector<256x1024xf32> -> vector<256x1024xf32>
    %add3A_1278 = vector.broadcast %get3A_792 : vector<1x1024xf32> to vector<256x1024xf32>
    %add3A_1279 = vector.broadcast %get3A_1275 : vector<256x1xf32> to vector<256x1024xf32>
    %add3A_1280 = arith.addf %add3A_1278, %add3A_1279 : vector<256x1024xf32>
    %add3A_1281 = arith.addf %add3A_1280, %dot_general3A_1277 : vector<256x1024xf32>
    %slice3A_1282 = vector.extract_strided_slice %add3A_1281 {offsets = [0, 0], sizes = [128, 1024], strides = [1, 1]} : vector<256x1024xf32> to vector<128x1024xf32>
    %slice3A_1283 = vector.extract_strided_slice %add3A_1281 {offsets = [128, 0], sizes = [128, 1024], strides = [1, 1]} : vector<256x1024xf32> to vector<128x1024xf32>
    %lt3A_1284 = arith.cmpf olt, %slice3A_1283, %slice3A_1282 : vector<128x1024xf32>
    %min3A_1285 = arith.minimumf %slice3A_1282, %slice3A_1283 : vector<128x1024xf32>
    %jit3A_1286 = arith.constant 41 : i32
    %jit3A_1287 = arith.constant 40 : i32
    %broadcast_in_dim3A_1288 = vector.broadcast %jit3A_1286 : i32 to vector<128x1024xi32>
    %broadcast_in_dim3A_1289 = vector.broadcast %jit3A_1287 : i32 to vector<128x1024xi32>
    %select_n3A_1290 = arith.select %lt3A_1284, %broadcast_in_dim3A_1288, %broadcast_in_dim3A_1289 : vector<128x1024xi1>, vector<128x1024xi32>
    %lt3A_1291 = arith.cmpf olt, %min3A_1285, %min3A_1268 : vector<128x1024xf32>
    %min3A_1292 = arith.minimumf %min3A_1268, %min3A_1285 : vector<128x1024xf32>
    %select_n3A_1293 = arith.select %lt3A_1291, %select_n3A_1290, %select_n3A_1269 : vector<128x1024xi1>, vector<128x1024xi32>
    %get3A_1294 = arith.constant 5376 : index
    %get3A_1295 = arith.constant 0 : index
    %get3A_1296 = vector.load %arg3[%get3A_1294, %get3A_1295] : memref<8192x128xf32, #tpu.memory_space<vmem>>, vector<256x128xf32>
    %get3A_1297 = arith.constant 5376 : index
    %get3A_1298 = arith.constant 0 : index
    %get3A_1299 = vector.load %arg4[%get3A_1297, %get3A_1298] : memref<8192x1xf32, #tpu.memory_space<vmem>>, vector<256x1xf32>
    %dot_general3A_1300 = arith.constant dense<0.000000e+00> : vector<256x1024xf32>
    %dot_general3A_1301 = tpu.matmul %get3A_1296, %get3A_787, %dot_general3A_1300 {dimension_numbers = #tpu.dot_dimension_numbers<[1], [0], [0], [1], [0, 0, 1, 1], [], []>, transpose_lhs_hint = false} : vector<256x128xf32>, vector<128x1024xf32>, vector<256x1024xf32> -> vector<256x1024xf32>
    %add3A_1302 = vector.broadcast %get3A_792 : vector<1x1024xf32> to vector<256x1024xf32>
    %add3A_1303 = vector.broadcast %get3A_1299 : vector<256x1xf32> to vector<256x1024xf32>
    %add3A_1304 = arith.addf %add3A_1302, %add3A_1303 : vector<256x1024xf32>
    %add3A_1305 = arith.addf %add3A_1304, %dot_general3A_1301 : vector<256x1024xf32>
    %slice3A_1306 = vector.extract_strided_slice %add3A_1305 {offsets = [0, 0], sizes = [128, 1024], strides = [1, 1]} : vector<256x1024xf32> to vector<128x1024xf32>
    %slice3A_1307 = vector.extract_strided_slice %add3A_1305 {offsets = [128, 0], sizes = [128, 1024], strides = [1, 1]} : vector<256x1024xf32> to vector<128x1024xf32>
    %lt3A_1308 = arith.cmpf olt, %slice3A_1307, %slice3A_1306 : vector<128x1024xf32>
    %min3A_1309 = arith.minimumf %slice3A_1306, %slice3A_1307 : vector<128x1024xf32>
    %jit3A_1310 = arith.constant 43 : i32
    %jit3A_1311 = arith.constant 42 : i32
    %broadcast_in_dim3A_1312 = vector.broadcast %jit3A_1310 : i32 to vector<128x1024xi32>
    %broadcast_in_dim3A_1313 = vector.broadcast %jit3A_1311 : i32 to vector<128x1024xi32>
    %select_n3A_1314 = arith.select %lt3A_1308, %broadcast_in_dim3A_1312, %broadcast_in_dim3A_1313 : vector<128x1024xi1>, vector<128x1024xi32>
    %lt3A_1315 = arith.cmpf olt, %min3A_1309, %min3A_1292 : vector<128x1024xf32>
    %min3A_1316 = arith.minimumf %min3A_1292, %min3A_1309 : vector<128x1024xf32>
    %select_n3A_1317 = arith.select %lt3A_1315, %select_n3A_1314, %select_n3A_1293 : vector<128x1024xi1>, vector<128x1024xi32>
    %get3A_1318 = arith.constant 5632 : index
    %get3A_1319 = arith.constant 0 : index
    %get3A_1320 = vector.load %arg3[%get3A_1318, %get3A_1319] : memref<8192x128xf32, #tpu.memory_space<vmem>>, vector<256x128xf32>
    %get3A_1321 = arith.constant 5632 : index
    %get3A_1322 = arith.constant 0 : index
    %get3A_1323 = vector.load %arg4[%get3A_1321, %get3A_1322] : memref<8192x1xf32, #tpu.memory_space<vmem>>, vector<256x1xf32>
    %dot_general3A_1324 = arith.constant dense<0.000000e+00> : vector<256x1024xf32>
    %dot_general3A_1325 = tpu.matmul %get3A_1320, %get3A_787, %dot_general3A_1324 {dimension_numbers = #tpu.dot_dimension_numbers<[1], [0], [0], [1], [0, 0, 1, 1], [], []>, transpose_lhs_hint = false} : vector<256x128xf32>, vector<128x1024xf32>, vector<256x1024xf32> -> vector<256x1024xf32>
    %add3A_1326 = vector.broadcast %get3A_792 : vector<1x1024xf32> to vector<256x1024xf32>
    %add3A_1327 = vector.broadcast %get3A_1323 : vector<256x1xf32> to vector<256x1024xf32>
    %add3A_1328 = arith.addf %add3A_1326, %add3A_1327 : vector<256x1024xf32>
    %add3A_1329 = arith.addf %add3A_1328, %dot_general3A_1325 : vector<256x1024xf32>
    %slice3A_1330 = vector.extract_strided_slice %add3A_1329 {offsets = [0, 0], sizes = [128, 1024], strides = [1, 1]} : vector<256x1024xf32> to vector<128x1024xf32>
    %slice3A_1331 = vector.extract_strided_slice %add3A_1329 {offsets = [128, 0], sizes = [128, 1024], strides = [1, 1]} : vector<256x1024xf32> to vector<128x1024xf32>
    %lt3A_1332 = arith.cmpf olt, %slice3A_1331, %slice3A_1330 : vector<128x1024xf32>
    %min3A_1333 = arith.minimumf %slice3A_1330, %slice3A_1331 : vector<128x1024xf32>
    %jit3A_1334 = arith.constant 45 : i32
    %jit3A_1335 = arith.constant 44 : i32
    %broadcast_in_dim3A_1336 = vector.broadcast %jit3A_1334 : i32 to vector<128x1024xi32>
    %broadcast_in_dim3A_1337 = vector.broadcast %jit3A_1335 : i32 to vector<128x1024xi32>
    %select_n3A_1338 = arith.select %lt3A_1332, %broadcast_in_dim3A_1336, %broadcast_in_dim3A_1337 : vector<128x1024xi1>, vector<128x1024xi32>
    %lt3A_1339 = arith.cmpf olt, %min3A_1333, %min3A_1316 : vector<128x1024xf32>
    %min3A_1340 = arith.minimumf %min3A_1316, %min3A_1333 : vector<128x1024xf32>
    %select_n3A_1341 = arith.select %lt3A_1339, %select_n3A_1338, %select_n3A_1317 : vector<128x1024xi1>, vector<128x1024xi32>
    %get3A_1342 = arith.constant 5888 : index
    %get3A_1343 = arith.constant 0 : index
    %get3A_1344 = vector.load %arg3[%get3A_1342, %get3A_1343] : memref<8192x128xf32, #tpu.memory_space<vmem>>, vector<256x128xf32>
    %get3A_1345 = arith.constant 5888 : index
    %get3A_1346 = arith.constant 0 : index
    %get3A_1347 = vector.load %arg4[%get3A_1345, %get3A_1346] : memref<8192x1xf32, #tpu.memory_space<vmem>>, vector<256x1xf32>
    %dot_general3A_1348 = arith.constant dense<0.000000e+00> : vector<256x1024xf32>
    %dot_general3A_1349 = tpu.matmul %get3A_1344, %get3A_787, %dot_general3A_1348 {dimension_numbers = #tpu.dot_dimension_numbers<[1], [0], [0], [1], [0, 0, 1, 1], [], []>, transpose_lhs_hint = false} : vector<256x128xf32>, vector<128x1024xf32>, vector<256x1024xf32> -> vector<256x1024xf32>
    %add3A_1350 = vector.broadcast %get3A_792 : vector<1x1024xf32> to vector<256x1024xf32>
    %add3A_1351 = vector.broadcast %get3A_1347 : vector<256x1xf32> to vector<256x1024xf32>
    %add3A_1352 = arith.addf %add3A_1350, %add3A_1351 : vector<256x1024xf32>
    %add3A_1353 = arith.addf %add3A_1352, %dot_general3A_1349 : vector<256x1024xf32>
    %slice3A_1354 = vector.extract_strided_slice %add3A_1353 {offsets = [0, 0], sizes = [128, 1024], strides = [1, 1]} : vector<256x1024xf32> to vector<128x1024xf32>
    %slice3A_1355 = vector.extract_strided_slice %add3A_1353 {offsets = [128, 0], sizes = [128, 1024], strides = [1, 1]} : vector<256x1024xf32> to vector<128x1024xf32>
    %lt3A_1356 = arith.cmpf olt, %slice3A_1355, %slice3A_1354 : vector<128x1024xf32>
    %min3A_1357 = arith.minimumf %slice3A_1354, %slice3A_1355 : vector<128x1024xf32>
    %jit3A_1358 = arith.constant 47 : i32
    %jit3A_1359 = arith.constant 46 : i32
    %broadcast_in_dim3A_1360 = vector.broadcast %jit3A_1358 : i32 to vector<128x1024xi32>
    %broadcast_in_dim3A_1361 = vector.broadcast %jit3A_1359 : i32 to vector<128x1024xi32>
    %select_n3A_1362 = arith.select %lt3A_1356, %broadcast_in_dim3A_1360, %broadcast_in_dim3A_1361 : vector<128x1024xi1>, vector<128x1024xi32>
    %lt3A_1363 = arith.cmpf olt, %min3A_1357, %min3A_1340 : vector<128x1024xf32>
    %min3A_1364 = arith.minimumf %min3A_1340, %min3A_1357 : vector<128x1024xf32>
    %select_n3A_1365 = arith.select %lt3A_1363, %select_n3A_1362, %select_n3A_1341 : vector<128x1024xi1>, vector<128x1024xi32>
    %get3A_1366 = arith.constant 6144 : index
    %get3A_1367 = arith.constant 0 : index
    %get3A_1368 = vector.load %arg3[%get3A_1366, %get3A_1367] : memref<8192x128xf32, #tpu.memory_space<vmem>>, vector<256x128xf32>
    %get3A_1369 = arith.constant 6144 : index
    %get3A_1370 = arith.constant 0 : index
    %get3A_1371 = vector.load %arg4[%get3A_1369, %get3A_1370] : memref<8192x1xf32, #tpu.memory_space<vmem>>, vector<256x1xf32>
    %dot_general3A_1372 = arith.constant dense<0.000000e+00> : vector<256x1024xf32>
    %dot_general3A_1373 = tpu.matmul %get3A_1368, %get3A_787, %dot_general3A_1372 {dimension_numbers = #tpu.dot_dimension_numbers<[1], [0], [0], [1], [0, 0, 1, 1], [], []>, transpose_lhs_hint = false} : vector<256x128xf32>, vector<128x1024xf32>, vector<256x1024xf32> -> vector<256x1024xf32>
    %add3A_1374 = vector.broadcast %get3A_792 : vector<1x1024xf32> to vector<256x1024xf32>
    %add3A_1375 = vector.broadcast %get3A_1371 : vector<256x1xf32> to vector<256x1024xf32>
    %add3A_1376 = arith.addf %add3A_1374, %add3A_1375 : vector<256x1024xf32>
    %add3A_1377 = arith.addf %add3A_1376, %dot_general3A_1373 : vector<256x1024xf32>
    %slice3A_1378 = vector.extract_strided_slice %add3A_1377 {offsets = [0, 0], sizes = [128, 1024], strides = [1, 1]} : vector<256x1024xf32> to vector<128x1024xf32>
    %slice3A_1379 = vector.extract_strided_slice %add3A_1377 {offsets = [128, 0], sizes = [128, 1024], strides = [1, 1]} : vector<256x1024xf32> to vector<128x1024xf32>
    %lt3A_1380 = arith.cmpf olt, %slice3A_1379, %slice3A_1378 : vector<128x1024xf32>
    %min3A_1381 = arith.minimumf %slice3A_1378, %slice3A_1379 : vector<128x1024xf32>
    %jit3A_1382 = arith.constant 49 : i32
    %jit3A_1383 = arith.constant 48 : i32
    %broadcast_in_dim3A_1384 = vector.broadcast %jit3A_1382 : i32 to vector<128x1024xi32>
    %broadcast_in_dim3A_1385 = vector.broadcast %jit3A_1383 : i32 to vector<128x1024xi32>
    %select_n3A_1386 = arith.select %lt3A_1380, %broadcast_in_dim3A_1384, %broadcast_in_dim3A_1385 : vector<128x1024xi1>, vector<128x1024xi32>
    %lt3A_1387 = arith.cmpf olt, %min3A_1381, %min3A_1364 : vector<128x1024xf32>
    %min3A_1388 = arith.minimumf %min3A_1364, %min3A_1381 : vector<128x1024xf32>
    %select_n3A_1389 = arith.select %lt3A_1387, %select_n3A_1386, %select_n3A_1365 : vector<128x1024xi1>, vector<128x1024xi32>
    %get3A_1390 = arith.constant 6400 : index
    %get3A_1391 = arith.constant 0 : index
    %get3A_1392 = vector.load %arg3[%get3A_1390, %get3A_1391] : memref<8192x128xf32, #tpu.memory_space<vmem>>, vector<256x128xf32>
    %get3A_1393 = arith.constant 6400 : index
    %get3A_1394 = arith.constant 0 : index
    %get3A_1395 = vector.load %arg4[%get3A_1393, %get3A_1394] : memref<8192x1xf32, #tpu.memory_space<vmem>>, vector<256x1xf32>
    %dot_general3A_1396 = arith.constant dense<0.000000e+00> : vector<256x1024xf32>
    %dot_general3A_1397 = tpu.matmul %get3A_1392, %get3A_787, %dot_general3A_1396 {dimension_numbers = #tpu.dot_dimension_numbers<[1], [0], [0], [1], [0, 0, 1, 1], [], []>, transpose_lhs_hint = false} : vector<256x128xf32>, vector<128x1024xf32>, vector<256x1024xf32> -> vector<256x1024xf32>
    %add3A_1398 = vector.broadcast %get3A_792 : vector<1x1024xf32> to vector<256x1024xf32>
    %add3A_1399 = vector.broadcast %get3A_1395 : vector<256x1xf32> to vector<256x1024xf32>
    %add3A_1400 = arith.addf %add3A_1398, %add3A_1399 : vector<256x1024xf32>
    %add3A_1401 = arith.addf %add3A_1400, %dot_general3A_1397 : vector<256x1024xf32>
    %slice3A_1402 = vector.extract_strided_slice %add3A_1401 {offsets = [0, 0], sizes = [128, 1024], strides = [1, 1]} : vector<256x1024xf32> to vector<128x1024xf32>
    %slice3A_1403 = vector.extract_strided_slice %add3A_1401 {offsets = [128, 0], sizes = [128, 1024], strides = [1, 1]} : vector<256x1024xf32> to vector<128x1024xf32>
    %lt3A_1404 = arith.cmpf olt, %slice3A_1403, %slice3A_1402 : vector<128x1024xf32>
    %min3A_1405 = arith.minimumf %slice3A_1402, %slice3A_1403 : vector<128x1024xf32>
    %jit3A_1406 = arith.constant 51 : i32
    %jit3A_1407 = arith.constant 50 : i32
    %broadcast_in_dim3A_1408 = vector.broadcast %jit3A_1406 : i32 to vector<128x1024xi32>
    %broadcast_in_dim3A_1409 = vector.broadcast %jit3A_1407 : i32 to vector<128x1024xi32>
    %select_n3A_1410 = arith.select %lt3A_1404, %broadcast_in_dim3A_1408, %broadcast_in_dim3A_1409 : vector<128x1024xi1>, vector<128x1024xi32>
    %lt3A_1411 = arith.cmpf olt, %min3A_1405, %min3A_1388 : vector<128x1024xf32>
    %min3A_1412 = arith.minimumf %min3A_1388, %min3A_1405 : vector<128x1024xf32>
    %select_n3A_1413 = arith.select %lt3A_1411, %select_n3A_1410, %select_n3A_1389 : vector<128x1024xi1>, vector<128x1024xi32>
    %get3A_1414 = arith.constant 6656 : index
    %get3A_1415 = arith.constant 0 : index
    %get3A_1416 = vector.load %arg3[%get3A_1414, %get3A_1415] : memref<8192x128xf32, #tpu.memory_space<vmem>>, vector<256x128xf32>
    %get3A_1417 = arith.constant 6656 : index
    %get3A_1418 = arith.constant 0 : index
    %get3A_1419 = vector.load %arg4[%get3A_1417, %get3A_1418] : memref<8192x1xf32, #tpu.memory_space<vmem>>, vector<256x1xf32>
    %dot_general3A_1420 = arith.constant dense<0.000000e+00> : vector<256x1024xf32>
    %dot_general3A_1421 = tpu.matmul %get3A_1416, %get3A_787, %dot_general3A_1420 {dimension_numbers = #tpu.dot_dimension_numbers<[1], [0], [0], [1], [0, 0, 1, 1], [], []>, transpose_lhs_hint = false} : vector<256x128xf32>, vector<128x1024xf32>, vector<256x1024xf32> -> vector<256x1024xf32>
    %add3A_1422 = vector.broadcast %get3A_792 : vector<1x1024xf32> to vector<256x1024xf32>
    %add3A_1423 = vector.broadcast %get3A_1419 : vector<256x1xf32> to vector<256x1024xf32>
    %add3A_1424 = arith.addf %add3A_1422, %add3A_1423 : vector<256x1024xf32>
    %add3A_1425 = arith.addf %add3A_1424, %dot_general3A_1421 : vector<256x1024xf32>
    %slice3A_1426 = vector.extract_strided_slice %add3A_1425 {offsets = [0, 0], sizes = [128, 1024], strides = [1, 1]} : vector<256x1024xf32> to vector<128x1024xf32>
    %slice3A_1427 = vector.extract_strided_slice %add3A_1425 {offsets = [128, 0], sizes = [128, 1024], strides = [1, 1]} : vector<256x1024xf32> to vector<128x1024xf32>
    %lt3A_1428 = arith.cmpf olt, %slice3A_1427, %slice3A_1426 : vector<128x1024xf32>
    %min3A_1429 = arith.minimumf %slice3A_1426, %slice3A_1427 : vector<128x1024xf32>
    %jit3A_1430 = arith.constant 53 : i32
    %jit3A_1431 = arith.constant 52 : i32
    %broadcast_in_dim3A_1432 = vector.broadcast %jit3A_1430 : i32 to vector<128x1024xi32>
    %broadcast_in_dim3A_1433 = vector.broadcast %jit3A_1431 : i32 to vector<128x1024xi32>
    %select_n3A_1434 = arith.select %lt3A_1428, %broadcast_in_dim3A_1432, %broadcast_in_dim3A_1433 : vector<128x1024xi1>, vector<128x1024xi32>
    %lt3A_1435 = arith.cmpf olt, %min3A_1429, %min3A_1412 : vector<128x1024xf32>
    %min3A_1436 = arith.minimumf %min3A_1412, %min3A_1429 : vector<128x1024xf32>
    %select_n3A_1437 = arith.select %lt3A_1435, %select_n3A_1434, %select_n3A_1413 : vector<128x1024xi1>, vector<128x1024xi32>
    %get3A_1438 = arith.constant 6912 : index
    %get3A_1439 = arith.constant 0 : index
    %get3A_1440 = vector.load %arg3[%get3A_1438, %get3A_1439] : memref<8192x128xf32, #tpu.memory_space<vmem>>, vector<256x128xf32>
    %get3A_1441 = arith.constant 6912 : index
    %get3A_1442 = arith.constant 0 : index
    %get3A_1443 = vector.load %arg4[%get3A_1441, %get3A_1442] : memref<8192x1xf32, #tpu.memory_space<vmem>>, vector<256x1xf32>
    %dot_general3A_1444 = arith.constant dense<0.000000e+00> : vector<256x1024xf32>
    %dot_general3A_1445 = tpu.matmul %get3A_1440, %get3A_787, %dot_general3A_1444 {dimension_numbers = #tpu.dot_dimension_numbers<[1], [0], [0], [1], [0, 0, 1, 1], [], []>, transpose_lhs_hint = false} : vector<256x128xf32>, vector<128x1024xf32>, vector<256x1024xf32> -> vector<256x1024xf32>
    %add3A_1446 = vector.broadcast %get3A_792 : vector<1x1024xf32> to vector<256x1024xf32>
    %add3A_1447 = vector.broadcast %get3A_1443 : vector<256x1xf32> to vector<256x1024xf32>
    %add3A_1448 = arith.addf %add3A_1446, %add3A_1447 : vector<256x1024xf32>
    %add3A_1449 = arith.addf %add3A_1448, %dot_general3A_1445 : vector<256x1024xf32>
    %slice3A_1450 = vector.extract_strided_slice %add3A_1449 {offsets = [0, 0], sizes = [128, 1024], strides = [1, 1]} : vector<256x1024xf32> to vector<128x1024xf32>
    %slice3A_1451 = vector.extract_strided_slice %add3A_1449 {offsets = [128, 0], sizes = [128, 1024], strides = [1, 1]} : vector<256x1024xf32> to vector<128x1024xf32>
    %lt3A_1452 = arith.cmpf olt, %slice3A_1451, %slice3A_1450 : vector<128x1024xf32>
    %min3A_1453 = arith.minimumf %slice3A_1450, %slice3A_1451 : vector<128x1024xf32>
    %jit3A_1454 = arith.constant 55 : i32
    %jit3A_1455 = arith.constant 54 : i32
    %broadcast_in_dim3A_1456 = vector.broadcast %jit3A_1454 : i32 to vector<128x1024xi32>
    %broadcast_in_dim3A_1457 = vector.broadcast %jit3A_1455 : i32 to vector<128x1024xi32>
    %select_n3A_1458 = arith.select %lt3A_1452, %broadcast_in_dim3A_1456, %broadcast_in_dim3A_1457 : vector<128x1024xi1>, vector<128x1024xi32>
    %lt3A_1459 = arith.cmpf olt, %min3A_1453, %min3A_1436 : vector<128x1024xf32>
    %min3A_1460 = arith.minimumf %min3A_1436, %min3A_1453 : vector<128x1024xf32>
    %select_n3A_1461 = arith.select %lt3A_1459, %select_n3A_1458, %select_n3A_1437 : vector<128x1024xi1>, vector<128x1024xi32>
    %get3A_1462 = arith.constant 7168 : index
    %get3A_1463 = arith.constant 0 : index
    %get3A_1464 = vector.load %arg3[%get3A_1462, %get3A_1463] : memref<8192x128xf32, #tpu.memory_space<vmem>>, vector<256x128xf32>
    %get3A_1465 = arith.constant 7168 : index
    %get3A_1466 = arith.constant 0 : index
    %get3A_1467 = vector.load %arg4[%get3A_1465, %get3A_1466] : memref<8192x1xf32, #tpu.memory_space<vmem>>, vector<256x1xf32>
    %dot_general3A_1468 = arith.constant dense<0.000000e+00> : vector<256x1024xf32>
    %dot_general3A_1469 = tpu.matmul %get3A_1464, %get3A_787, %dot_general3A_1468 {dimension_numbers = #tpu.dot_dimension_numbers<[1], [0], [0], [1], [0, 0, 1, 1], [], []>, transpose_lhs_hint = false} : vector<256x128xf32>, vector<128x1024xf32>, vector<256x1024xf32> -> vector<256x1024xf32>
    %add3A_1470 = vector.broadcast %get3A_792 : vector<1x1024xf32> to vector<256x1024xf32>
    %add3A_1471 = vector.broadcast %get3A_1467 : vector<256x1xf32> to vector<256x1024xf32>
    %add3A_1472 = arith.addf %add3A_1470, %add3A_1471 : vector<256x1024xf32>
    %add3A_1473 = arith.addf %add3A_1472, %dot_general3A_1469 : vector<256x1024xf32>
    %slice3A_1474 = vector.extract_strided_slice %add3A_1473 {offsets = [0, 0], sizes = [128, 1024], strides = [1, 1]} : vector<256x1024xf32> to vector<128x1024xf32>
    %slice3A_1475 = vector.extract_strided_slice %add3A_1473 {offsets = [128, 0], sizes = [128, 1024], strides = [1, 1]} : vector<256x1024xf32> to vector<128x1024xf32>
    %lt3A_1476 = arith.cmpf olt, %slice3A_1475, %slice3A_1474 : vector<128x1024xf32>
    %min3A_1477 = arith.minimumf %slice3A_1474, %slice3A_1475 : vector<128x1024xf32>
    %jit3A_1478 = arith.constant 57 : i32
    %jit3A_1479 = arith.constant 56 : i32
    %broadcast_in_dim3A_1480 = vector.broadcast %jit3A_1478 : i32 to vector<128x1024xi32>
    %broadcast_in_dim3A_1481 = vector.broadcast %jit3A_1479 : i32 to vector<128x1024xi32>
    %select_n3A_1482 = arith.select %lt3A_1476, %broadcast_in_dim3A_1480, %broadcast_in_dim3A_1481 : vector<128x1024xi1>, vector<128x1024xi32>
    %lt3A_1483 = arith.cmpf olt, %min3A_1477, %min3A_1460 : vector<128x1024xf32>
    %min3A_1484 = arith.minimumf %min3A_1460, %min3A_1477 : vector<128x1024xf32>
    %select_n3A_1485 = arith.select %lt3A_1483, %select_n3A_1482, %select_n3A_1461 : vector<128x1024xi1>, vector<128x1024xi32>
    %get3A_1486 = arith.constant 7424 : index
    %get3A_1487 = arith.constant 0 : index
    %get3A_1488 = vector.load %arg3[%get3A_1486, %get3A_1487] : memref<8192x128xf32, #tpu.memory_space<vmem>>, vector<256x128xf32>
    %get3A_1489 = arith.constant 7424 : index
    %get3A_1490 = arith.constant 0 : index
    %get3A_1491 = vector.load %arg4[%get3A_1489, %get3A_1490] : memref<8192x1xf32, #tpu.memory_space<vmem>>, vector<256x1xf32>
    %dot_general3A_1492 = arith.constant dense<0.000000e+00> : vector<256x1024xf32>
    %dot_general3A_1493 = tpu.matmul %get3A_1488, %get3A_787, %dot_general3A_1492 {dimension_numbers = #tpu.dot_dimension_numbers<[1], [0], [0], [1], [0, 0, 1, 1], [], []>, transpose_lhs_hint = false} : vector<256x128xf32>, vector<128x1024xf32>, vector<256x1024xf32> -> vector<256x1024xf32>
    %add3A_1494 = vector.broadcast %get3A_792 : vector<1x1024xf32> to vector<256x1024xf32>
    %add3A_1495 = vector.broadcast %get3A_1491 : vector<256x1xf32> to vector<256x1024xf32>
    %add3A_1496 = arith.addf %add3A_1494, %add3A_1495 : vector<256x1024xf32>
    %add3A_1497 = arith.addf %add3A_1496, %dot_general3A_1493 : vector<256x1024xf32>
    %slice3A_1498 = vector.extract_strided_slice %add3A_1497 {offsets = [0, 0], sizes = [128, 1024], strides = [1, 1]} : vector<256x1024xf32> to vector<128x1024xf32>
    %slice3A_1499 = vector.extract_strided_slice %add3A_1497 {offsets = [128, 0], sizes = [128, 1024], strides = [1, 1]} : vector<256x1024xf32> to vector<128x1024xf32>
    %lt3A_1500 = arith.cmpf olt, %slice3A_1499, %slice3A_1498 : vector<128x1024xf32>
    %min3A_1501 = arith.minimumf %slice3A_1498, %slice3A_1499 : vector<128x1024xf32>
    %jit3A_1502 = arith.constant 59 : i32
    %jit3A_1503 = arith.constant 58 : i32
    %broadcast_in_dim3A_1504 = vector.broadcast %jit3A_1502 : i32 to vector<128x1024xi32>
    %broadcast_in_dim3A_1505 = vector.broadcast %jit3A_1503 : i32 to vector<128x1024xi32>
    %select_n3A_1506 = arith.select %lt3A_1500, %broadcast_in_dim3A_1504, %broadcast_in_dim3A_1505 : vector<128x1024xi1>, vector<128x1024xi32>
    %lt3A_1507 = arith.cmpf olt, %min3A_1501, %min3A_1484 : vector<128x1024xf32>
    %min3A_1508 = arith.minimumf %min3A_1484, %min3A_1501 : vector<128x1024xf32>
    %select_n3A_1509 = arith.select %lt3A_1507, %select_n3A_1506, %select_n3A_1485 : vector<128x1024xi1>, vector<128x1024xi32>
    %get3A_1510 = arith.constant 7680 : index
    %get3A_1511 = arith.constant 0 : index
    %get3A_1512 = vector.load %arg3[%get3A_1510, %get3A_1511] : memref<8192x128xf32, #tpu.memory_space<vmem>>, vector<256x128xf32>
    %get3A_1513 = arith.constant 7680 : index
    %get3A_1514 = arith.constant 0 : index
    %get3A_1515 = vector.load %arg4[%get3A_1513, %get3A_1514] : memref<8192x1xf32, #tpu.memory_space<vmem>>, vector<256x1xf32>
    %dot_general3A_1516 = arith.constant dense<0.000000e+00> : vector<256x1024xf32>
    %dot_general3A_1517 = tpu.matmul %get3A_1512, %get3A_787, %dot_general3A_1516 {dimension_numbers = #tpu.dot_dimension_numbers<[1], [0], [0], [1], [0, 0, 1, 1], [], []>, transpose_lhs_hint = false} : vector<256x128xf32>, vector<128x1024xf32>, vector<256x1024xf32> -> vector<256x1024xf32>
    %add3A_1518 = vector.broadcast %get3A_792 : vector<1x1024xf32> to vector<256x1024xf32>
    %add3A_1519 = vector.broadcast %get3A_1515 : vector<256x1xf32> to vector<256x1024xf32>
    %add3A_1520 = arith.addf %add3A_1518, %add3A_1519 : vector<256x1024xf32>
    %add3A_1521 = arith.addf %add3A_1520, %dot_general3A_1517 : vector<256x1024xf32>
    %slice3A_1522 = vector.extract_strided_slice %add3A_1521 {offsets = [0, 0], sizes = [128, 1024], strides = [1, 1]} : vector<256x1024xf32> to vector<128x1024xf32>
    %slice3A_1523 = vector.extract_strided_slice %add3A_1521 {offsets = [128, 0], sizes = [128, 1024], strides = [1, 1]} : vector<256x1024xf32> to vector<128x1024xf32>
    %lt3A_1524 = arith.cmpf olt, %slice3A_1523, %slice3A_1522 : vector<128x1024xf32>
    %min3A_1525 = arith.minimumf %slice3A_1522, %slice3A_1523 : vector<128x1024xf32>
    %jit3A_1526 = arith.constant 61 : i32
    %jit3A_1527 = arith.constant 60 : i32
    %broadcast_in_dim3A_1528 = vector.broadcast %jit3A_1526 : i32 to vector<128x1024xi32>
    %broadcast_in_dim3A_1529 = vector.broadcast %jit3A_1527 : i32 to vector<128x1024xi32>
    %select_n3A_1530 = arith.select %lt3A_1524, %broadcast_in_dim3A_1528, %broadcast_in_dim3A_1529 : vector<128x1024xi1>, vector<128x1024xi32>
    %lt3A_1531 = arith.cmpf olt, %min3A_1525, %min3A_1508 : vector<128x1024xf32>
    %min3A_1532 = arith.minimumf %min3A_1508, %min3A_1525 : vector<128x1024xf32>
    %select_n3A_1533 = arith.select %lt3A_1531, %select_n3A_1530, %select_n3A_1509 : vector<128x1024xi1>, vector<128x1024xi32>
    %get3A_1534 = arith.constant 7936 : index
    %get3A_1535 = arith.constant 0 : index
    %get3A_1536 = vector.load %arg3[%get3A_1534, %get3A_1535] : memref<8192x128xf32, #tpu.memory_space<vmem>>, vector<256x128xf32>
    %get3A_1537 = arith.constant 7936 : index
    %get3A_1538 = arith.constant 0 : index
    %get3A_1539 = vector.load %arg4[%get3A_1537, %get3A_1538] : memref<8192x1xf32, #tpu.memory_space<vmem>>, vector<256x1xf32>
    %dot_general3A_1540 = arith.constant dense<0.000000e+00> : vector<256x1024xf32>
    %dot_general3A_1541 = tpu.matmul %get3A_1536, %get3A_787, %dot_general3A_1540 {dimension_numbers = #tpu.dot_dimension_numbers<[1], [0], [0], [1], [0, 0, 1, 1], [], []>, transpose_lhs_hint = false} : vector<256x128xf32>, vector<128x1024xf32>, vector<256x1024xf32> -> vector<256x1024xf32>
    %add3A_1542 = vector.broadcast %get3A_792 : vector<1x1024xf32> to vector<256x1024xf32>
    %add3A_1543 = vector.broadcast %get3A_1539 : vector<256x1xf32> to vector<256x1024xf32>
    %add3A_1544 = arith.addf %add3A_1542, %add3A_1543 : vector<256x1024xf32>
    %add3A_1545 = arith.addf %add3A_1544, %dot_general3A_1541 : vector<256x1024xf32>
    %slice3A_1546 = vector.extract_strided_slice %add3A_1545 {offsets = [0, 0], sizes = [128, 1024], strides = [1, 1]} : vector<256x1024xf32> to vector<128x1024xf32>
    %slice3A_1547 = vector.extract_strided_slice %add3A_1545 {offsets = [128, 0], sizes = [128, 1024], strides = [1, 1]} : vector<256x1024xf32> to vector<128x1024xf32>
    %lt3A_1548 = arith.cmpf olt, %slice3A_1547, %slice3A_1546 : vector<128x1024xf32>
    %min3A_1549 = arith.minimumf %slice3A_1546, %slice3A_1547 : vector<128x1024xf32>
    %jit3A_1550 = arith.constant 63 : i32
    %jit3A_1551 = arith.constant 62 : i32
    %broadcast_in_dim3A_1552 = vector.broadcast %jit3A_1550 : i32 to vector<128x1024xi32>
    %broadcast_in_dim3A_1553 = vector.broadcast %jit3A_1551 : i32 to vector<128x1024xi32>
    %select_n3A_1554 = arith.select %lt3A_1548, %broadcast_in_dim3A_1552, %broadcast_in_dim3A_1553 : vector<128x1024xi1>, vector<128x1024xi32>
    %lt3A_1555 = arith.cmpf olt, %min3A_1549, %min3A_1532 : vector<128x1024xf32>
    %min3A_1556 = arith.minimumf %min3A_1532, %min3A_1549 : vector<128x1024xf32>
    %select_n3A_1557 = arith.select %lt3A_1555, %select_n3A_1554, %select_n3A_1533 : vector<128x1024xi1>, vector<128x1024xi32>
    %mul3A_1558 = arith.constant 128 : i32
    %mul3A_1559 = vector.broadcast %mul3A_1558 : i32 to vector<128x1024xi32>
    %mul3A_1560 = arith.muli %select_n3A_1557, %mul3A_1559 : vector<128x1024xi32>
    %add3A_1561 = arith.addi %mul3A_1560, %iota3A : vector<128x1024xi32>
    %reduce_min3A_1562 = arith.constant dense<0x7F800000> : vector<1024xf32>
    %reduce_min3A_1563 = vector.multi_reduction <minimumf>, %min3A_1556, %reduce_min3A_1562 [0] : vector<128x1024xf32> to vector<1024xf32>
    %broadcast_in_dim3A_1564 = vector.shape_cast %reduce_min3A_1563 : vector<1024xf32> to vector<1x1024xf32>
    %eq3A_1565 = vector.broadcast %broadcast_in_dim3A_1564 : vector<1x1024xf32> to vector<128x1024xf32>
    %eq3A_1566 = arith.cmpf oeq, %min3A_1556, %eq3A_1565 : vector<128x1024xf32>
    %jit3A_1567 = arith.constant 1073741824 : i32
    %broadcast_in_dim3A_1568 = vector.broadcast %jit3A_1567 : i32 to vector<128x1024xi32>
    %select_n3A_1569 = arith.select %eq3A_1566, %add3A_1561, %broadcast_in_dim3A_1568 : vector<128x1024xi1>, vector<128x1024xi32>
    %reduce_min3A_1570 = arith.constant dense<2147483647> : vector<1024xi32>
    %reduce_min3A_1571 = vector.multi_reduction <minsi>, %select_n3A_1569, %reduce_min3A_1570 [0] : vector<128x1024xi32> to vector<1024xi32>
    %broadcast_in_dim3A_1572 = vector.shape_cast %reduce_min3A_1571 : vector<1024xi32> to vector<1x1024xi32>
    %swap3A_1573 = arith.constant 1 : index
    %swap3A_1574 = arith.constant 0 : index
    %swap3A_1575 = arith.constant 0 : index
    %swap3A_1576 = vector.load %arg5[%swap3A_1573, %swap3A_1574, %swap3A_1575] : memref<4x1x1024xi32, #tpu.memory_space<vmem>>, vector<1x1x1024xi32>
    %swap3A_1577 = vector.shape_cast %swap3A_1576 : vector<1x1x1024xi32> to vector<1x1024xi32>
    %swap3A_1578 = vector.shape_cast %broadcast_in_dim3A_1572 : vector<1x1024xi32> to vector<1x1x1024xi32>
    tpu.vector_store %arg5[%swap3A_1573, %swap3A_1574, %swap3A_1575], %swap3A_1578 {strides = array<i32>} : memref<4x1x1024xi32, #tpu.memory_space<vmem>>, vector<1x1x1024xi32>,
    %get3A_1579 = arith.constant 2 : index
    %get3A_1580 = arith.constant 0 : index
    %get3A_1581 = arith.constant 0 : index
    %get3A_1582 = vector.load %arg1[%get3A_1579, %get3A_1580, %get3A_1581] : memref<4x128x1024xf32, #tpu.memory_space<vmem>>, vector<1x128x1024xf32>
    %get3A_1583 = vector.shape_cast %get3A_1582 : vector<1x128x1024xf32> to vector<128x1024xf32>
    %get3A_1584 = arith.constant 2 : index
    %get3A_1585 = arith.constant 0 : index
    %get3A_1586 = arith.constant 0 : index
    %get3A_1587 = vector.load %arg2[%get3A_1584, %get3A_1585, %get3A_1586] : memref<4x1x1024xf32, #tpu.memory_space<vmem>>, vector<1x1x1024xf32>
    %get3A_1588 = vector.shape_cast %get3A_1587 : vector<1x1x1024xf32> to vector<1x1024xf32>
    %get3A_1589 = arith.constant 0 : index
    %get3A_1590 = arith.constant 0 : index
    %get3A_1591 = vector.load %arg3[%get3A_1589, %get3A_1590] : memref<8192x128xf32, #tpu.memory_space<vmem>>, vector<256x128xf32>
    %get3A_1592 = arith.constant 0 : index
    %get3A_1593 = arith.constant 0 : index
    %get3A_1594 = vector.load %arg4[%get3A_1592, %get3A_1593] : memref<8192x1xf32, #tpu.memory_space<vmem>>, vector<256x1xf32>
    %dot_general3A_1595 = arith.constant dense<0.000000e+00> : vector<256x1024xf32>
    %dot_general3A_1596 = tpu.matmul %get3A_1591, %get3A_1583, %dot_general3A_1595 {dimension_numbers = #tpu.dot_dimension_numbers<[1], [0], [0], [1], [0, 0, 1, 1], [], []>, transpose_lhs_hint = false} : vector<256x128xf32>, vector<128x1024xf32>, vector<256x1024xf32> -> vector<256x1024xf32>
    %add3A_1597 = vector.broadcast %get3A_1588 : vector<1x1024xf32> to vector<256x1024xf32>
    %add3A_1598 = vector.broadcast %get3A_1594 : vector<256x1xf32> to vector<256x1024xf32>
    %add3A_1599 = arith.addf %add3A_1597, %add3A_1598 : vector<256x1024xf32>
    %add3A_1600 = arith.addf %add3A_1599, %dot_general3A_1596 : vector<256x1024xf32>
    %slice3A_1601 = vector.extract_strided_slice %add3A_1600 {offsets = [0, 0], sizes = [128, 1024], strides = [1, 1]} : vector<256x1024xf32> to vector<128x1024xf32>
    %slice3A_1602 = vector.extract_strided_slice %add3A_1600 {offsets = [128, 0], sizes = [128, 1024], strides = [1, 1]} : vector<256x1024xf32> to vector<128x1024xf32>
    %lt3A_1603 = arith.cmpf olt, %slice3A_1602, %slice3A_1601 : vector<128x1024xf32>
    %min3A_1604 = arith.minimumf %slice3A_1601, %slice3A_1602 : vector<128x1024xf32>
    %jit3A_1605 = arith.constant 1 : i32
    %jit3A_1606 = arith.constant 0 : i32
    %broadcast_in_dim3A_1607 = vector.broadcast %jit3A_1605 : i32 to vector<128x1024xi32>
    %broadcast_in_dim3A_1608 = vector.broadcast %jit3A_1606 : i32 to vector<128x1024xi32>
    %select_n3A_1609 = arith.select %lt3A_1603, %broadcast_in_dim3A_1607, %broadcast_in_dim3A_1608 : vector<128x1024xi1>, vector<128x1024xi32>
    %get3A_1610 = arith.constant 256 : index
    %get3A_1611 = arith.constant 0 : index
    %get3A_1612 = vector.load %arg3[%get3A_1610, %get3A_1611] : memref<8192x128xf32, #tpu.memory_space<vmem>>, vector<256x128xf32>
    %get3A_1613 = arith.constant 256 : index
    %get3A_1614 = arith.constant 0 : index
    %get3A_1615 = vector.load %arg4[%get3A_1613, %get3A_1614] : memref<8192x1xf32, #tpu.memory_space<vmem>>, vector<256x1xf32>
    %dot_general3A_1616 = arith.constant dense<0.000000e+00> : vector<256x1024xf32>
    %dot_general3A_1617 = tpu.matmul %get3A_1612, %get3A_1583, %dot_general3A_1616 {dimension_numbers = #tpu.dot_dimension_numbers<[1], [0], [0], [1], [0, 0, 1, 1], [], []>, transpose_lhs_hint = false} : vector<256x128xf32>, vector<128x1024xf32>, vector<256x1024xf32> -> vector<256x1024xf32>
    %add3A_1618 = vector.broadcast %get3A_1588 : vector<1x1024xf32> to vector<256x1024xf32>
    %add3A_1619 = vector.broadcast %get3A_1615 : vector<256x1xf32> to vector<256x1024xf32>
    %add3A_1620 = arith.addf %add3A_1618, %add3A_1619 : vector<256x1024xf32>
    %add3A_1621 = arith.addf %add3A_1620, %dot_general3A_1617 : vector<256x1024xf32>
    %slice3A_1622 = vector.extract_strided_slice %add3A_1621 {offsets = [0, 0], sizes = [128, 1024], strides = [1, 1]} : vector<256x1024xf32> to vector<128x1024xf32>
    %slice3A_1623 = vector.extract_strided_slice %add3A_1621 {offsets = [128, 0], sizes = [128, 1024], strides = [1, 1]} : vector<256x1024xf32> to vector<128x1024xf32>
    %lt3A_1624 = arith.cmpf olt, %slice3A_1623, %slice3A_1622 : vector<128x1024xf32>
    %min3A_1625 = arith.minimumf %slice3A_1622, %slice3A_1623 : vector<128x1024xf32>
    %jit3A_1626 = arith.constant 3 : i32
    %jit3A_1627 = arith.constant 2 : i32
    %broadcast_in_dim3A_1628 = vector.broadcast %jit3A_1626 : i32 to vector<128x1024xi32>
    %broadcast_in_dim3A_1629 = vector.broadcast %jit3A_1627 : i32 to vector<128x1024xi32>
    %select_n3A_1630 = arith.select %lt3A_1624, %broadcast_in_dim3A_1628, %broadcast_in_dim3A_1629 : vector<128x1024xi1>, vector<128x1024xi32>
    %lt3A_1631 = arith.cmpf olt, %min3A_1625, %min3A_1604 : vector<128x1024xf32>
    %min3A_1632 = arith.minimumf %min3A_1604, %min3A_1625 : vector<128x1024xf32>
    %select_n3A_1633 = arith.select %lt3A_1631, %select_n3A_1630, %select_n3A_1609 : vector<128x1024xi1>, vector<128x1024xi32>
    %get3A_1634 = arith.constant 512 : index
    %get3A_1635 = arith.constant 0 : index
    %get3A_1636 = vector.load %arg3[%get3A_1634, %get3A_1635] : memref<8192x128xf32, #tpu.memory_space<vmem>>, vector<256x128xf32>
    %get3A_1637 = arith.constant 512 : index
    %get3A_1638 = arith.constant 0 : index
    %get3A_1639 = vector.load %arg4[%get3A_1637, %get3A_1638] : memref<8192x1xf32, #tpu.memory_space<vmem>>, vector<256x1xf32>
    %dot_general3A_1640 = arith.constant dense<0.000000e+00> : vector<256x1024xf32>
    %dot_general3A_1641 = tpu.matmul %get3A_1636, %get3A_1583, %dot_general3A_1640 {dimension_numbers = #tpu.dot_dimension_numbers<[1], [0], [0], [1], [0, 0, 1, 1], [], []>, transpose_lhs_hint = false} : vector<256x128xf32>, vector<128x1024xf32>, vector<256x1024xf32> -> vector<256x1024xf32>
    %add3A_1642 = vector.broadcast %get3A_1588 : vector<1x1024xf32> to vector<256x1024xf32>
    %add3A_1643 = vector.broadcast %get3A_1639 : vector<256x1xf32> to vector<256x1024xf32>
    %add3A_1644 = arith.addf %add3A_1642, %add3A_1643 : vector<256x1024xf32>
    %add3A_1645 = arith.addf %add3A_1644, %dot_general3A_1641 : vector<256x1024xf32>
    %slice3A_1646 = vector.extract_strided_slice %add3A_1645 {offsets = [0, 0], sizes = [128, 1024], strides = [1, 1]} : vector<256x1024xf32> to vector<128x1024xf32>
    %slice3A_1647 = vector.extract_strided_slice %add3A_1645 {offsets = [128, 0], sizes = [128, 1024], strides = [1, 1]} : vector<256x1024xf32> to vector<128x1024xf32>
    %lt3A_1648 = arith.cmpf olt, %slice3A_1647, %slice3A_1646 : vector<128x1024xf32>
    %min3A_1649 = arith.minimumf %slice3A_1646, %slice3A_1647 : vector<128x1024xf32>
    %jit3A_1650 = arith.constant 5 : i32
    %jit3A_1651 = arith.constant 4 : i32
    %broadcast_in_dim3A_1652 = vector.broadcast %jit3A_1650 : i32 to vector<128x1024xi32>
    %broadcast_in_dim3A_1653 = vector.broadcast %jit3A_1651 : i32 to vector<128x1024xi32>
    %select_n3A_1654 = arith.select %lt3A_1648, %broadcast_in_dim3A_1652, %broadcast_in_dim3A_1653 : vector<128x1024xi1>, vector<128x1024xi32>
    %lt3A_1655 = arith.cmpf olt, %min3A_1649, %min3A_1632 : vector<128x1024xf32>
    %min3A_1656 = arith.minimumf %min3A_1632, %min3A_1649 : vector<128x1024xf32>
    %select_n3A_1657 = arith.select %lt3A_1655, %select_n3A_1654, %select_n3A_1633 : vector<128x1024xi1>, vector<128x1024xi32>
    %get3A_1658 = arith.constant 768 : index
    %get3A_1659 = arith.constant 0 : index
    %get3A_1660 = vector.load %arg3[%get3A_1658, %get3A_1659] : memref<8192x128xf32, #tpu.memory_space<vmem>>, vector<256x128xf32>
    %get3A_1661 = arith.constant 768 : index
    %get3A_1662 = arith.constant 0 : index
    %get3A_1663 = vector.load %arg4[%get3A_1661, %get3A_1662] : memref<8192x1xf32, #tpu.memory_space<vmem>>, vector<256x1xf32>
    %dot_general3A_1664 = arith.constant dense<0.000000e+00> : vector<256x1024xf32>
    %dot_general3A_1665 = tpu.matmul %get3A_1660, %get3A_1583, %dot_general3A_1664 {dimension_numbers = #tpu.dot_dimension_numbers<[1], [0], [0], [1], [0, 0, 1, 1], [], []>, transpose_lhs_hint = false} : vector<256x128xf32>, vector<128x1024xf32>, vector<256x1024xf32> -> vector<256x1024xf32>
    %add3A_1666 = vector.broadcast %get3A_1588 : vector<1x1024xf32> to vector<256x1024xf32>
    %add3A_1667 = vector.broadcast %get3A_1663 : vector<256x1xf32> to vector<256x1024xf32>
    %add3A_1668 = arith.addf %add3A_1666, %add3A_1667 : vector<256x1024xf32>
    %add3A_1669 = arith.addf %add3A_1668, %dot_general3A_1665 : vector<256x1024xf32>
    %slice3A_1670 = vector.extract_strided_slice %add3A_1669 {offsets = [0, 0], sizes = [128, 1024], strides = [1, 1]} : vector<256x1024xf32> to vector<128x1024xf32>
    %slice3A_1671 = vector.extract_strided_slice %add3A_1669 {offsets = [128, 0], sizes = [128, 1024], strides = [1, 1]} : vector<256x1024xf32> to vector<128x1024xf32>
    %lt3A_1672 = arith.cmpf olt, %slice3A_1671, %slice3A_1670 : vector<128x1024xf32>
    %min3A_1673 = arith.minimumf %slice3A_1670, %slice3A_1671 : vector<128x1024xf32>
    %jit3A_1674 = arith.constant 7 : i32
    %jit3A_1675 = arith.constant 6 : i32
    %broadcast_in_dim3A_1676 = vector.broadcast %jit3A_1674 : i32 to vector<128x1024xi32>
    %broadcast_in_dim3A_1677 = vector.broadcast %jit3A_1675 : i32 to vector<128x1024xi32>
    %select_n3A_1678 = arith.select %lt3A_1672, %broadcast_in_dim3A_1676, %broadcast_in_dim3A_1677 : vector<128x1024xi1>, vector<128x1024xi32>
    %lt3A_1679 = arith.cmpf olt, %min3A_1673, %min3A_1656 : vector<128x1024xf32>
    %min3A_1680 = arith.minimumf %min3A_1656, %min3A_1673 : vector<128x1024xf32>
    %select_n3A_1681 = arith.select %lt3A_1679, %select_n3A_1678, %select_n3A_1657 : vector<128x1024xi1>, vector<128x1024xi32>
    %get3A_1682 = arith.constant 1024 : index
    %get3A_1683 = arith.constant 0 : index
    %get3A_1684 = vector.load %arg3[%get3A_1682, %get3A_1683] : memref<8192x128xf32, #tpu.memory_space<vmem>>, vector<256x128xf32>
    %get3A_1685 = arith.constant 1024 : index
    %get3A_1686 = arith.constant 0 : index
    %get3A_1687 = vector.load %arg4[%get3A_1685, %get3A_1686] : memref<8192x1xf32, #tpu.memory_space<vmem>>, vector<256x1xf32>
    %dot_general3A_1688 = arith.constant dense<0.000000e+00> : vector<256x1024xf32>
    %dot_general3A_1689 = tpu.matmul %get3A_1684, %get3A_1583, %dot_general3A_1688 {dimension_numbers = #tpu.dot_dimension_numbers<[1], [0], [0], [1], [0, 0, 1, 1], [], []>, transpose_lhs_hint = false} : vector<256x128xf32>, vector<128x1024xf32>, vector<256x1024xf32> -> vector<256x1024xf32>
    %add3A_1690 = vector.broadcast %get3A_1588 : vector<1x1024xf32> to vector<256x1024xf32>
    %add3A_1691 = vector.broadcast %get3A_1687 : vector<256x1xf32> to vector<256x1024xf32>
    %add3A_1692 = arith.addf %add3A_1690, %add3A_1691 : vector<256x1024xf32>
    %add3A_1693 = arith.addf %add3A_1692, %dot_general3A_1689 : vector<256x1024xf32>
    %slice3A_1694 = vector.extract_strided_slice %add3A_1693 {offsets = [0, 0], sizes = [128, 1024], strides = [1, 1]} : vector<256x1024xf32> to vector<128x1024xf32>
    %slice3A_1695 = vector.extract_strided_slice %add3A_1693 {offsets = [128, 0], sizes = [128, 1024], strides = [1, 1]} : vector<256x1024xf32> to vector<128x1024xf32>
    %lt3A_1696 = arith.cmpf olt, %slice3A_1695, %slice3A_1694 : vector<128x1024xf32>
    %min3A_1697 = arith.minimumf %slice3A_1694, %slice3A_1695 : vector<128x1024xf32>
    %jit3A_1698 = arith.constant 9 : i32
    %jit3A_1699 = arith.constant 8 : i32
    %broadcast_in_dim3A_1700 = vector.broadcast %jit3A_1698 : i32 to vector<128x1024xi32>
    %broadcast_in_dim3A_1701 = vector.broadcast %jit3A_1699 : i32 to vector<128x1024xi32>
    %select_n3A_1702 = arith.select %lt3A_1696, %broadcast_in_dim3A_1700, %broadcast_in_dim3A_1701 : vector<128x1024xi1>, vector<128x1024xi32>
    %lt3A_1703 = arith.cmpf olt, %min3A_1697, %min3A_1680 : vector<128x1024xf32>
    %min3A_1704 = arith.minimumf %min3A_1680, %min3A_1697 : vector<128x1024xf32>
    %select_n3A_1705 = arith.select %lt3A_1703, %select_n3A_1702, %select_n3A_1681 : vector<128x1024xi1>, vector<128x1024xi32>
    %get3A_1706 = arith.constant 1280 : index
    %get3A_1707 = arith.constant 0 : index
    %get3A_1708 = vector.load %arg3[%get3A_1706, %get3A_1707] : memref<8192x128xf32, #tpu.memory_space<vmem>>, vector<256x128xf32>
    %get3A_1709 = arith.constant 1280 : index
    %get3A_1710 = arith.constant 0 : index
    %get3A_1711 = vector.load %arg4[%get3A_1709, %get3A_1710] : memref<8192x1xf32, #tpu.memory_space<vmem>>, vector<256x1xf32>
    %dot_general3A_1712 = arith.constant dense<0.000000e+00> : vector<256x1024xf32>
    %dot_general3A_1713 = tpu.matmul %get3A_1708, %get3A_1583, %dot_general3A_1712 {dimension_numbers = #tpu.dot_dimension_numbers<[1], [0], [0], [1], [0, 0, 1, 1], [], []>, transpose_lhs_hint = false} : vector<256x128xf32>, vector<128x1024xf32>, vector<256x1024xf32> -> vector<256x1024xf32>
    %add3A_1714 = vector.broadcast %get3A_1588 : vector<1x1024xf32> to vector<256x1024xf32>
    %add3A_1715 = vector.broadcast %get3A_1711 : vector<256x1xf32> to vector<256x1024xf32>
    %add3A_1716 = arith.addf %add3A_1714, %add3A_1715 : vector<256x1024xf32>
    %add3A_1717 = arith.addf %add3A_1716, %dot_general3A_1713 : vector<256x1024xf32>
    %slice3A_1718 = vector.extract_strided_slice %add3A_1717 {offsets = [0, 0], sizes = [128, 1024], strides = [1, 1]} : vector<256x1024xf32> to vector<128x1024xf32>
    %slice3A_1719 = vector.extract_strided_slice %add3A_1717 {offsets = [128, 0], sizes = [128, 1024], strides = [1, 1]} : vector<256x1024xf32> to vector<128x1024xf32>
    %lt3A_1720 = arith.cmpf olt, %slice3A_1719, %slice3A_1718 : vector<128x1024xf32>
    %min3A_1721 = arith.minimumf %slice3A_1718, %slice3A_1719 : vector<128x1024xf32>
    %jit3A_1722 = arith.constant 11 : i32
    %jit3A_1723 = arith.constant 10 : i32
    %broadcast_in_dim3A_1724 = vector.broadcast %jit3A_1722 : i32 to vector<128x1024xi32>
    %broadcast_in_dim3A_1725 = vector.broadcast %jit3A_1723 : i32 to vector<128x1024xi32>
    %select_n3A_1726 = arith.select %lt3A_1720, %broadcast_in_dim3A_1724, %broadcast_in_dim3A_1725 : vector<128x1024xi1>, vector<128x1024xi32>
    %lt3A_1727 = arith.cmpf olt, %min3A_1721, %min3A_1704 : vector<128x1024xf32>
    %min3A_1728 = arith.minimumf %min3A_1704, %min3A_1721 : vector<128x1024xf32>
    %select_n3A_1729 = arith.select %lt3A_1727, %select_n3A_1726, %select_n3A_1705 : vector<128x1024xi1>, vector<128x1024xi32>
    %get3A_1730 = arith.constant 1536 : index
    %get3A_1731 = arith.constant 0 : index
    %get3A_1732 = vector.load %arg3[%get3A_1730, %get3A_1731] : memref<8192x128xf32, #tpu.memory_space<vmem>>, vector<256x128xf32>
    %get3A_1733 = arith.constant 1536 : index
    %get3A_1734 = arith.constant 0 : index
    %get3A_1735 = vector.load %arg4[%get3A_1733, %get3A_1734] : memref<8192x1xf32, #tpu.memory_space<vmem>>, vector<256x1xf32>
    %dot_general3A_1736 = arith.constant dense<0.000000e+00> : vector<256x1024xf32>
    %dot_general3A_1737 = tpu.matmul %get3A_1732, %get3A_1583, %dot_general3A_1736 {dimension_numbers = #tpu.dot_dimension_numbers<[1], [0], [0], [1], [0, 0, 1, 1], [], []>, transpose_lhs_hint = false} : vector<256x128xf32>, vector<128x1024xf32>, vector<256x1024xf32> -> vector<256x1024xf32>
    %add3A_1738 = vector.broadcast %get3A_1588 : vector<1x1024xf32> to vector<256x1024xf32>
    %add3A_1739 = vector.broadcast %get3A_1735 : vector<256x1xf32> to vector<256x1024xf32>
    %add3A_1740 = arith.addf %add3A_1738, %add3A_1739 : vector<256x1024xf32>
    %add3A_1741 = arith.addf %add3A_1740, %dot_general3A_1737 : vector<256x1024xf32>
    %slice3A_1742 = vector.extract_strided_slice %add3A_1741 {offsets = [0, 0], sizes = [128, 1024], strides = [1, 1]} : vector<256x1024xf32> to vector<128x1024xf32>
    %slice3A_1743 = vector.extract_strided_slice %add3A_1741 {offsets = [128, 0], sizes = [128, 1024], strides = [1, 1]} : vector<256x1024xf32> to vector<128x1024xf32>
    %lt3A_1744 = arith.cmpf olt, %slice3A_1743, %slice3A_1742 : vector<128x1024xf32>
    %min3A_1745 = arith.minimumf %slice3A_1742, %slice3A_1743 : vector<128x1024xf32>
    %jit3A_1746 = arith.constant 13 : i32
    %jit3A_1747 = arith.constant 12 : i32
    %broadcast_in_dim3A_1748 = vector.broadcast %jit3A_1746 : i32 to vector<128x1024xi32>
    %broadcast_in_dim3A_1749 = vector.broadcast %jit3A_1747 : i32 to vector<128x1024xi32>
    %select_n3A_1750 = arith.select %lt3A_1744, %broadcast_in_dim3A_1748, %broadcast_in_dim3A_1749 : vector<128x1024xi1>, vector<128x1024xi32>
    %lt3A_1751 = arith.cmpf olt, %min3A_1745, %min3A_1728 : vector<128x1024xf32>
    %min3A_1752 = arith.minimumf %min3A_1728, %min3A_1745 : vector<128x1024xf32>
    %select_n3A_1753 = arith.select %lt3A_1751, %select_n3A_1750, %select_n3A_1729 : vector<128x1024xi1>, vector<128x1024xi32>
    %get3A_1754 = arith.constant 1792 : index
    %get3A_1755 = arith.constant 0 : index
    %get3A_1756 = vector.load %arg3[%get3A_1754, %get3A_1755] : memref<8192x128xf32, #tpu.memory_space<vmem>>, vector<256x128xf32>
    %get3A_1757 = arith.constant 1792 : index
    %get3A_1758 = arith.constant 0 : index
    %get3A_1759 = vector.load %arg4[%get3A_1757, %get3A_1758] : memref<8192x1xf32, #tpu.memory_space<vmem>>, vector<256x1xf32>
    %dot_general3A_1760 = arith.constant dense<0.000000e+00> : vector<256x1024xf32>
    %dot_general3A_1761 = tpu.matmul %get3A_1756, %get3A_1583, %dot_general3A_1760 {dimension_numbers = #tpu.dot_dimension_numbers<[1], [0], [0], [1], [0, 0, 1, 1], [], []>, transpose_lhs_hint = false} : vector<256x128xf32>, vector<128x1024xf32>, vector<256x1024xf32> -> vector<256x1024xf32>
    %add3A_1762 = vector.broadcast %get3A_1588 : vector<1x1024xf32> to vector<256x1024xf32>
    %add3A_1763 = vector.broadcast %get3A_1759 : vector<256x1xf32> to vector<256x1024xf32>
    %add3A_1764 = arith.addf %add3A_1762, %add3A_1763 : vector<256x1024xf32>
    %add3A_1765 = arith.addf %add3A_1764, %dot_general3A_1761 : vector<256x1024xf32>
    %slice3A_1766 = vector.extract_strided_slice %add3A_1765 {offsets = [0, 0], sizes = [128, 1024], strides = [1, 1]} : vector<256x1024xf32> to vector<128x1024xf32>
    %slice3A_1767 = vector.extract_strided_slice %add3A_1765 {offsets = [128, 0], sizes = [128, 1024], strides = [1, 1]} : vector<256x1024xf32> to vector<128x1024xf32>
    %lt3A_1768 = arith.cmpf olt, %slice3A_1767, %slice3A_1766 : vector<128x1024xf32>
    %min3A_1769 = arith.minimumf %slice3A_1766, %slice3A_1767 : vector<128x1024xf32>
    %jit3A_1770 = arith.constant 15 : i32
    %jit3A_1771 = arith.constant 14 : i32
    %broadcast_in_dim3A_1772 = vector.broadcast %jit3A_1770 : i32 to vector<128x1024xi32>
    %broadcast_in_dim3A_1773 = vector.broadcast %jit3A_1771 : i32 to vector<128x1024xi32>
    %select_n3A_1774 = arith.select %lt3A_1768, %broadcast_in_dim3A_1772, %broadcast_in_dim3A_1773 : vector<128x1024xi1>, vector<128x1024xi32>
    %lt3A_1775 = arith.cmpf olt, %min3A_1769, %min3A_1752 : vector<128x1024xf32>
    %min3A_1776 = arith.minimumf %min3A_1752, %min3A_1769 : vector<128x1024xf32>
    %select_n3A_1777 = arith.select %lt3A_1775, %select_n3A_1774, %select_n3A_1753 : vector<128x1024xi1>, vector<128x1024xi32>
    %get3A_1778 = arith.constant 2048 : index
    %get3A_1779 = arith.constant 0 : index
    %get3A_1780 = vector.load %arg3[%get3A_1778, %get3A_1779] : memref<8192x128xf32, #tpu.memory_space<vmem>>, vector<256x128xf32>
    %get3A_1781 = arith.constant 2048 : index
    %get3A_1782 = arith.constant 0 : index
    %get3A_1783 = vector.load %arg4[%get3A_1781, %get3A_1782] : memref<8192x1xf32, #tpu.memory_space<vmem>>, vector<256x1xf32>
    %dot_general3A_1784 = arith.constant dense<0.000000e+00> : vector<256x1024xf32>
    %dot_general3A_1785 = tpu.matmul %get3A_1780, %get3A_1583, %dot_general3A_1784 {dimension_numbers = #tpu.dot_dimension_numbers<[1], [0], [0], [1], [0, 0, 1, 1], [], []>, transpose_lhs_hint = false} : vector<256x128xf32>, vector<128x1024xf32>, vector<256x1024xf32> -> vector<256x1024xf32>
    %add3A_1786 = vector.broadcast %get3A_1588 : vector<1x1024xf32> to vector<256x1024xf32>
    %add3A_1787 = vector.broadcast %get3A_1783 : vector<256x1xf32> to vector<256x1024xf32>
    %add3A_1788 = arith.addf %add3A_1786, %add3A_1787 : vector<256x1024xf32>
    %add3A_1789 = arith.addf %add3A_1788, %dot_general3A_1785 : vector<256x1024xf32>
    %slice3A_1790 = vector.extract_strided_slice %add3A_1789 {offsets = [0, 0], sizes = [128, 1024], strides = [1, 1]} : vector<256x1024xf32> to vector<128x1024xf32>
    %slice3A_1791 = vector.extract_strided_slice %add3A_1789 {offsets = [128, 0], sizes = [128, 1024], strides = [1, 1]} : vector<256x1024xf32> to vector<128x1024xf32>
    %lt3A_1792 = arith.cmpf olt, %slice3A_1791, %slice3A_1790 : vector<128x1024xf32>
    %min3A_1793 = arith.minimumf %slice3A_1790, %slice3A_1791 : vector<128x1024xf32>
    %jit3A_1794 = arith.constant 17 : i32
    %jit3A_1795 = arith.constant 16 : i32
    %broadcast_in_dim3A_1796 = vector.broadcast %jit3A_1794 : i32 to vector<128x1024xi32>
    %broadcast_in_dim3A_1797 = vector.broadcast %jit3A_1795 : i32 to vector<128x1024xi32>
    %select_n3A_1798 = arith.select %lt3A_1792, %broadcast_in_dim3A_1796, %broadcast_in_dim3A_1797 : vector<128x1024xi1>, vector<128x1024xi32>
    %lt3A_1799 = arith.cmpf olt, %min3A_1793, %min3A_1776 : vector<128x1024xf32>
    %min3A_1800 = arith.minimumf %min3A_1776, %min3A_1793 : vector<128x1024xf32>
    %select_n3A_1801 = arith.select %lt3A_1799, %select_n3A_1798, %select_n3A_1777 : vector<128x1024xi1>, vector<128x1024xi32>
    %get3A_1802 = arith.constant 2304 : index
    %get3A_1803 = arith.constant 0 : index
    %get3A_1804 = vector.load %arg3[%get3A_1802, %get3A_1803] : memref<8192x128xf32, #tpu.memory_space<vmem>>, vector<256x128xf32>
    %get3A_1805 = arith.constant 2304 : index
    %get3A_1806 = arith.constant 0 : index
    %get3A_1807 = vector.load %arg4[%get3A_1805, %get3A_1806] : memref<8192x1xf32, #tpu.memory_space<vmem>>, vector<256x1xf32>
    %dot_general3A_1808 = arith.constant dense<0.000000e+00> : vector<256x1024xf32>
    %dot_general3A_1809 = tpu.matmul %get3A_1804, %get3A_1583, %dot_general3A_1808 {dimension_numbers = #tpu.dot_dimension_numbers<[1], [0], [0], [1], [0, 0, 1, 1], [], []>, transpose_lhs_hint = false} : vector<256x128xf32>, vector<128x1024xf32>, vector<256x1024xf32> -> vector<256x1024xf32>
    %add3A_1810 = vector.broadcast %get3A_1588 : vector<1x1024xf32> to vector<256x1024xf32>
    %add3A_1811 = vector.broadcast %get3A_1807 : vector<256x1xf32> to vector<256x1024xf32>
    %add3A_1812 = arith.addf %add3A_1810, %add3A_1811 : vector<256x1024xf32>
    %add3A_1813 = arith.addf %add3A_1812, %dot_general3A_1809 : vector<256x1024xf32>
    %slice3A_1814 = vector.extract_strided_slice %add3A_1813 {offsets = [0, 0], sizes = [128, 1024], strides = [1, 1]} : vector<256x1024xf32> to vector<128x1024xf32>
    %slice3A_1815 = vector.extract_strided_slice %add3A_1813 {offsets = [128, 0], sizes = [128, 1024], strides = [1, 1]} : vector<256x1024xf32> to vector<128x1024xf32>
    %lt3A_1816 = arith.cmpf olt, %slice3A_1815, %slice3A_1814 : vector<128x1024xf32>
    %min3A_1817 = arith.minimumf %slice3A_1814, %slice3A_1815 : vector<128x1024xf32>
    %jit3A_1818 = arith.constant 19 : i32
    %jit3A_1819 = arith.constant 18 : i32
    %broadcast_in_dim3A_1820 = vector.broadcast %jit3A_1818 : i32 to vector<128x1024xi32>
    %broadcast_in_dim3A_1821 = vector.broadcast %jit3A_1819 : i32 to vector<128x1024xi32>
    %select_n3A_1822 = arith.select %lt3A_1816, %broadcast_in_dim3A_1820, %broadcast_in_dim3A_1821 : vector<128x1024xi1>, vector<128x1024xi32>
    %lt3A_1823 = arith.cmpf olt, %min3A_1817, %min3A_1800 : vector<128x1024xf32>
    %min3A_1824 = arith.minimumf %min3A_1800, %min3A_1817 : vector<128x1024xf32>
    %select_n3A_1825 = arith.select %lt3A_1823, %select_n3A_1822, %select_n3A_1801 : vector<128x1024xi1>, vector<128x1024xi32>
    %get3A_1826 = arith.constant 2560 : index
    %get3A_1827 = arith.constant 0 : index
    %get3A_1828 = vector.load %arg3[%get3A_1826, %get3A_1827] : memref<8192x128xf32, #tpu.memory_space<vmem>>, vector<256x128xf32>
    %get3A_1829 = arith.constant 2560 : index
    %get3A_1830 = arith.constant 0 : index
    %get3A_1831 = vector.load %arg4[%get3A_1829, %get3A_1830] : memref<8192x1xf32, #tpu.memory_space<vmem>>, vector<256x1xf32>
    %dot_general3A_1832 = arith.constant dense<0.000000e+00> : vector<256x1024xf32>
    %dot_general3A_1833 = tpu.matmul %get3A_1828, %get3A_1583, %dot_general3A_1832 {dimension_numbers = #tpu.dot_dimension_numbers<[1], [0], [0], [1], [0, 0, 1, 1], [], []>, transpose_lhs_hint = false} : vector<256x128xf32>, vector<128x1024xf32>, vector<256x1024xf32> -> vector<256x1024xf32>
    %add3A_1834 = vector.broadcast %get3A_1588 : vector<1x1024xf32> to vector<256x1024xf32>
    %add3A_1835 = vector.broadcast %get3A_1831 : vector<256x1xf32> to vector<256x1024xf32>
    %add3A_1836 = arith.addf %add3A_1834, %add3A_1835 : vector<256x1024xf32>
    %add3A_1837 = arith.addf %add3A_1836, %dot_general3A_1833 : vector<256x1024xf32>
    %slice3A_1838 = vector.extract_strided_slice %add3A_1837 {offsets = [0, 0], sizes = [128, 1024], strides = [1, 1]} : vector<256x1024xf32> to vector<128x1024xf32>
    %slice3A_1839 = vector.extract_strided_slice %add3A_1837 {offsets = [128, 0], sizes = [128, 1024], strides = [1, 1]} : vector<256x1024xf32> to vector<128x1024xf32>
    %lt3A_1840 = arith.cmpf olt, %slice3A_1839, %slice3A_1838 : vector<128x1024xf32>
    %min3A_1841 = arith.minimumf %slice3A_1838, %slice3A_1839 : vector<128x1024xf32>
    %jit3A_1842 = arith.constant 21 : i32
    %jit3A_1843 = arith.constant 20 : i32
    %broadcast_in_dim3A_1844 = vector.broadcast %jit3A_1842 : i32 to vector<128x1024xi32>
    %broadcast_in_dim3A_1845 = vector.broadcast %jit3A_1843 : i32 to vector<128x1024xi32>
    %select_n3A_1846 = arith.select %lt3A_1840, %broadcast_in_dim3A_1844, %broadcast_in_dim3A_1845 : vector<128x1024xi1>, vector<128x1024xi32>
    %lt3A_1847 = arith.cmpf olt, %min3A_1841, %min3A_1824 : vector<128x1024xf32>
    %min3A_1848 = arith.minimumf %min3A_1824, %min3A_1841 : vector<128x1024xf32>
    %select_n3A_1849 = arith.select %lt3A_1847, %select_n3A_1846, %select_n3A_1825 : vector<128x1024xi1>, vector<128x1024xi32>
    %get3A_1850 = arith.constant 2816 : index
    %get3A_1851 = arith.constant 0 : index
    %get3A_1852 = vector.load %arg3[%get3A_1850, %get3A_1851] : memref<8192x128xf32, #tpu.memory_space<vmem>>, vector<256x128xf32>
    %get3A_1853 = arith.constant 2816 : index
    %get3A_1854 = arith.constant 0 : index
    %get3A_1855 = vector.load %arg4[%get3A_1853, %get3A_1854] : memref<8192x1xf32, #tpu.memory_space<vmem>>, vector<256x1xf32>
    %dot_general3A_1856 = arith.constant dense<0.000000e+00> : vector<256x1024xf32>
    %dot_general3A_1857 = tpu.matmul %get3A_1852, %get3A_1583, %dot_general3A_1856 {dimension_numbers = #tpu.dot_dimension_numbers<[1], [0], [0], [1], [0, 0, 1, 1], [], []>, transpose_lhs_hint = false} : vector<256x128xf32>, vector<128x1024xf32>, vector<256x1024xf32> -> vector<256x1024xf32>
    %add3A_1858 = vector.broadcast %get3A_1588 : vector<1x1024xf32> to vector<256x1024xf32>
    %add3A_1859 = vector.broadcast %get3A_1855 : vector<256x1xf32> to vector<256x1024xf32>
    %add3A_1860 = arith.addf %add3A_1858, %add3A_1859 : vector<256x1024xf32>
    %add3A_1861 = arith.addf %add3A_1860, %dot_general3A_1857 : vector<256x1024xf32>
    %slice3A_1862 = vector.extract_strided_slice %add3A_1861 {offsets = [0, 0], sizes = [128, 1024], strides = [1, 1]} : vector<256x1024xf32> to vector<128x1024xf32>
    %slice3A_1863 = vector.extract_strided_slice %add3A_1861 {offsets = [128, 0], sizes = [128, 1024], strides = [1, 1]} : vector<256x1024xf32> to vector<128x1024xf32>
    %lt3A_1864 = arith.cmpf olt, %slice3A_1863, %slice3A_1862 : vector<128x1024xf32>
    %min3A_1865 = arith.minimumf %slice3A_1862, %slice3A_1863 : vector<128x1024xf32>
    %jit3A_1866 = arith.constant 23 : i32
    %jit3A_1867 = arith.constant 22 : i32
    %broadcast_in_dim3A_1868 = vector.broadcast %jit3A_1866 : i32 to vector<128x1024xi32>
    %broadcast_in_dim3A_1869 = vector.broadcast %jit3A_1867 : i32 to vector<128x1024xi32>
    %select_n3A_1870 = arith.select %lt3A_1864, %broadcast_in_dim3A_1868, %broadcast_in_dim3A_1869 : vector<128x1024xi1>, vector<128x1024xi32>
    %lt3A_1871 = arith.cmpf olt, %min3A_1865, %min3A_1848 : vector<128x1024xf32>
    %min3A_1872 = arith.minimumf %min3A_1848, %min3A_1865 : vector<128x1024xf32>
    %select_n3A_1873 = arith.select %lt3A_1871, %select_n3A_1870, %select_n3A_1849 : vector<128x1024xi1>, vector<128x1024xi32>
    %get3A_1874 = arith.constant 3072 : index
    %get3A_1875 = arith.constant 0 : index
    %get3A_1876 = vector.load %arg3[%get3A_1874, %get3A_1875] : memref<8192x128xf32, #tpu.memory_space<vmem>>, vector<256x128xf32>
    %get3A_1877 = arith.constant 3072 : index
    %get3A_1878 = arith.constant 0 : index
    %get3A_1879 = vector.load %arg4[%get3A_1877, %get3A_1878] : memref<8192x1xf32, #tpu.memory_space<vmem>>, vector<256x1xf32>
    %dot_general3A_1880 = arith.constant dense<0.000000e+00> : vector<256x1024xf32>
    %dot_general3A_1881 = tpu.matmul %get3A_1876, %get3A_1583, %dot_general3A_1880 {dimension_numbers = #tpu.dot_dimension_numbers<[1], [0], [0], [1], [0, 0, 1, 1], [], []>, transpose_lhs_hint = false} : vector<256x128xf32>, vector<128x1024xf32>, vector<256x1024xf32> -> vector<256x1024xf32>
    %add3A_1882 = vector.broadcast %get3A_1588 : vector<1x1024xf32> to vector<256x1024xf32>
    %add3A_1883 = vector.broadcast %get3A_1879 : vector<256x1xf32> to vector<256x1024xf32>
    %add3A_1884 = arith.addf %add3A_1882, %add3A_1883 : vector<256x1024xf32>
    %add3A_1885 = arith.addf %add3A_1884, %dot_general3A_1881 : vector<256x1024xf32>
    %slice3A_1886 = vector.extract_strided_slice %add3A_1885 {offsets = [0, 0], sizes = [128, 1024], strides = [1, 1]} : vector<256x1024xf32> to vector<128x1024xf32>
    %slice3A_1887 = vector.extract_strided_slice %add3A_1885 {offsets = [128, 0], sizes = [128, 1024], strides = [1, 1]} : vector<256x1024xf32> to vector<128x1024xf32>
    %lt3A_1888 = arith.cmpf olt, %slice3A_1887, %slice3A_1886 : vector<128x1024xf32>
    %min3A_1889 = arith.minimumf %slice3A_1886, %slice3A_1887 : vector<128x1024xf32>
    %jit3A_1890 = arith.constant 25 : i32
    %jit3A_1891 = arith.constant 24 : i32
    %broadcast_in_dim3A_1892 = vector.broadcast %jit3A_1890 : i32 to vector<128x1024xi32>
    %broadcast_in_dim3A_1893 = vector.broadcast %jit3A_1891 : i32 to vector<128x1024xi32>
    %select_n3A_1894 = arith.select %lt3A_1888, %broadcast_in_dim3A_1892, %broadcast_in_dim3A_1893 : vector<128x1024xi1>, vector<128x1024xi32>
    %lt3A_1895 = arith.cmpf olt, %min3A_1889, %min3A_1872 : vector<128x1024xf32>
    %min3A_1896 = arith.minimumf %min3A_1872, %min3A_1889 : vector<128x1024xf32>
    %select_n3A_1897 = arith.select %lt3A_1895, %select_n3A_1894, %select_n3A_1873 : vector<128x1024xi1>, vector<128x1024xi32>
    %get3A_1898 = arith.constant 3328 : index
    %get3A_1899 = arith.constant 0 : index
    %get3A_1900 = vector.load %arg3[%get3A_1898, %get3A_1899] : memref<8192x128xf32, #tpu.memory_space<vmem>>, vector<256x128xf32>
    %get3A_1901 = arith.constant 3328 : index
    %get3A_1902 = arith.constant 0 : index
    %get3A_1903 = vector.load %arg4[%get3A_1901, %get3A_1902] : memref<8192x1xf32, #tpu.memory_space<vmem>>, vector<256x1xf32>
    %dot_general3A_1904 = arith.constant dense<0.000000e+00> : vector<256x1024xf32>
    %dot_general3A_1905 = tpu.matmul %get3A_1900, %get3A_1583, %dot_general3A_1904 {dimension_numbers = #tpu.dot_dimension_numbers<[1], [0], [0], [1], [0, 0, 1, 1], [], []>, transpose_lhs_hint = false} : vector<256x128xf32>, vector<128x1024xf32>, vector<256x1024xf32> -> vector<256x1024xf32>
    %add3A_1906 = vector.broadcast %get3A_1588 : vector<1x1024xf32> to vector<256x1024xf32>
    %add3A_1907 = vector.broadcast %get3A_1903 : vector<256x1xf32> to vector<256x1024xf32>
    %add3A_1908 = arith.addf %add3A_1906, %add3A_1907 : vector<256x1024xf32>
    %add3A_1909 = arith.addf %add3A_1908, %dot_general3A_1905 : vector<256x1024xf32>
    %slice3A_1910 = vector.extract_strided_slice %add3A_1909 {offsets = [0, 0], sizes = [128, 1024], strides = [1, 1]} : vector<256x1024xf32> to vector<128x1024xf32>
    %slice3A_1911 = vector.extract_strided_slice %add3A_1909 {offsets = [128, 0], sizes = [128, 1024], strides = [1, 1]} : vector<256x1024xf32> to vector<128x1024xf32>
    %lt3A_1912 = arith.cmpf olt, %slice3A_1911, %slice3A_1910 : vector<128x1024xf32>
    %min3A_1913 = arith.minimumf %slice3A_1910, %slice3A_1911 : vector<128x1024xf32>
    %jit3A_1914 = arith.constant 27 : i32
    %jit3A_1915 = arith.constant 26 : i32
    %broadcast_in_dim3A_1916 = vector.broadcast %jit3A_1914 : i32 to vector<128x1024xi32>
    %broadcast_in_dim3A_1917 = vector.broadcast %jit3A_1915 : i32 to vector<128x1024xi32>
    %select_n3A_1918 = arith.select %lt3A_1912, %broadcast_in_dim3A_1916, %broadcast_in_dim3A_1917 : vector<128x1024xi1>, vector<128x1024xi32>
    %lt3A_1919 = arith.cmpf olt, %min3A_1913, %min3A_1896 : vector<128x1024xf32>
    %min3A_1920 = arith.minimumf %min3A_1896, %min3A_1913 : vector<128x1024xf32>
    %select_n3A_1921 = arith.select %lt3A_1919, %select_n3A_1918, %select_n3A_1897 : vector<128x1024xi1>, vector<128x1024xi32>
    %get3A_1922 = arith.constant 3584 : index
    %get3A_1923 = arith.constant 0 : index
    %get3A_1924 = vector.load %arg3[%get3A_1922, %get3A_1923] : memref<8192x128xf32, #tpu.memory_space<vmem>>, vector<256x128xf32>
    %get3A_1925 = arith.constant 3584 : index
    %get3A_1926 = arith.constant 0 : index
    %get3A_1927 = vector.load %arg4[%get3A_1925, %get3A_1926] : memref<8192x1xf32, #tpu.memory_space<vmem>>, vector<256x1xf32>
    %dot_general3A_1928 = arith.constant dense<0.000000e+00> : vector<256x1024xf32>
    %dot_general3A_1929 = tpu.matmul %get3A_1924, %get3A_1583, %dot_general3A_1928 {dimension_numbers = #tpu.dot_dimension_numbers<[1], [0], [0], [1], [0, 0, 1, 1], [], []>, transpose_lhs_hint = false} : vector<256x128xf32>, vector<128x1024xf32>, vector<256x1024xf32> -> vector<256x1024xf32>
    %add3A_1930 = vector.broadcast %get3A_1588 : vector<1x1024xf32> to vector<256x1024xf32>
    %add3A_1931 = vector.broadcast %get3A_1927 : vector<256x1xf32> to vector<256x1024xf32>
    %add3A_1932 = arith.addf %add3A_1930, %add3A_1931 : vector<256x1024xf32>
    %add3A_1933 = arith.addf %add3A_1932, %dot_general3A_1929 : vector<256x1024xf32>
    %slice3A_1934 = vector.extract_strided_slice %add3A_1933 {offsets = [0, 0], sizes = [128, 1024], strides = [1, 1]} : vector<256x1024xf32> to vector<128x1024xf32>
    %slice3A_1935 = vector.extract_strided_slice %add3A_1933 {offsets = [128, 0], sizes = [128, 1024], strides = [1, 1]} : vector<256x1024xf32> to vector<128x1024xf32>
    %lt3A_1936 = arith.cmpf olt, %slice3A_1935, %slice3A_1934 : vector<128x1024xf32>
    %min3A_1937 = arith.minimumf %slice3A_1934, %slice3A_1935 : vector<128x1024xf32>
    %jit3A_1938 = arith.constant 29 : i32
    %jit3A_1939 = arith.constant 28 : i32
    %broadcast_in_dim3A_1940 = vector.broadcast %jit3A_1938 : i32 to vector<128x1024xi32>
    %broadcast_in_dim3A_1941 = vector.broadcast %jit3A_1939 : i32 to vector<128x1024xi32>
    %select_n3A_1942 = arith.select %lt3A_1936, %broadcast_in_dim3A_1940, %broadcast_in_dim3A_1941 : vector<128x1024xi1>, vector<128x1024xi32>
    %lt3A_1943 = arith.cmpf olt, %min3A_1937, %min3A_1920 : vector<128x1024xf32>
    %min3A_1944 = arith.minimumf %min3A_1920, %min3A_1937 : vector<128x1024xf32>
    %select_n3A_1945 = arith.select %lt3A_1943, %select_n3A_1942, %select_n3A_1921 : vector<128x1024xi1>, vector<128x1024xi32>
    %get3A_1946 = arith.constant 3840 : index
    %get3A_1947 = arith.constant 0 : index
    %get3A_1948 = vector.load %arg3[%get3A_1946, %get3A_1947] : memref<8192x128xf32, #tpu.memory_space<vmem>>, vector<256x128xf32>
    %get3A_1949 = arith.constant 3840 : index
    %get3A_1950 = arith.constant 0 : index
    %get3A_1951 = vector.load %arg4[%get3A_1949, %get3A_1950] : memref<8192x1xf32, #tpu.memory_space<vmem>>, vector<256x1xf32>
    %dot_general3A_1952 = arith.constant dense<0.000000e+00> : vector<256x1024xf32>
    %dot_general3A_1953 = tpu.matmul %get3A_1948, %get3A_1583, %dot_general3A_1952 {dimension_numbers = #tpu.dot_dimension_numbers<[1], [0], [0], [1], [0, 0, 1, 1], [], []>, transpose_lhs_hint = false} : vector<256x128xf32>, vector<128x1024xf32>, vector<256x1024xf32> -> vector<256x1024xf32>
    %add3A_1954 = vector.broadcast %get3A_1588 : vector<1x1024xf32> to vector<256x1024xf32>
    %add3A_1955 = vector.broadcast %get3A_1951 : vector<256x1xf32> to vector<256x1024xf32>
    %add3A_1956 = arith.addf %add3A_1954, %add3A_1955 : vector<256x1024xf32>
    %add3A_1957 = arith.addf %add3A_1956, %dot_general3A_1953 : vector<256x1024xf32>
    %slice3A_1958 = vector.extract_strided_slice %add3A_1957 {offsets = [0, 0], sizes = [128, 1024], strides = [1, 1]} : vector<256x1024xf32> to vector<128x1024xf32>
    %slice3A_1959 = vector.extract_strided_slice %add3A_1957 {offsets = [128, 0], sizes = [128, 1024], strides = [1, 1]} : vector<256x1024xf32> to vector<128x1024xf32>
    %lt3A_1960 = arith.cmpf olt, %slice3A_1959, %slice3A_1958 : vector<128x1024xf32>
    %min3A_1961 = arith.minimumf %slice3A_1958, %slice3A_1959 : vector<128x1024xf32>
    %jit3A_1962 = arith.constant 31 : i32
    %jit3A_1963 = arith.constant 30 : i32
    %broadcast_in_dim3A_1964 = vector.broadcast %jit3A_1962 : i32 to vector<128x1024xi32>
    %broadcast_in_dim3A_1965 = vector.broadcast %jit3A_1963 : i32 to vector<128x1024xi32>
    %select_n3A_1966 = arith.select %lt3A_1960, %broadcast_in_dim3A_1964, %broadcast_in_dim3A_1965 : vector<128x1024xi1>, vector<128x1024xi32>
    %lt3A_1967 = arith.cmpf olt, %min3A_1961, %min3A_1944 : vector<128x1024xf32>
    %min3A_1968 = arith.minimumf %min3A_1944, %min3A_1961 : vector<128x1024xf32>
    %select_n3A_1969 = arith.select %lt3A_1967, %select_n3A_1966, %select_n3A_1945 : vector<128x1024xi1>, vector<128x1024xi32>
    %get3A_1970 = arith.constant 4096 : index
    %get3A_1971 = arith.constant 0 : index
    %get3A_1972 = vector.load %arg3[%get3A_1970, %get3A_1971] : memref<8192x128xf32, #tpu.memory_space<vmem>>, vector<256x128xf32>
    %get3A_1973 = arith.constant 4096 : index
    %get3A_1974 = arith.constant 0 : index
    %get3A_1975 = vector.load %arg4[%get3A_1973, %get3A_1974] : memref<8192x1xf32, #tpu.memory_space<vmem>>, vector<256x1xf32>
    %dot_general3A_1976 = arith.constant dense<0.000000e+00> : vector<256x1024xf32>
    %dot_general3A_1977 = tpu.matmul %get3A_1972, %get3A_1583, %dot_general3A_1976 {dimension_numbers = #tpu.dot_dimension_numbers<[1], [0], [0], [1], [0, 0, 1, 1], [], []>, transpose_lhs_hint = false} : vector<256x128xf32>, vector<128x1024xf32>, vector<256x1024xf32> -> vector<256x1024xf32>
    %add3A_1978 = vector.broadcast %get3A_1588 : vector<1x1024xf32> to vector<256x1024xf32>
    %add3A_1979 = vector.broadcast %get3A_1975 : vector<256x1xf32> to vector<256x1024xf32>
    %add3A_1980 = arith.addf %add3A_1978, %add3A_1979 : vector<256x1024xf32>
    %add3A_1981 = arith.addf %add3A_1980, %dot_general3A_1977 : vector<256x1024xf32>
    %slice3A_1982 = vector.extract_strided_slice %add3A_1981 {offsets = [0, 0], sizes = [128, 1024], strides = [1, 1]} : vector<256x1024xf32> to vector<128x1024xf32>
    %slice3A_1983 = vector.extract_strided_slice %add3A_1981 {offsets = [128, 0], sizes = [128, 1024], strides = [1, 1]} : vector<256x1024xf32> to vector<128x1024xf32>
    %lt3A_1984 = arith.cmpf olt, %slice3A_1983, %slice3A_1982 : vector<128x1024xf32>
    %min3A_1985 = arith.minimumf %slice3A_1982, %slice3A_1983 : vector<128x1024xf32>
    %jit3A_1986 = arith.constant 33 : i32
    %jit3A_1987 = arith.constant 32 : i32
    %broadcast_in_dim3A_1988 = vector.broadcast %jit3A_1986 : i32 to vector<128x1024xi32>
    %broadcast_in_dim3A_1989 = vector.broadcast %jit3A_1987 : i32 to vector<128x1024xi32>
    %select_n3A_1990 = arith.select %lt3A_1984, %broadcast_in_dim3A_1988, %broadcast_in_dim3A_1989 : vector<128x1024xi1>, vector<128x1024xi32>
    %lt3A_1991 = arith.cmpf olt, %min3A_1985, %min3A_1968 : vector<128x1024xf32>
    %min3A_1992 = arith.minimumf %min3A_1968, %min3A_1985 : vector<128x1024xf32>
    %select_n3A_1993 = arith.select %lt3A_1991, %select_n3A_1990, %select_n3A_1969 : vector<128x1024xi1>, vector<128x1024xi32>
    %get3A_1994 = arith.constant 4352 : index
    %get3A_1995 = arith.constant 0 : index
    %get3A_1996 = vector.load %arg3[%get3A_1994, %get3A_1995] : memref<8192x128xf32, #tpu.memory_space<vmem>>, vector<256x128xf32>
    %get3A_1997 = arith.constant 4352 : index
    %get3A_1998 = arith.constant 0 : index
    %get3A_1999 = vector.load %arg4[%get3A_1997, %get3A_1998] : memref<8192x1xf32, #tpu.memory_space<vmem>>, vector<256x1xf32>
    %dot_general3A_2000 = arith.constant dense<0.000000e+00> : vector<256x1024xf32>
    %dot_general3A_2001 = tpu.matmul %get3A_1996, %get3A_1583, %dot_general3A_2000 {dimension_numbers = #tpu.dot_dimension_numbers<[1], [0], [0], [1], [0, 0, 1, 1], [], []>, transpose_lhs_hint = false} : vector<256x128xf32>, vector<128x1024xf32>, vector<256x1024xf32> -> vector<256x1024xf32>
    %add3A_2002 = vector.broadcast %get3A_1588 : vector<1x1024xf32> to vector<256x1024xf32>
    %add3A_2003 = vector.broadcast %get3A_1999 : vector<256x1xf32> to vector<256x1024xf32>
    %add3A_2004 = arith.addf %add3A_2002, %add3A_2003 : vector<256x1024xf32>
    %add3A_2005 = arith.addf %add3A_2004, %dot_general3A_2001 : vector<256x1024xf32>
    %slice3A_2006 = vector.extract_strided_slice %add3A_2005 {offsets = [0, 0], sizes = [128, 1024], strides = [1, 1]} : vector<256x1024xf32> to vector<128x1024xf32>
    %slice3A_2007 = vector.extract_strided_slice %add3A_2005 {offsets = [128, 0], sizes = [128, 1024], strides = [1, 1]} : vector<256x1024xf32> to vector<128x1024xf32>
    %lt3A_2008 = arith.cmpf olt, %slice3A_2007, %slice3A_2006 : vector<128x1024xf32>
    %min3A_2009 = arith.minimumf %slice3A_2006, %slice3A_2007 : vector<128x1024xf32>
    %jit3A_2010 = arith.constant 35 : i32
    %jit3A_2011 = arith.constant 34 : i32
    %broadcast_in_dim3A_2012 = vector.broadcast %jit3A_2010 : i32 to vector<128x1024xi32>
    %broadcast_in_dim3A_2013 = vector.broadcast %jit3A_2011 : i32 to vector<128x1024xi32>
    %select_n3A_2014 = arith.select %lt3A_2008, %broadcast_in_dim3A_2012, %broadcast_in_dim3A_2013 : vector<128x1024xi1>, vector<128x1024xi32>
    %lt3A_2015 = arith.cmpf olt, %min3A_2009, %min3A_1992 : vector<128x1024xf32>
    %min3A_2016 = arith.minimumf %min3A_1992, %min3A_2009 : vector<128x1024xf32>
    %select_n3A_2017 = arith.select %lt3A_2015, %select_n3A_2014, %select_n3A_1993 : vector<128x1024xi1>, vector<128x1024xi32>
    %get3A_2018 = arith.constant 4608 : index
    %get3A_2019 = arith.constant 0 : index
    %get3A_2020 = vector.load %arg3[%get3A_2018, %get3A_2019] : memref<8192x128xf32, #tpu.memory_space<vmem>>, vector<256x128xf32>
    %get3A_2021 = arith.constant 4608 : index
    %get3A_2022 = arith.constant 0 : index
    %get3A_2023 = vector.load %arg4[%get3A_2021, %get3A_2022] : memref<8192x1xf32, #tpu.memory_space<vmem>>, vector<256x1xf32>
    %dot_general3A_2024 = arith.constant dense<0.000000e+00> : vector<256x1024xf32>
    %dot_general3A_2025 = tpu.matmul %get3A_2020, %get3A_1583, %dot_general3A_2024 {dimension_numbers = #tpu.dot_dimension_numbers<[1], [0], [0], [1], [0, 0, 1, 1], [], []>, transpose_lhs_hint = false} : vector<256x128xf32>, vector<128x1024xf32>, vector<256x1024xf32> -> vector<256x1024xf32>
    %add3A_2026 = vector.broadcast %get3A_1588 : vector<1x1024xf32> to vector<256x1024xf32>
    %add3A_2027 = vector.broadcast %get3A_2023 : vector<256x1xf32> to vector<256x1024xf32>
    %add3A_2028 = arith.addf %add3A_2026, %add3A_2027 : vector<256x1024xf32>
    %add3A_2029 = arith.addf %add3A_2028, %dot_general3A_2025 : vector<256x1024xf32>
    %slice3A_2030 = vector.extract_strided_slice %add3A_2029 {offsets = [0, 0], sizes = [128, 1024], strides = [1, 1]} : vector<256x1024xf32> to vector<128x1024xf32>
    %slice3A_2031 = vector.extract_strided_slice %add3A_2029 {offsets = [128, 0], sizes = [128, 1024], strides = [1, 1]} : vector<256x1024xf32> to vector<128x1024xf32>
    %lt3A_2032 = arith.cmpf olt, %slice3A_2031, %slice3A_2030 : vector<128x1024xf32>
    %min3A_2033 = arith.minimumf %slice3A_2030, %slice3A_2031 : vector<128x1024xf32>
    %jit3A_2034 = arith.constant 37 : i32
    %jit3A_2035 = arith.constant 36 : i32
    %broadcast_in_dim3A_2036 = vector.broadcast %jit3A_2034 : i32 to vector<128x1024xi32>
    %broadcast_in_dim3A_2037 = vector.broadcast %jit3A_2035 : i32 to vector<128x1024xi32>
    %select_n3A_2038 = arith.select %lt3A_2032, %broadcast_in_dim3A_2036, %broadcast_in_dim3A_2037 : vector<128x1024xi1>, vector<128x1024xi32>
    %lt3A_2039 = arith.cmpf olt, %min3A_2033, %min3A_2016 : vector<128x1024xf32>
    %min3A_2040 = arith.minimumf %min3A_2016, %min3A_2033 : vector<128x1024xf32>
    %select_n3A_2041 = arith.select %lt3A_2039, %select_n3A_2038, %select_n3A_2017 : vector<128x1024xi1>, vector<128x1024xi32>
    %get3A_2042 = arith.constant 4864 : index
    %get3A_2043 = arith.constant 0 : index
    %get3A_2044 = vector.load %arg3[%get3A_2042, %get3A_2043] : memref<8192x128xf32, #tpu.memory_space<vmem>>, vector<256x128xf32>
    %get3A_2045 = arith.constant 4864 : index
    %get3A_2046 = arith.constant 0 : index
    %get3A_2047 = vector.load %arg4[%get3A_2045, %get3A_2046] : memref<8192x1xf32, #tpu.memory_space<vmem>>, vector<256x1xf32>
    %dot_general3A_2048 = arith.constant dense<0.000000e+00> : vector<256x1024xf32>
    %dot_general3A_2049 = tpu.matmul %get3A_2044, %get3A_1583, %dot_general3A_2048 {dimension_numbers = #tpu.dot_dimension_numbers<[1], [0], [0], [1], [0, 0, 1, 1], [], []>, transpose_lhs_hint = false} : vector<256x128xf32>, vector<128x1024xf32>, vector<256x1024xf32> -> vector<256x1024xf32>
    %add3A_2050 = vector.broadcast %get3A_1588 : vector<1x1024xf32> to vector<256x1024xf32>
    %add3A_2051 = vector.broadcast %get3A_2047 : vector<256x1xf32> to vector<256x1024xf32>
    %add3A_2052 = arith.addf %add3A_2050, %add3A_2051 : vector<256x1024xf32>
    %add3A_2053 = arith.addf %add3A_2052, %dot_general3A_2049 : vector<256x1024xf32>
    %slice3A_2054 = vector.extract_strided_slice %add3A_2053 {offsets = [0, 0], sizes = [128, 1024], strides = [1, 1]} : vector<256x1024xf32> to vector<128x1024xf32>
    %slice3A_2055 = vector.extract_strided_slice %add3A_2053 {offsets = [128, 0], sizes = [128, 1024], strides = [1, 1]} : vector<256x1024xf32> to vector<128x1024xf32>
    %lt3A_2056 = arith.cmpf olt, %slice3A_2055, %slice3A_2054 : vector<128x1024xf32>
    %min3A_2057 = arith.minimumf %slice3A_2054, %slice3A_2055 : vector<128x1024xf32>
    %jit3A_2058 = arith.constant 39 : i32
    %jit3A_2059 = arith.constant 38 : i32
    %broadcast_in_dim3A_2060 = vector.broadcast %jit3A_2058 : i32 to vector<128x1024xi32>
    %broadcast_in_dim3A_2061 = vector.broadcast %jit3A_2059 : i32 to vector<128x1024xi32>
    %select_n3A_2062 = arith.select %lt3A_2056, %broadcast_in_dim3A_2060, %broadcast_in_dim3A_2061 : vector<128x1024xi1>, vector<128x1024xi32>
    %lt3A_2063 = arith.cmpf olt, %min3A_2057, %min3A_2040 : vector<128x1024xf32>
    %min3A_2064 = arith.minimumf %min3A_2040, %min3A_2057 : vector<128x1024xf32>
    %select_n3A_2065 = arith.select %lt3A_2063, %select_n3A_2062, %select_n3A_2041 : vector<128x1024xi1>, vector<128x1024xi32>
    %get3A_2066 = arith.constant 5120 : index
    %get3A_2067 = arith.constant 0 : index
    %get3A_2068 = vector.load %arg3[%get3A_2066, %get3A_2067] : memref<8192x128xf32, #tpu.memory_space<vmem>>, vector<256x128xf32>
    %get3A_2069 = arith.constant 5120 : index
    %get3A_2070 = arith.constant 0 : index
    %get3A_2071 = vector.load %arg4[%get3A_2069, %get3A_2070] : memref<8192x1xf32, #tpu.memory_space<vmem>>, vector<256x1xf32>
    %dot_general3A_2072 = arith.constant dense<0.000000e+00> : vector<256x1024xf32>
    %dot_general3A_2073 = tpu.matmul %get3A_2068, %get3A_1583, %dot_general3A_2072 {dimension_numbers = #tpu.dot_dimension_numbers<[1], [0], [0], [1], [0, 0, 1, 1], [], []>, transpose_lhs_hint = false} : vector<256x128xf32>, vector<128x1024xf32>, vector<256x1024xf32> -> vector<256x1024xf32>
    %add3A_2074 = vector.broadcast %get3A_1588 : vector<1x1024xf32> to vector<256x1024xf32>
    %add3A_2075 = vector.broadcast %get3A_2071 : vector<256x1xf32> to vector<256x1024xf32>
    %add3A_2076 = arith.addf %add3A_2074, %add3A_2075 : vector<256x1024xf32>
    %add3A_2077 = arith.addf %add3A_2076, %dot_general3A_2073 : vector<256x1024xf32>
    %slice3A_2078 = vector.extract_strided_slice %add3A_2077 {offsets = [0, 0], sizes = [128, 1024], strides = [1, 1]} : vector<256x1024xf32> to vector<128x1024xf32>
    %slice3A_2079 = vector.extract_strided_slice %add3A_2077 {offsets = [128, 0], sizes = [128, 1024], strides = [1, 1]} : vector<256x1024xf32> to vector<128x1024xf32>
    %lt3A_2080 = arith.cmpf olt, %slice3A_2079, %slice3A_2078 : vector<128x1024xf32>
    %min3A_2081 = arith.minimumf %slice3A_2078, %slice3A_2079 : vector<128x1024xf32>
    %jit3A_2082 = arith.constant 41 : i32
    %jit3A_2083 = arith.constant 40 : i32
    %broadcast_in_dim3A_2084 = vector.broadcast %jit3A_2082 : i32 to vector<128x1024xi32>
    %broadcast_in_dim3A_2085 = vector.broadcast %jit3A_2083 : i32 to vector<128x1024xi32>
    %select_n3A_2086 = arith.select %lt3A_2080, %broadcast_in_dim3A_2084, %broadcast_in_dim3A_2085 : vector<128x1024xi1>, vector<128x1024xi32>
    %lt3A_2087 = arith.cmpf olt, %min3A_2081, %min3A_2064 : vector<128x1024xf32>
    %min3A_2088 = arith.minimumf %min3A_2064, %min3A_2081 : vector<128x1024xf32>
    %select_n3A_2089 = arith.select %lt3A_2087, %select_n3A_2086, %select_n3A_2065 : vector<128x1024xi1>, vector<128x1024xi32>
    %get3A_2090 = arith.constant 5376 : index
    %get3A_2091 = arith.constant 0 : index
    %get3A_2092 = vector.load %arg3[%get3A_2090, %get3A_2091] : memref<8192x128xf32, #tpu.memory_space<vmem>>, vector<256x128xf32>
    %get3A_2093 = arith.constant 5376 : index
    %get3A_2094 = arith.constant 0 : index
    %get3A_2095 = vector.load %arg4[%get3A_2093, %get3A_2094] : memref<8192x1xf32, #tpu.memory_space<vmem>>, vector<256x1xf32>
    %dot_general3A_2096 = arith.constant dense<0.000000e+00> : vector<256x1024xf32>
    %dot_general3A_2097 = tpu.matmul %get3A_2092, %get3A_1583, %dot_general3A_2096 {dimension_numbers = #tpu.dot_dimension_numbers<[1], [0], [0], [1], [0, 0, 1, 1], [], []>, transpose_lhs_hint = false} : vector<256x128xf32>, vector<128x1024xf32>, vector<256x1024xf32> -> vector<256x1024xf32>
    %add3A_2098 = vector.broadcast %get3A_1588 : vector<1x1024xf32> to vector<256x1024xf32>
    %add3A_2099 = vector.broadcast %get3A_2095 : vector<256x1xf32> to vector<256x1024xf32>
    %add3A_2100 = arith.addf %add3A_2098, %add3A_2099 : vector<256x1024xf32>
    %add3A_2101 = arith.addf %add3A_2100, %dot_general3A_2097 : vector<256x1024xf32>
    %slice3A_2102 = vector.extract_strided_slice %add3A_2101 {offsets = [0, 0], sizes = [128, 1024], strides = [1, 1]} : vector<256x1024xf32> to vector<128x1024xf32>
    %slice3A_2103 = vector.extract_strided_slice %add3A_2101 {offsets = [128, 0], sizes = [128, 1024], strides = [1, 1]} : vector<256x1024xf32> to vector<128x1024xf32>
    %lt3A_2104 = arith.cmpf olt, %slice3A_2103, %slice3A_2102 : vector<128x1024xf32>
    %min3A_2105 = arith.minimumf %slice3A_2102, %slice3A_2103 : vector<128x1024xf32>
    %jit3A_2106 = arith.constant 43 : i32
    %jit3A_2107 = arith.constant 42 : i32
    %broadcast_in_dim3A_2108 = vector.broadcast %jit3A_2106 : i32 to vector<128x1024xi32>
    %broadcast_in_dim3A_2109 = vector.broadcast %jit3A_2107 : i32 to vector<128x1024xi32>
    %select_n3A_2110 = arith.select %lt3A_2104, %broadcast_in_dim3A_2108, %broadcast_in_dim3A_2109 : vector<128x1024xi1>, vector<128x1024xi32>
    %lt3A_2111 = arith.cmpf olt, %min3A_2105, %min3A_2088 : vector<128x1024xf32>
    %min3A_2112 = arith.minimumf %min3A_2088, %min3A_2105 : vector<128x1024xf32>
    %select_n3A_2113 = arith.select %lt3A_2111, %select_n3A_2110, %select_n3A_2089 : vector<128x1024xi1>, vector<128x1024xi32>
    %get3A_2114 = arith.constant 5632 : index
    %get3A_2115 = arith.constant 0 : index
    %get3A_2116 = vector.load %arg3[%get3A_2114, %get3A_2115] : memref<8192x128xf32, #tpu.memory_space<vmem>>, vector<256x128xf32>
    %get3A_2117 = arith.constant 5632 : index
    %get3A_2118 = arith.constant 0 : index
    %get3A_2119 = vector.load %arg4[%get3A_2117, %get3A_2118] : memref<8192x1xf32, #tpu.memory_space<vmem>>, vector<256x1xf32>
    %dot_general3A_2120 = arith.constant dense<0.000000e+00> : vector<256x1024xf32>
    %dot_general3A_2121 = tpu.matmul %get3A_2116, %get3A_1583, %dot_general3A_2120 {dimension_numbers = #tpu.dot_dimension_numbers<[1], [0], [0], [1], [0, 0, 1, 1], [], []>, transpose_lhs_hint = false} : vector<256x128xf32>, vector<128x1024xf32>, vector<256x1024xf32> -> vector<256x1024xf32>
    %add3A_2122 = vector.broadcast %get3A_1588 : vector<1x1024xf32> to vector<256x1024xf32>
    %add3A_2123 = vector.broadcast %get3A_2119 : vector<256x1xf32> to vector<256x1024xf32>
    %add3A_2124 = arith.addf %add3A_2122, %add3A_2123 : vector<256x1024xf32>
    %add3A_2125 = arith.addf %add3A_2124, %dot_general3A_2121 : vector<256x1024xf32>
    %slice3A_2126 = vector.extract_strided_slice %add3A_2125 {offsets = [0, 0], sizes = [128, 1024], strides = [1, 1]} : vector<256x1024xf32> to vector<128x1024xf32>
    %slice3A_2127 = vector.extract_strided_slice %add3A_2125 {offsets = [128, 0], sizes = [128, 1024], strides = [1, 1]} : vector<256x1024xf32> to vector<128x1024xf32>
    %lt3A_2128 = arith.cmpf olt, %slice3A_2127, %slice3A_2126 : vector<128x1024xf32>
    %min3A_2129 = arith.minimumf %slice3A_2126, %slice3A_2127 : vector<128x1024xf32>
    %jit3A_2130 = arith.constant 45 : i32
    %jit3A_2131 = arith.constant 44 : i32
    %broadcast_in_dim3A_2132 = vector.broadcast %jit3A_2130 : i32 to vector<128x1024xi32>
    %broadcast_in_dim3A_2133 = vector.broadcast %jit3A_2131 : i32 to vector<128x1024xi32>
    %select_n3A_2134 = arith.select %lt3A_2128, %broadcast_in_dim3A_2132, %broadcast_in_dim3A_2133 : vector<128x1024xi1>, vector<128x1024xi32>
    %lt3A_2135 = arith.cmpf olt, %min3A_2129, %min3A_2112 : vector<128x1024xf32>
    %min3A_2136 = arith.minimumf %min3A_2112, %min3A_2129 : vector<128x1024xf32>
    %select_n3A_2137 = arith.select %lt3A_2135, %select_n3A_2134, %select_n3A_2113 : vector<128x1024xi1>, vector<128x1024xi32>
    %get3A_2138 = arith.constant 5888 : index
    %get3A_2139 = arith.constant 0 : index
    %get3A_2140 = vector.load %arg3[%get3A_2138, %get3A_2139] : memref<8192x128xf32, #tpu.memory_space<vmem>>, vector<256x128xf32>
    %get3A_2141 = arith.constant 5888 : index
    %get3A_2142 = arith.constant 0 : index
    %get3A_2143 = vector.load %arg4[%get3A_2141, %get3A_2142] : memref<8192x1xf32, #tpu.memory_space<vmem>>, vector<256x1xf32>
    %dot_general3A_2144 = arith.constant dense<0.000000e+00> : vector<256x1024xf32>
    %dot_general3A_2145 = tpu.matmul %get3A_2140, %get3A_1583, %dot_general3A_2144 {dimension_numbers = #tpu.dot_dimension_numbers<[1], [0], [0], [1], [0, 0, 1, 1], [], []>, transpose_lhs_hint = false} : vector<256x128xf32>, vector<128x1024xf32>, vector<256x1024xf32> -> vector<256x1024xf32>
    %add3A_2146 = vector.broadcast %get3A_1588 : vector<1x1024xf32> to vector<256x1024xf32>
    %add3A_2147 = vector.broadcast %get3A_2143 : vector<256x1xf32> to vector<256x1024xf32>
    %add3A_2148 = arith.addf %add3A_2146, %add3A_2147 : vector<256x1024xf32>
    %add3A_2149 = arith.addf %add3A_2148, %dot_general3A_2145 : vector<256x1024xf32>
    %slice3A_2150 = vector.extract_strided_slice %add3A_2149 {offsets = [0, 0], sizes = [128, 1024], strides = [1, 1]} : vector<256x1024xf32> to vector<128x1024xf32>
    %slice3A_2151 = vector.extract_strided_slice %add3A_2149 {offsets = [128, 0], sizes = [128, 1024], strides = [1, 1]} : vector<256x1024xf32> to vector<128x1024xf32>
    %lt3A_2152 = arith.cmpf olt, %slice3A_2151, %slice3A_2150 : vector<128x1024xf32>
    %min3A_2153 = arith.minimumf %slice3A_2150, %slice3A_2151 : vector<128x1024xf32>
    %jit3A_2154 = arith.constant 47 : i32
    %jit3A_2155 = arith.constant 46 : i32
    %broadcast_in_dim3A_2156 = vector.broadcast %jit3A_2154 : i32 to vector<128x1024xi32>
    %broadcast_in_dim3A_2157 = vector.broadcast %jit3A_2155 : i32 to vector<128x1024xi32>
    %select_n3A_2158 = arith.select %lt3A_2152, %broadcast_in_dim3A_2156, %broadcast_in_dim3A_2157 : vector<128x1024xi1>, vector<128x1024xi32>
    %lt3A_2159 = arith.cmpf olt, %min3A_2153, %min3A_2136 : vector<128x1024xf32>
    %min3A_2160 = arith.minimumf %min3A_2136, %min3A_2153 : vector<128x1024xf32>
    %select_n3A_2161 = arith.select %lt3A_2159, %select_n3A_2158, %select_n3A_2137 : vector<128x1024xi1>, vector<128x1024xi32>
    %get3A_2162 = arith.constant 6144 : index
    %get3A_2163 = arith.constant 0 : index
    %get3A_2164 = vector.load %arg3[%get3A_2162, %get3A_2163] : memref<8192x128xf32, #tpu.memory_space<vmem>>, vector<256x128xf32>
    %get3A_2165 = arith.constant 6144 : index
    %get3A_2166 = arith.constant 0 : index
    %get3A_2167 = vector.load %arg4[%get3A_2165, %get3A_2166] : memref<8192x1xf32, #tpu.memory_space<vmem>>, vector<256x1xf32>
    %dot_general3A_2168 = arith.constant dense<0.000000e+00> : vector<256x1024xf32>
    %dot_general3A_2169 = tpu.matmul %get3A_2164, %get3A_1583, %dot_general3A_2168 {dimension_numbers = #tpu.dot_dimension_numbers<[1], [0], [0], [1], [0, 0, 1, 1], [], []>, transpose_lhs_hint = false} : vector<256x128xf32>, vector<128x1024xf32>, vector<256x1024xf32> -> vector<256x1024xf32>
    %add3A_2170 = vector.broadcast %get3A_1588 : vector<1x1024xf32> to vector<256x1024xf32>
    %add3A_2171 = vector.broadcast %get3A_2167 : vector<256x1xf32> to vector<256x1024xf32>
    %add3A_2172 = arith.addf %add3A_2170, %add3A_2171 : vector<256x1024xf32>
    %add3A_2173 = arith.addf %add3A_2172, %dot_general3A_2169 : vector<256x1024xf32>
    %slice3A_2174 = vector.extract_strided_slice %add3A_2173 {offsets = [0, 0], sizes = [128, 1024], strides = [1, 1]} : vector<256x1024xf32> to vector<128x1024xf32>
    %slice3A_2175 = vector.extract_strided_slice %add3A_2173 {offsets = [128, 0], sizes = [128, 1024], strides = [1, 1]} : vector<256x1024xf32> to vector<128x1024xf32>
    %lt3A_2176 = arith.cmpf olt, %slice3A_2175, %slice3A_2174 : vector<128x1024xf32>
    %min3A_2177 = arith.minimumf %slice3A_2174, %slice3A_2175 : vector<128x1024xf32>
    %jit3A_2178 = arith.constant 49 : i32
    %jit3A_2179 = arith.constant 48 : i32
    %broadcast_in_dim3A_2180 = vector.broadcast %jit3A_2178 : i32 to vector<128x1024xi32>
    %broadcast_in_dim3A_2181 = vector.broadcast %jit3A_2179 : i32 to vector<128x1024xi32>
    %select_n3A_2182 = arith.select %lt3A_2176, %broadcast_in_dim3A_2180, %broadcast_in_dim3A_2181 : vector<128x1024xi1>, vector<128x1024xi32>
    %lt3A_2183 = arith.cmpf olt, %min3A_2177, %min3A_2160 : vector<128x1024xf32>
    %min3A_2184 = arith.minimumf %min3A_2160, %min3A_2177 : vector<128x1024xf32>
    %select_n3A_2185 = arith.select %lt3A_2183, %select_n3A_2182, %select_n3A_2161 : vector<128x1024xi1>, vector<128x1024xi32>
    %get3A_2186 = arith.constant 6400 : index
    %get3A_2187 = arith.constant 0 : index
    %get3A_2188 = vector.load %arg3[%get3A_2186, %get3A_2187] : memref<8192x128xf32, #tpu.memory_space<vmem>>, vector<256x128xf32>
    %get3A_2189 = arith.constant 6400 : index
    %get3A_2190 = arith.constant 0 : index
    %get3A_2191 = vector.load %arg4[%get3A_2189, %get3A_2190] : memref<8192x1xf32, #tpu.memory_space<vmem>>, vector<256x1xf32>
    %dot_general3A_2192 = arith.constant dense<0.000000e+00> : vector<256x1024xf32>
    %dot_general3A_2193 = tpu.matmul %get3A_2188, %get3A_1583, %dot_general3A_2192 {dimension_numbers = #tpu.dot_dimension_numbers<[1], [0], [0], [1], [0, 0, 1, 1], [], []>, transpose_lhs_hint = false} : vector<256x128xf32>, vector<128x1024xf32>, vector<256x1024xf32> -> vector<256x1024xf32>
    %add3A_2194 = vector.broadcast %get3A_1588 : vector<1x1024xf32> to vector<256x1024xf32>
    %add3A_2195 = vector.broadcast %get3A_2191 : vector<256x1xf32> to vector<256x1024xf32>
    %add3A_2196 = arith.addf %add3A_2194, %add3A_2195 : vector<256x1024xf32>
    %add3A_2197 = arith.addf %add3A_2196, %dot_general3A_2193 : vector<256x1024xf32>
    %slice3A_2198 = vector.extract_strided_slice %add3A_2197 {offsets = [0, 0], sizes = [128, 1024], strides = [1, 1]} : vector<256x1024xf32> to vector<128x1024xf32>
    %slice3A_2199 = vector.extract_strided_slice %add3A_2197 {offsets = [128, 0], sizes = [128, 1024], strides = [1, 1]} : vector<256x1024xf32> to vector<128x1024xf32>
    %lt3A_2200 = arith.cmpf olt, %slice3A_2199, %slice3A_2198 : vector<128x1024xf32>
    %min3A_2201 = arith.minimumf %slice3A_2198, %slice3A_2199 : vector<128x1024xf32>
    %jit3A_2202 = arith.constant 51 : i32
    %jit3A_2203 = arith.constant 50 : i32
    %broadcast_in_dim3A_2204 = vector.broadcast %jit3A_2202 : i32 to vector<128x1024xi32>
    %broadcast_in_dim3A_2205 = vector.broadcast %jit3A_2203 : i32 to vector<128x1024xi32>
    %select_n3A_2206 = arith.select %lt3A_2200, %broadcast_in_dim3A_2204, %broadcast_in_dim3A_2205 : vector<128x1024xi1>, vector<128x1024xi32>
    %lt3A_2207 = arith.cmpf olt, %min3A_2201, %min3A_2184 : vector<128x1024xf32>
    %min3A_2208 = arith.minimumf %min3A_2184, %min3A_2201 : vector<128x1024xf32>
    %select_n3A_2209 = arith.select %lt3A_2207, %select_n3A_2206, %select_n3A_2185 : vector<128x1024xi1>, vector<128x1024xi32>
    %get3A_2210 = arith.constant 6656 : index
    %get3A_2211 = arith.constant 0 : index
    %get3A_2212 = vector.load %arg3[%get3A_2210, %get3A_2211] : memref<8192x128xf32, #tpu.memory_space<vmem>>, vector<256x128xf32>
    %get3A_2213 = arith.constant 6656 : index
    %get3A_2214 = arith.constant 0 : index
    %get3A_2215 = vector.load %arg4[%get3A_2213, %get3A_2214] : memref<8192x1xf32, #tpu.memory_space<vmem>>, vector<256x1xf32>
    %dot_general3A_2216 = arith.constant dense<0.000000e+00> : vector<256x1024xf32>
    %dot_general3A_2217 = tpu.matmul %get3A_2212, %get3A_1583, %dot_general3A_2216 {dimension_numbers = #tpu.dot_dimension_numbers<[1], [0], [0], [1], [0, 0, 1, 1], [], []>, transpose_lhs_hint = false} : vector<256x128xf32>, vector<128x1024xf32>, vector<256x1024xf32> -> vector<256x1024xf32>
    %add3A_2218 = vector.broadcast %get3A_1588 : vector<1x1024xf32> to vector<256x1024xf32>
    %add3A_2219 = vector.broadcast %get3A_2215 : vector<256x1xf32> to vector<256x1024xf32>
    %add3A_2220 = arith.addf %add3A_2218, %add3A_2219 : vector<256x1024xf32>
    %add3A_2221 = arith.addf %add3A_2220, %dot_general3A_2217 : vector<256x1024xf32>
    %slice3A_2222 = vector.extract_strided_slice %add3A_2221 {offsets = [0, 0], sizes = [128, 1024], strides = [1, 1]} : vector<256x1024xf32> to vector<128x1024xf32>
    %slice3A_2223 = vector.extract_strided_slice %add3A_2221 {offsets = [128, 0], sizes = [128, 1024], strides = [1, 1]} : vector<256x1024xf32> to vector<128x1024xf32>
    %lt3A_2224 = arith.cmpf olt, %slice3A_2223, %slice3A_2222 : vector<128x1024xf32>
    %min3A_2225 = arith.minimumf %slice3A_2222, %slice3A_2223 : vector<128x1024xf32>
    %jit3A_2226 = arith.constant 53 : i32
    %jit3A_2227 = arith.constant 52 : i32
    %broadcast_in_dim3A_2228 = vector.broadcast %jit3A_2226 : i32 to vector<128x1024xi32>
    %broadcast_in_dim3A_2229 = vector.broadcast %jit3A_2227 : i32 to vector<128x1024xi32>
    %select_n3A_2230 = arith.select %lt3A_2224, %broadcast_in_dim3A_2228, %broadcast_in_dim3A_2229 : vector<128x1024xi1>, vector<128x1024xi32>
    %lt3A_2231 = arith.cmpf olt, %min3A_2225, %min3A_2208 : vector<128x1024xf32>
    %min3A_2232 = arith.minimumf %min3A_2208, %min3A_2225 : vector<128x1024xf32>
    %select_n3A_2233 = arith.select %lt3A_2231, %select_n3A_2230, %select_n3A_2209 : vector<128x1024xi1>, vector<128x1024xi32>
    %get3A_2234 = arith.constant 6912 : index
    %get3A_2235 = arith.constant 0 : index
    %get3A_2236 = vector.load %arg3[%get3A_2234, %get3A_2235] : memref<8192x128xf32, #tpu.memory_space<vmem>>, vector<256x128xf32>
    %get3A_2237 = arith.constant 6912 : index
    %get3A_2238 = arith.constant 0 : index
    %get3A_2239 = vector.load %arg4[%get3A_2237, %get3A_2238] : memref<8192x1xf32, #tpu.memory_space<vmem>>, vector<256x1xf32>
    %dot_general3A_2240 = arith.constant dense<0.000000e+00> : vector<256x1024xf32>
    %dot_general3A_2241 = tpu.matmul %get3A_2236, %get3A_1583, %dot_general3A_2240 {dimension_numbers = #tpu.dot_dimension_numbers<[1], [0], [0], [1], [0, 0, 1, 1], [], []>, transpose_lhs_hint = false} : vector<256x128xf32>, vector<128x1024xf32>, vector<256x1024xf32> -> vector<256x1024xf32>
    %add3A_2242 = vector.broadcast %get3A_1588 : vector<1x1024xf32> to vector<256x1024xf32>
    %add3A_2243 = vector.broadcast %get3A_2239 : vector<256x1xf32> to vector<256x1024xf32>
    %add3A_2244 = arith.addf %add3A_2242, %add3A_2243 : vector<256x1024xf32>
    %add3A_2245 = arith.addf %add3A_2244, %dot_general3A_2241 : vector<256x1024xf32>
    %slice3A_2246 = vector.extract_strided_slice %add3A_2245 {offsets = [0, 0], sizes = [128, 1024], strides = [1, 1]} : vector<256x1024xf32> to vector<128x1024xf32>
    %slice3A_2247 = vector.extract_strided_slice %add3A_2245 {offsets = [128, 0], sizes = [128, 1024], strides = [1, 1]} : vector<256x1024xf32> to vector<128x1024xf32>
    %lt3A_2248 = arith.cmpf olt, %slice3A_2247, %slice3A_2246 : vector<128x1024xf32>
    %min3A_2249 = arith.minimumf %slice3A_2246, %slice3A_2247 : vector<128x1024xf32>
    %jit3A_2250 = arith.constant 55 : i32
    %jit3A_2251 = arith.constant 54 : i32
    %broadcast_in_dim3A_2252 = vector.broadcast %jit3A_2250 : i32 to vector<128x1024xi32>
    %broadcast_in_dim3A_2253 = vector.broadcast %jit3A_2251 : i32 to vector<128x1024xi32>
    %select_n3A_2254 = arith.select %lt3A_2248, %broadcast_in_dim3A_2252, %broadcast_in_dim3A_2253 : vector<128x1024xi1>, vector<128x1024xi32>
    %lt3A_2255 = arith.cmpf olt, %min3A_2249, %min3A_2232 : vector<128x1024xf32>
    %min3A_2256 = arith.minimumf %min3A_2232, %min3A_2249 : vector<128x1024xf32>
    %select_n3A_2257 = arith.select %lt3A_2255, %select_n3A_2254, %select_n3A_2233 : vector<128x1024xi1>, vector<128x1024xi32>
    %get3A_2258 = arith.constant 7168 : index
    %get3A_2259 = arith.constant 0 : index
    %get3A_2260 = vector.load %arg3[%get3A_2258, %get3A_2259] : memref<8192x128xf32, #tpu.memory_space<vmem>>, vector<256x128xf32>
    %get3A_2261 = arith.constant 7168 : index
    %get3A_2262 = arith.constant 0 : index
    %get3A_2263 = vector.load %arg4[%get3A_2261, %get3A_2262] : memref<8192x1xf32, #tpu.memory_space<vmem>>, vector<256x1xf32>
    %dot_general3A_2264 = arith.constant dense<0.000000e+00> : vector<256x1024xf32>
    %dot_general3A_2265 = tpu.matmul %get3A_2260, %get3A_1583, %dot_general3A_2264 {dimension_numbers = #tpu.dot_dimension_numbers<[1], [0], [0], [1], [0, 0, 1, 1], [], []>, transpose_lhs_hint = false} : vector<256x128xf32>, vector<128x1024xf32>, vector<256x1024xf32> -> vector<256x1024xf32>
    %add3A_2266 = vector.broadcast %get3A_1588 : vector<1x1024xf32> to vector<256x1024xf32>
    %add3A_2267 = vector.broadcast %get3A_2263 : vector<256x1xf32> to vector<256x1024xf32>
    %add3A_2268 = arith.addf %add3A_2266, %add3A_2267 : vector<256x1024xf32>
    %add3A_2269 = arith.addf %add3A_2268, %dot_general3A_2265 : vector<256x1024xf32>
    %slice3A_2270 = vector.extract_strided_slice %add3A_2269 {offsets = [0, 0], sizes = [128, 1024], strides = [1, 1]} : vector<256x1024xf32> to vector<128x1024xf32>
    %slice3A_2271 = vector.extract_strided_slice %add3A_2269 {offsets = [128, 0], sizes = [128, 1024], strides = [1, 1]} : vector<256x1024xf32> to vector<128x1024xf32>
    %lt3A_2272 = arith.cmpf olt, %slice3A_2271, %slice3A_2270 : vector<128x1024xf32>
    %min3A_2273 = arith.minimumf %slice3A_2270, %slice3A_2271 : vector<128x1024xf32>
    %jit3A_2274 = arith.constant 57 : i32
    %jit3A_2275 = arith.constant 56 : i32
    %broadcast_in_dim3A_2276 = vector.broadcast %jit3A_2274 : i32 to vector<128x1024xi32>
    %broadcast_in_dim3A_2277 = vector.broadcast %jit3A_2275 : i32 to vector<128x1024xi32>
    %select_n3A_2278 = arith.select %lt3A_2272, %broadcast_in_dim3A_2276, %broadcast_in_dim3A_2277 : vector<128x1024xi1>, vector<128x1024xi32>
    %lt3A_2279 = arith.cmpf olt, %min3A_2273, %min3A_2256 : vector<128x1024xf32>
    %min3A_2280 = arith.minimumf %min3A_2256, %min3A_2273 : vector<128x1024xf32>
    %select_n3A_2281 = arith.select %lt3A_2279, %select_n3A_2278, %select_n3A_2257 : vector<128x1024xi1>, vector<128x1024xi32>
    %get3A_2282 = arith.constant 7424 : index
    %get3A_2283 = arith.constant 0 : index
    %get3A_2284 = vector.load %arg3[%get3A_2282, %get3A_2283] : memref<8192x128xf32, #tpu.memory_space<vmem>>, vector<256x128xf32>
    %get3A_2285 = arith.constant 7424 : index
    %get3A_2286 = arith.constant 0 : index
    %get3A_2287 = vector.load %arg4[%get3A_2285, %get3A_2286] : memref<8192x1xf32, #tpu.memory_space<vmem>>, vector<256x1xf32>
    %dot_general3A_2288 = arith.constant dense<0.000000e+00> : vector<256x1024xf32>
    %dot_general3A_2289 = tpu.matmul %get3A_2284, %get3A_1583, %dot_general3A_2288 {dimension_numbers = #tpu.dot_dimension_numbers<[1], [0], [0], [1], [0, 0, 1, 1], [], []>, transpose_lhs_hint = false} : vector<256x128xf32>, vector<128x1024xf32>, vector<256x1024xf32> -> vector<256x1024xf32>
    %add3A_2290 = vector.broadcast %get3A_1588 : vector<1x1024xf32> to vector<256x1024xf32>
    %add3A_2291 = vector.broadcast %get3A_2287 : vector<256x1xf32> to vector<256x1024xf32>
    %add3A_2292 = arith.addf %add3A_2290, %add3A_2291 : vector<256x1024xf32>
    %add3A_2293 = arith.addf %add3A_2292, %dot_general3A_2289 : vector<256x1024xf32>
    %slice3A_2294 = vector.extract_strided_slice %add3A_2293 {offsets = [0, 0], sizes = [128, 1024], strides = [1, 1]} : vector<256x1024xf32> to vector<128x1024xf32>
    %slice3A_2295 = vector.extract_strided_slice %add3A_2293 {offsets = [128, 0], sizes = [128, 1024], strides = [1, 1]} : vector<256x1024xf32> to vector<128x1024xf32>
    %lt3A_2296 = arith.cmpf olt, %slice3A_2295, %slice3A_2294 : vector<128x1024xf32>
    %min3A_2297 = arith.minimumf %slice3A_2294, %slice3A_2295 : vector<128x1024xf32>
    %jit3A_2298 = arith.constant 59 : i32
    %jit3A_2299 = arith.constant 58 : i32
    %broadcast_in_dim3A_2300 = vector.broadcast %jit3A_2298 : i32 to vector<128x1024xi32>
    %broadcast_in_dim3A_2301 = vector.broadcast %jit3A_2299 : i32 to vector<128x1024xi32>
    %select_n3A_2302 = arith.select %lt3A_2296, %broadcast_in_dim3A_2300, %broadcast_in_dim3A_2301 : vector<128x1024xi1>, vector<128x1024xi32>
    %lt3A_2303 = arith.cmpf olt, %min3A_2297, %min3A_2280 : vector<128x1024xf32>
    %min3A_2304 = arith.minimumf %min3A_2280, %min3A_2297 : vector<128x1024xf32>
    %select_n3A_2305 = arith.select %lt3A_2303, %select_n3A_2302, %select_n3A_2281 : vector<128x1024xi1>, vector<128x1024xi32>
    %get3A_2306 = arith.constant 7680 : index
    %get3A_2307 = arith.constant 0 : index
    %get3A_2308 = vector.load %arg3[%get3A_2306, %get3A_2307] : memref<8192x128xf32, #tpu.memory_space<vmem>>, vector<256x128xf32>
    %get3A_2309 = arith.constant 7680 : index
    %get3A_2310 = arith.constant 0 : index
    %get3A_2311 = vector.load %arg4[%get3A_2309, %get3A_2310] : memref<8192x1xf32, #tpu.memory_space<vmem>>, vector<256x1xf32>
    %dot_general3A_2312 = arith.constant dense<0.000000e+00> : vector<256x1024xf32>
    %dot_general3A_2313 = tpu.matmul %get3A_2308, %get3A_1583, %dot_general3A_2312 {dimension_numbers = #tpu.dot_dimension_numbers<[1], [0], [0], [1], [0, 0, 1, 1], [], []>, transpose_lhs_hint = false} : vector<256x128xf32>, vector<128x1024xf32>, vector<256x1024xf32> -> vector<256x1024xf32>
    %add3A_2314 = vector.broadcast %get3A_1588 : vector<1x1024xf32> to vector<256x1024xf32>
    %add3A_2315 = vector.broadcast %get3A_2311 : vector<256x1xf32> to vector<256x1024xf32>
    %add3A_2316 = arith.addf %add3A_2314, %add3A_2315 : vector<256x1024xf32>
    %add3A_2317 = arith.addf %add3A_2316, %dot_general3A_2313 : vector<256x1024xf32>
    %slice3A_2318 = vector.extract_strided_slice %add3A_2317 {offsets = [0, 0], sizes = [128, 1024], strides = [1, 1]} : vector<256x1024xf32> to vector<128x1024xf32>
    %slice3A_2319 = vector.extract_strided_slice %add3A_2317 {offsets = [128, 0], sizes = [128, 1024], strides = [1, 1]} : vector<256x1024xf32> to vector<128x1024xf32>
    %lt3A_2320 = arith.cmpf olt, %slice3A_2319, %slice3A_2318 : vector<128x1024xf32>
    %min3A_2321 = arith.minimumf %slice3A_2318, %slice3A_2319 : vector<128x1024xf32>
    %jit3A_2322 = arith.constant 61 : i32
    %jit3A_2323 = arith.constant 60 : i32
    %broadcast_in_dim3A_2324 = vector.broadcast %jit3A_2322 : i32 to vector<128x1024xi32>
    %broadcast_in_dim3A_2325 = vector.broadcast %jit3A_2323 : i32 to vector<128x1024xi32>
    %select_n3A_2326 = arith.select %lt3A_2320, %broadcast_in_dim3A_2324, %broadcast_in_dim3A_2325 : vector<128x1024xi1>, vector<128x1024xi32>
    %lt3A_2327 = arith.cmpf olt, %min3A_2321, %min3A_2304 : vector<128x1024xf32>
    %min3A_2328 = arith.minimumf %min3A_2304, %min3A_2321 : vector<128x1024xf32>
    %select_n3A_2329 = arith.select %lt3A_2327, %select_n3A_2326, %select_n3A_2305 : vector<128x1024xi1>, vector<128x1024xi32>
    %get3A_2330 = arith.constant 7936 : index
    %get3A_2331 = arith.constant 0 : index
    %get3A_2332 = vector.load %arg3[%get3A_2330, %get3A_2331] : memref<8192x128xf32, #tpu.memory_space<vmem>>, vector<256x128xf32>
    %get3A_2333 = arith.constant 7936 : index
    %get3A_2334 = arith.constant 0 : index
    %get3A_2335 = vector.load %arg4[%get3A_2333, %get3A_2334] : memref<8192x1xf32, #tpu.memory_space<vmem>>, vector<256x1xf32>
    %dot_general3A_2336 = arith.constant dense<0.000000e+00> : vector<256x1024xf32>
    %dot_general3A_2337 = tpu.matmul %get3A_2332, %get3A_1583, %dot_general3A_2336 {dimension_numbers = #tpu.dot_dimension_numbers<[1], [0], [0], [1], [0, 0, 1, 1], [], []>, transpose_lhs_hint = false} : vector<256x128xf32>, vector<128x1024xf32>, vector<256x1024xf32> -> vector<256x1024xf32>
    %add3A_2338 = vector.broadcast %get3A_1588 : vector<1x1024xf32> to vector<256x1024xf32>
    %add3A_2339 = vector.broadcast %get3A_2335 : vector<256x1xf32> to vector<256x1024xf32>
    %add3A_2340 = arith.addf %add3A_2338, %add3A_2339 : vector<256x1024xf32>
    %add3A_2341 = arith.addf %add3A_2340, %dot_general3A_2337 : vector<256x1024xf32>
    %slice3A_2342 = vector.extract_strided_slice %add3A_2341 {offsets = [0, 0], sizes = [128, 1024], strides = [1, 1]} : vector<256x1024xf32> to vector<128x1024xf32>
    %slice3A_2343 = vector.extract_strided_slice %add3A_2341 {offsets = [128, 0], sizes = [128, 1024], strides = [1, 1]} : vector<256x1024xf32> to vector<128x1024xf32>
    %lt3A_2344 = arith.cmpf olt, %slice3A_2343, %slice3A_2342 : vector<128x1024xf32>
    %min3A_2345 = arith.minimumf %slice3A_2342, %slice3A_2343 : vector<128x1024xf32>
    %jit3A_2346 = arith.constant 63 : i32
    %jit3A_2347 = arith.constant 62 : i32
    %broadcast_in_dim3A_2348 = vector.broadcast %jit3A_2346 : i32 to vector<128x1024xi32>
    %broadcast_in_dim3A_2349 = vector.broadcast %jit3A_2347 : i32 to vector<128x1024xi32>
    %select_n3A_2350 = arith.select %lt3A_2344, %broadcast_in_dim3A_2348, %broadcast_in_dim3A_2349 : vector<128x1024xi1>, vector<128x1024xi32>
    %lt3A_2351 = arith.cmpf olt, %min3A_2345, %min3A_2328 : vector<128x1024xf32>
    %min3A_2352 = arith.minimumf %min3A_2328, %min3A_2345 : vector<128x1024xf32>
    %select_n3A_2353 = arith.select %lt3A_2351, %select_n3A_2350, %select_n3A_2329 : vector<128x1024xi1>, vector<128x1024xi32>
    %mul3A_2354 = arith.constant 128 : i32
    %mul3A_2355 = vector.broadcast %mul3A_2354 : i32 to vector<128x1024xi32>
    %mul3A_2356 = arith.muli %select_n3A_2353, %mul3A_2355 : vector<128x1024xi32>
    %add3A_2357 = arith.addi %mul3A_2356, %iota3A : vector<128x1024xi32>
    %reduce_min3A_2358 = arith.constant dense<0x7F800000> : vector<1024xf32>
    %reduce_min3A_2359 = vector.multi_reduction <minimumf>, %min3A_2352, %reduce_min3A_2358 [0] : vector<128x1024xf32> to vector<1024xf32>
    %broadcast_in_dim3A_2360 = vector.shape_cast %reduce_min3A_2359 : vector<1024xf32> to vector<1x1024xf32>
    %eq3A_2361 = vector.broadcast %broadcast_in_dim3A_2360 : vector<1x1024xf32> to vector<128x1024xf32>
    %eq3A_2362 = arith.cmpf oeq, %min3A_2352, %eq3A_2361 : vector<128x1024xf32>
    %jit3A_2363 = arith.constant 1073741824 : i32
    %broadcast_in_dim3A_2364 = vector.broadcast %jit3A_2363 : i32 to vector<128x1024xi32>
    %select_n3A_2365 = arith.select %eq3A_2362, %add3A_2357, %broadcast_in_dim3A_2364 : vector<128x1024xi1>, vector<128x1024xi32>
    %reduce_min3A_2366 = arith.constant dense<2147483647> : vector<1024xi32>
    %reduce_min3A_2367 = vector.multi_reduction <minsi>, %select_n3A_2365, %reduce_min3A_2366 [0] : vector<128x1024xi32> to vector<1024xi32>
    %broadcast_in_dim3A_2368 = vector.shape_cast %reduce_min3A_2367 : vector<1024xi32> to vector<1x1024xi32>
    %swap3A_2369 = arith.constant 2 : index
    %swap3A_2370 = arith.constant 0 : index
    %swap3A_2371 = arith.constant 0 : index
    %swap3A_2372 = vector.load %arg5[%swap3A_2369, %swap3A_2370, %swap3A_2371] : memref<4x1x1024xi32, #tpu.memory_space<vmem>>, vector<1x1x1024xi32>
    %swap3A_2373 = vector.shape_cast %swap3A_2372 : vector<1x1x1024xi32> to vector<1x1024xi32>
    %swap3A_2374 = vector.shape_cast %broadcast_in_dim3A_2368 : vector<1x1024xi32> to vector<1x1x1024xi32>
    tpu.vector_store %arg5[%swap3A_2369, %swap3A_2370, %swap3A_2371], %swap3A_2374 {strides = array<i32>} : memref<4x1x1024xi32, #tpu.memory_space<vmem>>, vector<1x1x1024xi32>,
    %get3A_2375 = arith.constant 3 : index
    %get3A_2376 = arith.constant 0 : index
    %get3A_2377 = arith.constant 0 : index
    %get3A_2378 = vector.load %arg1[%get3A_2375, %get3A_2376, %get3A_2377] : memref<4x128x1024xf32, #tpu.memory_space<vmem>>, vector<1x128x1024xf32>
    %get3A_2379 = vector.shape_cast %get3A_2378 : vector<1x128x1024xf32> to vector<128x1024xf32>
    %get3A_2380 = arith.constant 3 : index
    %get3A_2381 = arith.constant 0 : index
    %get3A_2382 = arith.constant 0 : index
    %get3A_2383 = vector.load %arg2[%get3A_2380, %get3A_2381, %get3A_2382] : memref<4x1x1024xf32, #tpu.memory_space<vmem>>, vector<1x1x1024xf32>
    %get3A_2384 = vector.shape_cast %get3A_2383 : vector<1x1x1024xf32> to vector<1x1024xf32>
    %get3A_2385 = arith.constant 0 : index
    %get3A_2386 = arith.constant 0 : index
    %get3A_2387 = vector.load %arg3[%get3A_2385, %get3A_2386] : memref<8192x128xf32, #tpu.memory_space<vmem>>, vector<256x128xf32>
    %get3A_2388 = arith.constant 0 : index
    %get3A_2389 = arith.constant 0 : index
    %get3A_2390 = vector.load %arg4[%get3A_2388, %get3A_2389] : memref<8192x1xf32, #tpu.memory_space<vmem>>, vector<256x1xf32>
    %dot_general3A_2391 = arith.constant dense<0.000000e+00> : vector<256x1024xf32>
    %dot_general3A_2392 = tpu.matmul %get3A_2387, %get3A_2379, %dot_general3A_2391 {dimension_numbers = #tpu.dot_dimension_numbers<[1], [0], [0], [1], [0, 0, 1, 1], [], []>, transpose_lhs_hint = false} : vector<256x128xf32>, vector<128x1024xf32>, vector<256x1024xf32> -> vector<256x1024xf32>
    %add3A_2393 = vector.broadcast %get3A_2384 : vector<1x1024xf32> to vector<256x1024xf32>
    %add3A_2394 = vector.broadcast %get3A_2390 : vector<256x1xf32> to vector<256x1024xf32>
    %add3A_2395 = arith.addf %add3A_2393, %add3A_2394 : vector<256x1024xf32>
    %add3A_2396 = arith.addf %add3A_2395, %dot_general3A_2392 : vector<256x1024xf32>
    %slice3A_2397 = vector.extract_strided_slice %add3A_2396 {offsets = [0, 0], sizes = [128, 1024], strides = [1, 1]} : vector<256x1024xf32> to vector<128x1024xf32>
    %slice3A_2398 = vector.extract_strided_slice %add3A_2396 {offsets = [128, 0], sizes = [128, 1024], strides = [1, 1]} : vector<256x1024xf32> to vector<128x1024xf32>
    %lt3A_2399 = arith.cmpf olt, %slice3A_2398, %slice3A_2397 : vector<128x1024xf32>
    %min3A_2400 = arith.minimumf %slice3A_2397, %slice3A_2398 : vector<128x1024xf32>
    %jit3A_2401 = arith.constant 1 : i32
    %jit3A_2402 = arith.constant 0 : i32
    %broadcast_in_dim3A_2403 = vector.broadcast %jit3A_2401 : i32 to vector<128x1024xi32>
    %broadcast_in_dim3A_2404 = vector.broadcast %jit3A_2402 : i32 to vector<128x1024xi32>
    %select_n3A_2405 = arith.select %lt3A_2399, %broadcast_in_dim3A_2403, %broadcast_in_dim3A_2404 : vector<128x1024xi1>, vector<128x1024xi32>
    %get3A_2406 = arith.constant 256 : index
    %get3A_2407 = arith.constant 0 : index
    %get3A_2408 = vector.load %arg3[%get3A_2406, %get3A_2407] : memref<8192x128xf32, #tpu.memory_space<vmem>>, vector<256x128xf32>
    %get3A_2409 = arith.constant 256 : index
    %get3A_2410 = arith.constant 0 : index
    %get3A_2411 = vector.load %arg4[%get3A_2409, %get3A_2410] : memref<8192x1xf32, #tpu.memory_space<vmem>>, vector<256x1xf32>
    %dot_general3A_2412 = arith.constant dense<0.000000e+00> : vector<256x1024xf32>
    %dot_general3A_2413 = tpu.matmul %get3A_2408, %get3A_2379, %dot_general3A_2412 {dimension_numbers = #tpu.dot_dimension_numbers<[1], [0], [0], [1], [0, 0, 1, 1], [], []>, transpose_lhs_hint = false} : vector<256x128xf32>, vector<128x1024xf32>, vector<256x1024xf32> -> vector<256x1024xf32>
    %add3A_2414 = vector.broadcast %get3A_2384 : vector<1x1024xf32> to vector<256x1024xf32>
    %add3A_2415 = vector.broadcast %get3A_2411 : vector<256x1xf32> to vector<256x1024xf32>
    %add3A_2416 = arith.addf %add3A_2414, %add3A_2415 : vector<256x1024xf32>
    %add3A_2417 = arith.addf %add3A_2416, %dot_general3A_2413 : vector<256x1024xf32>
    %slice3A_2418 = vector.extract_strided_slice %add3A_2417 {offsets = [0, 0], sizes = [128, 1024], strides = [1, 1]} : vector<256x1024xf32> to vector<128x1024xf32>
    %slice3A_2419 = vector.extract_strided_slice %add3A_2417 {offsets = [128, 0], sizes = [128, 1024], strides = [1, 1]} : vector<256x1024xf32> to vector<128x1024xf32>
    %lt3A_2420 = arith.cmpf olt, %slice3A_2419, %slice3A_2418 : vector<128x1024xf32>
    %min3A_2421 = arith.minimumf %slice3A_2418, %slice3A_2419 : vector<128x1024xf32>
    %jit3A_2422 = arith.constant 3 : i32
    %jit3A_2423 = arith.constant 2 : i32
    %broadcast_in_dim3A_2424 = vector.broadcast %jit3A_2422 : i32 to vector<128x1024xi32>
    %broadcast_in_dim3A_2425 = vector.broadcast %jit3A_2423 : i32 to vector<128x1024xi32>
    %select_n3A_2426 = arith.select %lt3A_2420, %broadcast_in_dim3A_2424, %broadcast_in_dim3A_2425 : vector<128x1024xi1>, vector<128x1024xi32>
    %lt3A_2427 = arith.cmpf olt, %min3A_2421, %min3A_2400 : vector<128x1024xf32>
    %min3A_2428 = arith.minimumf %min3A_2400, %min3A_2421 : vector<128x1024xf32>
    %select_n3A_2429 = arith.select %lt3A_2427, %select_n3A_2426, %select_n3A_2405 : vector<128x1024xi1>, vector<128x1024xi32>
    %get3A_2430 = arith.constant 512 : index
    %get3A_2431 = arith.constant 0 : index
    %get3A_2432 = vector.load %arg3[%get3A_2430, %get3A_2431] : memref<8192x128xf32, #tpu.memory_space<vmem>>, vector<256x128xf32>
    %get3A_2433 = arith.constant 512 : index
    %get3A_2434 = arith.constant 0 : index
    %get3A_2435 = vector.load %arg4[%get3A_2433, %get3A_2434] : memref<8192x1xf32, #tpu.memory_space<vmem>>, vector<256x1xf32>
    %dot_general3A_2436 = arith.constant dense<0.000000e+00> : vector<256x1024xf32>
    %dot_general3A_2437 = tpu.matmul %get3A_2432, %get3A_2379, %dot_general3A_2436 {dimension_numbers = #tpu.dot_dimension_numbers<[1], [0], [0], [1], [0, 0, 1, 1], [], []>, transpose_lhs_hint = false} : vector<256x128xf32>, vector<128x1024xf32>, vector<256x1024xf32> -> vector<256x1024xf32>
    %add3A_2438 = vector.broadcast %get3A_2384 : vector<1x1024xf32> to vector<256x1024xf32>
    %add3A_2439 = vector.broadcast %get3A_2435 : vector<256x1xf32> to vector<256x1024xf32>
    %add3A_2440 = arith.addf %add3A_2438, %add3A_2439 : vector<256x1024xf32>
    %add3A_2441 = arith.addf %add3A_2440, %dot_general3A_2437 : vector<256x1024xf32>
    %slice3A_2442 = vector.extract_strided_slice %add3A_2441 {offsets = [0, 0], sizes = [128, 1024], strides = [1, 1]} : vector<256x1024xf32> to vector<128x1024xf32>
    %slice3A_2443 = vector.extract_strided_slice %add3A_2441 {offsets = [128, 0], sizes = [128, 1024], strides = [1, 1]} : vector<256x1024xf32> to vector<128x1024xf32>
    %lt3A_2444 = arith.cmpf olt, %slice3A_2443, %slice3A_2442 : vector<128x1024xf32>
    %min3A_2445 = arith.minimumf %slice3A_2442, %slice3A_2443 : vector<128x1024xf32>
    %jit3A_2446 = arith.constant 5 : i32
    %jit3A_2447 = arith.constant 4 : i32
    %broadcast_in_dim3A_2448 = vector.broadcast %jit3A_2446 : i32 to vector<128x1024xi32>
    %broadcast_in_dim3A_2449 = vector.broadcast %jit3A_2447 : i32 to vector<128x1024xi32>
    %select_n3A_2450 = arith.select %lt3A_2444, %broadcast_in_dim3A_2448, %broadcast_in_dim3A_2449 : vector<128x1024xi1>, vector<128x1024xi32>
    %lt3A_2451 = arith.cmpf olt, %min3A_2445, %min3A_2428 : vector<128x1024xf32>
    %min3A_2452 = arith.minimumf %min3A_2428, %min3A_2445 : vector<128x1024xf32>
    %select_n3A_2453 = arith.select %lt3A_2451, %select_n3A_2450, %select_n3A_2429 : vector<128x1024xi1>, vector<128x1024xi32>
    %get3A_2454 = arith.constant 768 : index
    %get3A_2455 = arith.constant 0 : index
    %get3A_2456 = vector.load %arg3[%get3A_2454, %get3A_2455] : memref<8192x128xf32, #tpu.memory_space<vmem>>, vector<256x128xf32>
    %get3A_2457 = arith.constant 768 : index
    %get3A_2458 = arith.constant 0 : index
    %get3A_2459 = vector.load %arg4[%get3A_2457, %get3A_2458] : memref<8192x1xf32, #tpu.memory_space<vmem>>, vector<256x1xf32>
    %dot_general3A_2460 = arith.constant dense<0.000000e+00> : vector<256x1024xf32>
    %dot_general3A_2461 = tpu.matmul %get3A_2456, %get3A_2379, %dot_general3A_2460 {dimension_numbers = #tpu.dot_dimension_numbers<[1], [0], [0], [1], [0, 0, 1, 1], [], []>, transpose_lhs_hint = false} : vector<256x128xf32>, vector<128x1024xf32>, vector<256x1024xf32> -> vector<256x1024xf32>
    %add3A_2462 = vector.broadcast %get3A_2384 : vector<1x1024xf32> to vector<256x1024xf32>
    %add3A_2463 = vector.broadcast %get3A_2459 : vector<256x1xf32> to vector<256x1024xf32>
    %add3A_2464 = arith.addf %add3A_2462, %add3A_2463 : vector<256x1024xf32>
    %add3A_2465 = arith.addf %add3A_2464, %dot_general3A_2461 : vector<256x1024xf32>
    %slice3A_2466 = vector.extract_strided_slice %add3A_2465 {offsets = [0, 0], sizes = [128, 1024], strides = [1, 1]} : vector<256x1024xf32> to vector<128x1024xf32>
    %slice3A_2467 = vector.extract_strided_slice %add3A_2465 {offsets = [128, 0], sizes = [128, 1024], strides = [1, 1]} : vector<256x1024xf32> to vector<128x1024xf32>
    %lt3A_2468 = arith.cmpf olt, %slice3A_2467, %slice3A_2466 : vector<128x1024xf32>
    %min3A_2469 = arith.minimumf %slice3A_2466, %slice3A_2467 : vector<128x1024xf32>
    %jit3A_2470 = arith.constant 7 : i32
    %jit3A_2471 = arith.constant 6 : i32
    %broadcast_in_dim3A_2472 = vector.broadcast %jit3A_2470 : i32 to vector<128x1024xi32>
    %broadcast_in_dim3A_2473 = vector.broadcast %jit3A_2471 : i32 to vector<128x1024xi32>
    %select_n3A_2474 = arith.select %lt3A_2468, %broadcast_in_dim3A_2472, %broadcast_in_dim3A_2473 : vector<128x1024xi1>, vector<128x1024xi32>
    %lt3A_2475 = arith.cmpf olt, %min3A_2469, %min3A_2452 : vector<128x1024xf32>
    %min3A_2476 = arith.minimumf %min3A_2452, %min3A_2469 : vector<128x1024xf32>
    %select_n3A_2477 = arith.select %lt3A_2475, %select_n3A_2474, %select_n3A_2453 : vector<128x1024xi1>, vector<128x1024xi32>
    %get3A_2478 = arith.constant 1024 : index
    %get3A_2479 = arith.constant 0 : index
    %get3A_2480 = vector.load %arg3[%get3A_2478, %get3A_2479] : memref<8192x128xf32, #tpu.memory_space<vmem>>, vector<256x128xf32>
    %get3A_2481 = arith.constant 1024 : index
    %get3A_2482 = arith.constant 0 : index
    %get3A_2483 = vector.load %arg4[%get3A_2481, %get3A_2482] : memref<8192x1xf32, #tpu.memory_space<vmem>>, vector<256x1xf32>
    %dot_general3A_2484 = arith.constant dense<0.000000e+00> : vector<256x1024xf32>
    %dot_general3A_2485 = tpu.matmul %get3A_2480, %get3A_2379, %dot_general3A_2484 {dimension_numbers = #tpu.dot_dimension_numbers<[1], [0], [0], [1], [0, 0, 1, 1], [], []>, transpose_lhs_hint = false} : vector<256x128xf32>, vector<128x1024xf32>, vector<256x1024xf32> -> vector<256x1024xf32>
    %add3A_2486 = vector.broadcast %get3A_2384 : vector<1x1024xf32> to vector<256x1024xf32>
    %add3A_2487 = vector.broadcast %get3A_2483 : vector<256x1xf32> to vector<256x1024xf32>
    %add3A_2488 = arith.addf %add3A_2486, %add3A_2487 : vector<256x1024xf32>
    %add3A_2489 = arith.addf %add3A_2488, %dot_general3A_2485 : vector<256x1024xf32>
    %slice3A_2490 = vector.extract_strided_slice %add3A_2489 {offsets = [0, 0], sizes = [128, 1024], strides = [1, 1]} : vector<256x1024xf32> to vector<128x1024xf32>
    %slice3A_2491 = vector.extract_strided_slice %add3A_2489 {offsets = [128, 0], sizes = [128, 1024], strides = [1, 1]} : vector<256x1024xf32> to vector<128x1024xf32>
    %lt3A_2492 = arith.cmpf olt, %slice3A_2491, %slice3A_2490 : vector<128x1024xf32>
    %min3A_2493 = arith.minimumf %slice3A_2490, %slice3A_2491 : vector<128x1024xf32>
    %jit3A_2494 = arith.constant 9 : i32
    %jit3A_2495 = arith.constant 8 : i32
    %broadcast_in_dim3A_2496 = vector.broadcast %jit3A_2494 : i32 to vector<128x1024xi32>
    %broadcast_in_dim3A_2497 = vector.broadcast %jit3A_2495 : i32 to vector<128x1024xi32>
    %select_n3A_2498 = arith.select %lt3A_2492, %broadcast_in_dim3A_2496, %broadcast_in_dim3A_2497 : vector<128x1024xi1>, vector<128x1024xi32>
    %lt3A_2499 = arith.cmpf olt, %min3A_2493, %min3A_2476 : vector<128x1024xf32>
    %min3A_2500 = arith.minimumf %min3A_2476, %min3A_2493 : vector<128x1024xf32>
    %select_n3A_2501 = arith.select %lt3A_2499, %select_n3A_2498, %select_n3A_2477 : vector<128x1024xi1>, vector<128x1024xi32>
    %get3A_2502 = arith.constant 1280 : index
    %get3A_2503 = arith.constant 0 : index
    %get3A_2504 = vector.load %arg3[%get3A_2502, %get3A_2503] : memref<8192x128xf32, #tpu.memory_space<vmem>>, vector<256x128xf32>
    %get3A_2505 = arith.constant 1280 : index
    %get3A_2506 = arith.constant 0 : index
    %get3A_2507 = vector.load %arg4[%get3A_2505, %get3A_2506] : memref<8192x1xf32, #tpu.memory_space<vmem>>, vector<256x1xf32>
    %dot_general3A_2508 = arith.constant dense<0.000000e+00> : vector<256x1024xf32>
    %dot_general3A_2509 = tpu.matmul %get3A_2504, %get3A_2379, %dot_general3A_2508 {dimension_numbers = #tpu.dot_dimension_numbers<[1], [0], [0], [1], [0, 0, 1, 1], [], []>, transpose_lhs_hint = false} : vector<256x128xf32>, vector<128x1024xf32>, vector<256x1024xf32> -> vector<256x1024xf32>
    %add3A_2510 = vector.broadcast %get3A_2384 : vector<1x1024xf32> to vector<256x1024xf32>
    %add3A_2511 = vector.broadcast %get3A_2507 : vector<256x1xf32> to vector<256x1024xf32>
    %add3A_2512 = arith.addf %add3A_2510, %add3A_2511 : vector<256x1024xf32>
    %add3A_2513 = arith.addf %add3A_2512, %dot_general3A_2509 : vector<256x1024xf32>
    %slice3A_2514 = vector.extract_strided_slice %add3A_2513 {offsets = [0, 0], sizes = [128, 1024], strides = [1, 1]} : vector<256x1024xf32> to vector<128x1024xf32>
    %slice3A_2515 = vector.extract_strided_slice %add3A_2513 {offsets = [128, 0], sizes = [128, 1024], strides = [1, 1]} : vector<256x1024xf32> to vector<128x1024xf32>
    %lt3A_2516 = arith.cmpf olt, %slice3A_2515, %slice3A_2514 : vector<128x1024xf32>
    %min3A_2517 = arith.minimumf %slice3A_2514, %slice3A_2515 : vector<128x1024xf32>
    %jit3A_2518 = arith.constant 11 : i32
    %jit3A_2519 = arith.constant 10 : i32
    %broadcast_in_dim3A_2520 = vector.broadcast %jit3A_2518 : i32 to vector<128x1024xi32>
    %broadcast_in_dim3A_2521 = vector.broadcast %jit3A_2519 : i32 to vector<128x1024xi32>
    %select_n3A_2522 = arith.select %lt3A_2516, %broadcast_in_dim3A_2520, %broadcast_in_dim3A_2521 : vector<128x1024xi1>, vector<128x1024xi32>
    %lt3A_2523 = arith.cmpf olt, %min3A_2517, %min3A_2500 : vector<128x1024xf32>
    %min3A_2524 = arith.minimumf %min3A_2500, %min3A_2517 : vector<128x1024xf32>
    %select_n3A_2525 = arith.select %lt3A_2523, %select_n3A_2522, %select_n3A_2501 : vector<128x1024xi1>, vector<128x1024xi32>
    %get3A_2526 = arith.constant 1536 : index
    %get3A_2527 = arith.constant 0 : index
    %get3A_2528 = vector.load %arg3[%get3A_2526, %get3A_2527] : memref<8192x128xf32, #tpu.memory_space<vmem>>, vector<256x128xf32>
    %get3A_2529 = arith.constant 1536 : index
    %get3A_2530 = arith.constant 0 : index
    %get3A_2531 = vector.load %arg4[%get3A_2529, %get3A_2530] : memref<8192x1xf32, #tpu.memory_space<vmem>>, vector<256x1xf32>
    %dot_general3A_2532 = arith.constant dense<0.000000e+00> : vector<256x1024xf32>
    %dot_general3A_2533 = tpu.matmul %get3A_2528, %get3A_2379, %dot_general3A_2532 {dimension_numbers = #tpu.dot_dimension_numbers<[1], [0], [0], [1], [0, 0, 1, 1], [], []>, transpose_lhs_hint = false} : vector<256x128xf32>, vector<128x1024xf32>, vector<256x1024xf32> -> vector<256x1024xf32>
    %add3A_2534 = vector.broadcast %get3A_2384 : vector<1x1024xf32> to vector<256x1024xf32>
    %add3A_2535 = vector.broadcast %get3A_2531 : vector<256x1xf32> to vector<256x1024xf32>
    %add3A_2536 = arith.addf %add3A_2534, %add3A_2535 : vector<256x1024xf32>
    %add3A_2537 = arith.addf %add3A_2536, %dot_general3A_2533 : vector<256x1024xf32>
    %slice3A_2538 = vector.extract_strided_slice %add3A_2537 {offsets = [0, 0], sizes = [128, 1024], strides = [1, 1]} : vector<256x1024xf32> to vector<128x1024xf32>
    %slice3A_2539 = vector.extract_strided_slice %add3A_2537 {offsets = [128, 0], sizes = [128, 1024], strides = [1, 1]} : vector<256x1024xf32> to vector<128x1024xf32>
    %lt3A_2540 = arith.cmpf olt, %slice3A_2539, %slice3A_2538 : vector<128x1024xf32>
    %min3A_2541 = arith.minimumf %slice3A_2538, %slice3A_2539 : vector<128x1024xf32>
    %jit3A_2542 = arith.constant 13 : i32
    %jit3A_2543 = arith.constant 12 : i32
    %broadcast_in_dim3A_2544 = vector.broadcast %jit3A_2542 : i32 to vector<128x1024xi32>
    %broadcast_in_dim3A_2545 = vector.broadcast %jit3A_2543 : i32 to vector<128x1024xi32>
    %select_n3A_2546 = arith.select %lt3A_2540, %broadcast_in_dim3A_2544, %broadcast_in_dim3A_2545 : vector<128x1024xi1>, vector<128x1024xi32>
    %lt3A_2547 = arith.cmpf olt, %min3A_2541, %min3A_2524 : vector<128x1024xf32>
    %min3A_2548 = arith.minimumf %min3A_2524, %min3A_2541 : vector<128x1024xf32>
    %select_n3A_2549 = arith.select %lt3A_2547, %select_n3A_2546, %select_n3A_2525 : vector<128x1024xi1>, vector<128x1024xi32>
    %get3A_2550 = arith.constant 1792 : index
    %get3A_2551 = arith.constant 0 : index
    %get3A_2552 = vector.load %arg3[%get3A_2550, %get3A_2551] : memref<8192x128xf32, #tpu.memory_space<vmem>>, vector<256x128xf32>
    %get3A_2553 = arith.constant 1792 : index
    %get3A_2554 = arith.constant 0 : index
    %get3A_2555 = vector.load %arg4[%get3A_2553, %get3A_2554] : memref<8192x1xf32, #tpu.memory_space<vmem>>, vector<256x1xf32>
    %dot_general3A_2556 = arith.constant dense<0.000000e+00> : vector<256x1024xf32>
    %dot_general3A_2557 = tpu.matmul %get3A_2552, %get3A_2379, %dot_general3A_2556 {dimension_numbers = #tpu.dot_dimension_numbers<[1], [0], [0], [1], [0, 0, 1, 1], [], []>, transpose_lhs_hint = false} : vector<256x128xf32>, vector<128x1024xf32>, vector<256x1024xf32> -> vector<256x1024xf32>
    %add3A_2558 = vector.broadcast %get3A_2384 : vector<1x1024xf32> to vector<256x1024xf32>
    %add3A_2559 = vector.broadcast %get3A_2555 : vector<256x1xf32> to vector<256x1024xf32>
    %add3A_2560 = arith.addf %add3A_2558, %add3A_2559 : vector<256x1024xf32>
    %add3A_2561 = arith.addf %add3A_2560, %dot_general3A_2557 : vector<256x1024xf32>
    %slice3A_2562 = vector.extract_strided_slice %add3A_2561 {offsets = [0, 0], sizes = [128, 1024], strides = [1, 1]} : vector<256x1024xf32> to vector<128x1024xf32>
    %slice3A_2563 = vector.extract_strided_slice %add3A_2561 {offsets = [128, 0], sizes = [128, 1024], strides = [1, 1]} : vector<256x1024xf32> to vector<128x1024xf32>
    %lt3A_2564 = arith.cmpf olt, %slice3A_2563, %slice3A_2562 : vector<128x1024xf32>
    %min3A_2565 = arith.minimumf %slice3A_2562, %slice3A_2563 : vector<128x1024xf32>
    %jit3A_2566 = arith.constant 15 : i32
    %jit3A_2567 = arith.constant 14 : i32
    %broadcast_in_dim3A_2568 = vector.broadcast %jit3A_2566 : i32 to vector<128x1024xi32>
    %broadcast_in_dim3A_2569 = vector.broadcast %jit3A_2567 : i32 to vector<128x1024xi32>
    %select_n3A_2570 = arith.select %lt3A_2564, %broadcast_in_dim3A_2568, %broadcast_in_dim3A_2569 : vector<128x1024xi1>, vector<128x1024xi32>
    %lt3A_2571 = arith.cmpf olt, %min3A_2565, %min3A_2548 : vector<128x1024xf32>
    %min3A_2572 = arith.minimumf %min3A_2548, %min3A_2565 : vector<128x1024xf32>
    %select_n3A_2573 = arith.select %lt3A_2571, %select_n3A_2570, %select_n3A_2549 : vector<128x1024xi1>, vector<128x1024xi32>
    %get3A_2574 = arith.constant 2048 : index
    %get3A_2575 = arith.constant 0 : index
    %get3A_2576 = vector.load %arg3[%get3A_2574, %get3A_2575] : memref<8192x128xf32, #tpu.memory_space<vmem>>, vector<256x128xf32>
    %get3A_2577 = arith.constant 2048 : index
    %get3A_2578 = arith.constant 0 : index
    %get3A_2579 = vector.load %arg4[%get3A_2577, %get3A_2578] : memref<8192x1xf32, #tpu.memory_space<vmem>>, vector<256x1xf32>
    %dot_general3A_2580 = arith.constant dense<0.000000e+00> : vector<256x1024xf32>
    %dot_general3A_2581 = tpu.matmul %get3A_2576, %get3A_2379, %dot_general3A_2580 {dimension_numbers = #tpu.dot_dimension_numbers<[1], [0], [0], [1], [0, 0, 1, 1], [], []>, transpose_lhs_hint = false} : vector<256x128xf32>, vector<128x1024xf32>, vector<256x1024xf32> -> vector<256x1024xf32>
    %add3A_2582 = vector.broadcast %get3A_2384 : vector<1x1024xf32> to vector<256x1024xf32>
    %add3A_2583 = vector.broadcast %get3A_2579 : vector<256x1xf32> to vector<256x1024xf32>
    %add3A_2584 = arith.addf %add3A_2582, %add3A_2583 : vector<256x1024xf32>
    %add3A_2585 = arith.addf %add3A_2584, %dot_general3A_2581 : vector<256x1024xf32>
    %slice3A_2586 = vector.extract_strided_slice %add3A_2585 {offsets = [0, 0], sizes = [128, 1024], strides = [1, 1]} : vector<256x1024xf32> to vector<128x1024xf32>
    %slice3A_2587 = vector.extract_strided_slice %add3A_2585 {offsets = [128, 0], sizes = [128, 1024], strides = [1, 1]} : vector<256x1024xf32> to vector<128x1024xf32>
    %lt3A_2588 = arith.cmpf olt, %slice3A_2587, %slice3A_2586 : vector<128x1024xf32>
    %min3A_2589 = arith.minimumf %slice3A_2586, %slice3A_2587 : vector<128x1024xf32>
    %jit3A_2590 = arith.constant 17 : i32
    %jit3A_2591 = arith.constant 16 : i32
    %broadcast_in_dim3A_2592 = vector.broadcast %jit3A_2590 : i32 to vector<128x1024xi32>
    %broadcast_in_dim3A_2593 = vector.broadcast %jit3A_2591 : i32 to vector<128x1024xi32>
    %select_n3A_2594 = arith.select %lt3A_2588, %broadcast_in_dim3A_2592, %broadcast_in_dim3A_2593 : vector<128x1024xi1>, vector<128x1024xi32>
    %lt3A_2595 = arith.cmpf olt, %min3A_2589, %min3A_2572 : vector<128x1024xf32>
    %min3A_2596 = arith.minimumf %min3A_2572, %min3A_2589 : vector<128x1024xf32>
    %select_n3A_2597 = arith.select %lt3A_2595, %select_n3A_2594, %select_n3A_2573 : vector<128x1024xi1>, vector<128x1024xi32>
    %get3A_2598 = arith.constant 2304 : index
    %get3A_2599 = arith.constant 0 : index
    %get3A_2600 = vector.load %arg3[%get3A_2598, %get3A_2599] : memref<8192x128xf32, #tpu.memory_space<vmem>>, vector<256x128xf32>
    %get3A_2601 = arith.constant 2304 : index
    %get3A_2602 = arith.constant 0 : index
    %get3A_2603 = vector.load %arg4[%get3A_2601, %get3A_2602] : memref<8192x1xf32, #tpu.memory_space<vmem>>, vector<256x1xf32>
    %dot_general3A_2604 = arith.constant dense<0.000000e+00> : vector<256x1024xf32>
    %dot_general3A_2605 = tpu.matmul %get3A_2600, %get3A_2379, %dot_general3A_2604 {dimension_numbers = #tpu.dot_dimension_numbers<[1], [0], [0], [1], [0, 0, 1, 1], [], []>, transpose_lhs_hint = false} : vector<256x128xf32>, vector<128x1024xf32>, vector<256x1024xf32> -> vector<256x1024xf32>
    %add3A_2606 = vector.broadcast %get3A_2384 : vector<1x1024xf32> to vector<256x1024xf32>
    %add3A_2607 = vector.broadcast %get3A_2603 : vector<256x1xf32> to vector<256x1024xf32>
    %add3A_2608 = arith.addf %add3A_2606, %add3A_2607 : vector<256x1024xf32>
    %add3A_2609 = arith.addf %add3A_2608, %dot_general3A_2605 : vector<256x1024xf32>
    %slice3A_2610 = vector.extract_strided_slice %add3A_2609 {offsets = [0, 0], sizes = [128, 1024], strides = [1, 1]} : vector<256x1024xf32> to vector<128x1024xf32>
    %slice3A_2611 = vector.extract_strided_slice %add3A_2609 {offsets = [128, 0], sizes = [128, 1024], strides = [1, 1]} : vector<256x1024xf32> to vector<128x1024xf32>
    %lt3A_2612 = arith.cmpf olt, %slice3A_2611, %slice3A_2610 : vector<128x1024xf32>
    %min3A_2613 = arith.minimumf %slice3A_2610, %slice3A_2611 : vector<128x1024xf32>
    %jit3A_2614 = arith.constant 19 : i32
    %jit3A_2615 = arith.constant 18 : i32
    %broadcast_in_dim3A_2616 = vector.broadcast %jit3A_2614 : i32 to vector<128x1024xi32>
    %broadcast_in_dim3A_2617 = vector.broadcast %jit3A_2615 : i32 to vector<128x1024xi32>
    %select_n3A_2618 = arith.select %lt3A_2612, %broadcast_in_dim3A_2616, %broadcast_in_dim3A_2617 : vector<128x1024xi1>, vector<128x1024xi32>
    %lt3A_2619 = arith.cmpf olt, %min3A_2613, %min3A_2596 : vector<128x1024xf32>
    %min3A_2620 = arith.minimumf %min3A_2596, %min3A_2613 : vector<128x1024xf32>
    %select_n3A_2621 = arith.select %lt3A_2619, %select_n3A_2618, %select_n3A_2597 : vector<128x1024xi1>, vector<128x1024xi32>
    %get3A_2622 = arith.constant 2560 : index
    %get3A_2623 = arith.constant 0 : index
    %get3A_2624 = vector.load %arg3[%get3A_2622, %get3A_2623] : memref<8192x128xf32, #tpu.memory_space<vmem>>, vector<256x128xf32>
    %get3A_2625 = arith.constant 2560 : index
    %get3A_2626 = arith.constant 0 : index
    %get3A_2627 = vector.load %arg4[%get3A_2625, %get3A_2626] : memref<8192x1xf32, #tpu.memory_space<vmem>>, vector<256x1xf32>
    %dot_general3A_2628 = arith.constant dense<0.000000e+00> : vector<256x1024xf32>
    %dot_general3A_2629 = tpu.matmul %get3A_2624, %get3A_2379, %dot_general3A_2628 {dimension_numbers = #tpu.dot_dimension_numbers<[1], [0], [0], [1], [0, 0, 1, 1], [], []>, transpose_lhs_hint = false} : vector<256x128xf32>, vector<128x1024xf32>, vector<256x1024xf32> -> vector<256x1024xf32>
    %add3A_2630 = vector.broadcast %get3A_2384 : vector<1x1024xf32> to vector<256x1024xf32>
    %add3A_2631 = vector.broadcast %get3A_2627 : vector<256x1xf32> to vector<256x1024xf32>
    %add3A_2632 = arith.addf %add3A_2630, %add3A_2631 : vector<256x1024xf32>
    %add3A_2633 = arith.addf %add3A_2632, %dot_general3A_2629 : vector<256x1024xf32>
    %slice3A_2634 = vector.extract_strided_slice %add3A_2633 {offsets = [0, 0], sizes = [128, 1024], strides = [1, 1]} : vector<256x1024xf32> to vector<128x1024xf32>
    %slice3A_2635 = vector.extract_strided_slice %add3A_2633 {offsets = [128, 0], sizes = [128, 1024], strides = [1, 1]} : vector<256x1024xf32> to vector<128x1024xf32>
    %lt3A_2636 = arith.cmpf olt, %slice3A_2635, %slice3A_2634 : vector<128x1024xf32>
    %min3A_2637 = arith.minimumf %slice3A_2634, %slice3A_2635 : vector<128x1024xf32>
    %jit3A_2638 = arith.constant 21 : i32
    %jit3A_2639 = arith.constant 20 : i32
    %broadcast_in_dim3A_2640 = vector.broadcast %jit3A_2638 : i32 to vector<128x1024xi32>
    %broadcast_in_dim3A_2641 = vector.broadcast %jit3A_2639 : i32 to vector<128x1024xi32>
    %select_n3A_2642 = arith.select %lt3A_2636, %broadcast_in_dim3A_2640, %broadcast_in_dim3A_2641 : vector<128x1024xi1>, vector<128x1024xi32>
    %lt3A_2643 = arith.cmpf olt, %min3A_2637, %min3A_2620 : vector<128x1024xf32>
    %min3A_2644 = arith.minimumf %min3A_2620, %min3A_2637 : vector<128x1024xf32>
    %select_n3A_2645 = arith.select %lt3A_2643, %select_n3A_2642, %select_n3A_2621 : vector<128x1024xi1>, vector<128x1024xi32>
    %get3A_2646 = arith.constant 2816 : index
    %get3A_2647 = arith.constant 0 : index
    %get3A_2648 = vector.load %arg3[%get3A_2646, %get3A_2647] : memref<8192x128xf32, #tpu.memory_space<vmem>>, vector<256x128xf32>
    %get3A_2649 = arith.constant 2816 : index
    %get3A_2650 = arith.constant 0 : index
    %get3A_2651 = vector.load %arg4[%get3A_2649, %get3A_2650] : memref<8192x1xf32, #tpu.memory_space<vmem>>, vector<256x1xf32>
    %dot_general3A_2652 = arith.constant dense<0.000000e+00> : vector<256x1024xf32>
    %dot_general3A_2653 = tpu.matmul %get3A_2648, %get3A_2379, %dot_general3A_2652 {dimension_numbers = #tpu.dot_dimension_numbers<[1], [0], [0], [1], [0, 0, 1, 1], [], []>, transpose_lhs_hint = false} : vector<256x128xf32>, vector<128x1024xf32>, vector<256x1024xf32> -> vector<256x1024xf32>
    %add3A_2654 = vector.broadcast %get3A_2384 : vector<1x1024xf32> to vector<256x1024xf32>
    %add3A_2655 = vector.broadcast %get3A_2651 : vector<256x1xf32> to vector<256x1024xf32>
    %add3A_2656 = arith.addf %add3A_2654, %add3A_2655 : vector<256x1024xf32>
    %add3A_2657 = arith.addf %add3A_2656, %dot_general3A_2653 : vector<256x1024xf32>
    %slice3A_2658 = vector.extract_strided_slice %add3A_2657 {offsets = [0, 0], sizes = [128, 1024], strides = [1, 1]} : vector<256x1024xf32> to vector<128x1024xf32>
    %slice3A_2659 = vector.extract_strided_slice %add3A_2657 {offsets = [128, 0], sizes = [128, 1024], strides = [1, 1]} : vector<256x1024xf32> to vector<128x1024xf32>
    %lt3A_2660 = arith.cmpf olt, %slice3A_2659, %slice3A_2658 : vector<128x1024xf32>
    %min3A_2661 = arith.minimumf %slice3A_2658, %slice3A_2659 : vector<128x1024xf32>
    %jit3A_2662 = arith.constant 23 : i32
    %jit3A_2663 = arith.constant 22 : i32
    %broadcast_in_dim3A_2664 = vector.broadcast %jit3A_2662 : i32 to vector<128x1024xi32>
    %broadcast_in_dim3A_2665 = vector.broadcast %jit3A_2663 : i32 to vector<128x1024xi32>
    %select_n3A_2666 = arith.select %lt3A_2660, %broadcast_in_dim3A_2664, %broadcast_in_dim3A_2665 : vector<128x1024xi1>, vector<128x1024xi32>
    %lt3A_2667 = arith.cmpf olt, %min3A_2661, %min3A_2644 : vector<128x1024xf32>
    %min3A_2668 = arith.minimumf %min3A_2644, %min3A_2661 : vector<128x1024xf32>
    %select_n3A_2669 = arith.select %lt3A_2667, %select_n3A_2666, %select_n3A_2645 : vector<128x1024xi1>, vector<128x1024xi32>
    %get3A_2670 = arith.constant 3072 : index
    %get3A_2671 = arith.constant 0 : index
    %get3A_2672 = vector.load %arg3[%get3A_2670, %get3A_2671] : memref<8192x128xf32, #tpu.memory_space<vmem>>, vector<256x128xf32>
    %get3A_2673 = arith.constant 3072 : index
    %get3A_2674 = arith.constant 0 : index
    %get3A_2675 = vector.load %arg4[%get3A_2673, %get3A_2674] : memref<8192x1xf32, #tpu.memory_space<vmem>>, vector<256x1xf32>
    %dot_general3A_2676 = arith.constant dense<0.000000e+00> : vector<256x1024xf32>
    %dot_general3A_2677 = tpu.matmul %get3A_2672, %get3A_2379, %dot_general3A_2676 {dimension_numbers = #tpu.dot_dimension_numbers<[1], [0], [0], [1], [0, 0, 1, 1], [], []>, transpose_lhs_hint = false} : vector<256x128xf32>, vector<128x1024xf32>, vector<256x1024xf32> -> vector<256x1024xf32>
    %add3A_2678 = vector.broadcast %get3A_2384 : vector<1x1024xf32> to vector<256x1024xf32>
    %add3A_2679 = vector.broadcast %get3A_2675 : vector<256x1xf32> to vector<256x1024xf32>
    %add3A_2680 = arith.addf %add3A_2678, %add3A_2679 : vector<256x1024xf32>
    %add3A_2681 = arith.addf %add3A_2680, %dot_general3A_2677 : vector<256x1024xf32>
    %slice3A_2682 = vector.extract_strided_slice %add3A_2681 {offsets = [0, 0], sizes = [128, 1024], strides = [1, 1]} : vector<256x1024xf32> to vector<128x1024xf32>
    %slice3A_2683 = vector.extract_strided_slice %add3A_2681 {offsets = [128, 0], sizes = [128, 1024], strides = [1, 1]} : vector<256x1024xf32> to vector<128x1024xf32>
    %lt3A_2684 = arith.cmpf olt, %slice3A_2683, %slice3A_2682 : vector<128x1024xf32>
    %min3A_2685 = arith.minimumf %slice3A_2682, %slice3A_2683 : vector<128x1024xf32>
    %jit3A_2686 = arith.constant 25 : i32
    %jit3A_2687 = arith.constant 24 : i32
    %broadcast_in_dim3A_2688 = vector.broadcast %jit3A_2686 : i32 to vector<128x1024xi32>
    %broadcast_in_dim3A_2689 = vector.broadcast %jit3A_2687 : i32 to vector<128x1024xi32>
    %select_n3A_2690 = arith.select %lt3A_2684, %broadcast_in_dim3A_2688, %broadcast_in_dim3A_2689 : vector<128x1024xi1>, vector<128x1024xi32>
    %lt3A_2691 = arith.cmpf olt, %min3A_2685, %min3A_2668 : vector<128x1024xf32>
    %min3A_2692 = arith.minimumf %min3A_2668, %min3A_2685 : vector<128x1024xf32>
    %select_n3A_2693 = arith.select %lt3A_2691, %select_n3A_2690, %select_n3A_2669 : vector<128x1024xi1>, vector<128x1024xi32>
    %get3A_2694 = arith.constant 3328 : index
    %get3A_2695 = arith.constant 0 : index
    %get3A_2696 = vector.load %arg3[%get3A_2694, %get3A_2695] : memref<8192x128xf32, #tpu.memory_space<vmem>>, vector<256x128xf32>
    %get3A_2697 = arith.constant 3328 : index
    %get3A_2698 = arith.constant 0 : index
    %get3A_2699 = vector.load %arg4[%get3A_2697, %get3A_2698] : memref<8192x1xf32, #tpu.memory_space<vmem>>, vector<256x1xf32>
    %dot_general3A_2700 = arith.constant dense<0.000000e+00> : vector<256x1024xf32>
    %dot_general3A_2701 = tpu.matmul %get3A_2696, %get3A_2379, %dot_general3A_2700 {dimension_numbers = #tpu.dot_dimension_numbers<[1], [0], [0], [1], [0, 0, 1, 1], [], []>, transpose_lhs_hint = false} : vector<256x128xf32>, vector<128x1024xf32>, vector<256x1024xf32> -> vector<256x1024xf32>
    %add3A_2702 = vector.broadcast %get3A_2384 : vector<1x1024xf32> to vector<256x1024xf32>
    %add3A_2703 = vector.broadcast %get3A_2699 : vector<256x1xf32> to vector<256x1024xf32>
    %add3A_2704 = arith.addf %add3A_2702, %add3A_2703 : vector<256x1024xf32>
    %add3A_2705 = arith.addf %add3A_2704, %dot_general3A_2701 : vector<256x1024xf32>
    %slice3A_2706 = vector.extract_strided_slice %add3A_2705 {offsets = [0, 0], sizes = [128, 1024], strides = [1, 1]} : vector<256x1024xf32> to vector<128x1024xf32>
    %slice3A_2707 = vector.extract_strided_slice %add3A_2705 {offsets = [128, 0], sizes = [128, 1024], strides = [1, 1]} : vector<256x1024xf32> to vector<128x1024xf32>
    %lt3A_2708 = arith.cmpf olt, %slice3A_2707, %slice3A_2706 : vector<128x1024xf32>
    %min3A_2709 = arith.minimumf %slice3A_2706, %slice3A_2707 : vector<128x1024xf32>
    %jit3A_2710 = arith.constant 27 : i32
    %jit3A_2711 = arith.constant 26 : i32
    %broadcast_in_dim3A_2712 = vector.broadcast %jit3A_2710 : i32 to vector<128x1024xi32>
    %broadcast_in_dim3A_2713 = vector.broadcast %jit3A_2711 : i32 to vector<128x1024xi32>
    %select_n3A_2714 = arith.select %lt3A_2708, %broadcast_in_dim3A_2712, %broadcast_in_dim3A_2713 : vector<128x1024xi1>, vector<128x1024xi32>
    %lt3A_2715 = arith.cmpf olt, %min3A_2709, %min3A_2692 : vector<128x1024xf32>
    %min3A_2716 = arith.minimumf %min3A_2692, %min3A_2709 : vector<128x1024xf32>
    %select_n3A_2717 = arith.select %lt3A_2715, %select_n3A_2714, %select_n3A_2693 : vector<128x1024xi1>, vector<128x1024xi32>
    %get3A_2718 = arith.constant 3584 : index
    %get3A_2719 = arith.constant 0 : index
    %get3A_2720 = vector.load %arg3[%get3A_2718, %get3A_2719] : memref<8192x128xf32, #tpu.memory_space<vmem>>, vector<256x128xf32>
    %get3A_2721 = arith.constant 3584 : index
    %get3A_2722 = arith.constant 0 : index
    %get3A_2723 = vector.load %arg4[%get3A_2721, %get3A_2722] : memref<8192x1xf32, #tpu.memory_space<vmem>>, vector<256x1xf32>
    %dot_general3A_2724 = arith.constant dense<0.000000e+00> : vector<256x1024xf32>
    %dot_general3A_2725 = tpu.matmul %get3A_2720, %get3A_2379, %dot_general3A_2724 {dimension_numbers = #tpu.dot_dimension_numbers<[1], [0], [0], [1], [0, 0, 1, 1], [], []>, transpose_lhs_hint = false} : vector<256x128xf32>, vector<128x1024xf32>, vector<256x1024xf32> -> vector<256x1024xf32>
    %add3A_2726 = vector.broadcast %get3A_2384 : vector<1x1024xf32> to vector<256x1024xf32>
    %add3A_2727 = vector.broadcast %get3A_2723 : vector<256x1xf32> to vector<256x1024xf32>
    %add3A_2728 = arith.addf %add3A_2726, %add3A_2727 : vector<256x1024xf32>
    %add3A_2729 = arith.addf %add3A_2728, %dot_general3A_2725 : vector<256x1024xf32>
    %slice3A_2730 = vector.extract_strided_slice %add3A_2729 {offsets = [0, 0], sizes = [128, 1024], strides = [1, 1]} : vector<256x1024xf32> to vector<128x1024xf32>
    %slice3A_2731 = vector.extract_strided_slice %add3A_2729 {offsets = [128, 0], sizes = [128, 1024], strides = [1, 1]} : vector<256x1024xf32> to vector<128x1024xf32>
    %lt3A_2732 = arith.cmpf olt, %slice3A_2731, %slice3A_2730 : vector<128x1024xf32>
    %min3A_2733 = arith.minimumf %slice3A_2730, %slice3A_2731 : vector<128x1024xf32>
    %jit3A_2734 = arith.constant 29 : i32
    %jit3A_2735 = arith.constant 28 : i32
    %broadcast_in_dim3A_2736 = vector.broadcast %jit3A_2734 : i32 to vector<128x1024xi32>
    %broadcast_in_dim3A_2737 = vector.broadcast %jit3A_2735 : i32 to vector<128x1024xi32>
    %select_n3A_2738 = arith.select %lt3A_2732, %broadcast_in_dim3A_2736, %broadcast_in_dim3A_2737 : vector<128x1024xi1>, vector<128x1024xi32>
    %lt3A_2739 = arith.cmpf olt, %min3A_2733, %min3A_2716 : vector<128x1024xf32>
    %min3A_2740 = arith.minimumf %min3A_2716, %min3A_2733 : vector<128x1024xf32>
    %select_n3A_2741 = arith.select %lt3A_2739, %select_n3A_2738, %select_n3A_2717 : vector<128x1024xi1>, vector<128x1024xi32>
    %get3A_2742 = arith.constant 3840 : index
    %get3A_2743 = arith.constant 0 : index
    %get3A_2744 = vector.load %arg3[%get3A_2742, %get3A_2743] : memref<8192x128xf32, #tpu.memory_space<vmem>>, vector<256x128xf32>
    %get3A_2745 = arith.constant 3840 : index
    %get3A_2746 = arith.constant 0 : index
    %get3A_2747 = vector.load %arg4[%get3A_2745, %get3A_2746] : memref<8192x1xf32, #tpu.memory_space<vmem>>, vector<256x1xf32>
    %dot_general3A_2748 = arith.constant dense<0.000000e+00> : vector<256x1024xf32>
    %dot_general3A_2749 = tpu.matmul %get3A_2744, %get3A_2379, %dot_general3A_2748 {dimension_numbers = #tpu.dot_dimension_numbers<[1], [0], [0], [1], [0, 0, 1, 1], [], []>, transpose_lhs_hint = false} : vector<256x128xf32>, vector<128x1024xf32>, vector<256x1024xf32> -> vector<256x1024xf32>
    %add3A_2750 = vector.broadcast %get3A_2384 : vector<1x1024xf32> to vector<256x1024xf32>
    %add3A_2751 = vector.broadcast %get3A_2747 : vector<256x1xf32> to vector<256x1024xf32>
    %add3A_2752 = arith.addf %add3A_2750, %add3A_2751 : vector<256x1024xf32>
    %add3A_2753 = arith.addf %add3A_2752, %dot_general3A_2749 : vector<256x1024xf32>
    %slice3A_2754 = vector.extract_strided_slice %add3A_2753 {offsets = [0, 0], sizes = [128, 1024], strides = [1, 1]} : vector<256x1024xf32> to vector<128x1024xf32>
    %slice3A_2755 = vector.extract_strided_slice %add3A_2753 {offsets = [128, 0], sizes = [128, 1024], strides = [1, 1]} : vector<256x1024xf32> to vector<128x1024xf32>
    %lt3A_2756 = arith.cmpf olt, %slice3A_2755, %slice3A_2754 : vector<128x1024xf32>
    %min3A_2757 = arith.minimumf %slice3A_2754, %slice3A_2755 : vector<128x1024xf32>
    %jit3A_2758 = arith.constant 31 : i32
    %jit3A_2759 = arith.constant 30 : i32
    %broadcast_in_dim3A_2760 = vector.broadcast %jit3A_2758 : i32 to vector<128x1024xi32>
    %broadcast_in_dim3A_2761 = vector.broadcast %jit3A_2759 : i32 to vector<128x1024xi32>
    %select_n3A_2762 = arith.select %lt3A_2756, %broadcast_in_dim3A_2760, %broadcast_in_dim3A_2761 : vector<128x1024xi1>, vector<128x1024xi32>
    %lt3A_2763 = arith.cmpf olt, %min3A_2757, %min3A_2740 : vector<128x1024xf32>
    %min3A_2764 = arith.minimumf %min3A_2740, %min3A_2757 : vector<128x1024xf32>
    %select_n3A_2765 = arith.select %lt3A_2763, %select_n3A_2762, %select_n3A_2741 : vector<128x1024xi1>, vector<128x1024xi32>
    %get3A_2766 = arith.constant 4096 : index
    %get3A_2767 = arith.constant 0 : index
    %get3A_2768 = vector.load %arg3[%get3A_2766, %get3A_2767] : memref<8192x128xf32, #tpu.memory_space<vmem>>, vector<256x128xf32>
    %get3A_2769 = arith.constant 4096 : index
    %get3A_2770 = arith.constant 0 : index
    %get3A_2771 = vector.load %arg4[%get3A_2769, %get3A_2770] : memref<8192x1xf32, #tpu.memory_space<vmem>>, vector<256x1xf32>
    %dot_general3A_2772 = arith.constant dense<0.000000e+00> : vector<256x1024xf32>
    %dot_general3A_2773 = tpu.matmul %get3A_2768, %get3A_2379, %dot_general3A_2772 {dimension_numbers = #tpu.dot_dimension_numbers<[1], [0], [0], [1], [0, 0, 1, 1], [], []>, transpose_lhs_hint = false} : vector<256x128xf32>, vector<128x1024xf32>, vector<256x1024xf32> -> vector<256x1024xf32>
    %add3A_2774 = vector.broadcast %get3A_2384 : vector<1x1024xf32> to vector<256x1024xf32>
    %add3A_2775 = vector.broadcast %get3A_2771 : vector<256x1xf32> to vector<256x1024xf32>
    %add3A_2776 = arith.addf %add3A_2774, %add3A_2775 : vector<256x1024xf32>
    %add3A_2777 = arith.addf %add3A_2776, %dot_general3A_2773 : vector<256x1024xf32>
    %slice3A_2778 = vector.extract_strided_slice %add3A_2777 {offsets = [0, 0], sizes = [128, 1024], strides = [1, 1]} : vector<256x1024xf32> to vector<128x1024xf32>
    %slice3A_2779 = vector.extract_strided_slice %add3A_2777 {offsets = [128, 0], sizes = [128, 1024], strides = [1, 1]} : vector<256x1024xf32> to vector<128x1024xf32>
    %lt3A_2780 = arith.cmpf olt, %slice3A_2779, %slice3A_2778 : vector<128x1024xf32>
    %min3A_2781 = arith.minimumf %slice3A_2778, %slice3A_2779 : vector<128x1024xf32>
    %jit3A_2782 = arith.constant 33 : i32
    %jit3A_2783 = arith.constant 32 : i32
    %broadcast_in_dim3A_2784 = vector.broadcast %jit3A_2782 : i32 to vector<128x1024xi32>
    %broadcast_in_dim3A_2785 = vector.broadcast %jit3A_2783 : i32 to vector<128x1024xi32>
    %select_n3A_2786 = arith.select %lt3A_2780, %broadcast_in_dim3A_2784, %broadcast_in_dim3A_2785 : vector<128x1024xi1>, vector<128x1024xi32>
    %lt3A_2787 = arith.cmpf olt, %min3A_2781, %min3A_2764 : vector<128x1024xf32>
    %min3A_2788 = arith.minimumf %min3A_2764, %min3A_2781 : vector<128x1024xf32>
    %select_n3A_2789 = arith.select %lt3A_2787, %select_n3A_2786, %select_n3A_2765 : vector<128x1024xi1>, vector<128x1024xi32>
    %get3A_2790 = arith.constant 4352 : index
    %get3A_2791 = arith.constant 0 : index
    %get3A_2792 = vector.load %arg3[%get3A_2790, %get3A_2791] : memref<8192x128xf32, #tpu.memory_space<vmem>>, vector<256x128xf32>
    %get3A_2793 = arith.constant 4352 : index
    %get3A_2794 = arith.constant 0 : index
    %get3A_2795 = vector.load %arg4[%get3A_2793, %get3A_2794] : memref<8192x1xf32, #tpu.memory_space<vmem>>, vector<256x1xf32>
    %dot_general3A_2796 = arith.constant dense<0.000000e+00> : vector<256x1024xf32>
    %dot_general3A_2797 = tpu.matmul %get3A_2792, %get3A_2379, %dot_general3A_2796 {dimension_numbers = #tpu.dot_dimension_numbers<[1], [0], [0], [1], [0, 0, 1, 1], [], []>, transpose_lhs_hint = false} : vector<256x128xf32>, vector<128x1024xf32>, vector<256x1024xf32> -> vector<256x1024xf32>
    %add3A_2798 = vector.broadcast %get3A_2384 : vector<1x1024xf32> to vector<256x1024xf32>
    %add3A_2799 = vector.broadcast %get3A_2795 : vector<256x1xf32> to vector<256x1024xf32>
    %add3A_2800 = arith.addf %add3A_2798, %add3A_2799 : vector<256x1024xf32>
    %add3A_2801 = arith.addf %add3A_2800, %dot_general3A_2797 : vector<256x1024xf32>
    %slice3A_2802 = vector.extract_strided_slice %add3A_2801 {offsets = [0, 0], sizes = [128, 1024], strides = [1, 1]} : vector<256x1024xf32> to vector<128x1024xf32>
    %slice3A_2803 = vector.extract_strided_slice %add3A_2801 {offsets = [128, 0], sizes = [128, 1024], strides = [1, 1]} : vector<256x1024xf32> to vector<128x1024xf32>
    %lt3A_2804 = arith.cmpf olt, %slice3A_2803, %slice3A_2802 : vector<128x1024xf32>
    %min3A_2805 = arith.minimumf %slice3A_2802, %slice3A_2803 : vector<128x1024xf32>
    %jit3A_2806 = arith.constant 35 : i32
    %jit3A_2807 = arith.constant 34 : i32
    %broadcast_in_dim3A_2808 = vector.broadcast %jit3A_2806 : i32 to vector<128x1024xi32>
    %broadcast_in_dim3A_2809 = vector.broadcast %jit3A_2807 : i32 to vector<128x1024xi32>
    %select_n3A_2810 = arith.select %lt3A_2804, %broadcast_in_dim3A_2808, %broadcast_in_dim3A_2809 : vector<128x1024xi1>, vector<128x1024xi32>
    %lt3A_2811 = arith.cmpf olt, %min3A_2805, %min3A_2788 : vector<128x1024xf32>
    %min3A_2812 = arith.minimumf %min3A_2788, %min3A_2805 : vector<128x1024xf32>
    %select_n3A_2813 = arith.select %lt3A_2811, %select_n3A_2810, %select_n3A_2789 : vector<128x1024xi1>, vector<128x1024xi32>
    %get3A_2814 = arith.constant 4608 : index
    %get3A_2815 = arith.constant 0 : index
    %get3A_2816 = vector.load %arg3[%get3A_2814, %get3A_2815] : memref<8192x128xf32, #tpu.memory_space<vmem>>, vector<256x128xf32>
    %get3A_2817 = arith.constant 4608 : index
    %get3A_2818 = arith.constant 0 : index
    %get3A_2819 = vector.load %arg4[%get3A_2817, %get3A_2818] : memref<8192x1xf32, #tpu.memory_space<vmem>>, vector<256x1xf32>
    %dot_general3A_2820 = arith.constant dense<0.000000e+00> : vector<256x1024xf32>
    %dot_general3A_2821 = tpu.matmul %get3A_2816, %get3A_2379, %dot_general3A_2820 {dimension_numbers = #tpu.dot_dimension_numbers<[1], [0], [0], [1], [0, 0, 1, 1], [], []>, transpose_lhs_hint = false} : vector<256x128xf32>, vector<128x1024xf32>, vector<256x1024xf32> -> vector<256x1024xf32>
    %add3A_2822 = vector.broadcast %get3A_2384 : vector<1x1024xf32> to vector<256x1024xf32>
    %add3A_2823 = vector.broadcast %get3A_2819 : vector<256x1xf32> to vector<256x1024xf32>
    %add3A_2824 = arith.addf %add3A_2822, %add3A_2823 : vector<256x1024xf32>
    %add3A_2825 = arith.addf %add3A_2824, %dot_general3A_2821 : vector<256x1024xf32>
    %slice3A_2826 = vector.extract_strided_slice %add3A_2825 {offsets = [0, 0], sizes = [128, 1024], strides = [1, 1]} : vector<256x1024xf32> to vector<128x1024xf32>
    %slice3A_2827 = vector.extract_strided_slice %add3A_2825 {offsets = [128, 0], sizes = [128, 1024], strides = [1, 1]} : vector<256x1024xf32> to vector<128x1024xf32>
    %lt3A_2828 = arith.cmpf olt, %slice3A_2827, %slice3A_2826 : vector<128x1024xf32>
    %min3A_2829 = arith.minimumf %slice3A_2826, %slice3A_2827 : vector<128x1024xf32>
    %jit3A_2830 = arith.constant 37 : i32
    %jit3A_2831 = arith.constant 36 : i32
    %broadcast_in_dim3A_2832 = vector.broadcast %jit3A_2830 : i32 to vector<128x1024xi32>
    %broadcast_in_dim3A_2833 = vector.broadcast %jit3A_2831 : i32 to vector<128x1024xi32>
    %select_n3A_2834 = arith.select %lt3A_2828, %broadcast_in_dim3A_2832, %broadcast_in_dim3A_2833 : vector<128x1024xi1>, vector<128x1024xi32>
    %lt3A_2835 = arith.cmpf olt, %min3A_2829, %min3A_2812 : vector<128x1024xf32>
    %min3A_2836 = arith.minimumf %min3A_2812, %min3A_2829 : vector<128x1024xf32>
    %select_n3A_2837 = arith.select %lt3A_2835, %select_n3A_2834, %select_n3A_2813 : vector<128x1024xi1>, vector<128x1024xi32>
    %get3A_2838 = arith.constant 4864 : index
    %get3A_2839 = arith.constant 0 : index
    %get3A_2840 = vector.load %arg3[%get3A_2838, %get3A_2839] : memref<8192x128xf32, #tpu.memory_space<vmem>>, vector<256x128xf32>
    %get3A_2841 = arith.constant 4864 : index
    %get3A_2842 = arith.constant 0 : index
    %get3A_2843 = vector.load %arg4[%get3A_2841, %get3A_2842] : memref<8192x1xf32, #tpu.memory_space<vmem>>, vector<256x1xf32>
    %dot_general3A_2844 = arith.constant dense<0.000000e+00> : vector<256x1024xf32>
    %dot_general3A_2845 = tpu.matmul %get3A_2840, %get3A_2379, %dot_general3A_2844 {dimension_numbers = #tpu.dot_dimension_numbers<[1], [0], [0], [1], [0, 0, 1, 1], [], []>, transpose_lhs_hint = false} : vector<256x128xf32>, vector<128x1024xf32>, vector<256x1024xf32> -> vector<256x1024xf32>
    %add3A_2846 = vector.broadcast %get3A_2384 : vector<1x1024xf32> to vector<256x1024xf32>
    %add3A_2847 = vector.broadcast %get3A_2843 : vector<256x1xf32> to vector<256x1024xf32>
    %add3A_2848 = arith.addf %add3A_2846, %add3A_2847 : vector<256x1024xf32>
    %add3A_2849 = arith.addf %add3A_2848, %dot_general3A_2845 : vector<256x1024xf32>
    %slice3A_2850 = vector.extract_strided_slice %add3A_2849 {offsets = [0, 0], sizes = [128, 1024], strides = [1, 1]} : vector<256x1024xf32> to vector<128x1024xf32>
    %slice3A_2851 = vector.extract_strided_slice %add3A_2849 {offsets = [128, 0], sizes = [128, 1024], strides = [1, 1]} : vector<256x1024xf32> to vector<128x1024xf32>
    %lt3A_2852 = arith.cmpf olt, %slice3A_2851, %slice3A_2850 : vector<128x1024xf32>
    %min3A_2853 = arith.minimumf %slice3A_2850, %slice3A_2851 : vector<128x1024xf32>
    %jit3A_2854 = arith.constant 39 : i32
    %jit3A_2855 = arith.constant 38 : i32
    %broadcast_in_dim3A_2856 = vector.broadcast %jit3A_2854 : i32 to vector<128x1024xi32>
    %broadcast_in_dim3A_2857 = vector.broadcast %jit3A_2855 : i32 to vector<128x1024xi32>
    %select_n3A_2858 = arith.select %lt3A_2852, %broadcast_in_dim3A_2856, %broadcast_in_dim3A_2857 : vector<128x1024xi1>, vector<128x1024xi32>
    %lt3A_2859 = arith.cmpf olt, %min3A_2853, %min3A_2836 : vector<128x1024xf32>
    %min3A_2860 = arith.minimumf %min3A_2836, %min3A_2853 : vector<128x1024xf32>
    %select_n3A_2861 = arith.select %lt3A_2859, %select_n3A_2858, %select_n3A_2837 : vector<128x1024xi1>, vector<128x1024xi32>
    %get3A_2862 = arith.constant 5120 : index
    %get3A_2863 = arith.constant 0 : index
    %get3A_2864 = vector.load %arg3[%get3A_2862, %get3A_2863] : memref<8192x128xf32, #tpu.memory_space<vmem>>, vector<256x128xf32>
    %get3A_2865 = arith.constant 5120 : index
    %get3A_2866 = arith.constant 0 : index
    %get3A_2867 = vector.load %arg4[%get3A_2865, %get3A_2866] : memref<8192x1xf32, #tpu.memory_space<vmem>>, vector<256x1xf32>
    %dot_general3A_2868 = arith.constant dense<0.000000e+00> : vector<256x1024xf32>
    %dot_general3A_2869 = tpu.matmul %get3A_2864, %get3A_2379, %dot_general3A_2868 {dimension_numbers = #tpu.dot_dimension_numbers<[1], [0], [0], [1], [0, 0, 1, 1], [], []>, transpose_lhs_hint = false} : vector<256x128xf32>, vector<128x1024xf32>, vector<256x1024xf32> -> vector<256x1024xf32>
    %add3A_2870 = vector.broadcast %get3A_2384 : vector<1x1024xf32> to vector<256x1024xf32>
    %add3A_2871 = vector.broadcast %get3A_2867 : vector<256x1xf32> to vector<256x1024xf32>
    %add3A_2872 = arith.addf %add3A_2870, %add3A_2871 : vector<256x1024xf32>
    %add3A_2873 = arith.addf %add3A_2872, %dot_general3A_2869 : vector<256x1024xf32>
    %slice3A_2874 = vector.extract_strided_slice %add3A_2873 {offsets = [0, 0], sizes = [128, 1024], strides = [1, 1]} : vector<256x1024xf32> to vector<128x1024xf32>
    %slice3A_2875 = vector.extract_strided_slice %add3A_2873 {offsets = [128, 0], sizes = [128, 1024], strides = [1, 1]} : vector<256x1024xf32> to vector<128x1024xf32>
    %lt3A_2876 = arith.cmpf olt, %slice3A_2875, %slice3A_2874 : vector<128x1024xf32>
    %min3A_2877 = arith.minimumf %slice3A_2874, %slice3A_2875 : vector<128x1024xf32>
    %jit3A_2878 = arith.constant 41 : i32
    %jit3A_2879 = arith.constant 40 : i32
    %broadcast_in_dim3A_2880 = vector.broadcast %jit3A_2878 : i32 to vector<128x1024xi32>
    %broadcast_in_dim3A_2881 = vector.broadcast %jit3A_2879 : i32 to vector<128x1024xi32>
    %select_n3A_2882 = arith.select %lt3A_2876, %broadcast_in_dim3A_2880, %broadcast_in_dim3A_2881 : vector<128x1024xi1>, vector<128x1024xi32>
    %lt3A_2883 = arith.cmpf olt, %min3A_2877, %min3A_2860 : vector<128x1024xf32>
    %min3A_2884 = arith.minimumf %min3A_2860, %min3A_2877 : vector<128x1024xf32>
    %select_n3A_2885 = arith.select %lt3A_2883, %select_n3A_2882, %select_n3A_2861 : vector<128x1024xi1>, vector<128x1024xi32>
    %get3A_2886 = arith.constant 5376 : index
    %get3A_2887 = arith.constant 0 : index
    %get3A_2888 = vector.load %arg3[%get3A_2886, %get3A_2887] : memref<8192x128xf32, #tpu.memory_space<vmem>>, vector<256x128xf32>
    %get3A_2889 = arith.constant 5376 : index
    %get3A_2890 = arith.constant 0 : index
    %get3A_2891 = vector.load %arg4[%get3A_2889, %get3A_2890] : memref<8192x1xf32, #tpu.memory_space<vmem>>, vector<256x1xf32>
    %dot_general3A_2892 = arith.constant dense<0.000000e+00> : vector<256x1024xf32>
    %dot_general3A_2893 = tpu.matmul %get3A_2888, %get3A_2379, %dot_general3A_2892 {dimension_numbers = #tpu.dot_dimension_numbers<[1], [0], [0], [1], [0, 0, 1, 1], [], []>, transpose_lhs_hint = false} : vector<256x128xf32>, vector<128x1024xf32>, vector<256x1024xf32> -> vector<256x1024xf32>
    %add3A_2894 = vector.broadcast %get3A_2384 : vector<1x1024xf32> to vector<256x1024xf32>
    %add3A_2895 = vector.broadcast %get3A_2891 : vector<256x1xf32> to vector<256x1024xf32>
    %add3A_2896 = arith.addf %add3A_2894, %add3A_2895 : vector<256x1024xf32>
    %add3A_2897 = arith.addf %add3A_2896, %dot_general3A_2893 : vector<256x1024xf32>
    %slice3A_2898 = vector.extract_strided_slice %add3A_2897 {offsets = [0, 0], sizes = [128, 1024], strides = [1, 1]} : vector<256x1024xf32> to vector<128x1024xf32>
    %slice3A_2899 = vector.extract_strided_slice %add3A_2897 {offsets = [128, 0], sizes = [128, 1024], strides = [1, 1]} : vector<256x1024xf32> to vector<128x1024xf32>
    %lt3A_2900 = arith.cmpf olt, %slice3A_2899, %slice3A_2898 : vector<128x1024xf32>
    %min3A_2901 = arith.minimumf %slice3A_2898, %slice3A_2899 : vector<128x1024xf32>
    %jit3A_2902 = arith.constant 43 : i32
    %jit3A_2903 = arith.constant 42 : i32
    %broadcast_in_dim3A_2904 = vector.broadcast %jit3A_2902 : i32 to vector<128x1024xi32>
    %broadcast_in_dim3A_2905 = vector.broadcast %jit3A_2903 : i32 to vector<128x1024xi32>
    %select_n3A_2906 = arith.select %lt3A_2900, %broadcast_in_dim3A_2904, %broadcast_in_dim3A_2905 : vector<128x1024xi1>, vector<128x1024xi32>
    %lt3A_2907 = arith.cmpf olt, %min3A_2901, %min3A_2884 : vector<128x1024xf32>
    %min3A_2908 = arith.minimumf %min3A_2884, %min3A_2901 : vector<128x1024xf32>
    %select_n3A_2909 = arith.select %lt3A_2907, %select_n3A_2906, %select_n3A_2885 : vector<128x1024xi1>, vector<128x1024xi32>
    %get3A_2910 = arith.constant 5632 : index
    %get3A_2911 = arith.constant 0 : index
    %get3A_2912 = vector.load %arg3[%get3A_2910, %get3A_2911] : memref<8192x128xf32, #tpu.memory_space<vmem>>, vector<256x128xf32>
    %get3A_2913 = arith.constant 5632 : index
    %get3A_2914 = arith.constant 0 : index
    %get3A_2915 = vector.load %arg4[%get3A_2913, %get3A_2914] : memref<8192x1xf32, #tpu.memory_space<vmem>>, vector<256x1xf32>
    %dot_general3A_2916 = arith.constant dense<0.000000e+00> : vector<256x1024xf32>
    %dot_general3A_2917 = tpu.matmul %get3A_2912, %get3A_2379, %dot_general3A_2916 {dimension_numbers = #tpu.dot_dimension_numbers<[1], [0], [0], [1], [0, 0, 1, 1], [], []>, transpose_lhs_hint = false} : vector<256x128xf32>, vector<128x1024xf32>, vector<256x1024xf32> -> vector<256x1024xf32>
    %add3A_2918 = vector.broadcast %get3A_2384 : vector<1x1024xf32> to vector<256x1024xf32>
    %add3A_2919 = vector.broadcast %get3A_2915 : vector<256x1xf32> to vector<256x1024xf32>
    %add3A_2920 = arith.addf %add3A_2918, %add3A_2919 : vector<256x1024xf32>
    %add3A_2921 = arith.addf %add3A_2920, %dot_general3A_2917 : vector<256x1024xf32>
    %slice3A_2922 = vector.extract_strided_slice %add3A_2921 {offsets = [0, 0], sizes = [128, 1024], strides = [1, 1]} : vector<256x1024xf32> to vector<128x1024xf32>
    %slice3A_2923 = vector.extract_strided_slice %add3A_2921 {offsets = [128, 0], sizes = [128, 1024], strides = [1, 1]} : vector<256x1024xf32> to vector<128x1024xf32>
    %lt3A_2924 = arith.cmpf olt, %slice3A_2923, %slice3A_2922 : vector<128x1024xf32>
    %min3A_2925 = arith.minimumf %slice3A_2922, %slice3A_2923 : vector<128x1024xf32>
    %jit3A_2926 = arith.constant 45 : i32
    %jit3A_2927 = arith.constant 44 : i32
    %broadcast_in_dim3A_2928 = vector.broadcast %jit3A_2926 : i32 to vector<128x1024xi32>
    %broadcast_in_dim3A_2929 = vector.broadcast %jit3A_2927 : i32 to vector<128x1024xi32>
    %select_n3A_2930 = arith.select %lt3A_2924, %broadcast_in_dim3A_2928, %broadcast_in_dim3A_2929 : vector<128x1024xi1>, vector<128x1024xi32>
    %lt3A_2931 = arith.cmpf olt, %min3A_2925, %min3A_2908 : vector<128x1024xf32>
    %min3A_2932 = arith.minimumf %min3A_2908, %min3A_2925 : vector<128x1024xf32>
    %select_n3A_2933 = arith.select %lt3A_2931, %select_n3A_2930, %select_n3A_2909 : vector<128x1024xi1>, vector<128x1024xi32>
    %get3A_2934 = arith.constant 5888 : index
    %get3A_2935 = arith.constant 0 : index
    %get3A_2936 = vector.load %arg3[%get3A_2934, %get3A_2935] : memref<8192x128xf32, #tpu.memory_space<vmem>>, vector<256x128xf32>
    %get3A_2937 = arith.constant 5888 : index
    %get3A_2938 = arith.constant 0 : index
    %get3A_2939 = vector.load %arg4[%get3A_2937, %get3A_2938] : memref<8192x1xf32, #tpu.memory_space<vmem>>, vector<256x1xf32>
    %dot_general3A_2940 = arith.constant dense<0.000000e+00> : vector<256x1024xf32>
    %dot_general3A_2941 = tpu.matmul %get3A_2936, %get3A_2379, %dot_general3A_2940 {dimension_numbers = #tpu.dot_dimension_numbers<[1], [0], [0], [1], [0, 0, 1, 1], [], []>, transpose_lhs_hint = false} : vector<256x128xf32>, vector<128x1024xf32>, vector<256x1024xf32> -> vector<256x1024xf32>
    %add3A_2942 = vector.broadcast %get3A_2384 : vector<1x1024xf32> to vector<256x1024xf32>
    %add3A_2943 = vector.broadcast %get3A_2939 : vector<256x1xf32> to vector<256x1024xf32>
    %add3A_2944 = arith.addf %add3A_2942, %add3A_2943 : vector<256x1024xf32>
    %add3A_2945 = arith.addf %add3A_2944, %dot_general3A_2941 : vector<256x1024xf32>
    %slice3A_2946 = vector.extract_strided_slice %add3A_2945 {offsets = [0, 0], sizes = [128, 1024], strides = [1, 1]} : vector<256x1024xf32> to vector<128x1024xf32>
    %slice3A_2947 = vector.extract_strided_slice %add3A_2945 {offsets = [128, 0], sizes = [128, 1024], strides = [1, 1]} : vector<256x1024xf32> to vector<128x1024xf32>
    %lt3A_2948 = arith.cmpf olt, %slice3A_2947, %slice3A_2946 : vector<128x1024xf32>
    %min3A_2949 = arith.minimumf %slice3A_2946, %slice3A_2947 : vector<128x1024xf32>
    %jit3A_2950 = arith.constant 47 : i32
    %jit3A_2951 = arith.constant 46 : i32
    %broadcast_in_dim3A_2952 = vector.broadcast %jit3A_2950 : i32 to vector<128x1024xi32>
    %broadcast_in_dim3A_2953 = vector.broadcast %jit3A_2951 : i32 to vector<128x1024xi32>
    %select_n3A_2954 = arith.select %lt3A_2948, %broadcast_in_dim3A_2952, %broadcast_in_dim3A_2953 : vector<128x1024xi1>, vector<128x1024xi32>
    %lt3A_2955 = arith.cmpf olt, %min3A_2949, %min3A_2932 : vector<128x1024xf32>
    %min3A_2956 = arith.minimumf %min3A_2932, %min3A_2949 : vector<128x1024xf32>
    %select_n3A_2957 = arith.select %lt3A_2955, %select_n3A_2954, %select_n3A_2933 : vector<128x1024xi1>, vector<128x1024xi32>
    %get3A_2958 = arith.constant 6144 : index
    %get3A_2959 = arith.constant 0 : index
    %get3A_2960 = vector.load %arg3[%get3A_2958, %get3A_2959] : memref<8192x128xf32, #tpu.memory_space<vmem>>, vector<256x128xf32>
    %get3A_2961 = arith.constant 6144 : index
    %get3A_2962 = arith.constant 0 : index
    %get3A_2963 = vector.load %arg4[%get3A_2961, %get3A_2962] : memref<8192x1xf32, #tpu.memory_space<vmem>>, vector<256x1xf32>
    %dot_general3A_2964 = arith.constant dense<0.000000e+00> : vector<256x1024xf32>
    %dot_general3A_2965 = tpu.matmul %get3A_2960, %get3A_2379, %dot_general3A_2964 {dimension_numbers = #tpu.dot_dimension_numbers<[1], [0], [0], [1], [0, 0, 1, 1], [], []>, transpose_lhs_hint = false} : vector<256x128xf32>, vector<128x1024xf32>, vector<256x1024xf32> -> vector<256x1024xf32>
    %add3A_2966 = vector.broadcast %get3A_2384 : vector<1x1024xf32> to vector<256x1024xf32>
    %add3A_2967 = vector.broadcast %get3A_2963 : vector<256x1xf32> to vector<256x1024xf32>
    %add3A_2968 = arith.addf %add3A_2966, %add3A_2967 : vector<256x1024xf32>
    %add3A_2969 = arith.addf %add3A_2968, %dot_general3A_2965 : vector<256x1024xf32>
    %slice3A_2970 = vector.extract_strided_slice %add3A_2969 {offsets = [0, 0], sizes = [128, 1024], strides = [1, 1]} : vector<256x1024xf32> to vector<128x1024xf32>
    %slice3A_2971 = vector.extract_strided_slice %add3A_2969 {offsets = [128, 0], sizes = [128, 1024], strides = [1, 1]} : vector<256x1024xf32> to vector<128x1024xf32>
    %lt3A_2972 = arith.cmpf olt, %slice3A_2971, %slice3A_2970 : vector<128x1024xf32>
    %min3A_2973 = arith.minimumf %slice3A_2970, %slice3A_2971 : vector<128x1024xf32>
    %jit3A_2974 = arith.constant 49 : i32
    %jit3A_2975 = arith.constant 48 : i32
    %broadcast_in_dim3A_2976 = vector.broadcast %jit3A_2974 : i32 to vector<128x1024xi32>
    %broadcast_in_dim3A_2977 = vector.broadcast %jit3A_2975 : i32 to vector<128x1024xi32>
    %select_n3A_2978 = arith.select %lt3A_2972, %broadcast_in_dim3A_2976, %broadcast_in_dim3A_2977 : vector<128x1024xi1>, vector<128x1024xi32>
    %lt3A_2979 = arith.cmpf olt, %min3A_2973, %min3A_2956 : vector<128x1024xf32>
    %min3A_2980 = arith.minimumf %min3A_2956, %min3A_2973 : vector<128x1024xf32>
    %select_n3A_2981 = arith.select %lt3A_2979, %select_n3A_2978, %select_n3A_2957 : vector<128x1024xi1>, vector<128x1024xi32>
    %get3A_2982 = arith.constant 6400 : index
    %get3A_2983 = arith.constant 0 : index
    %get3A_2984 = vector.load %arg3[%get3A_2982, %get3A_2983] : memref<8192x128xf32, #tpu.memory_space<vmem>>, vector<256x128xf32>
    %get3A_2985 = arith.constant 6400 : index
    %get3A_2986 = arith.constant 0 : index
    %get3A_2987 = vector.load %arg4[%get3A_2985, %get3A_2986] : memref<8192x1xf32, #tpu.memory_space<vmem>>, vector<256x1xf32>
    %dot_general3A_2988 = arith.constant dense<0.000000e+00> : vector<256x1024xf32>
    %dot_general3A_2989 = tpu.matmul %get3A_2984, %get3A_2379, %dot_general3A_2988 {dimension_numbers = #tpu.dot_dimension_numbers<[1], [0], [0], [1], [0, 0, 1, 1], [], []>, transpose_lhs_hint = false} : vector<256x128xf32>, vector<128x1024xf32>, vector<256x1024xf32> -> vector<256x1024xf32>
    %add3A_2990 = vector.broadcast %get3A_2384 : vector<1x1024xf32> to vector<256x1024xf32>
    %add3A_2991 = vector.broadcast %get3A_2987 : vector<256x1xf32> to vector<256x1024xf32>
    %add3A_2992 = arith.addf %add3A_2990, %add3A_2991 : vector<256x1024xf32>
    %add3A_2993 = arith.addf %add3A_2992, %dot_general3A_2989 : vector<256x1024xf32>
    %slice3A_2994 = vector.extract_strided_slice %add3A_2993 {offsets = [0, 0], sizes = [128, 1024], strides = [1, 1]} : vector<256x1024xf32> to vector<128x1024xf32>
    %slice3A_2995 = vector.extract_strided_slice %add3A_2993 {offsets = [128, 0], sizes = [128, 1024], strides = [1, 1]} : vector<256x1024xf32> to vector<128x1024xf32>
    %lt3A_2996 = arith.cmpf olt, %slice3A_2995, %slice3A_2994 : vector<128x1024xf32>
    %min3A_2997 = arith.minimumf %slice3A_2994, %slice3A_2995 : vector<128x1024xf32>
    %jit3A_2998 = arith.constant 51 : i32
    %jit3A_2999 = arith.constant 50 : i32
    %broadcast_in_dim3A_3000 = vector.broadcast %jit3A_2998 : i32 to vector<128x1024xi32>
    %broadcast_in_dim3A_3001 = vector.broadcast %jit3A_2999 : i32 to vector<128x1024xi32>
    %select_n3A_3002 = arith.select %lt3A_2996, %broadcast_in_dim3A_3000, %broadcast_in_dim3A_3001 : vector<128x1024xi1>, vector<128x1024xi32>
    %lt3A_3003 = arith.cmpf olt, %min3A_2997, %min3A_2980 : vector<128x1024xf32>
    %min3A_3004 = arith.minimumf %min3A_2980, %min3A_2997 : vector<128x1024xf32>
    %select_n3A_3005 = arith.select %lt3A_3003, %select_n3A_3002, %select_n3A_2981 : vector<128x1024xi1>, vector<128x1024xi32>
    %get3A_3006 = arith.constant 6656 : index
    %get3A_3007 = arith.constant 0 : index
    %get3A_3008 = vector.load %arg3[%get3A_3006, %get3A_3007] : memref<8192x128xf32, #tpu.memory_space<vmem>>, vector<256x128xf32>
    %get3A_3009 = arith.constant 6656 : index
    %get3A_3010 = arith.constant 0 : index
    %get3A_3011 = vector.load %arg4[%get3A_3009, %get3A_3010] : memref<8192x1xf32, #tpu.memory_space<vmem>>, vector<256x1xf32>
    %dot_general3A_3012 = arith.constant dense<0.000000e+00> : vector<256x1024xf32>
    %dot_general3A_3013 = tpu.matmul %get3A_3008, %get3A_2379, %dot_general3A_3012 {dimension_numbers = #tpu.dot_dimension_numbers<[1], [0], [0], [1], [0, 0, 1, 1], [], []>, transpose_lhs_hint = false} : vector<256x128xf32>, vector<128x1024xf32>, vector<256x1024xf32> -> vector<256x1024xf32>
    %add3A_3014 = vector.broadcast %get3A_2384 : vector<1x1024xf32> to vector<256x1024xf32>
    %add3A_3015 = vector.broadcast %get3A_3011 : vector<256x1xf32> to vector<256x1024xf32>
    %add3A_3016 = arith.addf %add3A_3014, %add3A_3015 : vector<256x1024xf32>
    %add3A_3017 = arith.addf %add3A_3016, %dot_general3A_3013 : vector<256x1024xf32>
    %slice3A_3018 = vector.extract_strided_slice %add3A_3017 {offsets = [0, 0], sizes = [128, 1024], strides = [1, 1]} : vector<256x1024xf32> to vector<128x1024xf32>
    %slice3A_3019 = vector.extract_strided_slice %add3A_3017 {offsets = [128, 0], sizes = [128, 1024], strides = [1, 1]} : vector<256x1024xf32> to vector<128x1024xf32>
    %lt3A_3020 = arith.cmpf olt, %slice3A_3019, %slice3A_3018 : vector<128x1024xf32>
    %min3A_3021 = arith.minimumf %slice3A_3018, %slice3A_3019 : vector<128x1024xf32>
    %jit3A_3022 = arith.constant 53 : i32
    %jit3A_3023 = arith.constant 52 : i32
    %broadcast_in_dim3A_3024 = vector.broadcast %jit3A_3022 : i32 to vector<128x1024xi32>
    %broadcast_in_dim3A_3025 = vector.broadcast %jit3A_3023 : i32 to vector<128x1024xi32>
    %select_n3A_3026 = arith.select %lt3A_3020, %broadcast_in_dim3A_3024, %broadcast_in_dim3A_3025 : vector<128x1024xi1>, vector<128x1024xi32>
    %lt3A_3027 = arith.cmpf olt, %min3A_3021, %min3A_3004 : vector<128x1024xf32>
    %min3A_3028 = arith.minimumf %min3A_3004, %min3A_3021 : vector<128x1024xf32>
    %select_n3A_3029 = arith.select %lt3A_3027, %select_n3A_3026, %select_n3A_3005 : vector<128x1024xi1>, vector<128x1024xi32>
    %get3A_3030 = arith.constant 6912 : index
    %get3A_3031 = arith.constant 0 : index
    %get3A_3032 = vector.load %arg3[%get3A_3030, %get3A_3031] : memref<8192x128xf32, #tpu.memory_space<vmem>>, vector<256x128xf32>
    %get3A_3033 = arith.constant 6912 : index
    %get3A_3034 = arith.constant 0 : index
    %get3A_3035 = vector.load %arg4[%get3A_3033, %get3A_3034] : memref<8192x1xf32, #tpu.memory_space<vmem>>, vector<256x1xf32>
    %dot_general3A_3036 = arith.constant dense<0.000000e+00> : vector<256x1024xf32>
    %dot_general3A_3037 = tpu.matmul %get3A_3032, %get3A_2379, %dot_general3A_3036 {dimension_numbers = #tpu.dot_dimension_numbers<[1], [0], [0], [1], [0, 0, 1, 1], [], []>, transpose_lhs_hint = false} : vector<256x128xf32>, vector<128x1024xf32>, vector<256x1024xf32> -> vector<256x1024xf32>
    %add3A_3038 = vector.broadcast %get3A_2384 : vector<1x1024xf32> to vector<256x1024xf32>
    %add3A_3039 = vector.broadcast %get3A_3035 : vector<256x1xf32> to vector<256x1024xf32>
    %add3A_3040 = arith.addf %add3A_3038, %add3A_3039 : vector<256x1024xf32>
    %add3A_3041 = arith.addf %add3A_3040, %dot_general3A_3037 : vector<256x1024xf32>
    %slice3A_3042 = vector.extract_strided_slice %add3A_3041 {offsets = [0, 0], sizes = [128, 1024], strides = [1, 1]} : vector<256x1024xf32> to vector<128x1024xf32>
    %slice3A_3043 = vector.extract_strided_slice %add3A_3041 {offsets = [128, 0], sizes = [128, 1024], strides = [1, 1]} : vector<256x1024xf32> to vector<128x1024xf32>
    %lt3A_3044 = arith.cmpf olt, %slice3A_3043, %slice3A_3042 : vector<128x1024xf32>
    %min3A_3045 = arith.minimumf %slice3A_3042, %slice3A_3043 : vector<128x1024xf32>
    %jit3A_3046 = arith.constant 55 : i32
    %jit3A_3047 = arith.constant 54 : i32
    %broadcast_in_dim3A_3048 = vector.broadcast %jit3A_3046 : i32 to vector<128x1024xi32>
    %broadcast_in_dim3A_3049 = vector.broadcast %jit3A_3047 : i32 to vector<128x1024xi32>
    %select_n3A_3050 = arith.select %lt3A_3044, %broadcast_in_dim3A_3048, %broadcast_in_dim3A_3049 : vector<128x1024xi1>, vector<128x1024xi32>
    %lt3A_3051 = arith.cmpf olt, %min3A_3045, %min3A_3028 : vector<128x1024xf32>
    %min3A_3052 = arith.minimumf %min3A_3028, %min3A_3045 : vector<128x1024xf32>
    %select_n3A_3053 = arith.select %lt3A_3051, %select_n3A_3050, %select_n3A_3029 : vector<128x1024xi1>, vector<128x1024xi32>
    %get3A_3054 = arith.constant 7168 : index
    %get3A_3055 = arith.constant 0 : index
    %get3A_3056 = vector.load %arg3[%get3A_3054, %get3A_3055] : memref<8192x128xf32, #tpu.memory_space<vmem>>, vector<256x128xf32>
    %get3A_3057 = arith.constant 7168 : index
    %get3A_3058 = arith.constant 0 : index
    %get3A_3059 = vector.load %arg4[%get3A_3057, %get3A_3058] : memref<8192x1xf32, #tpu.memory_space<vmem>>, vector<256x1xf32>
    %dot_general3A_3060 = arith.constant dense<0.000000e+00> : vector<256x1024xf32>
    %dot_general3A_3061 = tpu.matmul %get3A_3056, %get3A_2379, %dot_general3A_3060 {dimension_numbers = #tpu.dot_dimension_numbers<[1], [0], [0], [1], [0, 0, 1, 1], [], []>, transpose_lhs_hint = false} : vector<256x128xf32>, vector<128x1024xf32>, vector<256x1024xf32> -> vector<256x1024xf32>
    %add3A_3062 = vector.broadcast %get3A_2384 : vector<1x1024xf32> to vector<256x1024xf32>
    %add3A_3063 = vector.broadcast %get3A_3059 : vector<256x1xf32> to vector<256x1024xf32>
    %add3A_3064 = arith.addf %add3A_3062, %add3A_3063 : vector<256x1024xf32>
    %add3A_3065 = arith.addf %add3A_3064, %dot_general3A_3061 : vector<256x1024xf32>
    %slice3A_3066 = vector.extract_strided_slice %add3A_3065 {offsets = [0, 0], sizes = [128, 1024], strides = [1, 1]} : vector<256x1024xf32> to vector<128x1024xf32>
    %slice3A_3067 = vector.extract_strided_slice %add3A_3065 {offsets = [128, 0], sizes = [128, 1024], strides = [1, 1]} : vector<256x1024xf32> to vector<128x1024xf32>
    %lt3A_3068 = arith.cmpf olt, %slice3A_3067, %slice3A_3066 : vector<128x1024xf32>
    %min3A_3069 = arith.minimumf %slice3A_3066, %slice3A_3067 : vector<128x1024xf32>
    %jit3A_3070 = arith.constant 57 : i32
    %jit3A_3071 = arith.constant 56 : i32
    %broadcast_in_dim3A_3072 = vector.broadcast %jit3A_3070 : i32 to vector<128x1024xi32>
    %broadcast_in_dim3A_3073 = vector.broadcast %jit3A_3071 : i32 to vector<128x1024xi32>
    %select_n3A_3074 = arith.select %lt3A_3068, %broadcast_in_dim3A_3072, %broadcast_in_dim3A_3073 : vector<128x1024xi1>, vector<128x1024xi32>
    %lt3A_3075 = arith.cmpf olt, %min3A_3069, %min3A_3052 : vector<128x1024xf32>
    %min3A_3076 = arith.minimumf %min3A_3052, %min3A_3069 : vector<128x1024xf32>
    %select_n3A_3077 = arith.select %lt3A_3075, %select_n3A_3074, %select_n3A_3053 : vector<128x1024xi1>, vector<128x1024xi32>
    %get3A_3078 = arith.constant 7424 : index
    %get3A_3079 = arith.constant 0 : index
    %get3A_3080 = vector.load %arg3[%get3A_3078, %get3A_3079] : memref<8192x128xf32, #tpu.memory_space<vmem>>, vector<256x128xf32>
    %get3A_3081 = arith.constant 7424 : index
    %get3A_3082 = arith.constant 0 : index
    %get3A_3083 = vector.load %arg4[%get3A_3081, %get3A_3082] : memref<8192x1xf32, #tpu.memory_space<vmem>>, vector<256x1xf32>
    %dot_general3A_3084 = arith.constant dense<0.000000e+00> : vector<256x1024xf32>
    %dot_general3A_3085 = tpu.matmul %get3A_3080, %get3A_2379, %dot_general3A_3084 {dimension_numbers = #tpu.dot_dimension_numbers<[1], [0], [0], [1], [0, 0, 1, 1], [], []>, transpose_lhs_hint = false} : vector<256x128xf32>, vector<128x1024xf32>, vector<256x1024xf32> -> vector<256x1024xf32>
    %add3A_3086 = vector.broadcast %get3A_2384 : vector<1x1024xf32> to vector<256x1024xf32>
    %add3A_3087 = vector.broadcast %get3A_3083 : vector<256x1xf32> to vector<256x1024xf32>
    %add3A_3088 = arith.addf %add3A_3086, %add3A_3087 : vector<256x1024xf32>
    %add3A_3089 = arith.addf %add3A_3088, %dot_general3A_3085 : vector<256x1024xf32>
    %slice3A_3090 = vector.extract_strided_slice %add3A_3089 {offsets = [0, 0], sizes = [128, 1024], strides = [1, 1]} : vector<256x1024xf32> to vector<128x1024xf32>
    %slice3A_3091 = vector.extract_strided_slice %add3A_3089 {offsets = [128, 0], sizes = [128, 1024], strides = [1, 1]} : vector<256x1024xf32> to vector<128x1024xf32>
    %lt3A_3092 = arith.cmpf olt, %slice3A_3091, %slice3A_3090 : vector<128x1024xf32>
    %min3A_3093 = arith.minimumf %slice3A_3090, %slice3A_3091 : vector<128x1024xf32>
    %jit3A_3094 = arith.constant 59 : i32
    %jit3A_3095 = arith.constant 58 : i32
    %broadcast_in_dim3A_3096 = vector.broadcast %jit3A_3094 : i32 to vector<128x1024xi32>
    %broadcast_in_dim3A_3097 = vector.broadcast %jit3A_3095 : i32 to vector<128x1024xi32>
    %select_n3A_3098 = arith.select %lt3A_3092, %broadcast_in_dim3A_3096, %broadcast_in_dim3A_3097 : vector<128x1024xi1>, vector<128x1024xi32>
    %lt3A_3099 = arith.cmpf olt, %min3A_3093, %min3A_3076 : vector<128x1024xf32>
    %min3A_3100 = arith.minimumf %min3A_3076, %min3A_3093 : vector<128x1024xf32>
    %select_n3A_3101 = arith.select %lt3A_3099, %select_n3A_3098, %select_n3A_3077 : vector<128x1024xi1>, vector<128x1024xi32>
    %get3A_3102 = arith.constant 7680 : index
    %get3A_3103 = arith.constant 0 : index
    %get3A_3104 = vector.load %arg3[%get3A_3102, %get3A_3103] : memref<8192x128xf32, #tpu.memory_space<vmem>>, vector<256x128xf32>
    %get3A_3105 = arith.constant 7680 : index
    %get3A_3106 = arith.constant 0 : index
    %get3A_3107 = vector.load %arg4[%get3A_3105, %get3A_3106] : memref<8192x1xf32, #tpu.memory_space<vmem>>, vector<256x1xf32>
    %dot_general3A_3108 = arith.constant dense<0.000000e+00> : vector<256x1024xf32>
    %dot_general3A_3109 = tpu.matmul %get3A_3104, %get3A_2379, %dot_general3A_3108 {dimension_numbers = #tpu.dot_dimension_numbers<[1], [0], [0], [1], [0, 0, 1, 1], [], []>, transpose_lhs_hint = false} : vector<256x128xf32>, vector<128x1024xf32>, vector<256x1024xf32> -> vector<256x1024xf32>
    %add3A_3110 = vector.broadcast %get3A_2384 : vector<1x1024xf32> to vector<256x1024xf32>
    %add3A_3111 = vector.broadcast %get3A_3107 : vector<256x1xf32> to vector<256x1024xf32>
    %add3A_3112 = arith.addf %add3A_3110, %add3A_3111 : vector<256x1024xf32>
    %add3A_3113 = arith.addf %add3A_3112, %dot_general3A_3109 : vector<256x1024xf32>
    %slice3A_3114 = vector.extract_strided_slice %add3A_3113 {offsets = [0, 0], sizes = [128, 1024], strides = [1, 1]} : vector<256x1024xf32> to vector<128x1024xf32>
    %slice3A_3115 = vector.extract_strided_slice %add3A_3113 {offsets = [128, 0], sizes = [128, 1024], strides = [1, 1]} : vector<256x1024xf32> to vector<128x1024xf32>
    %lt3A_3116 = arith.cmpf olt, %slice3A_3115, %slice3A_3114 : vector<128x1024xf32>
    %min3A_3117 = arith.minimumf %slice3A_3114, %slice3A_3115 : vector<128x1024xf32>
    %jit3A_3118 = arith.constant 61 : i32
    %jit3A_3119 = arith.constant 60 : i32
    %broadcast_in_dim3A_3120 = vector.broadcast %jit3A_3118 : i32 to vector<128x1024xi32>
    %broadcast_in_dim3A_3121 = vector.broadcast %jit3A_3119 : i32 to vector<128x1024xi32>
    %select_n3A_3122 = arith.select %lt3A_3116, %broadcast_in_dim3A_3120, %broadcast_in_dim3A_3121 : vector<128x1024xi1>, vector<128x1024xi32>
    %lt3A_3123 = arith.cmpf olt, %min3A_3117, %min3A_3100 : vector<128x1024xf32>
    %min3A_3124 = arith.minimumf %min3A_3100, %min3A_3117 : vector<128x1024xf32>
    %select_n3A_3125 = arith.select %lt3A_3123, %select_n3A_3122, %select_n3A_3101 : vector<128x1024xi1>, vector<128x1024xi32>
    %get3A_3126 = arith.constant 7936 : index
    %get3A_3127 = arith.constant 0 : index
    %get3A_3128 = vector.load %arg3[%get3A_3126, %get3A_3127] : memref<8192x128xf32, #tpu.memory_space<vmem>>, vector<256x128xf32>
    %get3A_3129 = arith.constant 7936 : index
    %get3A_3130 = arith.constant 0 : index
    %get3A_3131 = vector.load %arg4[%get3A_3129, %get3A_3130] : memref<8192x1xf32, #tpu.memory_space<vmem>>, vector<256x1xf32>
    %dot_general3A_3132 = arith.constant dense<0.000000e+00> : vector<256x1024xf32>
    %dot_general3A_3133 = tpu.matmul %get3A_3128, %get3A_2379, %dot_general3A_3132 {dimension_numbers = #tpu.dot_dimension_numbers<[1], [0], [0], [1], [0, 0, 1, 1], [], []>, transpose_lhs_hint = false} : vector<256x128xf32>, vector<128x1024xf32>, vector<256x1024xf32> -> vector<256x1024xf32>
    %add3A_3134 = vector.broadcast %get3A_2384 : vector<1x1024xf32> to vector<256x1024xf32>
    %add3A_3135 = vector.broadcast %get3A_3131 : vector<256x1xf32> to vector<256x1024xf32>
    %add3A_3136 = arith.addf %add3A_3134, %add3A_3135 : vector<256x1024xf32>
    %add3A_3137 = arith.addf %add3A_3136, %dot_general3A_3133 : vector<256x1024xf32>
    %slice3A_3138 = vector.extract_strided_slice %add3A_3137 {offsets = [0, 0], sizes = [128, 1024], strides = [1, 1]} : vector<256x1024xf32> to vector<128x1024xf32>
    %slice3A_3139 = vector.extract_strided_slice %add3A_3137 {offsets = [128, 0], sizes = [128, 1024], strides = [1, 1]} : vector<256x1024xf32> to vector<128x1024xf32>
    %lt3A_3140 = arith.cmpf olt, %slice3A_3139, %slice3A_3138 : vector<128x1024xf32>
    %min3A_3141 = arith.minimumf %slice3A_3138, %slice3A_3139 : vector<128x1024xf32>
    %jit3A_3142 = arith.constant 63 : i32
    %jit3A_3143 = arith.constant 62 : i32
    %broadcast_in_dim3A_3144 = vector.broadcast %jit3A_3142 : i32 to vector<128x1024xi32>
    %broadcast_in_dim3A_3145 = vector.broadcast %jit3A_3143 : i32 to vector<128x1024xi32>
    %select_n3A_3146 = arith.select %lt3A_3140, %broadcast_in_dim3A_3144, %broadcast_in_dim3A_3145 : vector<128x1024xi1>, vector<128x1024xi32>
    %lt3A_3147 = arith.cmpf olt, %min3A_3141, %min3A_3124 : vector<128x1024xf32>
    %min3A_3148 = arith.minimumf %min3A_3124, %min3A_3141 : vector<128x1024xf32>
    %select_n3A_3149 = arith.select %lt3A_3147, %select_n3A_3146, %select_n3A_3125 : vector<128x1024xi1>, vector<128x1024xi32>
    %mul3A_3150 = arith.constant 128 : i32
    %mul3A_3151 = vector.broadcast %mul3A_3150 : i32 to vector<128x1024xi32>
    %mul3A_3152 = arith.muli %select_n3A_3149, %mul3A_3151 : vector<128x1024xi32>
    %add3A_3153 = arith.addi %mul3A_3152, %iota3A : vector<128x1024xi32>
    %reduce_min3A_3154 = arith.constant dense<0x7F800000> : vector<1024xf32>
    %reduce_min3A_3155 = vector.multi_reduction <minimumf>, %min3A_3148, %reduce_min3A_3154 [0] : vector<128x1024xf32> to vector<1024xf32>
    %broadcast_in_dim3A_3156 = vector.shape_cast %reduce_min3A_3155 : vector<1024xf32> to vector<1x1024xf32>
    %eq3A_3157 = vector.broadcast %broadcast_in_dim3A_3156 : vector<1x1024xf32> to vector<128x1024xf32>
    %eq3A_3158 = arith.cmpf oeq, %min3A_3148, %eq3A_3157 : vector<128x1024xf32>
    %jit3A_3159 = arith.constant 1073741824 : i32
    %broadcast_in_dim3A_3160 = vector.broadcast %jit3A_3159 : i32 to vector<128x1024xi32>
    %select_n3A_3161 = arith.select %eq3A_3158, %add3A_3153, %broadcast_in_dim3A_3160 : vector<128x1024xi1>, vector<128x1024xi32>
    %reduce_min3A_3162 = arith.constant dense<2147483647> : vector<1024xi32>
    %reduce_min3A_3163 = vector.multi_reduction <minsi>, %select_n3A_3161, %reduce_min3A_3162 [0] : vector<128x1024xi32> to vector<1024xi32>
    %broadcast_in_dim3A_3164 = vector.shape_cast %reduce_min3A_3163 : vector<1024xi32> to vector<1x1024xi32>
    %swap3A_3165 = arith.constant 3 : index
    %swap3A_3166 = arith.constant 0 : index
    %swap3A_3167 = arith.constant 0 : index
    %swap3A_3168 = vector.load %arg5[%swap3A_3165, %swap3A_3166, %swap3A_3167] : memref<4x1x1024xi32, #tpu.memory_space<vmem>>, vector<1x1x1024xi32>
    %swap3A_3169 = vector.shape_cast %swap3A_3168 : vector<1x1x1024xi32> to vector<1x1024xi32>
    %swap3A_3170 = vector.shape_cast %broadcast_in_dim3A_3164 : vector<1x1024xi32> to vector<1x1x1024xi32>
    tpu.vector_store %arg5[%swap3A_3165, %swap3A_3166, %swap3A_3167], %swap3A_3170 {strides = array<i32>} : memref<4x1x1024xi32, #tpu.memory_space<vmem>>, vector<1x1x1024xi32>,
    return
  }
  func.func @transform_0(%arg0: i32) -> (i32, i32, i32) {
    %c0_i32 = arith.constant 0 : i32
    %c0_i32_0 = arith.constant 0 : i32
    %c0_i32_1 = arith.constant 0 : i32
    return %arg0, %c0_i32, %c0_i32_0 : i32, i32, i32
  }
  func.func @transform_1(%arg0: i32) -> (i32, i32, i32) {
    %c0_i32 = arith.constant 0 : i32
    %c0_i32_0 = arith.constant 0 : i32
    %c0_i32_1 = arith.constant 0 : i32
    return %arg0, %c0_i32, %c0_i32_0 : i32, i32, i32
  }
  func.func @transform_2(%arg0: i32) -> (i32, i32) {
    %c0_i32 = arith.constant 0 : i32
    %c0_i32_0 = arith.constant 0 : i32
    %c0_i32_1 = arith.constant 0 : i32
    return %c0_i32, %c0_i32_0 : i32, i32
  }
  func.func @transform_3(%arg0: i32) -> (i32, i32) {
    %c0_i32 = arith.constant 0 : i32
    %c0_i32_0 = arith.constant 0 : i32
    %c0_i32_1 = arith.constant 0 : i32
    return %c0_i32, %c0_i32_0 : i32, i32
  }
  func.func @transform_4(%arg0: i32) -> (i32, i32, i32) {
    %c0_i32 = arith.constant 0 : i32
    %c0_i32_0 = arith.constant 0 : i32
    %c0_i32_1 = arith.constant 0 : i32
    return %arg0, %c0_i32, %c0_i32_0 : i32, i32, i32
  }
}

</mosaic_0001>

<sc_bundles>
// kernel: kernel.4.cloned.1.call-start
scs
__scs_entry_jumppad:
0x0: {  	(pc) =	sbr.rel $0x88, $3  }
0x1: {  	(tag) =	ssettag $0x0;
	lr =	simm.s32 $0x1  }
0x2: {  	[smem:$0x3F9F] =	sst lr;
	_ =	strace $0xD0000000  }
0x3: {  	_ = 	snop  }
0x4: {  	_ = 	snop  }
0x5: {  	_ = 	snop  }
0x6: {  	_ = 	snop  }
0x7: {  	_ = 	snop  }
__scs_overlays_trampoline_lowered:
0x8: {  	[smem:$0x3FAE] =	sst s0  }
0x9: {  	[smem:$0x3FAF] =	sst s1  }
0xa: {  	[smem:$0x3FB0] =	sst s2  }
0xb: {  	[smem:$0x3FB1] =	sst s3  }
0xc: {  	[smem:$0x3FB2] =	sst s4  }
0xd: {  	[smem:$0x3FB3] =	sst s5  }
0xe: {  	[smem:$0x3FB4] =	sst s6  }
0xf: {  	[smem:$0x3FB5] =	sst s7  }
0x10: {  	[smem:$0x3FB6] =	sst s8  }
0x11: {  	[smem:$0x3FB7] =	sst s9;
	s0 =	simm.s32 @!p0 $0x0  }
0x12: {  	s1 =	sld [smem:$0x3F9D];
	s0 =	simm.s32 @p0 $0x1  }
0x13: {  	[smem:$0x3FB8] =	sst s0;
	s0 =	simm.s32 @!p1 $0x0  }
0x14: {  	s2 =	sld [smem:$0x3F9C];
	s0 =	simm.s32 @p1 $0x1  }
0x15: {  	[smem:$0x3FB9] =	sst s0;
	s0 =	simm.s32 @!p2 $0x0  }
0x16: {  	s3 =	sld [smem:$0x3FDB];
	s0 =	simm.s32 @p2 $0x1  }
0x17: {  	s4 =	simm.s32 $0x1BF5;
	[smem:$0x3FBB] =	sst s0  }
0x18: {  	s0 =	sld [smem:$0x3F9E];
	_ =	swait.ge [sflag:s4], $0x0  }
0x19: {  	s7 =	sld [smem:$0x3F9F]  }
0x1a: {  	s8 =	sadd.s32 $0xFFFFE003, lr  }
0x1b: {  	s9 =	sadd.s32 $0xFFFFFEF7, lr;
	s5 =	simm.s32 $0xFFFFFFFF;
	p2 =	slt.u32 s8, $0xFFFFF086  }
0x1c: {  	p1 =	slt.u32 s9, $0xF7A;
	s5 =	simm.s32 @!p2 $0x0  }
0x1d: {  	s5 =	simm.s32 @p1 $0x1;
	p0 =	seq.s32 s7, s2  }
0x1e: {  	s7 =	smul.u32 @!p0 $0xF7A, s2;
	p2 =	seq.s32 @!p0 s5, $0x0  }
0x1f: {  	s9 =	smul.u32 $0xF7A, s1;
	s8 =	simm.s32 @!p0 $0x1BF5;
	p2 =	por !p2, p0  }
0x20: {  	[sflag:s8] =	ssyncset.s32 @!p0 $0xFFFFF086;
	s6 =	sadd.s32 @!p0 s3, s7;
	s7 =	simm.s32 @!p0 $0x108  }
0x21: {  	s3 =	sadd.s32 s3, s9;
	s6 =	sadd.s32 @!p0 $0x88, s6;
	s7 =	simm.s32 @p2 $0x1082  }
0x22: {  	[simem:s7], [sflag:s8] =	dma.local @!p0 [hbm:s6], $0xF7A  }
0x23: {  	s9 =	sor.u32 $0xD0000000, s2;
	s6 =	simm.s32 $0x108;
	_ =	swait.ge @!p0 [sflag:s8], $0x0  }
0x24: {  	s3 =	sadd.s32 $0x88, s3;
	s6 =	simm.s32 @!p1 $0x1082;
	[sflag:s4] =	ssyncset.s32 $0xFFFFF086  }
0x25: {  	[simem:s6], [sflag:s4] =	dma.local [hbm:s3], $0xF7A  }
0x26: {  	[smem:$0x3F9F] =	sst s1;
	(tag) =	ssettag s2;
	_ =	strace s9  }
0x27: {  	s1 =	sld [smem:$0x3FAF]  }
0x28: {  	s2 =	sld [smem:$0x3FB0]  }
0x29: {  	s4 =	sld [smem:$0x3FB2]  }
0x2a: {  	p0 =	seq.s32 s5, $0x0;
	s5 =	sld [smem:$0x3FB3]  }
0x2b: {  	s6 =	sld [smem:$0x3FB4]  }
0x2c: {  	s7 =	sld [smem:$0x3FB5]  }
0x2d: {  	s3 =	simm.s32 $0x108;
	s8 =	sld [smem:$0x3FB6]  }
0x2e: {  	s3 =	simm.s32 @!p0 $0x1082;
	s9 =	sld [smem:$0x3FB7]  }
0x2f: {  	lr =	sadd.s32 s0, s3;
	s0 =	sld [smem:$0x3FAE]  }
0x30: {  	s3 =	sld [smem:$0x3FB1]  }
0x31: {  	[smem:$0x3FBA] =	sst s10  }
0x32: {  	s10 =	sld [smem:$0x3FB8];
	_ =	sdelay $0x3  }
0x33: {  	p0 =	seq.s32 s10, $0x1;
	s10 =	sld [smem:$0x3FBA];
	_ =	sdelay $0x3  }
0x34: {  	[smem:$0x3FBA] =	sst s10  }
0x35: {  	s10 =	sld [smem:$0x3FB9];
	_ =	sdelay $0x3  }
0x36: {  	p1 =	seq.s32 s10, $0x1;
	s10 =	sld [smem:$0x3FBA];
	_ =	sdelay $0x3  }
0x37: {  	[smem:$0x3FBA] =	sst s10  }
0x38: {  	s10 =	sld [smem:$0x3FBB]  }
0x39: {  	_ = 	snop;
	(pc) =	sbr.ind lr, $3  }
0x3a: {  	_ = 	snop  }
0x3b: {  	_ = 	snop  }
0x3c: {  	p2 =	seq.s32 s10, $0x1;
	s10 =	sld [smem:$0x3FBA]  }
0x3d: {  	_ =	shalt  }
0x3e: {  	_ =	shalt  }
0x3f: {  	_ =	shalt  }
0x40: {  	_ =	shalt  }
0x41: {  	_ =	shalt  }
0x42: {  	_ =	shalt  }
0x43: {  	_ =	shalt  }
0x44: {  	_ =	shalt  }
0x45: {  	_ =	shalt  }
0x46: {  	_ =	shalt  }
0x47: {  	_ =	shalt  }
0x48: {  	_ =	shalt  }
0x49: {  	_ =	shalt  }
0x4a: {  	_ =	shalt  }
0x4b: {  	_ =	shalt  }
0x4c: {  	_ =	shalt  }
0x4d: {  	_ =	shalt  }
0x4e: {  	_ =	shalt  }
0x4f: {  	_ =	shalt  }
0x50: {  	_ =	shalt  }
0x51: {  	_ =	shalt  }
0x52: {  	_ =	shalt  }
0x53: {  	_ =	shalt  }
0x54: {  	_ =	shalt  }
0x55: {  	_ =	shalt  }
0x56: {  	_ =	shalt  }
0x57: {  	_ =	shalt  }
0x58: {  	_ =	shalt  }
0x59: {  	_ =	shalt  }
0x5a: {  	_ =	shalt  }
0x5b: {  	_ =	shalt  }
0x5c: {  	_ =	shalt  }
0x5d: {  	_ =	shalt  }
0x5e: {  	_ =	shalt  }
0x5f: {  	_ =	shalt  }
0x60: {  	_ =	shalt  }
0x61: {  	_ =	shalt  }
0x62: {  	_ =	shalt  }
0x63: {  	_ =	shalt  }
0x64: {  	_ =	shalt  }
0x65: {  	_ =	shalt  }
0x66: {  	_ =	shalt  }
0x67: {  	_ =	shalt  }
0x68: {  	_ =	shalt  }
0x69: {  	_ =	shalt  }
0x6a: {  	_ =	shalt  }
0x6b: {  	_ =	shalt  }
0x6c: {  	_ =	shalt  }
0x6d: {  	_ =	shalt  }
0x6e: {  	_ =	shalt  }
0x6f: {  	_ =	shalt  }
0x70: {  	_ =	shalt  }
0x71: {  	_ =	shalt  }
0x72: {  	_ =	shalt  }
0x73: {  	_ =	shalt  }
0x74: {  	_ =	shalt  }
0x75: {  	_ =	shalt  }
0x76: {  	_ =	shalt  }
0x77: {  	_ =	shalt  }
0x78: {  	_ =	shalt  }
0x79: {  	_ =	shalt  }
0x7a: {  	_ =	shalt  }
0x7b: {  	_ =	shalt  }
0x7c: {  	_ =	shalt  }
0x7d: {  	_ =	shalt  }
0x7e: {  	_ =	shalt  }
0x7f: {  	_ =	shalt  }
0x80: {  	_ =	shalt  }
0x81: {  	_ =	shalt  }
0x82: {  	_ =	shalt  }
0x83: {  	_ =	shalt  }
0x84: {  	_ =	shalt  }
0x85: {  	_ =	shalt  }
0x86: {  	_ =	shalt  }
0x87: {  	_ =	shalt  }
.Lfunc_end0:
.L_simem_size_0:
called_computation_lowered:
.L_overlay_start_0:
0x88: {  	s2 =	sld [smem:$0x3FD9]  }
0x89: {  	s3 =	sld [smem:$0x3FFE];
	_ =	sdelay $0x1  }
0x8a: {  	s1 =	srdreg.scid  }
0x8b: {  	s0 =	sand.u32 $0x1, s1  }
0x8c: {  	s14 =	sshll.u32 s0, $0xA;
	s2 =	sadd.s32 s3, s2  }
0x8d: {  	s2 =	sadd.s32 s2, s14  }
0x8e: {  	[smem:$0x3FC6] =	sst s2  }
0x8f: {  	_ = 	snop  }
0x90: {  	s2 =	sld [smem:$0x3FD0];
	_ =	sdelay $0x2  }
0x91: {  	s4 =	simm.s32 $0xA;
	s5 =	simm.s32 $0x10;
	s15 =	sld [smem:$0x3FC8]  }
0x92: {  	[smem:s5], [sflag:s4] =	dma.local [hbm:s2], $0x1  }
0x93: {  	_ =	swait.eq [sflag:s4], $0x1  }
0x94: {  	[sflag:s4] =	ssyncset.done $0x0  }
0x95: {  	[sflag:s4] =	ssyncadd.s32 $0xFFFFFFFF  }
0x96: {  	s16 =	sld [smem:$0x11];
	(tm) =	ssettm $0x1  }
0x97: {  	s17 =	sld [smem:$0x3FFB];
	_ =	sdelay $0x3  }
0x98: {  	_ =	strace s17  }
0x99: {  	s4 =	sld [smem:$0x3FFC];
	_ =	sdelay $0x3  }
0x9a: {  	_ =	strace s4  }
0x9b: {  	s4 =	sld [smem:$0x3FFD];
	_ =	sdelay $0x3  }
0x9c: {  	_ =	strace s4  }
0x9d: {  	_ =	strace $0x8FFFFFFF  }
0x9e: {  	s18 =	sld [smem:$0x3FDB];
	_ =	sdelay $0x1  }
0x9f: {  	s19 =	simm.s32 $_scs_section_size  }
0xa0: {  	s6 =	simm.s32 $_size__tile_overlayer_lowered;
	s7 =	simm.s32 $_tile_overlayer_lowered  }
0xa1: {  	s22 =	simm.s32 $0x1BFF;
	s21 =	sshll.u32 s7, $0x1;
	s4 =	sadd.s32 s19, s18  }
0xa2: {  	s8 =	simm.s32 $0x0;
	s20 =	sshll.u32 s6, $0x1;
	s6 =	sadd.s32 s21, s4  }
0xa3: {  	[timem:s8], [sflag:s22] =	dma.local [hbm:s6], s20  }
0xa4: {  	_ =	swait.ge [sflag:s22], s20  }
0xa5: {  	s5 =	ssub.s32 $0x0, s20;
	[sflag:s22] =	ssyncset.done $0x0  }
0xa6: {  	[sflag:s22] =	ssyncadd.s32 s5;
	_ =	sdelay $0x1  }
0xa7: {  	s23 =	simm.s32 $0x1B8B  }
0xa8: {  	_ =	swait.ge [sflag:s23], $0x1  }
0xa9: {  	[sflag:s23] =	ssyncset.done $0x0  }
0xaa: {  	s25 =	simm.s32 $0x1B8E;
	s24 =	sld [smem:$0x3FFE];
	[sflag:s23] =	ssyncadd.s32 $0xFFFFFFFF  }
0xab: {  	s26 =	simm.s32 $execute0_lowered;
	[smem:$0x3FD2] =	sst s25  }
0xac: {  	s6 =	sshll.u32 s26, $0x1;
	_ =	strace $0x80000046;
	[dreg:$0x1] =	wrdreg $0xFFFFFFFF  }
0xad: {  	s28 =	simm.s32 $_size_execute0_lowered;
	s4 =	sadd.s32 s4, s6;
	[dreg:$0x0] =	wrdreg $0x0  }
0xae: {  	s6 =	sshll.u32 s28, $0x1;
	[dreg:$0x2] =	wrdreg s4  }
0xaf: {  	[dreg:$0x3] =	wrdreg s6  }
0xb0: {  	[dreg:$0x4] =	wrdreg $0xC0  }
0xb1: {  	_ =	task [dreg:s8], $0x5FFFF  }
0xb2: {  	[dreg:$0x1] =	wrdreg $0xFFFFFFFF  }
0xb3: {  	[dreg:$0x0] =	wrdreg $0x60  }
0xb4: {  	[dreg:$0x2] =	wrdreg s15  }
0xb5: {  	[dreg:$0x3] =	wrdreg s24  }
0xb6: {  	[dreg:$0x4] =	wrdreg s16  }
0xb7: {  	[dreg:$0x5] =	wrdreg $0x9  }
0xb8: {  	_ =	task.clear_ibuf [dreg:s8], $0x6FFFF;
	_ =	strace $0x90000046  }
0xb9: {  	s29 =	simm.s32 $0x9;
	_ =	strace $0x80000048  }
0xba: {  	_ =	swait.ge [sflag:s29], $0x1  }
0xbb: {  	[sflag:s29] =	ssyncadd.s32 $0xFFFFFFFF  }
0xbc: {  	_ =	strace $0x90000048  }
0xbd: {  	_ =	sfence  }
0xbe: {  	s30 =	sld [smem:$0x0];
	_ =	sdelay $0x2  }
0xbf: {  	s31 =	sshll.u32 s1, $0xD;
	s1 =	sshrl.u32 s1, $0x2  }
0xc0: {  	s3 =	sand.u32 $0x4000, s31;
	s1 =	sadd.s32 s1, s30  }
0xc1: {  	s0 =	sor.u32 s3, s0;
	s1 =	sshll.u32 s1, $0x11  }
0xc2: {  	s0 =	sor.u32 s1, s0  }
0xc3: {  	s0 =	sadd.s32 $0x8F2B, s0  }
0xc4: {  	[sflag:s0] =	ssyncadd.remote.s32 $0x1  }
0xc5: {  	_ =	sfence.sel $0xFFFF  }
0xc6: {  	[dreg:$0x0] =	wrdreg $0xFFFFFFFF;
	(pc) =	sbr.abs _section_cstart, $3  }
0xc7: {  	[dreg:$0x1] =	wrdreg $0xFFFFFFFF  }
0xc8: {  	_ =	task.clear_ibuf [dreg:s8], $0x2FFFF;
	_ =	strace $0x9FFFFFFF  }
0xc9: {  	(tm) =	ssettm $0x7FFFFFFF  }
tec
execute0_lowered:
.L_overlay_start_1:
0x0: {  	(tag) =	ssettag $0x1  }
0x1: {  	s1 =	rddreg [dreg:$0x0]  }
0x2: {  	s2 =	srdreg.scid;
	s0 =	stileid.u32  }
0x3: {  	s4 =	rddreg [dreg:$0x1];
	s14 =	sand.u32 $0x1, s2;
	s29 =	sshll.u32 s0, $0x1  }
0x4: {  	s15 =	rddreg [dreg:$0x2];
	s16 =	sor.u32 s14, s29  }
0x5: {  	s3 =	simm.s32 $0x0;
	s2 =	rddreg [dreg:$0x3];
	s5 =	sshll.u32 s16, $0x6  }
0x6: {  	[smem:$0x7FF] =	sst s3;
	s4 =	sadd.s32 s5, s4  }
0x7: {  	_ =	strace $0x80000047;
	s5 =	sadd.s32 $0x400, s4;
	s4 =	simm.s32 $0x2  }
0x8: {  	[tilespmem:s3], [sflag:$0x2] =	stream.linear.gather [hbm4b:s5+s3], $0x200, $0x38;
	[tilespmem:$0x10200] =	vst v63  }
0x9: {  	_ =	swait.ge [sflag:s4], $0x200  }
0xa: {  	[sflag:s4] =	ssyncset.done $0x0  }
0xb: {  	s6 =	simm.s32 $0x80;
	s7 =	simm.s32 $0x200;
	[sflag:s4] =	ssyncadd.s32 $0xFFFFFE00  }
0xc: {  	[tilespmem:s7], [sflag:$0x1] =	stream.indirect.gather [hbm4b:s1+s6], $0x80, s3, s6, $0xb8;
	[tilespmem:$0x10200] =	vst v63  }
0xd: {  	s8 =	simm.s32 $0x4200  }
0xe: {  	[tilespmem:s8], [sflag:$0x1] =	stream.indirect.gather [hbm4b:s1+s6], $0x80, s6, s6, $0xb8;
	[tilespmem:$0x10200] =	vst v63  }
0xf: {  	s9 =	simm.s32 $0x100;
	s10 =	simm.s32 $0x8200  }
0x10: {  	[tilespmem:s10], [sflag:$0x1] =	stream.indirect.gather [hbm4b:s1+s6], $0x80, s9, s6, $0xb8;
	[tilespmem:$0x10200] =	vst v63  }
0x11: {  	s11 =	simm.s32 $0x180;
	s12 =	simm.s32 $0xC200;
	s13 =	simm.s32 $0x1  }
0x12: {  	[tilespmem:s12], [sflag:$0x1] =	stream.indirect.gather [hbm4b:s1+s6], $0x80, s11, s6, $0xb8;
	[tilespmem:$0x10200] =	vst v63  }
0x13: {  	_ =	swait.ge [sflag:s13], $0x4000  }
0x14: {  	[sflag:s13] =	ssyncset.done $0x0  }
0x15: {  	[sflag:s13] =	ssyncadd.s32 $0xFFFFC000  }
0x16: {  	_ =	swait.ge [sflag:s13], $0x4000  }
0x17: {  	[sflag:s13] =	ssyncset.done $0x0  }
0x18: {  	s14 =	ssub.s32 $0x2, s14;
	[sflag:s13] =	ssyncadd.s32 $0xFFFFC000  }
0x19: {  	s17 =	sshrl.u32 s14, $0x1;
	_ =	swait.ge [sflag:s13], $0x4000  }
0x1a: {  	s17 =	ssub.s32 s14, s17;
	[sflag:s13] =	ssyncset.done $0x0  }
0x1b: {  	s31 =	smax.u32 s17, $0x1;
	[sflag:s13] =	ssyncadd.s32 $0xFFFFC000  }
0x1c: {  	p0 =	sne.s32 s31, $0x1;
	_ =	swait.ge [sflag:s13], $0x4000  }
.Ltmp0:
0x1d: {  	s30 =	sshll.u32 s16, $0xD;
	[sflag:s13] =	ssyncset.done $0x0;
	(pc) =	sbr.rel @!p0 .LBB2_2-.Ltmp0, $4  }
0x1e: {  	s14 =	sadd.s32 s15, s30;
	[sflag:s13] =	ssyncadd.s32 $0xFFFFC000  }
0x1f: {  	[hbm4b:s14+s3] =	stream.linear.scatter [tilespmem:s7], [sflag:$0x2], $0x10000, $0x38;
	[tilespmem:$0x10200] =	vst v63  }
0x20: {  	_ =	swait.ge [sflag:s4], $0x10000  }
0x21: {  	s15 =	sadd.s32 $0xFFFFFFFF, s31;
	[sflag:s4] =	ssyncset.done $0x0  }
.LBB2_1:
0x22: {  	p0 =	sne.s32 s15, $0x1;
	s15 =	sadd.s32 $0xFFFFFFFF, s15;
	[sflag:s4] =	ssyncadd.s32 $0xFFFF0000  }
0x23: {  	[tilespmem:s3], [sflag:$0x2] =	stream.linear.gather [hbm4b:s5+s3], $0x200, $0x38;
	[tilespmem:$0x10200] =	vst v63  }
0x24: {  	_ =	swait.ge [sflag:s4], $0x200  }
0x25: {  	[sflag:s4] =	ssyncset.done $0x0  }
0x26: {  	[sflag:s4] =	ssyncadd.s32 $0xFFFFFE00  }
0x27: {  	[tilespmem:s7], [sflag:$0x1] =	stream.indirect.gather [hbm4b:s1+s6], $0x80, s3, s6, $0xb8;
	[tilespmem:$0x10200] =	vst v63  }
0x28: {  	_ = 	snop  }
0x29: {  	[tilespmem:s8], [sflag:$0x1] =	stream.indirect.gather [hbm4b:s1+s6], $0x80, s6, s6, $0xb8;
	[tilespmem:$0x10200] =	vst v63  }
0x2a: {  	_ = 	snop  }
0x2b: {  	[tilespmem:s10], [sflag:$0x1] =	stream.indirect.gather [hbm4b:s1+s6], $0x80, s9, s6, $0xb8;
	[tilespmem:$0x10200] =	vst v63  }
0x2c: {  	_ = 	snop  }
0x2d: {  	[tilespmem:s12], [sflag:$0x1] =	stream.indirect.gather [hbm4b:s1+s6], $0x80, s11, s6, $0xb8;
	[tilespmem:$0x10200] =	vst v63  }
0x2e: {  	_ =	swait.ge [sflag:s13], $0x4000  }
0x2f: {  	[sflag:s13] =	ssyncset.done $0x0  }
0x30: {  	[sflag:s13] =	ssyncadd.s32 $0xFFFFC000  }
0x31: {  	_ =	swait.ge [sflag:s13], $0x4000  }
0x32: {  	[sflag:s13] =	ssyncset.done $0x0  }
0x33: {  	[sflag:s13] =	ssyncadd.s32 $0xFFFFC000  }
0x34: {  	_ =	swait.ge [sflag:s13], $0x4000  }
0x35: {  	[sflag:s13] =	ssyncset.done $0x0  }
0x36: {  	[sflag:s13] =	ssyncadd.s32 $0xFFFFC000  }
0x37: {  	_ =	swait.ge [sflag:s13], $0x4000  }
.Ltmp1:
0x38: {  	[sflag:s13] =	ssyncset.done $0x0;
	(pc) =	sbr.rel @p0 .LBB2_1-.Ltmp1, $4  }
0x39: {  	[sflag:s13] =	ssyncadd.s32 $0xFFFFC000  }
0x3a: {  	[hbm4b:s14+s3] =	stream.linear.scatter [tilespmem:s7], [sflag:$0x2], $0x10000, $0x38;
	[tilespmem:$0x10200] =	vst v63  }
0x3b: {  	_ =	swait.ge [sflag:s4], $0x10000  }
0x3c: {  	[sflag:s4] =	ssyncset.done $0x0  }
.LBB2_2:
0x3d: {  	[sflag:s4] =	ssyncadd.s32 $0xFFFF0000  }
0x3e: {  	_ =	sfence.sel $0x180000  }
0x3f: {  	[bflag:$0x0] =	sbarrier.arrive $0xFFFF  }
0x40: {  	p0 =	sne.s32 s0, $0x0;
	_ =	strace $0x90000047  }
0x41: {  	s0 =	sadd.s32 @!p0 $0x100000, s2;
	[bflag:$0x2] =	sbarrier.arrive $0xFFFF  }
0x42: {  	[sflag:s0] =	ssyncadd.tile.s32 @!p0 $0x1;
	_ =	shalt  }
.Lfunc_end2:
_tile_overlayer_lowered:
.L_overlay_start_2:
0x43: {  	(tag) =	ssettag $0x2  }
0x44: {  	s0 =	rddreg [dreg:$0x0];
	s2 =	stileid.u32  }
0x45: {  	s1 =	rddreg [dreg:$0x1];
	p0 =	sne.s32 s2, $0x0  }
0x46: {  	s3 =	rddreg [dreg:$0x2];
	[bflag:$0x3] =	sbarrier.arrive $0xFFFF;
	s2 =	simm.s32 @!p0 $0x1C02  }
0x47: {  	[timem:s3], [sflag:s2] =	dma.local @!p0 [hbm:s0], s1  }
0x48: {  	s0 =	simm.s32 @!p0 $0x2  }
0x49: {  	_ =	swait.ge @!p0 [sflag:s0], s1  }
0x4a: {  	s1 =	ssub.s32 @!p0 $0x0, s1;
	[sflag:s0] =	ssyncset.done @!p0 $0x0  }
0x4b: {  	[sflag:s0] =	ssyncadd.s32 @!p0 s1  }
0x4c: {  	[bflag:$0x3] =	sbarrier.arrive $0xFFFF  }
0x4d: {  	_ =	shalt  }

</sc_bundles>
